<compile_context>
chip_gen: v7x
topology: tpu7x:2x2x1
jax: 0.10.2.dev20260603
libtpu: 0.0.44.dev20260713+nightly
codegen_flags: <defaults>
</compile_context>

<pallas_src>
import numpy as np
import jax
import jax.numpy as jnp
from jax import lax
from jax.experimental import pallas as pl
from jax.experimental.pallas import tpu as pltpu
from jax.experimental.pallas import tpu_sc as plsc

NW = 32
IPW = 4


def _batcher_pairs(n):
    m = 1
    while m < n:
        m *= 2
    pairs = []
    p = 1
    while p < m:
        k = p
        while k >= 1:
            for j in range(k % p, m - k, 2 * k):
                for i in range(k):
                    if (i + j) // (2 * p) == (i + j + k) // (2 * p):
                        if i + j + k < n:
                            pairs.append((i + j, i + j + k))
            k //= 2
        p *= 2
    return pairs


_PAIRS25 = _batcher_pairs(25)

_OFF1 = [dy * 32 + dx for dy in range(5) for dx in range(5)]
_BASE1 = np.array([64 * ph + 2 * pw for ph in range(14) for pw in range(14)],
                  np.int32)
_BASE1 = np.pad(_BASE1, (0, 208 - 196))


_HOFS = 16384
_ZOFS = 16384 + 4 * 4096


def _sc_body(syms, convf, addp, w1t, w2, s1, v2, base1,
             out,
             syms_v, conv_v, big_v, w1_v, w2_v, s1_v, v2_v,
             base1_v, f1_v, sbuf_v, out_v):
    wid = lax.axis_index("s") * 2 + lax.axis_index("c")
    lanes = lax.iota(jnp.int32, 16)
    ones = jnp.full((16,), 1, jnp.int32)
    neg1 = jnp.full((16,), -1, jnp.int32)
    zero16 = jnp.zeros((16,), jnp.int32)

    pltpu.sync_copy(syms.at[pl.ds(wid * (IPW * 1024), IPW * 1024)], syms_v)
    pltpu.sync_copy(convf, conv_v)
    pltpu.sync_copy(addp, big_v.at[pl.ds(0, 16384)])
    pltpu.sync_copy(w1t, w1_v)
    pltpu.sync_copy(w2, w2_v)
    pltpu.sync_copy(s1, s1_v)
    pltpu.sync_copy(v2, v2_v)
    pltpu.sync_copy(base1, base1_v)

    def zero_hists(i, carry):
        big_v[pl.ds(_HOFS + i * 16, 16)] = zero16
        return carry

    lax.fori_loop(0, 1025, zero_hists, 0, unroll=8)

    def fold_step(gvec, c):
        word = plsc.load_gather(big_v, [(gvec << 6) + (c >> 2)])
        return (word >> ((c & 3) << 3)) & 255

    def per_image(img, carry):
        img_base = img * 1024

        def l1_group(G, carry1):
            pvec = G * 16 + lanes
            msk = pvec < 196
            base_vec = base1_v[pl.ds(G * 16, 16)] + img_base
            for j in range(25):
                svec = plsc.load_gather(syms_v, [base_vec + _OFF1[j]])
                sbuf_v[pl.ds(j * 16, 16)] = svec << 8

            def l1_chan(k, carry2):
                wrow_lo = w1_v[pl.ds(k * 32, 16)]
                wrow_hi = w1_v[pl.ds(k * 32 + 16, 16)]
                g = []
                for j in range(25):
                    wjk = wrow_lo[j] if j < 16 else wrow_hi[j - 16]
                    sj = sbuf_v[pl.ds(j * 16, 16)]
                    g.append(plsc.load_gather(conv_v, [sj + wjk]))
                for a, b in _PAIRS25:
                    lo = jnp.minimum(g[a], g[b])
                    hi = jnp.maximum(g[a], g[b])
                    g[a], g[b] = lo, hi
                c = g[0]
                for j in range(1, 25):
                    c = fold_step(g[j], c)
                f1s = plsc.load_gather(s1_v, [c * 16 + k])
                plsc.store_scatter(f1_v, [pvec * 6 + k], f1s, mask=msk)
                return carry2

            lax.fori_loop(0, 6, l1_chan, 0, unroll=2)
            return carry1

        lax.fori_loop(0, 13, l1_group, 0)

        def l2_pass(pi, carry1):
            ps = [pi, pi + 7, pi + 14, jnp.minimum(pi + 21, 24)]
            bases = [168 * (p // 5) + 12 * (p % 5) for p in ps]

            def histo(j, carry2):
                dy = j // 30
                r = j - dy * 30
                dx = r // 6
                ch = r - dx * 6
                off = dy * 84 + dx * 6 + ch
                wrow = w2_v[pl.ds(j * 16, 16)]
                for h in range(4):
                    sav = plsc.load_gather(
                        f1_v, [jnp.full((16,), bases[h] + off, jnp.int32)])
                    gh = plsc.load_gather(conv_v, [wrow + (sav << 8)])
                    plsc.addupdate_scatter(
                        big_v, [_HOFS + h * 4096 + (gh << 4) + lanes], ones)
                return carry2

            lax.fori_loop(0, 150, histo, 0, unroll=2)

            def chain_step(h, bin_, m, c):
                apply = m > 0
                bcc = jnp.maximum(jnp.minimum(bin_, 255), 0)
                cc = jnp.maximum(c, 0)
                fold_idx = (bcc << 6) + (cc >> 2)
                nb = bin_ + 1
                hist_idx = jnp.where(nb > 255,
                                     jnp.int32(_ZOFS),
                                     _HOFS + h * 4096 + (nb << 4)) + lanes
                idx = jnp.where(apply, fold_idx, hist_idx)
                w = plsc.load_gather(big_v, [idx])
                fv = (w >> ((cc & 3) << 3)) & 255
                cnew = jnp.where(c < 0, bcc, fv)
                c = jnp.where(apply, cnew, c)
                m = jnp.where(apply, m - 1, w)
                bin_ = jnp.where(apply, bin_, nb)
                return bin_, m, c

            def sweep(stp, st):
                new = []
                for h in range(4):
                    b, m, c = chain_step(h, st[3 * h], st[3 * h + 1],
                                         st[3 * h + 2])
                    new += [b, m, c]
                return tuple(new)

            init = (neg1, zero16, neg1) * 4
            fin = lax.fori_loop(0, 407, sweep, init, unroll=2)
            for h in range(4):
                ch = fin[3 * h + 2]
                vh = plsc.load_gather(v2_v, [ch * 16 + lanes])
                plsc.store_scatter(out_v,
                                   [img * 400 + lanes * 25 + ps[h]], vh)

            def rezero(i, carry2):
                big_v[pl.ds(_HOFS + i * 16, 16)] = zero16
                return carry2

            lax.fori_loop(0, 1024, rezero, 0, unroll=8)
            return carry1

        lax.fori_loop(0, 7, l2_pass, 0)
        return carry

    lax.fori_loop(0, IPW, per_image, 0)
    pltpu.sync_copy(out_v, out.at[pl.ds(wid * (IPW * 400), IPW * 400)])


def _fc_body(a_ref, w1_ref, b1_ref, w2_ref, b2_ref, w3_ref, b3_ref, o_ref):
    a = a_ref[...]
    z1 = jnp.dot(a, w1_ref[...], preferred_element_type=jnp.float32) + b1_ref[...]
    h1 = 1.0 / (1.0 + jnp.exp(-z1))
    z2 = jnp.dot(h1, w2_ref[...], preferred_element_type=jnp.float32) + b2_ref[...]
    h2 = 1.0 / (1.0 + jnp.exp(-z2))
    z3 = jnp.dot(h2, w3_ref[...], preferred_element_type=jnp.float32) + b3_ref[...]
    z3 = z3 - jnp.max(z3, axis=-1, keepdims=True)
    e = jnp.exp(z3)
    o_ref[...] = e / jnp.sum(e, axis=-1, keepdims=True)


def kernel(x_bat, centroid_lut, conv_lut, add_lut, relu_lut, c1_bias_lut,
           c2_bias_lut, c1_weights, c2_weights, fc1_W, fc1_b, fc2_W, fc2_b,
           fc3_W, fc3_b):
    step = 2.0 / (256 - 1)
    sym = jnp.clip(jnp.round((x_bat[:, 0] + 1.0) / step), 0, 255)
    sym = sym.astype(jnp.int32).reshape(128 * 1024)

    convf = conv_lut.reshape(-1)
    af = add_lut.reshape(-1).astype(jnp.uint32)
    addp_u = af[0::4] | (af[1::4] << 8) | (af[2::4] << 16) | (af[3::4] << 24)
    addp = lax.bitcast_convert_type(addp_u, jnp.int32)
    w1t = jnp.pad(c1_weights.T, ((0, 0), (0, 7))).reshape(-1)
    w2f = c2_weights.reshape(-1)
    s1p = jnp.pad(relu_lut[c1_bias_lut], ((0, 0), (0, 10))).reshape(-1)
    v2 = centroid_lut[relu_lut[c2_bias_lut]].reshape(-1)
    base1 = jnp.asarray(_BASE1)

    mesh = plsc.VectorSubcoreMesh(core_axis_name="c", subcore_axis_name="s")
    acts = pl.kernel(
        _sc_body,
        out_type=jax.ShapeDtypeStruct((128 * 400,), jnp.float32),
        mesh=mesh,
        compiler_params=pltpu.CompilerParams(needs_layout_passes=False),
        scratch_types=[
            pltpu.VMEM((IPW * 1024,), jnp.int32),
            pltpu.VMEM((65536,), jnp.int32),
            pltpu.VMEM((16384 + 4 * 4096 + 16,), jnp.int32),
            pltpu.VMEM((192,), jnp.int32),
            pltpu.VMEM((2400,), jnp.int32),
            pltpu.VMEM((4096,), jnp.int32),
            pltpu.VMEM((4096,), jnp.float32),
            pltpu.VMEM((208,), jnp.int32),
            pltpu.VMEM((1200,), jnp.int32),
            pltpu.VMEM((400,), jnp.int32),
            pltpu.VMEM((IPW * 400,), jnp.float32),
        ],
    )(sym, convf, addp, w1t, w2f, s1p, v2, base1)

    return pl.pallas_call(
        _fc_body,
        out_shape=jax.ShapeDtypeStruct((128, 10), jnp.float32),
    )(acts.reshape(128, 400), fc1_W, fc1_b.reshape(1, 120), fc2_W,
      fc2_b.reshape(1, 84), fc3_W, fc3_b.reshape(1, 10))

# --- scband reference (transcript-rebuilt; emitter-appended) ---
"""Pipeline reference for scband-cnn-le-net-sym-56959856279940 (READ-ONLY COPY).

The authoritative reference and input builder live on the scoring server;
editing this copy changes nothing except your own understanding.
"""

import jax, jax.numpy as jnp
import numpy as np

N_CLUSTERS = 256
BATCH = 128

def _quant(v):
    step = 2.0 / (N_CLUSTERS - 1)
    return jnp.clip(jnp.round((v + 1.0) / step), 0, N_CLUSTERS - 1).astype(jnp.int32)

def setup_inputs(seed: int = 0):
    key = jax.random.key(seed)
    ks = jax.random.split(key, 12)
    centroid_lut = jnp.linspace(-1.0, 1.0, N_CLUSTERS).astype(jnp.float32)
    conv_lut = _quant(centroid_lut[:, None] * centroid_lut[None, :])
    add_lut = _quant(jnp.clip(centroid_lut[:, None] + centroid_lut[None, :], -1.0, 1.0))
    relu_lut = _quant(jnp.maximum(centroid_lut, 0.0))
    c1_bias = jax.random.normal(ks[0], (6,), dtype=jnp.float32) * 0.1
    c2_bias = jax.random.normal(ks[1], (16,), dtype=jnp.float32) * 0.1
    c1_bias_lut = _quant(jnp.clip(centroid_lut[:, None] + c1_bias[None, :], -1.0, 1.0))
    c2_bias_lut = _quant(jnp.clip(centroid_lut[:, None] + c2_bias[None, :], -1.0, 1.0))
    c1_weights = jax.random.randint(ks[2], (25, 6), 0, N_CLUSTERS, dtype=jnp.int32)
    c2_weights = jax.random.randint(ks[3], (150, 16), 0, N_CLUSTERS, dtype=jnp.int32)
    fc1_W = jax.random.normal(ks[4], (400, 120), dtype=jnp.float32) * 0.05
    fc1_b = jnp.zeros((120,), jnp.float32)
    fc2_W = jax.random.normal(ks[5], (120, 84), dtype=jnp.float32) * 0.05
    fc2_b = jnp.zeros((84,), jnp.float32)
    fc3_W = jax.random.normal(ks[6], (84, 10), dtype=jnp.float32) * 0.05
    fc3_b = jnp.zeros((10,), jnp.float32)
    x_bat = jax.random.uniform(ks[10], (BATCH, 1, 32, 32), dtype=jnp.float32)
    return dict(x_bat=x_bat, centroid_lut=centroid_lut, conv_lut=conv_lut, add_lut=add_lut, relu_lut=relu_lut, c1_bias_lut=c1_bias_lut, c2_bias_lut=c2_bias_lut, c1_weights=c1_weights, c2_weights=c2_weights, fc1_W=fc1_W, fc1_b=fc1_b, fc2_W=fc2_W, fc2_b=fc2_b, fc3_W=fc3_W, fc3_b=fc3_b)

def reference(x_bat, centroid_lut, conv_lut, add_lut, relu_lut, c1_bias_lut, c2_bias_lut, c1_weights, c2_weights, fc1_W, fc1_b, fc2_W, fc2_b, fc3_W, fc3_b):
    def extract(img, k, s):
        oh = (img.shape[0] - k) // s + 1
        ow = (img.shape[1] - k) // s + 1
        ii = (jnp.arange(oh) * s)[:, None, None, None] + jnp.arange(k)[None, None, :, None]
        jj = (jnp.arange(ow) * s)[None, :, None, None] + jnp.arange(k)[None, None, None, :]
        return img[ii, jj].reshape(oh * ow, -1), oh, ow
    def fold(g):
        def body(carry, col):
            return add_lut[col, carry], None
        tmp, _ = jax.lax.scan(body, g[:, 0], jnp.transpose(g[:, 1:]))
        return tmp
    def symconv(patches, weights, bias_lut):
        def one(kt, k):
            g = jnp.sort(conv_lut[patches, kt[None, :]], axis=1)
            return bias_lut[fold(g), k]
        return jax.vmap(one, in_axes=(1, 0), out_axes=1)(weights, jnp.arange(weights.shape[1]))
    def one_image(x):
        sym = _quant(x[0])
        p1, oh1, ow1 = extract(sym, 5, 2)
        f1 = relu_lut[symconv(p1, c1_weights, c1_bias_lut)].reshape(oh1, ow1, 6)
        p2, oh2, ow2 = extract(f1, 5, 2)
        f2 = relu_lut[symconv(p2, c2_weights, c2_bias_lut)].reshape(oh2, ow2, 16)
        flat = jnp.transpose(centroid_lut[f2], (2, 0, 1)).reshape(400)
        h = jax.nn.sigmoid(flat @ fc1_W + fc1_b)
        h = jax.nn.sigmoid(h @ fc2_W + fc2_b)
        return jax.nn.softmax(h @ fc3_W + fc3_b)
    return jax.vmap(one_image)(x_bat)

if __name__ == "__main__":
    import jax
    _d = setup_inputs()
    print(jax.jit(kernel)(*tuple(_d.values())))

</pallas_src>

<mosaic_0001>
#map = affine_map<(d0, d1) -> (0)>
module attributes {stable_mosaic.version = 14 : i64} {
  func.func @_sc_body(%arg0: i32, %arg1: i32, %arg2: memref<131072xi32, #tpu.memory_space<hbm>>, %arg3: memref<65536xi32, #tpu.memory_space<hbm>>, %arg4: memref<16384xi32, #tpu.memory_space<hbm>>, %arg5: memref<192xi32, #tpu.memory_space<hbm>>, %arg6: memref<2400xi32, #tpu.memory_space<hbm>>, %arg7: memref<4096xi32, #tpu.memory_space<hbm>>, %arg8: memref<4096xf32, #tpu.memory_space<hbm>>, %arg9: memref<208xi32, #tpu.memory_space<hbm>>, %arg10: memref<51200xf32, #tpu.memory_space<hbm>>, %arg11: memref<4096xi32, #tpu.memory_space<vmem>>, %arg12: memref<65536xi32, #tpu.memory_space<vmem>>, %arg13: memref<32784xi32, #tpu.memory_space<vmem>>, %arg14: memref<192xi32, #tpu.memory_space<vmem>>, %arg15: memref<2400xi32, #tpu.memory_space<vmem>>, %arg16: memref<4096xi32, #tpu.memory_space<vmem>>, %arg17: memref<4096xf32, #tpu.memory_space<vmem>>, %arg18: memref<208xi32, #tpu.memory_space<vmem>>, %arg19: memref<1200xi32, #tpu.memory_space<vmem>>, %arg20: memref<400xi32, #tpu.memory_space<vmem>>, %arg21: memref<1600xf32, #tpu.memory_space<vmem>>) attributes {dimension_semantics = [#tpu.dimension_semantics<core_parallel>, #tpu.dimension_semantics<subcore_parallel>], iteration_bounds = array<i64: 2, 16>, scalar_prefetch = 0 : i64, scratch_operands = 11 : i64, tpu.core_type = #tpu.core_type<sc_vector_subcore>, window_params = [{transform_indices = #map}, {transform_indices = #map}, {transform_indices = #map}, {transform_indices = #map}, {transform_indices = #map}, {transform_indices = #map}, {transform_indices = #map}, {transform_indices = #map}, {transform_indices = #map}]} {
    %mul3A = arith.constant 2 : i32
    %mul3A_0 = arith.muli %arg1, %mul3A : i32
    %add3A = arith.addi %mul3A_0, %arg0 : i32
    %iota3A = tpu.iota {dimensions = array<i32: 0>} : vector<16xi32>
    %broadcast_in_dim3A = arith.constant 1 : i32
    %broadcast_in_dim3A_1 = vector.broadcast %broadcast_in_dim3A : i32 to vector<16xi32>
    %broadcast_in_dim3A_2 = arith.constant -1 : i32
    %broadcast_in_dim3A_3 = vector.broadcast %broadcast_in_dim3A_2 : i32 to vector<16xi32>
    %broadcast_in_dim3A_4 = arith.constant 0 : i32
    %broadcast_in_dim3A_5 = vector.broadcast %broadcast_in_dim3A_4 : i32 to vector<16xi32>
    %mul3A_6 = arith.constant 4096 : i32
    %mul3A_7 = arith.muli %add3A, %mul3A_6 : i32
    "tpu.region"() ({
      %run_scoped3A = tpu.sem_alloc : memref<!tpu.dma_semaphore, #tpu.memory_space<semaphore_mem>>
      %dma_start3A = tpu.memref_slice %arg2[%mul3A_7] : memref<131072xi32, #tpu.memory_space<hbm>> -> memref<4096xi32, #tpu.memory_space<hbm>>
      %dma_start3A_28 = tpu.memref_slice %arg2[%mul3A_7] : memref<131072xi32, #tpu.memory_space<hbm>> -> memref<4096xi32, #tpu.memory_space<hbm>>
      tpu.enqueue_dma source(%dma_start3A_28 : memref<4096xi32, #tpu.memory_space<hbm>>) target(%arg11 : memref<4096xi32, #tpu.memory_space<vmem>>) target_semaphore(%run_scoped3A : memref<!tpu.dma_semaphore, #tpu.memory_space<semaphore_mem>>)
      %dma_wait3A = tpu.memref_slice %arg2[%mul3A_7] : memref<131072xi32, #tpu.memory_space<hbm>> -> memref<4096xi32, #tpu.memory_space<hbm>>
      %dma_wait3A_29 = tpu.memref_slice %arg2[%mul3A_7] : memref<131072xi32, #tpu.memory_space<hbm>> -> memref<4096xi32, #tpu.memory_space<hbm>>
      tpu.wait_dma2 semaphore(%run_scoped3A : memref<!tpu.dma_semaphore, #tpu.memory_space<semaphore_mem>>) src(%dma_wait3A_29 : memref<4096xi32, #tpu.memory_space<hbm>>) dst(%arg11 : memref<4096xi32, #tpu.memory_space<vmem>>)
      tpu.yield
    }) : () -> ()
    "tpu.region"() ({
      %run_scoped3A = tpu.sem_alloc : memref<!tpu.dma_semaphore, #tpu.memory_space<semaphore_mem>>
      tpu.enqueue_dma source(%arg3 : memref<65536xi32, #tpu.memory_space<hbm>>) target(%arg12 : memref<65536xi32, #tpu.memory_space<vmem>>) target_semaphore(%run_scoped3A : memref<!tpu.dma_semaphore, #tpu.memory_space<semaphore_mem>>)
      tpu.wait_dma2 semaphore(%run_scoped3A : memref<!tpu.dma_semaphore, #tpu.memory_space<semaphore_mem>>) src(%arg3 : memref<65536xi32, #tpu.memory_space<hbm>>) dst(%arg12 : memref<65536xi32, #tpu.memory_space<vmem>>)
      tpu.yield
    }) : () -> ()
    "tpu.region"() ({
      %run_scoped3A = tpu.sem_alloc : memref<!tpu.dma_semaphore, #tpu.memory_space<semaphore_mem>>
      %dma_start3A = arith.constant 0 : i32
      %dma_start3A_28 = tpu.memref_slice %arg13[%dma_start3A] : memref<32784xi32, #tpu.memory_space<vmem>> -> memref<16384xi32, #tpu.memory_space<vmem>>
      %dma_start3A_29 = arith.constant 0 : i32
      %dma_start3A_30 = tpu.memref_slice %arg13[%dma_start3A_29] : memref<32784xi32, #tpu.memory_space<vmem>> -> memref<16384xi32, #tpu.memory_space<vmem>>
      tpu.enqueue_dma source(%arg4 : memref<16384xi32, #tpu.memory_space<hbm>>) target(%dma_start3A_30 : memref<16384xi32, #tpu.memory_space<vmem>>) target_semaphore(%run_scoped3A : memref<!tpu.dma_semaphore, #tpu.memory_space<semaphore_mem>>)
      %dma_wait3A = arith.constant 0 : i32
      %dma_wait3A_31 = tpu.memref_slice %arg13[%dma_wait3A] : memref<32784xi32, #tpu.memory_space<vmem>> -> memref<16384xi32, #tpu.memory_space<vmem>>
      %dma_wait3A_32 = arith.constant 0 : i32
      %dma_wait3A_33 = tpu.memref_slice %arg13[%dma_wait3A_32] : memref<32784xi32, #tpu.memory_space<vmem>> -> memref<16384xi32, #tpu.memory_space<vmem>>
      tpu.wait_dma2 semaphore(%run_scoped3A : memref<!tpu.dma_semaphore, #tpu.memory_space<semaphore_mem>>) src(%arg4 : memref<16384xi32, #tpu.memory_space<hbm>>) dst(%dma_wait3A_33 : memref<16384xi32, #tpu.memory_space<vmem>>)
      tpu.yield
    }) : () -> ()
    "tpu.region"() ({
      %run_scoped3A = tpu.sem_alloc : memref<!tpu.dma_semaphore, #tpu.memory_space<semaphore_mem>>
      tpu.enqueue_dma source(%arg5 : memref<192xi32, #tpu.memory_space<hbm>>) target(%arg14 : memref<192xi32, #tpu.memory_space<vmem>>) target_semaphore(%run_scoped3A : memref<!tpu.dma_semaphore, #tpu.memory_space<semaphore_mem>>)
      tpu.wait_dma2 semaphore(%run_scoped3A : memref<!tpu.dma_semaphore, #tpu.memory_space<semaphore_mem>>) src(%arg5 : memref<192xi32, #tpu.memory_space<hbm>>) dst(%arg14 : memref<192xi32, #tpu.memory_space<vmem>>)
      tpu.yield
    }) : () -> ()
    "tpu.region"() ({
      %run_scoped3A = tpu.sem_alloc : memref<!tpu.dma_semaphore, #tpu.memory_space<semaphore_mem>>
      tpu.enqueue_dma source(%arg6 : memref<2400xi32, #tpu.memory_space<hbm>>) target(%arg15 : memref<2400xi32, #tpu.memory_space<vmem>>) target_semaphore(%run_scoped3A : memref<!tpu.dma_semaphore, #tpu.memory_space<semaphore_mem>>)
      tpu.wait_dma2 semaphore(%run_scoped3A : memref<!tpu.dma_semaphore, #tpu.memory_space<semaphore_mem>>) src(%arg6 : memref<2400xi32, #tpu.memory_space<hbm>>) dst(%arg15 : memref<2400xi32, #tpu.memory_space<vmem>>)
      tpu.yield
    }) : () -> ()
    "tpu.region"() ({
      %run_scoped3A = tpu.sem_alloc : memref<!tpu.dma_semaphore, #tpu.memory_space<semaphore_mem>>
      tpu.enqueue_dma source(%arg7 : memref<4096xi32, #tpu.memory_space<hbm>>) target(%arg16 : memref<4096xi32, #tpu.memory_space<vmem>>) target_semaphore(%run_scoped3A : memref<!tpu.dma_semaphore, #tpu.memory_space<semaphore_mem>>)
      tpu.wait_dma2 semaphore(%run_scoped3A : memref<!tpu.dma_semaphore, #tpu.memory_space<semaphore_mem>>) src(%arg7 : memref<4096xi32, #tpu.memory_space<hbm>>) dst(%arg16 : memref<4096xi32, #tpu.memory_space<vmem>>)
      tpu.yield
    }) : () -> ()
    "tpu.region"() ({
      %run_scoped3A = tpu.sem_alloc : memref<!tpu.dma_semaphore, #tpu.memory_space<semaphore_mem>>
      tpu.enqueue_dma source(%arg8 : memref<4096xf32, #tpu.memory_space<hbm>>) target(%arg17 : memref<4096xf32, #tpu.memory_space<vmem>>) target_semaphore(%run_scoped3A : memref<!tpu.dma_semaphore, #tpu.memory_space<semaphore_mem>>)
      tpu.wait_dma2 semaphore(%run_scoped3A : memref<!tpu.dma_semaphore, #tpu.memory_space<semaphore_mem>>) src(%arg8 : memref<4096xf32, #tpu.memory_space<hbm>>) dst(%arg17 : memref<4096xf32, #tpu.memory_space<vmem>>)
      tpu.yield
    }) : () -> ()
    "tpu.region"() ({
      %run_scoped3A = tpu.sem_alloc : memref<!tpu.dma_semaphore, #tpu.memory_space<semaphore_mem>>
      tpu.enqueue_dma source(%arg9 : memref<208xi32, #tpu.memory_space<hbm>>) target(%arg18 : memref<208xi32, #tpu.memory_space<vmem>>) target_semaphore(%run_scoped3A : memref<!tpu.dma_semaphore, #tpu.memory_space<semaphore_mem>>)
      tpu.wait_dma2 semaphore(%run_scoped3A : memref<!tpu.dma_semaphore, #tpu.memory_space<semaphore_mem>>) src(%arg9 : memref<208xi32, #tpu.memory_space<hbm>>) dst(%arg18 : memref<208xi32, #tpu.memory_space<vmem>>)
      tpu.yield
    }) : () -> ()
    %scan3A = arith.constant 0 : i32
    %scan3A_8 = arith.constant 0 : i32
    %scan3A_9 = arith.constant 1024 : i32
    %scan3A_10 = arith.addi %scan3A_8, %scan3A_9 : i32
    %scan3A_11 = arith.constant 8 : i32
    scf.for %scan3A_28 = %scan3A_8 to %scan3A_10 step %scan3A_11  : i32 {
      %mul3A_29 = arith.constant 16 : i32
      %mul3A_30 = arith.muli %scan3A_28, %mul3A_29 : i32
      %add3A_31 = arith.constant 16384 : i32
      %add3A_32 = arith.addi %add3A_31, %mul3A_30 : i32
      %swap3A_33 = arith.index_cast %add3A_32 : i32 to index
      %swap3A_34 = tpu.vector_load %arg13[%swap3A_33] {strides = array<i32>} : memref<32784xi32, #tpu.memory_space<vmem>>, vector<16xi32>,
      tpu.vector_store %arg13[%swap3A_33], %broadcast_in_dim3A_5 {strides = array<i32>} : memref<32784xi32, #tpu.memory_space<vmem>>, vector<16xi32>,
      %scan3A_35 = arith.constant 1 : i32
      %scan3A_36 = arith.addi %scan3A_28, %scan3A_35 : i32
      %mul3A_37 = arith.constant 16 : i32
      %mul3A_38 = arith.muli %scan3A_36, %mul3A_37 : i32
      %add3A_39 = arith.constant 16384 : i32
      %add3A_40 = arith.addi %add3A_39, %mul3A_38 : i32
      %swap3A_41 = arith.index_cast %add3A_40 : i32 to index
      %swap3A_42 = tpu.vector_load %arg13[%swap3A_41] {strides = array<i32>} : memref<32784xi32, #tpu.memory_space<vmem>>, vector<16xi32>,
      tpu.vector_store %arg13[%swap3A_41], %broadcast_in_dim3A_5 {strides = array<i32>} : memref<32784xi32, #tpu.memory_space<vmem>>, vector<16xi32>,
      %scan3A_43 = arith.constant 2 : i32
      %scan3A_44 = arith.addi %scan3A_28, %scan3A_43 : i32
      %mul3A_45 = arith.constant 16 : i32
      %mul3A_46 = arith.muli %scan3A_44, %mul3A_45 : i32
      %add3A_47 = arith.constant 16384 : i32
      %add3A_48 = arith.addi %add3A_47, %mul3A_46 : i32
      %swap3A_49 = arith.index_cast %add3A_48 : i32 to index
      %swap3A_50 = tpu.vector_load %arg13[%swap3A_49] {strides = array<i32>} : memref<32784xi32, #tpu.memory_space<vmem>>, vector<16xi32>,
      tpu.vector_store %arg13[%swap3A_49], %broadcast_in_dim3A_5 {strides = array<i32>} : memref<32784xi32, #tpu.memory_space<vmem>>, vector<16xi32>,
      %scan3A_51 = arith.constant 3 : i32
      %scan3A_52 = arith.addi %scan3A_28, %scan3A_51 : i32
      %mul3A_53 = arith.constant 16 : i32
      %mul3A_54 = arith.muli %scan3A_52, %mul3A_53 : i32
      %add3A_55 = arith.constant 16384 : i32
      %add3A_56 = arith.addi %add3A_55, %mul3A_54 : i32
      %swap3A_57 = arith.index_cast %add3A_56 : i32 to index
      %swap3A_58 = tpu.vector_load %arg13[%swap3A_57] {strides = array<i32>} : memref<32784xi32, #tpu.memory_space<vmem>>, vector<16xi32>,
      tpu.vector_store %arg13[%swap3A_57], %broadcast_in_dim3A_5 {strides = array<i32>} : memref<32784xi32, #tpu.memory_space<vmem>>, vector<16xi32>,
      %scan3A_59 = arith.constant 4 : i32
      %scan3A_60 = arith.addi %scan3A_28, %scan3A_59 : i32
      %mul3A_61 = arith.constant 16 : i32
      %mul3A_62 = arith.muli %scan3A_60, %mul3A_61 : i32
      %add3A_63 = arith.constant 16384 : i32
      %add3A_64 = arith.addi %add3A_63, %mul3A_62 : i32
      %swap3A_65 = arith.index_cast %add3A_64 : i32 to index
      %swap3A_66 = tpu.vector_load %arg13[%swap3A_65] {strides = array<i32>} : memref<32784xi32, #tpu.memory_space<vmem>>, vector<16xi32>,
      tpu.vector_store %arg13[%swap3A_65], %broadcast_in_dim3A_5 {strides = array<i32>} : memref<32784xi32, #tpu.memory_space<vmem>>, vector<16xi32>,
      %scan3A_67 = arith.constant 5 : i32
      %scan3A_68 = arith.addi %scan3A_28, %scan3A_67 : i32
      %mul3A_69 = arith.constant 16 : i32
      %mul3A_70 = arith.muli %scan3A_68, %mul3A_69 : i32
      %add3A_71 = arith.constant 16384 : i32
      %add3A_72 = arith.addi %add3A_71, %mul3A_70 : i32
      %swap3A_73 = arith.index_cast %add3A_72 : i32 to index
      %swap3A_74 = tpu.vector_load %arg13[%swap3A_73] {strides = array<i32>} : memref<32784xi32, #tpu.memory_space<vmem>>, vector<16xi32>,
      tpu.vector_store %arg13[%swap3A_73], %broadcast_in_dim3A_5 {strides = array<i32>} : memref<32784xi32, #tpu.memory_space<vmem>>, vector<16xi32>,
      %scan3A_75 = arith.constant 6 : i32
      %scan3A_76 = arith.addi %scan3A_28, %scan3A_75 : i32
      %mul3A_77 = arith.constant 16 : i32
      %mul3A_78 = arith.muli %scan3A_76, %mul3A_77 : i32
      %add3A_79 = arith.constant 16384 : i32
      %add3A_80 = arith.addi %add3A_79, %mul3A_78 : i32
      %swap3A_81 = arith.index_cast %add3A_80 : i32 to index
      %swap3A_82 = tpu.vector_load %arg13[%swap3A_81] {strides = array<i32>} : memref<32784xi32, #tpu.memory_space<vmem>>, vector<16xi32>,
      tpu.vector_store %arg13[%swap3A_81], %broadcast_in_dim3A_5 {strides = array<i32>} : memref<32784xi32, #tpu.memory_space<vmem>>, vector<16xi32>,
      %scan3A_83 = arith.constant 7 : i32
      %scan3A_84 = arith.addi %scan3A_28, %scan3A_83 : i32
      %mul3A_85 = arith.constant 16 : i32
      %mul3A_86 = arith.muli %scan3A_84, %mul3A_85 : i32
      %add3A_87 = arith.constant 16384 : i32
      %add3A_88 = arith.addi %add3A_87, %mul3A_86 : i32
      %swap3A_89 = arith.index_cast %add3A_88 : i32 to index
      %swap3A_90 = tpu.vector_load %arg13[%swap3A_89] {strides = array<i32>} : memref<32784xi32, #tpu.memory_space<vmem>>, vector<16xi32>,
      tpu.vector_store %arg13[%swap3A_89], %broadcast_in_dim3A_5 {strides = array<i32>} : memref<32784xi32, #tpu.memory_space<vmem>>, vector<16xi32>,
    }
    %scan3A_12 = arith.constant 1024 : i32
    %scan3A_13 = arith.addi %scan3A_8, %scan3A_12 : i32
    %mul3A_14 = arith.constant 16 : i32
    %mul3A_15 = arith.muli %scan3A_13, %mul3A_14 : i32
    %add3A_16 = arith.constant 16384 : i32
    %add3A_17 = arith.addi %add3A_16, %mul3A_15 : i32
    %swap3A = arith.index_cast %add3A_17 : i32 to index
    %swap3A_18 = tpu.vector_load %arg13[%swap3A] {strides = array<i32>} : memref<32784xi32, #tpu.memory_space<vmem>>, vector<16xi32>,
    tpu.vector_store %arg13[%swap3A], %broadcast_in_dim3A_5 {strides = array<i32>} : memref<32784xi32, #tpu.memory_space<vmem>>, vector<16xi32>,
    %scan3A_19 = arith.constant 1025 : i32
    %scan3A_20 = arith.constant 0 : i32
    %scan3A_21 = arith.constant 0 : i32
    %scan3A_22 = arith.constant 4 : i32
    %scan3A_23 = arith.addi %scan3A_21, %scan3A_22 : i32
    %scan3A_24 = arith.constant 1 : i32
    scf.for %scan3A_28 = %scan3A_21 to %scan3A_23 step %scan3A_24  : i32 {
      %mul3A_29 = arith.constant 1024 : i32
      %mul3A_30 = arith.muli %scan3A_28, %mul3A_29 : i32
      %scan3A_31 = arith.constant 0 : i32
      %scan3A_32 = arith.constant 0 : i32
      %scan3A_33 = arith.constant 13 : i32
      %scan3A_34 = arith.addi %scan3A_32, %scan3A_33 : i32
      %scan3A_35 = arith.constant 1 : i32
      scf.for %scan3A_43 = %scan3A_32 to %scan3A_34 step %scan3A_35  : i32 {
        %mul3A_44 = arith.constant 16 : i32
        %mul3A_45 = arith.muli %scan3A_43, %mul3A_44 : i32
        %add3A_46 = vector.broadcast %mul3A_45 : i32 to vector<16xi32>
        %add3A_47 = arith.addi %add3A_46, %iota3A : vector<16xi32>
        %lt3A = arith.constant 196 : i32
        %lt3A_48 = vector.broadcast %lt3A : i32 to vector<16xi32>
        %lt3A_49 = arith.cmpi slt, %add3A_47, %lt3A_48 : vector<16xi32>
        %mul3A_50 = arith.constant 16 : i32
        %mul3A_51 = arith.muli %scan3A_43, %mul3A_50 : i32
        %get3A = arith.index_cast %mul3A_51 : i32 to index
        %get3A_52 = tpu.vector_load %arg18[%get3A] {strides = array<i32>} : memref<208xi32, #tpu.memory_space<vmem>>, vector<16xi32>,
        %add3A_53 = vector.broadcast %mul3A_30 : i32 to vector<16xi32>
        %add3A_54 = arith.addi %get3A_52, %add3A_53 : vector<16xi32>
        %add3A_55 = arith.constant 0 : i32
        %add3A_56 = vector.broadcast %add3A_55 : i32 to vector<16xi32>
        %add3A_57 = arith.addi %add3A_54, %add3A_56 : vector<16xi32>
        %gather3A = tpu.vector_load_idx %arg11[%add3A_57] : memref<4096xi32, #tpu.memory_space<vmem>>[vector<16xi32>], vector<16xi32>,
        %shift_left3A = arith.constant 8 : i32
        %shift_left3A_58 = vector.broadcast %shift_left3A : i32 to vector<16xi32>
        %shift_left3A_59 = arith.shli %gather3A, %shift_left3A_58 : vector<16xi32>
        %swap3A_60 = arith.constant 0 : index
        %swap3A_61 = tpu.vector_load %arg20[%swap3A_60] {strides = array<i32>} : memref<400xi32, #tpu.memory_space<vmem>>, vector<16xi32>,
        tpu.vector_store %arg20[%swap3A_60], %shift_left3A_59 {strides = array<i32>} : memref<400xi32, #tpu.memory_space<vmem>>, vector<16xi32>,
        %add3A_62 = arith.constant 1 : i32
        %add3A_63 = vector.broadcast %add3A_62 : i32 to vector<16xi32>
        %add3A_64 = arith.addi %add3A_54, %add3A_63 : vector<16xi32>
        %gather3A_65 = tpu.vector_load_idx %arg11[%add3A_64] : memref<4096xi32, #tpu.memory_space<vmem>>[vector<16xi32>], vector<16xi32>,
        %shift_left3A_66 = arith.constant 8 : i32
        %shift_left3A_67 = vector.broadcast %shift_left3A_66 : i32 to vector<16xi32>
        %shift_left3A_68 = arith.shli %gather3A_65, %shift_left3A_67 : vector<16xi32>
        %swap3A_69 = arith.constant 16 : index
        %swap3A_70 = tpu.vector_load %arg20[%swap3A_69] {strides = array<i32>} : memref<400xi32, #tpu.memory_space<vmem>>, vector<16xi32>,
        tpu.vector_store %arg20[%swap3A_69], %shift_left3A_68 {strides = array<i32>} : memref<400xi32, #tpu.memory_space<vmem>>, vector<16xi32>,
        %add3A_71 = arith.constant 2 : i32
        %add3A_72 = vector.broadcast %add3A_71 : i32 to vector<16xi32>
        %add3A_73 = arith.addi %add3A_54, %add3A_72 : vector<16xi32>
        %gather3A_74 = tpu.vector_load_idx %arg11[%add3A_73] : memref<4096xi32, #tpu.memory_space<vmem>>[vector<16xi32>], vector<16xi32>,
        %shift_left3A_75 = arith.constant 8 : i32
        %shift_left3A_76 = vector.broadcast %shift_left3A_75 : i32 to vector<16xi32>
        %shift_left3A_77 = arith.shli %gather3A_74, %shift_left3A_76 : vector<16xi32>
        %swap3A_78 = arith.constant 32 : index
        %swap3A_79 = tpu.vector_load %arg20[%swap3A_78] {strides = array<i32>} : memref<400xi32, #tpu.memory_space<vmem>>, vector<16xi32>,
        tpu.vector_store %arg20[%swap3A_78], %shift_left3A_77 {strides = array<i32>} : memref<400xi32, #tpu.memory_space<vmem>>, vector<16xi32>,
        %add3A_80 = arith.constant 3 : i32
        %add3A_81 = vector.broadcast %add3A_80 : i32 to vector<16xi32>
        %add3A_82 = arith.addi %add3A_54, %add3A_81 : vector<16xi32>
        %gather3A_83 = tpu.vector_load_idx %arg11[%add3A_82] : memref<4096xi32, #tpu.memory_space<vmem>>[vector<16xi32>], vector<16xi32>,
        %shift_left3A_84 = arith.constant 8 : i32
        %shift_left3A_85 = vector.broadcast %shift_left3A_84 : i32 to vector<16xi32>
        %shift_left3A_86 = arith.shli %gather3A_83, %shift_left3A_85 : vector<16xi32>
        %swap3A_87 = arith.constant 48 : index
        %swap3A_88 = tpu.vector_load %arg20[%swap3A_87] {strides = array<i32>} : memref<400xi32, #tpu.memory_space<vmem>>, vector<16xi32>,
        tpu.vector_store %arg20[%swap3A_87], %shift_left3A_86 {strides = array<i32>} : memref<400xi32, #tpu.memory_space<vmem>>, vector<16xi32>,
        %add3A_89 = arith.constant 4 : i32
        %add3A_90 = vector.broadcast %add3A_89 : i32 to vector<16xi32>
        %add3A_91 = arith.addi %add3A_54, %add3A_90 : vector<16xi32>
        %gather3A_92 = tpu.vector_load_idx %arg11[%add3A_91] : memref<4096xi32, #tpu.memory_space<vmem>>[vector<16xi32>], vector<16xi32>,
        %shift_left3A_93 = arith.constant 8 : i32
        %shift_left3A_94 = vector.broadcast %shift_left3A_93 : i32 to vector<16xi32>
        %shift_left3A_95 = arith.shli %gather3A_92, %shift_left3A_94 : vector<16xi32>
        %swap3A_96 = arith.constant 64 : index
        %swap3A_97 = tpu.vector_load %arg20[%swap3A_96] {strides = array<i32>} : memref<400xi32, #tpu.memory_space<vmem>>, vector<16xi32>,
        tpu.vector_store %arg20[%swap3A_96], %shift_left3A_95 {strides = array<i32>} : memref<400xi32, #tpu.memory_space<vmem>>, vector<16xi32>,
        %add3A_98 = arith.constant 32 : i32
        %add3A_99 = vector.broadcast %add3A_98 : i32 to vector<16xi32>
        %add3A_100 = arith.addi %add3A_54, %add3A_99 : vector<16xi32>
        %gather3A_101 = tpu.vector_load_idx %arg11[%add3A_100] : memref<4096xi32, #tpu.memory_space<vmem>>[vector<16xi32>], vector<16xi32>,
        %shift_left3A_102 = arith.constant 8 : i32
        %shift_left3A_103 = vector.broadcast %shift_left3A_102 : i32 to vector<16xi32>
        %shift_left3A_104 = arith.shli %gather3A_101, %shift_left3A_103 : vector<16xi32>
        %swap3A_105 = arith.constant 80 : index
        %swap3A_106 = tpu.vector_load %arg20[%swap3A_105] {strides = array<i32>} : memref<400xi32, #tpu.memory_space<vmem>>, vector<16xi32>,
        tpu.vector_store %arg20[%swap3A_105], %shift_left3A_104 {strides = array<i32>} : memref<400xi32, #tpu.memory_space<vmem>>, vector<16xi32>,
        %add3A_107 = arith.constant 33 : i32
        %add3A_108 = vector.broadcast %add3A_107 : i32 to vector<16xi32>
        %add3A_109 = arith.addi %add3A_54, %add3A_108 : vector<16xi32>
        %gather3A_110 = tpu.vector_load_idx %arg11[%add3A_109] : memref<4096xi32, #tpu.memory_space<vmem>>[vector<16xi32>], vector<16xi32>,
        %shift_left3A_111 = arith.constant 8 : i32
        %shift_left3A_112 = vector.broadcast %shift_left3A_111 : i32 to vector<16xi32>
        %shift_left3A_113 = arith.shli %gather3A_110, %shift_left3A_112 : vector<16xi32>
        %swap3A_114 = arith.constant 96 : index
        %swap3A_115 = tpu.vector_load %arg20[%swap3A_114] {strides = array<i32>} : memref<400xi32, #tpu.memory_space<vmem>>, vector<16xi32>,
        tpu.vector_store %arg20[%swap3A_114], %shift_left3A_113 {strides = array<i32>} : memref<400xi32, #tpu.memory_space<vmem>>, vector<16xi32>,
        %add3A_116 = arith.constant 34 : i32
        %add3A_117 = vector.broadcast %add3A_116 : i32 to vector<16xi32>
        %add3A_118 = arith.addi %add3A_54, %add3A_117 : vector<16xi32>
        %gather3A_119 = tpu.vector_load_idx %arg11[%add3A_118] : memref<4096xi32, #tpu.memory_space<vmem>>[vector<16xi32>], vector<16xi32>,
        %shift_left3A_120 = arith.constant 8 : i32
        %shift_left3A_121 = vector.broadcast %shift_left3A_120 : i32 to vector<16xi32>
        %shift_left3A_122 = arith.shli %gather3A_119, %shift_left3A_121 : vector<16xi32>
        %swap3A_123 = arith.constant 112 : index
        %swap3A_124 = tpu.vector_load %arg20[%swap3A_123] {strides = array<i32>} : memref<400xi32, #tpu.memory_space<vmem>>, vector<16xi32>,
        tpu.vector_store %arg20[%swap3A_123], %shift_left3A_122 {strides = array<i32>} : memref<400xi32, #tpu.memory_space<vmem>>, vector<16xi32>,
        %add3A_125 = arith.constant 35 : i32
        %add3A_126 = vector.broadcast %add3A_125 : i32 to vector<16xi32>
        %add3A_127 = arith.addi %add3A_54, %add3A_126 : vector<16xi32>
        %gather3A_128 = tpu.vector_load_idx %arg11[%add3A_127] : memref<4096xi32, #tpu.memory_space<vmem>>[vector<16xi32>], vector<16xi32>,
        %shift_left3A_129 = arith.constant 8 : i32
        %shift_left3A_130 = vector.broadcast %shift_left3A_129 : i32 to vector<16xi32>
        %shift_left3A_131 = arith.shli %gather3A_128, %shift_left3A_130 : vector<16xi32>
        %swap3A_132 = arith.constant 128 : index
        %swap3A_133 = tpu.vector_load %arg20[%swap3A_132] {strides = array<i32>} : memref<400xi32, #tpu.memory_space<vmem>>, vector<16xi32>,
        tpu.vector_store %arg20[%swap3A_132], %shift_left3A_131 {strides = array<i32>} : memref<400xi32, #tpu.memory_space<vmem>>, vector<16xi32>,
        %add3A_134 = arith.constant 36 : i32
        %add3A_135 = vector.broadcast %add3A_134 : i32 to vector<16xi32>
        %add3A_136 = arith.addi %add3A_54, %add3A_135 : vector<16xi32>
        %gather3A_137 = tpu.vector_load_idx %arg11[%add3A_136] : memref<4096xi32, #tpu.memory_space<vmem>>[vector<16xi32>], vector<16xi32>,
        %shift_left3A_138 = arith.constant 8 : i32
        %shift_left3A_139 = vector.broadcast %shift_left3A_138 : i32 to vector<16xi32>
        %shift_left3A_140 = arith.shli %gather3A_137, %shift_left3A_139 : vector<16xi32>
        %swap3A_141 = arith.constant 144 : index
        %swap3A_142 = tpu.vector_load %arg20[%swap3A_141] {strides = array<i32>} : memref<400xi32, #tpu.memory_space<vmem>>, vector<16xi32>,
        tpu.vector_store %arg20[%swap3A_141], %shift_left3A_140 {strides = array<i32>} : memref<400xi32, #tpu.memory_space<vmem>>, vector<16xi32>,
        %add3A_143 = arith.constant 64 : i32
        %add3A_144 = vector.broadcast %add3A_143 : i32 to vector<16xi32>
        %add3A_145 = arith.addi %add3A_54, %add3A_144 : vector<16xi32>
        %gather3A_146 = tpu.vector_load_idx %arg11[%add3A_145] : memref<4096xi32, #tpu.memory_space<vmem>>[vector<16xi32>], vector<16xi32>,
        %shift_left3A_147 = arith.constant 8 : i32
        %shift_left3A_148 = vector.broadcast %shift_left3A_147 : i32 to vector<16xi32>
        %shift_left3A_149 = arith.shli %gather3A_146, %shift_left3A_148 : vector<16xi32>
        %swap3A_150 = arith.constant 160 : index
        %swap3A_151 = tpu.vector_load %arg20[%swap3A_150] {strides = array<i32>} : memref<400xi32, #tpu.memory_space<vmem>>, vector<16xi32>,
        tpu.vector_store %arg20[%swap3A_150], %shift_left3A_149 {strides = array<i32>} : memref<400xi32, #tpu.memory_space<vmem>>, vector<16xi32>,
        %add3A_152 = arith.constant 65 : i32
        %add3A_153 = vector.broadcast %add3A_152 : i32 to vector<16xi32>
        %add3A_154 = arith.addi %add3A_54, %add3A_153 : vector<16xi32>
        %gather3A_155 = tpu.vector_load_idx %arg11[%add3A_154] : memref<4096xi32, #tpu.memory_space<vmem>>[vector<16xi32>], vector<16xi32>,
        %shift_left3A_156 = arith.constant 8 : i32
        %shift_left3A_157 = vector.broadcast %shift_left3A_156 : i32 to vector<16xi32>
        %shift_left3A_158 = arith.shli %gather3A_155, %shift_left3A_157 : vector<16xi32>
        %swap3A_159 = arith.constant 176 : index
        %swap3A_160 = tpu.vector_load %arg20[%swap3A_159] {strides = array<i32>} : memref<400xi32, #tpu.memory_space<vmem>>, vector<16xi32>,
        tpu.vector_store %arg20[%swap3A_159], %shift_left3A_158 {strides = array<i32>} : memref<400xi32, #tpu.memory_space<vmem>>, vector<16xi32>,
        %add3A_161 = arith.constant 66 : i32
        %add3A_162 = vector.broadcast %add3A_161 : i32 to vector<16xi32>
        %add3A_163 = arith.addi %add3A_54, %add3A_162 : vector<16xi32>
        %gather3A_164 = tpu.vector_load_idx %arg11[%add3A_163] : memref<4096xi32, #tpu.memory_space<vmem>>[vector<16xi32>], vector<16xi32>,
        %shift_left3A_165 = arith.constant 8 : i32
        %shift_left3A_166 = vector.broadcast %shift_left3A_165 : i32 to vector<16xi32>
        %shift_left3A_167 = arith.shli %gather3A_164, %shift_left3A_166 : vector<16xi32>
        %swap3A_168 = arith.constant 192 : index
        %swap3A_169 = tpu.vector_load %arg20[%swap3A_168] {strides = array<i32>} : memref<400xi32, #tpu.memory_space<vmem>>, vector<16xi32>,
        tpu.vector_store %arg20[%swap3A_168], %shift_left3A_167 {strides = array<i32>} : memref<400xi32, #tpu.memory_space<vmem>>, vector<16xi32>,
        %add3A_170 = arith.constant 67 : i32
        %add3A_171 = vector.broadcast %add3A_170 : i32 to vector<16xi32>
        %add3A_172 = arith.addi %add3A_54, %add3A_171 : vector<16xi32>
        %gather3A_173 = tpu.vector_load_idx %arg11[%add3A_172] : memref<4096xi32, #tpu.memory_space<vmem>>[vector<16xi32>], vector<16xi32>,
        %shift_left3A_174 = arith.constant 8 : i32
        %shift_left3A_175 = vector.broadcast %shift_left3A_174 : i32 to vector<16xi32>
        %shift_left3A_176 = arith.shli %gather3A_173, %shift_left3A_175 : vector<16xi32>
        %swap3A_177 = arith.constant 208 : index
        %swap3A_178 = tpu.vector_load %arg20[%swap3A_177] {strides = array<i32>} : memref<400xi32, #tpu.memory_space<vmem>>, vector<16xi32>,
        tpu.vector_store %arg20[%swap3A_177], %shift_left3A_176 {strides = array<i32>} : memref<400xi32, #tpu.memory_space<vmem>>, vector<16xi32>,
        %add3A_179 = arith.constant 68 : i32
        %add3A_180 = vector.broadcast %add3A_179 : i32 to vector<16xi32>
        %add3A_181 = arith.addi %add3A_54, %add3A_180 : vector<16xi32>
        %gather3A_182 = tpu.vector_load_idx %arg11[%add3A_181] : memref<4096xi32, #tpu.memory_space<vmem>>[vector<16xi32>], vector<16xi32>,
        %shift_left3A_183 = arith.constant 8 : i32
        %shift_left3A_184 = vector.broadcast %shift_left3A_183 : i32 to vector<16xi32>
        %shift_left3A_185 = arith.shli %gather3A_182, %shift_left3A_184 : vector<16xi32>
        %swap3A_186 = arith.constant 224 : index
        %swap3A_187 = tpu.vector_load %arg20[%swap3A_186] {strides = array<i32>} : memref<400xi32, #tpu.memory_space<vmem>>, vector<16xi32>,
        tpu.vector_store %arg20[%swap3A_186], %shift_left3A_185 {strides = array<i32>} : memref<400xi32, #tpu.memory_space<vmem>>, vector<16xi32>,
        %add3A_188 = arith.constant 96 : i32
        %add3A_189 = vector.broadcast %add3A_188 : i32 to vector<16xi32>
        %add3A_190 = arith.addi %add3A_54, %add3A_189 : vector<16xi32>
        %gather3A_191 = tpu.vector_load_idx %arg11[%add3A_190] : memref<4096xi32, #tpu.memory_space<vmem>>[vector<16xi32>], vector<16xi32>,
        %shift_left3A_192 = arith.constant 8 : i32
        %shift_left3A_193 = vector.broadcast %shift_left3A_192 : i32 to vector<16xi32>
        %shift_left3A_194 = arith.shli %gather3A_191, %shift_left3A_193 : vector<16xi32>
        %swap3A_195 = arith.constant 240 : index
        %swap3A_196 = tpu.vector_load %arg20[%swap3A_195] {strides = array<i32>} : memref<400xi32, #tpu.memory_space<vmem>>, vector<16xi32>,
        tpu.vector_store %arg20[%swap3A_195], %shift_left3A_194 {strides = array<i32>} : memref<400xi32, #tpu.memory_space<vmem>>, vector<16xi32>,
        %add3A_197 = arith.constant 97 : i32
        %add3A_198 = vector.broadcast %add3A_197 : i32 to vector<16xi32>
        %add3A_199 = arith.addi %add3A_54, %add3A_198 : vector<16xi32>
        %gather3A_200 = tpu.vector_load_idx %arg11[%add3A_199] : memref<4096xi32, #tpu.memory_space<vmem>>[vector<16xi32>], vector<16xi32>,
        %shift_left3A_201 = arith.constant 8 : i32
        %shift_left3A_202 = vector.broadcast %shift_left3A_201 : i32 to vector<16xi32>
        %shift_left3A_203 = arith.shli %gather3A_200, %shift_left3A_202 : vector<16xi32>
        %swap3A_204 = arith.constant 256 : index
        %swap3A_205 = tpu.vector_load %arg20[%swap3A_204] {strides = array<i32>} : memref<400xi32, #tpu.memory_space<vmem>>, vector<16xi32>,
        tpu.vector_store %arg20[%swap3A_204], %shift_left3A_203 {strides = array<i32>} : memref<400xi32, #tpu.memory_space<vmem>>, vector<16xi32>,
        %add3A_206 = arith.constant 98 : i32
        %add3A_207 = vector.broadcast %add3A_206 : i32 to vector<16xi32>
        %add3A_208 = arith.addi %add3A_54, %add3A_207 : vector<16xi32>
        %gather3A_209 = tpu.vector_load_idx %arg11[%add3A_208] : memref<4096xi32, #tpu.memory_space<vmem>>[vector<16xi32>], vector<16xi32>,
        %shift_left3A_210 = arith.constant 8 : i32
        %shift_left3A_211 = vector.broadcast %shift_left3A_210 : i32 to vector<16xi32>
        %shift_left3A_212 = arith.shli %gather3A_209, %shift_left3A_211 : vector<16xi32>
        %swap3A_213 = arith.constant 272 : index
        %swap3A_214 = tpu.vector_load %arg20[%swap3A_213] {strides = array<i32>} : memref<400xi32, #tpu.memory_space<vmem>>, vector<16xi32>,
        tpu.vector_store %arg20[%swap3A_213], %shift_left3A_212 {strides = array<i32>} : memref<400xi32, #tpu.memory_space<vmem>>, vector<16xi32>,
        %add3A_215 = arith.constant 99 : i32
        %add3A_216 = vector.broadcast %add3A_215 : i32 to vector<16xi32>
        %add3A_217 = arith.addi %add3A_54, %add3A_216 : vector<16xi32>
        %gather3A_218 = tpu.vector_load_idx %arg11[%add3A_217] : memref<4096xi32, #tpu.memory_space<vmem>>[vector<16xi32>], vector<16xi32>,
        %shift_left3A_219 = arith.constant 8 : i32
        %shift_left3A_220 = vector.broadcast %shift_left3A_219 : i32 to vector<16xi32>
        %shift_left3A_221 = arith.shli %gather3A_218, %shift_left3A_220 : vector<16xi32>
        %swap3A_222 = arith.constant 288 : index
        %swap3A_223 = tpu.vector_load %arg20[%swap3A_222] {strides = array<i32>} : memref<400xi32, #tpu.memory_space<vmem>>, vector<16xi32>,
        tpu.vector_store %arg20[%swap3A_222], %shift_left3A_221 {strides = array<i32>} : memref<400xi32, #tpu.memory_space<vmem>>, vector<16xi32>,
        %add3A_224 = arith.constant 100 : i32
        %add3A_225 = vector.broadcast %add3A_224 : i32 to vector<16xi32>
        %add3A_226 = arith.addi %add3A_54, %add3A_225 : vector<16xi32>
        %gather3A_227 = tpu.vector_load_idx %arg11[%add3A_226] : memref<4096xi32, #tpu.memory_space<vmem>>[vector<16xi32>], vector<16xi32>,
        %shift_left3A_228 = arith.constant 8 : i32
        %shift_left3A_229 = vector.broadcast %shift_left3A_228 : i32 to vector<16xi32>
        %shift_left3A_230 = arith.shli %gather3A_227, %shift_left3A_229 : vector<16xi32>
        %swap3A_231 = arith.constant 304 : index
        %swap3A_232 = tpu.vector_load %arg20[%swap3A_231] {strides = array<i32>} : memref<400xi32, #tpu.memory_space<vmem>>, vector<16xi32>,
        tpu.vector_store %arg20[%swap3A_231], %shift_left3A_230 {strides = array<i32>} : memref<400xi32, #tpu.memory_space<vmem>>, vector<16xi32>,
        %add3A_233 = arith.constant 128 : i32
        %add3A_234 = vector.broadcast %add3A_233 : i32 to vector<16xi32>
        %add3A_235 = arith.addi %add3A_54, %add3A_234 : vector<16xi32>
        %gather3A_236 = tpu.vector_load_idx %arg11[%add3A_235] : memref<4096xi32, #tpu.memory_space<vmem>>[vector<16xi32>], vector<16xi32>,
        %shift_left3A_237 = arith.constant 8 : i32
        %shift_left3A_238 = vector.broadcast %shift_left3A_237 : i32 to vector<16xi32>
        %shift_left3A_239 = arith.shli %gather3A_236, %shift_left3A_238 : vector<16xi32>
        %swap3A_240 = arith.constant 320 : index
        %swap3A_241 = tpu.vector_load %arg20[%swap3A_240] {strides = array<i32>} : memref<400xi32, #tpu.memory_space<vmem>>, vector<16xi32>,
        tpu.vector_store %arg20[%swap3A_240], %shift_left3A_239 {strides = array<i32>} : memref<400xi32, #tpu.memory_space<vmem>>, vector<16xi32>,
        %add3A_242 = arith.constant 129 : i32
        %add3A_243 = vector.broadcast %add3A_242 : i32 to vector<16xi32>
        %add3A_244 = arith.addi %add3A_54, %add3A_243 : vector<16xi32>
        %gather3A_245 = tpu.vector_load_idx %arg11[%add3A_244] : memref<4096xi32, #tpu.memory_space<vmem>>[vector<16xi32>], vector<16xi32>,
        %shift_left3A_246 = arith.constant 8 : i32
        %shift_left3A_247 = vector.broadcast %shift_left3A_246 : i32 to vector<16xi32>
        %shift_left3A_248 = arith.shli %gather3A_245, %shift_left3A_247 : vector<16xi32>
        %swap3A_249 = arith.constant 336 : index
        %swap3A_250 = tpu.vector_load %arg20[%swap3A_249] {strides = array<i32>} : memref<400xi32, #tpu.memory_space<vmem>>, vector<16xi32>,
        tpu.vector_store %arg20[%swap3A_249], %shift_left3A_248 {strides = array<i32>} : memref<400xi32, #tpu.memory_space<vmem>>, vector<16xi32>,
        %add3A_251 = arith.constant 130 : i32
        %add3A_252 = vector.broadcast %add3A_251 : i32 to vector<16xi32>
        %add3A_253 = arith.addi %add3A_54, %add3A_252 : vector<16xi32>
        %gather3A_254 = tpu.vector_load_idx %arg11[%add3A_253] : memref<4096xi32, #tpu.memory_space<vmem>>[vector<16xi32>], vector<16xi32>,
        %shift_left3A_255 = arith.constant 8 : i32
        %shift_left3A_256 = vector.broadcast %shift_left3A_255 : i32 to vector<16xi32>
        %shift_left3A_257 = arith.shli %gather3A_254, %shift_left3A_256 : vector<16xi32>
        %swap3A_258 = arith.constant 352 : index
        %swap3A_259 = tpu.vector_load %arg20[%swap3A_258] {strides = array<i32>} : memref<400xi32, #tpu.memory_space<vmem>>, vector<16xi32>,
        tpu.vector_store %arg20[%swap3A_258], %shift_left3A_257 {strides = array<i32>} : memref<400xi32, #tpu.memory_space<vmem>>, vector<16xi32>,
        %add3A_260 = arith.constant 131 : i32
        %add3A_261 = vector.broadcast %add3A_260 : i32 to vector<16xi32>
        %add3A_262 = arith.addi %add3A_54, %add3A_261 : vector<16xi32>
        %gather3A_263 = tpu.vector_load_idx %arg11[%add3A_262] : memref<4096xi32, #tpu.memory_space<vmem>>[vector<16xi32>], vector<16xi32>,
        %shift_left3A_264 = arith.constant 8 : i32
        %shift_left3A_265 = vector.broadcast %shift_left3A_264 : i32 to vector<16xi32>
        %shift_left3A_266 = arith.shli %gather3A_263, %shift_left3A_265 : vector<16xi32>
        %swap3A_267 = arith.constant 368 : index
        %swap3A_268 = tpu.vector_load %arg20[%swap3A_267] {strides = array<i32>} : memref<400xi32, #tpu.memory_space<vmem>>, vector<16xi32>,
        tpu.vector_store %arg20[%swap3A_267], %shift_left3A_266 {strides = array<i32>} : memref<400xi32, #tpu.memory_space<vmem>>, vector<16xi32>,
        %add3A_269 = arith.constant 132 : i32
        %add3A_270 = vector.broadcast %add3A_269 : i32 to vector<16xi32>
        %add3A_271 = arith.addi %add3A_54, %add3A_270 : vector<16xi32>
        %gather3A_272 = tpu.vector_load_idx %arg11[%add3A_271] : memref<4096xi32, #tpu.memory_space<vmem>>[vector<16xi32>], vector<16xi32>,
        %shift_left3A_273 = arith.constant 8 : i32
        %shift_left3A_274 = vector.broadcast %shift_left3A_273 : i32 to vector<16xi32>
        %shift_left3A_275 = arith.shli %gather3A_272, %shift_left3A_274 : vector<16xi32>
        %swap3A_276 = arith.constant 384 : index
        %swap3A_277 = tpu.vector_load %arg20[%swap3A_276] {strides = array<i32>} : memref<400xi32, #tpu.memory_space<vmem>>, vector<16xi32>,
        tpu.vector_store %arg20[%swap3A_276], %shift_left3A_275 {strides = array<i32>} : memref<400xi32, #tpu.memory_space<vmem>>, vector<16xi32>,
        %scan3A_278 = arith.constant 0 : i32
        %scan3A_279 = arith.constant 0 : i32
        %scan3A_280 = arith.constant 6 : i32
        %scan3A_281 = arith.addi %scan3A_279, %scan3A_280 : i32
        %scan3A_282 = arith.constant 2 : i32
        scf.for %scan3A_284 = %scan3A_279 to %scan3A_281 step %scan3A_282  : i32 {
          %mul3A_285 = arith.constant 32 : i32
          %mul3A_286 = arith.muli %scan3A_284, %mul3A_285 : i32
          %get3A_287 = arith.index_cast %mul3A_286 : i32 to index
          %get3A_288 = tpu.vector_load %arg14[%get3A_287] {strides = array<i32>} : memref<192xi32, #tpu.memory_space<vmem>>, vector<16xi32>,
          %mul3A_289 = arith.constant 32 : i32
          %mul3A_290 = arith.muli %scan3A_284, %mul3A_289 : i32
          %add3A_291 = arith.constant 16 : i32
          %add3A_292 = arith.addi %mul3A_290, %add3A_291 : i32
          %get3A_293 = arith.index_cast %add3A_292 : i32 to index
          %get3A_294 = tpu.vector_load %arg14[%get3A_293] {strides = array<i32>} : memref<192xi32, #tpu.memory_space<vmem>>, vector<16xi32>,
          %slice3A = vector.extract_strided_slice %get3A_288 {offsets = [0], sizes = [1], strides = [1]} : vector<16xi32> to vector<1xi32>
          %squeeze3A = vector.extract %slice3A[0] : i32 from vector<1xi32>
          %get3A_295 = arith.constant 0 : index
          %get3A_296 = tpu.vector_load %arg20[%get3A_295] {strides = array<i32>} : memref<400xi32, #tpu.memory_space<vmem>>, vector<16xi32>,
          %add3A_297 = vector.broadcast %squeeze3A : i32 to vector<16xi32>
          %add3A_298 = arith.addi %get3A_296, %add3A_297 : vector<16xi32>
          %gather3A_299 = tpu.vector_load_idx %arg12[%add3A_298] : memref<65536xi32, #tpu.memory_space<vmem>>[vector<16xi32>], vector<16xi32>,
          %slice3A_300 = vector.extract_strided_slice %get3A_288 {offsets = [1], sizes = [1], strides = [1]} : vector<16xi32> to vector<1xi32>
          %squeeze3A_301 = vector.extract %slice3A_300[0] : i32 from vector<1xi32>
          %get3A_302 = arith.constant 16 : index
          %get3A_303 = tpu.vector_load %arg20[%get3A_302] {strides = array<i32>} : memref<400xi32, #tpu.memory_space<vmem>>, vector<16xi32>,
          %add3A_304 = vector.broadcast %squeeze3A_301 : i32 to vector<16xi32>
          %add3A_305 = arith.addi %get3A_303, %add3A_304 : vector<16xi32>
          %gather3A_306 = tpu.vector_load_idx %arg12[%add3A_305] : memref<65536xi32, #tpu.memory_space<vmem>>[vector<16xi32>], vector<16xi32>,
          %slice3A_307 = vector.extract_strided_slice %get3A_288 {offsets = [2], sizes = [1], strides = [1]} : vector<16xi32> to vector<1xi32>
          %squeeze3A_308 = vector.extract %slice3A_307[0] : i32 from vector<1xi32>
          %get3A_309 = arith.constant 32 : index
          %get3A_310 = tpu.vector_load %arg20[%get3A_309] {strides = array<i32>} : memref<400xi32, #tpu.memory_space<vmem>>, vector<16xi32>,
          %add3A_311 = vector.broadcast %squeeze3A_308 : i32 to vector<16xi32>
          %add3A_312 = arith.addi %get3A_310, %add3A_311 : vector<16xi32>
          %gather3A_313 = tpu.vector_load_idx %arg12[%add3A_312] : memref<65536xi32, #tpu.memory_space<vmem>>[vector<16xi32>], vector<16xi32>,
          %slice3A_314 = vector.extract_strided_slice %get3A_288 {offsets = [3], sizes = [1], strides = [1]} : vector<16xi32> to vector<1xi32>
          %squeeze3A_315 = vector.extract %slice3A_314[0] : i32 from vector<1xi32>
          %get3A_316 = arith.constant 48 : index
          %get3A_317 = tpu.vector_load %arg20[%get3A_316] {strides = array<i32>} : memref<400xi32, #tpu.memory_space<vmem>>, vector<16xi32>,
          %add3A_318 = vector.broadcast %squeeze3A_315 : i32 to vector<16xi32>
          %add3A_319 = arith.addi %get3A_317, %add3A_318 : vector<16xi32>
          %gather3A_320 = tpu.vector_load_idx %arg12[%add3A_319] : memref<65536xi32, #tpu.memory_space<vmem>>[vector<16xi32>], vector<16xi32>,
          %slice3A_321 = vector.extract_strided_slice %get3A_288 {offsets = [4], sizes = [1], strides = [1]} : vector<16xi32> to vector<1xi32>
          %squeeze3A_322 = vector.extract %slice3A_321[0] : i32 from vector<1xi32>
          %get3A_323 = arith.constant 64 : index
          %get3A_324 = tpu.vector_load %arg20[%get3A_323] {strides = array<i32>} : memref<400xi32, #tpu.memory_space<vmem>>, vector<16xi32>,
          %add3A_325 = vector.broadcast %squeeze3A_322 : i32 to vector<16xi32>
          %add3A_326 = arith.addi %get3A_324, %add3A_325 : vector<16xi32>
          %gather3A_327 = tpu.vector_load_idx %arg12[%add3A_326] : memref<65536xi32, #tpu.memory_space<vmem>>[vector<16xi32>], vector<16xi32>,
          %slice3A_328 = vector.extract_strided_slice %get3A_288 {offsets = [5], sizes = [1], strides = [1]} : vector<16xi32> to vector<1xi32>
          %squeeze3A_329 = vector.extract %slice3A_328[0] : i32 from vector<1xi32>
          %get3A_330 = arith.constant 80 : index
          %get3A_331 = tpu.vector_load %arg20[%get3A_330] {strides = array<i32>} : memref<400xi32, #tpu.memory_space<vmem>>, vector<16xi32>,
          %add3A_332 = vector.broadcast %squeeze3A_329 : i32 to vector<16xi32>
          %add3A_333 = arith.addi %get3A_331, %add3A_332 : vector<16xi32>
          %gather3A_334 = tpu.vector_load_idx %arg12[%add3A_333] : memref<65536xi32, #tpu.memory_space<vmem>>[vector<16xi32>], vector<16xi32>,
          %slice3A_335 = vector.extract_strided_slice %get3A_288 {offsets = [6], sizes = [1], strides = [1]} : vector<16xi32> to vector<1xi32>
          %squeeze3A_336 = vector.extract %slice3A_335[0] : i32 from vector<1xi32>
          %get3A_337 = arith.constant 96 : index
          %get3A_338 = tpu.vector_load %arg20[%get3A_337] {strides = array<i32>} : memref<400xi32, #tpu.memory_space<vmem>>, vector<16xi32>,
          %add3A_339 = vector.broadcast %squeeze3A_336 : i32 to vector<16xi32>
          %add3A_340 = arith.addi %get3A_338, %add3A_339 : vector<16xi32>
          %gather3A_341 = tpu.vector_load_idx %arg12[%add3A_340] : memref<65536xi32, #tpu.memory_space<vmem>>[vector<16xi32>], vector<16xi32>,
          %slice3A_342 = vector.extract_strided_slice %get3A_288 {offsets = [7], sizes = [1], strides = [1]} : vector<16xi32> to vector<1xi32>
          %squeeze3A_343 = vector.extract %slice3A_342[0] : i32 from vector<1xi32>
          %get3A_344 = arith.constant 112 : index
          %get3A_345 = tpu.vector_load %arg20[%get3A_344] {strides = array<i32>} : memref<400xi32, #tpu.memory_space<vmem>>, vector<16xi32>,
          %add3A_346 = vector.broadcast %squeeze3A_343 : i32 to vector<16xi32>
          %add3A_347 = arith.addi %get3A_345, %add3A_346 : vector<16xi32>
          %gather3A_348 = tpu.vector_load_idx %arg12[%add3A_347] : memref<65536xi32, #tpu.memory_space<vmem>>[vector<16xi32>], vector<16xi32>,
          %slice3A_349 = vector.extract_strided_slice %get3A_288 {offsets = [8], sizes = [1], strides = [1]} : vector<16xi32> to vector<1xi32>
          %squeeze3A_350 = vector.extract %slice3A_349[0] : i32 from vector<1xi32>
          %get3A_351 = arith.constant 128 : index
          %get3A_352 = tpu.vector_load %arg20[%get3A_351] {strides = array<i32>} : memref<400xi32, #tpu.memory_space<vmem>>, vector<16xi32>,
          %add3A_353 = vector.broadcast %squeeze3A_350 : i32 to vector<16xi32>
          %add3A_354 = arith.addi %get3A_352, %add3A_353 : vector<16xi32>
          %gather3A_355 = tpu.vector_load_idx %arg12[%add3A_354] : memref<65536xi32, #tpu.memory_space<vmem>>[vector<16xi32>], vector<16xi32>,
          %slice3A_356 = vector.extract_strided_slice %get3A_288 {offsets = [9], sizes = [1], strides = [1]} : vector<16xi32> to vector<1xi32>
          %squeeze3A_357 = vector.extract %slice3A_356[0] : i32 from vector<1xi32>
          %get3A_358 = arith.constant 144 : index
          %get3A_359 = tpu.vector_load %arg20[%get3A_358] {strides = array<i32>} : memref<400xi32, #tpu.memory_space<vmem>>, vector<16xi32>,
          %add3A_360 = vector.broadcast %squeeze3A_357 : i32 to vector<16xi32>
          %add3A_361 = arith.addi %get3A_359, %add3A_360 : vector<16xi32>
          %gather3A_362 = tpu.vector_load_idx %arg12[%add3A_361] : memref<65536xi32, #tpu.memory_space<vmem>>[vector<16xi32>], vector<16xi32>,
          %slice3A_363 = vector.extract_strided_slice %get3A_288 {offsets = [10], sizes = [1], strides = [1]} : vector<16xi32> to vector<1xi32>
          %squeeze3A_364 = vector.extract %slice3A_363[0] : i32 from vector<1xi32>
          %get3A_365 = arith.constant 160 : index
          %get3A_366 = tpu.vector_load %arg20[%get3A_365] {strides = array<i32>} : memref<400xi32, #tpu.memory_space<vmem>>, vector<16xi32>,
          %add3A_367 = vector.broadcast %squeeze3A_364 : i32 to vector<16xi32>
          %add3A_368 = arith.addi %get3A_366, %add3A_367 : vector<16xi32>
          %gather3A_369 = tpu.vector_load_idx %arg12[%add3A_368] : memref<65536xi32, #tpu.memory_space<vmem>>[vector<16xi32>], vector<16xi32>,
          %slice3A_370 = vector.extract_strided_slice %get3A_288 {offsets = [11], sizes = [1], strides = [1]} : vector<16xi32> to vector<1xi32>
          %squeeze3A_371 = vector.extract %slice3A_370[0] : i32 from vector<1xi32>
          %get3A_372 = arith.constant 176 : index
          %get3A_373 = tpu.vector_load %arg20[%get3A_372] {strides = array<i32>} : memref<400xi32, #tpu.memory_space<vmem>>, vector<16xi32>,
          %add3A_374 = vector.broadcast %squeeze3A_371 : i32 to vector<16xi32>
          %add3A_375 = arith.addi %get3A_373, %add3A_374 : vector<16xi32>
          %gather3A_376 = tpu.vector_load_idx %arg12[%add3A_375] : memref<65536xi32, #tpu.memory_space<vmem>>[vector<16xi32>], vector<16xi32>,
          %slice3A_377 = vector.extract_strided_slice %get3A_288 {offsets = [12], sizes = [1], strides = [1]} : vector<16xi32> to vector<1xi32>
          %squeeze3A_378 = vector.extract %slice3A_377[0] : i32 from vector<1xi32>
          %get3A_379 = arith.constant 192 : index
          %get3A_380 = tpu.vector_load %arg20[%get3A_379] {strides = array<i32>} : memref<400xi32, #tpu.memory_space<vmem>>, vector<16xi32>,
          %add3A_381 = vector.broadcast %squeeze3A_378 : i32 to vector<16xi32>
          %add3A_382 = arith.addi %get3A_380, %add3A_381 : vector<16xi32>
          %gather3A_383 = tpu.vector_load_idx %arg12[%add3A_382] : memref<65536xi32, #tpu.memory_space<vmem>>[vector<16xi32>], vector<16xi32>,
          %slice3A_384 = vector.extract_strided_slice %get3A_288 {offsets = [13], sizes = [1], strides = [1]} : vector<16xi32> to vector<1xi32>
          %squeeze3A_385 = vector.extract %slice3A_384[0] : i32 from vector<1xi32>
          %get3A_386 = arith.constant 208 : index
          %get3A_387 = tpu.vector_load %arg20[%get3A_386] {strides = array<i32>} : memref<400xi32, #tpu.memory_space<vmem>>, vector<16xi32>,
          %add3A_388 = vector.broadcast %squeeze3A_385 : i32 to vector<16xi32>
          %add3A_389 = arith.addi %get3A_387, %add3A_388 : vector<16xi32>
          %gather3A_390 = tpu.vector_load_idx %arg12[%add3A_389] : memref<65536xi32, #tpu.memory_space<vmem>>[vector<16xi32>], vector<16xi32>,
          %slice3A_391 = vector.extract_strided_slice %get3A_288 {offsets = [14], sizes = [1], strides = [1]} : vector<16xi32> to vector<1xi32>
          %squeeze3A_392 = vector.extract %slice3A_391[0] : i32 from vector<1xi32>
          %get3A_393 = arith.constant 224 : index
          %get3A_394 = tpu.vector_load %arg20[%get3A_393] {strides = array<i32>} : memref<400xi32, #tpu.memory_space<vmem>>, vector<16xi32>,
          %add3A_395 = vector.broadcast %squeeze3A_392 : i32 to vector<16xi32>
          %add3A_396 = arith.addi %get3A_394, %add3A_395 : vector<16xi32>
          %gather3A_397 = tpu.vector_load_idx %arg12[%add3A_396] : memref<65536xi32, #tpu.memory_space<vmem>>[vector<16xi32>], vector<16xi32>,
          %slice3A_398 = vector.extract_strided_slice %get3A_288 {offsets = [15], sizes = [1], strides = [1]} : vector<16xi32> to vector<1xi32>
          %squeeze3A_399 = vector.extract %slice3A_398[0] : i32 from vector<1xi32>
          %get3A_400 = arith.constant 240 : index
          %get3A_401 = tpu.vector_load %arg20[%get3A_400] {strides = array<i32>} : memref<400xi32, #tpu.memory_space<vmem>>, vector<16xi32>,
          %add3A_402 = vector.broadcast %squeeze3A_399 : i32 to vector<16xi32>
          %add3A_403 = arith.addi %get3A_401, %add3A_402 : vector<16xi32>
          %gather3A_404 = tpu.vector_load_idx %arg12[%add3A_403] : memref<65536xi32, #tpu.memory_space<vmem>>[vector<16xi32>], vector<16xi32>,
          %slice3A_405 = vector.extract_strided_slice %get3A_294 {offsets = [0], sizes = [1], strides = [1]} : vector<16xi32> to vector<1xi32>
          %squeeze3A_406 = vector.extract %slice3A_405[0] : i32 from vector<1xi32>
          %get3A_407 = arith.constant 256 : index
          %get3A_408 = tpu.vector_load %arg20[%get3A_407] {strides = array<i32>} : memref<400xi32, #tpu.memory_space<vmem>>, vector<16xi32>,
          %add3A_409 = vector.broadcast %squeeze3A_406 : i32 to vector<16xi32>
          %add3A_410 = arith.addi %get3A_408, %add3A_409 : vector<16xi32>
          %gather3A_411 = tpu.vector_load_idx %arg12[%add3A_410] : memref<65536xi32, #tpu.memory_space<vmem>>[vector<16xi32>], vector<16xi32>,
          %slice3A_412 = vector.extract_strided_slice %get3A_294 {offsets = [1], sizes = [1], strides = [1]} : vector<16xi32> to vector<1xi32>
          %squeeze3A_413 = vector.extract %slice3A_412[0] : i32 from vector<1xi32>
          %get3A_414 = arith.constant 272 : index
          %get3A_415 = tpu.vector_load %arg20[%get3A_414] {strides = array<i32>} : memref<400xi32, #tpu.memory_space<vmem>>, vector<16xi32>,
          %add3A_416 = vector.broadcast %squeeze3A_413 : i32 to vector<16xi32>
          %add3A_417 = arith.addi %get3A_415, %add3A_416 : vector<16xi32>
          %gather3A_418 = tpu.vector_load_idx %arg12[%add3A_417] : memref<65536xi32, #tpu.memory_space<vmem>>[vector<16xi32>], vector<16xi32>,
          %slice3A_419 = vector.extract_strided_slice %get3A_294 {offsets = [2], sizes = [1], strides = [1]} : vector<16xi32> to vector<1xi32>
          %squeeze3A_420 = vector.extract %slice3A_419[0] : i32 from vector<1xi32>
          %get3A_421 = arith.constant 288 : index
          %get3A_422 = tpu.vector_load %arg20[%get3A_421] {strides = array<i32>} : memref<400xi32, #tpu.memory_space<vmem>>, vector<16xi32>,
          %add3A_423 = vector.broadcast %squeeze3A_420 : i32 to vector<16xi32>
          %add3A_424 = arith.addi %get3A_422, %add3A_423 : vector<16xi32>
          %gather3A_425 = tpu.vector_load_idx %arg12[%add3A_424] : memref<65536xi32, #tpu.memory_space<vmem>>[vector<16xi32>], vector<16xi32>,
          %slice3A_426 = vector.extract_strided_slice %get3A_294 {offsets = [3], sizes = [1], strides = [1]} : vector<16xi32> to vector<1xi32>
          %squeeze3A_427 = vector.extract %slice3A_426[0] : i32 from vector<1xi32>
          %get3A_428 = arith.constant 304 : index
          %get3A_429 = tpu.vector_load %arg20[%get3A_428] {strides = array<i32>} : memref<400xi32, #tpu.memory_space<vmem>>, vector<16xi32>,
          %add3A_430 = vector.broadcast %squeeze3A_427 : i32 to vector<16xi32>
          %add3A_431 = arith.addi %get3A_429, %add3A_430 : vector<16xi32>
          %gather3A_432 = tpu.vector_load_idx %arg12[%add3A_431] : memref<65536xi32, #tpu.memory_space<vmem>>[vector<16xi32>], vector<16xi32>,
          %slice3A_433 = vector.extract_strided_slice %get3A_294 {offsets = [4], sizes = [1], strides = [1]} : vector<16xi32> to vector<1xi32>
          %squeeze3A_434 = vector.extract %slice3A_433[0] : i32 from vector<1xi32>
          %get3A_435 = arith.constant 320 : index
          %get3A_436 = tpu.vector_load %arg20[%get3A_435] {strides = array<i32>} : memref<400xi32, #tpu.memory_space<vmem>>, vector<16xi32>,
          %add3A_437 = vector.broadcast %squeeze3A_434 : i32 to vector<16xi32>
          %add3A_438 = arith.addi %get3A_436, %add3A_437 : vector<16xi32>
          %gather3A_439 = tpu.vector_load_idx %arg12[%add3A_438] : memref<65536xi32, #tpu.memory_space<vmem>>[vector<16xi32>], vector<16xi32>,
          %slice3A_440 = vector.extract_strided_slice %get3A_294 {offsets = [5], sizes = [1], strides = [1]} : vector<16xi32> to vector<1xi32>
          %squeeze3A_441 = vector.extract %slice3A_440[0] : i32 from vector<1xi32>
          %get3A_442 = arith.constant 336 : index
          %get3A_443 = tpu.vector_load %arg20[%get3A_442] {strides = array<i32>} : memref<400xi32, #tpu.memory_space<vmem>>, vector<16xi32>,
          %add3A_444 = vector.broadcast %squeeze3A_441 : i32 to vector<16xi32>
          %add3A_445 = arith.addi %get3A_443, %add3A_444 : vector<16xi32>
          %gather3A_446 = tpu.vector_load_idx %arg12[%add3A_445] : memref<65536xi32, #tpu.memory_space<vmem>>[vector<16xi32>], vector<16xi32>,
          %slice3A_447 = vector.extract_strided_slice %get3A_294 {offsets = [6], sizes = [1], strides = [1]} : vector<16xi32> to vector<1xi32>
          %squeeze3A_448 = vector.extract %slice3A_447[0] : i32 from vector<1xi32>
          %get3A_449 = arith.constant 352 : index
          %get3A_450 = tpu.vector_load %arg20[%get3A_449] {strides = array<i32>} : memref<400xi32, #tpu.memory_space<vmem>>, vector<16xi32>,
          %add3A_451 = vector.broadcast %squeeze3A_448 : i32 to vector<16xi32>
          %add3A_452 = arith.addi %get3A_450, %add3A_451 : vector<16xi32>
          %gather3A_453 = tpu.vector_load_idx %arg12[%add3A_452] : memref<65536xi32, #tpu.memory_space<vmem>>[vector<16xi32>], vector<16xi32>,
          %slice3A_454 = vector.extract_strided_slice %get3A_294 {offsets = [7], sizes = [1], strides = [1]} : vector<16xi32> to vector<1xi32>
          %squeeze3A_455 = vector.extract %slice3A_454[0] : i32 from vector<1xi32>
          %get3A_456 = arith.constant 368 : index
          %get3A_457 = tpu.vector_load %arg20[%get3A_456] {strides = array<i32>} : memref<400xi32, #tpu.memory_space<vmem>>, vector<16xi32>,
          %add3A_458 = vector.broadcast %squeeze3A_455 : i32 to vector<16xi32>
          %add3A_459 = arith.addi %get3A_457, %add3A_458 : vector<16xi32>
          %gather3A_460 = tpu.vector_load_idx %arg12[%add3A_459] : memref<65536xi32, #tpu.memory_space<vmem>>[vector<16xi32>], vector<16xi32>,
          %slice3A_461 = vector.extract_strided_slice %get3A_294 {offsets = [8], sizes = [1], strides = [1]} : vector<16xi32> to vector<1xi32>
          %squeeze3A_462 = vector.extract %slice3A_461[0] : i32 from vector<1xi32>
          %get3A_463 = arith.constant 384 : index
          %get3A_464 = tpu.vector_load %arg20[%get3A_463] {strides = array<i32>} : memref<400xi32, #tpu.memory_space<vmem>>, vector<16xi32>,
          %add3A_465 = vector.broadcast %squeeze3A_462 : i32 to vector<16xi32>
          %add3A_466 = arith.addi %get3A_464, %add3A_465 : vector<16xi32>
          %gather3A_467 = tpu.vector_load_idx %arg12[%add3A_466] : memref<65536xi32, #tpu.memory_space<vmem>>[vector<16xi32>], vector<16xi32>,
          %min3A = arith.minsi %gather3A_299, %gather3A_306 : vector<16xi32>
          %max3A = arith.maxsi %gather3A_299, %gather3A_306 : vector<16xi32>
          %min3A_468 = arith.minsi %gather3A_313, %gather3A_320 : vector<16xi32>
          %max3A_469 = arith.maxsi %gather3A_313, %gather3A_320 : vector<16xi32>
          %min3A_470 = arith.minsi %gather3A_327, %gather3A_334 : vector<16xi32>
          %max3A_471 = arith.maxsi %gather3A_327, %gather3A_334 : vector<16xi32>
          %min3A_472 = arith.minsi %gather3A_341, %gather3A_348 : vector<16xi32>
          %max3A_473 = arith.maxsi %gather3A_341, %gather3A_348 : vector<16xi32>
          %min3A_474 = arith.minsi %gather3A_355, %gather3A_362 : vector<16xi32>
          %max3A_475 = arith.maxsi %gather3A_355, %gather3A_362 : vector<16xi32>
          %min3A_476 = arith.minsi %gather3A_369, %gather3A_376 : vector<16xi32>
          %max3A_477 = arith.maxsi %gather3A_369, %gather3A_376 : vector<16xi32>
          %min3A_478 = arith.minsi %gather3A_383, %gather3A_390 : vector<16xi32>
          %max3A_479 = arith.maxsi %gather3A_383, %gather3A_390 : vector<16xi32>
          %min3A_480 = arith.minsi %gather3A_397, %gather3A_404 : vector<16xi32>
          %max3A_481 = arith.maxsi %gather3A_397, %gather3A_404 : vector<16xi32>
          %min3A_482 = arith.minsi %gather3A_411, %gather3A_418 : vector<16xi32>
          %max3A_483 = arith.maxsi %gather3A_411, %gather3A_418 : vector<16xi32>
          %min3A_484 = arith.minsi %gather3A_425, %gather3A_432 : vector<16xi32>
          %max3A_485 = arith.maxsi %gather3A_425, %gather3A_432 : vector<16xi32>
          %min3A_486 = arith.minsi %gather3A_439, %gather3A_446 : vector<16xi32>
          %max3A_487 = arith.maxsi %gather3A_439, %gather3A_446 : vector<16xi32>
          %min3A_488 = arith.minsi %gather3A_453, %gather3A_460 : vector<16xi32>
          %max3A_489 = arith.maxsi %gather3A_453, %gather3A_460 : vector<16xi32>
          %min3A_490 = arith.minsi %min3A, %min3A_468 : vector<16xi32>
          %max3A_491 = arith.maxsi %min3A, %min3A_468 : vector<16xi32>
          %min3A_492 = arith.minsi %max3A, %max3A_469 : vector<16xi32>
          %max3A_493 = arith.maxsi %max3A, %max3A_469 : vector<16xi32>
          %min3A_494 = arith.minsi %min3A_470, %min3A_472 : vector<16xi32>
          %max3A_495 = arith.maxsi %min3A_470, %min3A_472 : vector<16xi32>
          %min3A_496 = arith.minsi %max3A_471, %max3A_473 : vector<16xi32>
          %max3A_497 = arith.maxsi %max3A_471, %max3A_473 : vector<16xi32>
          %min3A_498 = arith.minsi %min3A_474, %min3A_476 : vector<16xi32>
          %max3A_499 = arith.maxsi %min3A_474, %min3A_476 : vector<16xi32>
          %min3A_500 = arith.minsi %max3A_475, %max3A_477 : vector<16xi32>
          %max3A_501 = arith.maxsi %max3A_475, %max3A_477 : vector<16xi32>
          %min3A_502 = arith.minsi %min3A_478, %min3A_480 : vector<16xi32>
          %max3A_503 = arith.maxsi %min3A_478, %min3A_480 : vector<16xi32>
          %min3A_504 = arith.minsi %max3A_479, %max3A_481 : vector<16xi32>
          %max3A_505 = arith.maxsi %max3A_479, %max3A_481 : vector<16xi32>
          %min3A_506 = arith.minsi %min3A_482, %min3A_484 : vector<16xi32>
          %max3A_507 = arith.maxsi %min3A_482, %min3A_484 : vector<16xi32>
          %min3A_508 = arith.minsi %max3A_483, %max3A_485 : vector<16xi32>
          %max3A_509 = arith.maxsi %max3A_483, %max3A_485 : vector<16xi32>
          %min3A_510 = arith.minsi %min3A_486, %min3A_488 : vector<16xi32>
          %max3A_511 = arith.maxsi %min3A_486, %min3A_488 : vector<16xi32>
          %min3A_512 = arith.minsi %max3A_487, %max3A_489 : vector<16xi32>
          %max3A_513 = arith.maxsi %max3A_487, %max3A_489 : vector<16xi32>
          %min3A_514 = arith.minsi %min3A_492, %max3A_491 : vector<16xi32>
          %max3A_515 = arith.maxsi %min3A_492, %max3A_491 : vector<16xi32>
          %min3A_516 = arith.minsi %min3A_496, %max3A_495 : vector<16xi32>
          %max3A_517 = arith.maxsi %min3A_496, %max3A_495 : vector<16xi32>
          %min3A_518 = arith.minsi %min3A_500, %max3A_499 : vector<16xi32>
          %max3A_519 = arith.maxsi %min3A_500, %max3A_499 : vector<16xi32>
          %min3A_520 = arith.minsi %min3A_504, %max3A_503 : vector<16xi32>
          %max3A_521 = arith.maxsi %min3A_504, %max3A_503 : vector<16xi32>
          %min3A_522 = arith.minsi %min3A_508, %max3A_507 : vector<16xi32>
          %max3A_523 = arith.maxsi %min3A_508, %max3A_507 : vector<16xi32>
          %min3A_524 = arith.minsi %min3A_512, %max3A_511 : vector<16xi32>
          %max3A_525 = arith.maxsi %min3A_512, %max3A_511 : vector<16xi32>
          %min3A_526 = arith.minsi %min3A_490, %min3A_494 : vector<16xi32>
          %max3A_527 = arith.maxsi %min3A_490, %min3A_494 : vector<16xi32>
          %min3A_528 = arith.minsi %min3A_514, %min3A_516 : vector<16xi32>
          %max3A_529 = arith.maxsi %min3A_514, %min3A_516 : vector<16xi32>
          %min3A_530 = arith.minsi %max3A_515, %max3A_517 : vector<16xi32>
          %max3A_531 = arith.maxsi %max3A_515, %max3A_517 : vector<16xi32>
          %min3A_532 = arith.minsi %max3A_493, %max3A_497 : vector<16xi32>
          %max3A_533 = arith.maxsi %max3A_493, %max3A_497 : vector<16xi32>
          %min3A_534 = arith.minsi %min3A_498, %min3A_502 : vector<16xi32>
          %max3A_535 = arith.maxsi %min3A_498, %min3A_502 : vector<16xi32>
          %min3A_536 = arith.minsi %min3A_518, %min3A_520 : vector<16xi32>
          %max3A_537 = arith.maxsi %min3A_518, %min3A_520 : vector<16xi32>
          %min3A_538 = arith.minsi %max3A_519, %max3A_521 : vector<16xi32>
          %max3A_539 = arith.maxsi %max3A_519, %max3A_521 : vector<16xi32>
          %min3A_540 = arith.minsi %max3A_501, %max3A_505 : vector<16xi32>
          %max3A_541 = arith.maxsi %max3A_501, %max3A_505 : vector<16xi32>
          %min3A_542 = arith.minsi %min3A_506, %min3A_510 : vector<16xi32>
          %max3A_543 = arith.maxsi %min3A_506, %min3A_510 : vector<16xi32>
          %min3A_544 = arith.minsi %min3A_522, %min3A_524 : vector<16xi32>
          %max3A_545 = arith.maxsi %min3A_522, %min3A_524 : vector<16xi32>
          %min3A_546 = arith.minsi %max3A_523, %max3A_525 : vector<16xi32>
          %max3A_547 = arith.maxsi %max3A_523, %max3A_525 : vector<16xi32>
          %min3A_548 = arith.minsi %max3A_509, %max3A_513 : vector<16xi32>
          %max3A_549 = arith.maxsi %max3A_509, %max3A_513 : vector<16xi32>
          %min3A_550 = arith.minsi %min3A_530, %max3A_527 : vector<16xi32>
          %max3A_551 = arith.maxsi %min3A_530, %max3A_527 : vector<16xi32>
          %min3A_552 = arith.minsi %min3A_532, %max3A_529 : vector<16xi32>
          %max3A_553 = arith.maxsi %min3A_532, %max3A_529 : vector<16xi32>
          %min3A_554 = arith.minsi %min3A_538, %max3A_535 : vector<16xi32>
          %max3A_555 = arith.maxsi %min3A_538, %max3A_535 : vector<16xi32>
          %min3A_556 = arith.minsi %min3A_540, %max3A_537 : vector<16xi32>
          %max3A_557 = arith.maxsi %min3A_540, %max3A_537 : vector<16xi32>
          %min3A_558 = arith.minsi %min3A_546, %max3A_543 : vector<16xi32>
          %max3A_559 = arith.maxsi %min3A_546, %max3A_543 : vector<16xi32>
          %min3A_560 = arith.minsi %min3A_548, %max3A_545 : vector<16xi32>
          %max3A_561 = arith.maxsi %min3A_548, %max3A_545 : vector<16xi32>
          %min3A_562 = arith.minsi %min3A_528, %min3A_550 : vector<16xi32>
          %max3A_563 = arith.maxsi %min3A_528, %min3A_550 : vector<16xi32>
          %min3A_564 = arith.minsi %min3A_552, %max3A_551 : vector<16xi32>
          %max3A_565 = arith.maxsi %min3A_552, %max3A_551 : vector<16xi32>
          %min3A_566 = arith.minsi %max3A_553, %max3A_531 : vector<16xi32>
          %max3A_567 = arith.maxsi %max3A_553, %max3A_531 : vector<16xi32>
          %min3A_568 = arith.minsi %min3A_536, %min3A_554 : vector<16xi32>
          %max3A_569 = arith.maxsi %min3A_536, %min3A_554 : vector<16xi32>
          %min3A_570 = arith.minsi %min3A_556, %max3A_555 : vector<16xi32>
          %max3A_571 = arith.maxsi %min3A_556, %max3A_555 : vector<16xi32>
          %min3A_572 = arith.minsi %max3A_557, %max3A_539 : vector<16xi32>
          %max3A_573 = arith.maxsi %max3A_557, %max3A_539 : vector<16xi32>
          %min3A_574 = arith.minsi %min3A_544, %min3A_558 : vector<16xi32>
          %max3A_575 = arith.maxsi %min3A_544, %min3A_558 : vector<16xi32>
          %min3A_576 = arith.minsi %min3A_560, %max3A_559 : vector<16xi32>
          %max3A_577 = arith.maxsi %min3A_560, %max3A_559 : vector<16xi32>
          %min3A_578 = arith.minsi %max3A_561, %max3A_547 : vector<16xi32>
          %max3A_579 = arith.maxsi %max3A_561, %max3A_547 : vector<16xi32>
          %min3A_580 = arith.minsi %min3A_526, %min3A_534 : vector<16xi32>
          %max3A_581 = arith.maxsi %min3A_526, %min3A_534 : vector<16xi32>
          %min3A_582 = arith.minsi %min3A_562, %min3A_568 : vector<16xi32>
          %max3A_583 = arith.maxsi %min3A_562, %min3A_568 : vector<16xi32>
          %min3A_584 = arith.minsi %max3A_563, %max3A_569 : vector<16xi32>
          %max3A_585 = arith.maxsi %max3A_563, %max3A_569 : vector<16xi32>
          %min3A_586 = arith.minsi %min3A_564, %min3A_570 : vector<16xi32>
          %max3A_587 = arith.maxsi %min3A_564, %min3A_570 : vector<16xi32>
          %min3A_588 = arith.minsi %max3A_565, %max3A_571 : vector<16xi32>
          %max3A_589 = arith.maxsi %max3A_565, %max3A_571 : vector<16xi32>
          %min3A_590 = arith.minsi %min3A_566, %min3A_572 : vector<16xi32>
          %max3A_591 = arith.maxsi %min3A_566, %min3A_572 : vector<16xi32>
          %min3A_592 = arith.minsi %max3A_567, %max3A_573 : vector<16xi32>
          %max3A_593 = arith.maxsi %max3A_567, %max3A_573 : vector<16xi32>
          %min3A_594 = arith.minsi %max3A_533, %max3A_541 : vector<16xi32>
          %max3A_595 = arith.maxsi %max3A_533, %max3A_541 : vector<16xi32>
          %min3A_596 = arith.minsi %min3A_542, %gather3A_467 : vector<16xi32>
          %max3A_597 = arith.maxsi %min3A_542, %gather3A_467 : vector<16xi32>
          %min3A_598 = arith.minsi %min3A_588, %max3A_581 : vector<16xi32>
          %max3A_599 = arith.maxsi %min3A_588, %max3A_581 : vector<16xi32>
          %min3A_600 = arith.minsi %min3A_590, %max3A_583 : vector<16xi32>
          %max3A_601 = arith.maxsi %min3A_590, %max3A_583 : vector<16xi32>
          %min3A_602 = arith.minsi %min3A_592, %max3A_585 : vector<16xi32>
          %max3A_603 = arith.maxsi %min3A_592, %max3A_585 : vector<16xi32>
          %min3A_604 = arith.minsi %min3A_594, %max3A_587 : vector<16xi32>
          %max3A_605 = arith.maxsi %min3A_594, %max3A_587 : vector<16xi32>
          %min3A_606 = arith.minsi %max3A_577, %max3A_597 : vector<16xi32>
          %max3A_607 = arith.maxsi %max3A_577, %max3A_597 : vector<16xi32>
          %min3A_608 = arith.minsi %min3A_584, %min3A_598 : vector<16xi32>
          %max3A_609 = arith.maxsi %min3A_584, %min3A_598 : vector<16xi32>
          %min3A_610 = arith.minsi %min3A_586, %min3A_600 : vector<16xi32>
          %max3A_611 = arith.maxsi %min3A_586, %min3A_600 : vector<16xi32>
          %min3A_612 = arith.minsi %min3A_602, %max3A_599 : vector<16xi32>
          %max3A_613 = arith.maxsi %min3A_602, %max3A_599 : vector<16xi32>
          %min3A_614 = arith.minsi %min3A_604, %max3A_601 : vector<16xi32>
          %max3A_615 = arith.maxsi %min3A_604, %max3A_601 : vector<16xi32>
          %min3A_616 = arith.minsi %max3A_603, %max3A_589 : vector<16xi32>
          %max3A_617 = arith.maxsi %max3A_603, %max3A_589 : vector<16xi32>
          %min3A_618 = arith.minsi %max3A_605, %max3A_591 : vector<16xi32>
          %max3A_619 = arith.maxsi %max3A_605, %max3A_591 : vector<16xi32>
          %min3A_620 = arith.minsi %max3A_575, %min3A_606 : vector<16xi32>
          %max3A_621 = arith.maxsi %max3A_575, %min3A_606 : vector<16xi32>
          %min3A_622 = arith.minsi %min3A_576, %min3A_578 : vector<16xi32>
          %max3A_623 = arith.maxsi %min3A_576, %min3A_578 : vector<16xi32>
          %min3A_624 = arith.minsi %max3A_579, %max3A_607 : vector<16xi32>
          %max3A_625 = arith.maxsi %max3A_579, %max3A_607 : vector<16xi32>
          %min3A_626 = arith.minsi %min3A_582, %min3A_608 : vector<16xi32>
          %max3A_627 = arith.maxsi %min3A_582, %min3A_608 : vector<16xi32>
          %min3A_628 = arith.minsi %min3A_610, %max3A_609 : vector<16xi32>
          %max3A_629 = arith.maxsi %min3A_610, %max3A_609 : vector<16xi32>
          %min3A_630 = arith.minsi %max3A_611, %min3A_612 : vector<16xi32>
          %max3A_631 = arith.maxsi %max3A_611, %min3A_612 : vector<16xi32>
          %min3A_632 = arith.minsi %min3A_614, %max3A_613 : vector<16xi32>
          %max3A_633 = arith.maxsi %min3A_614, %max3A_613 : vector<16xi32>
          %min3A_634 = arith.minsi %max3A_615, %min3A_616 : vector<16xi32>
          %max3A_635 = arith.maxsi %max3A_615, %min3A_616 : vector<16xi32>
          %min3A_636 = arith.minsi %min3A_618, %max3A_617 : vector<16xi32>
          %max3A_637 = arith.maxsi %min3A_618, %max3A_617 : vector<16xi32>
          %min3A_638 = arith.minsi %max3A_619, %max3A_593 : vector<16xi32>
          %max3A_639 = arith.maxsi %max3A_619, %max3A_593 : vector<16xi32>
          %min3A_640 = arith.minsi %min3A_574, %min3A_620 : vector<16xi32>
          %max3A_641 = arith.maxsi %min3A_574, %min3A_620 : vector<16xi32>
          %min3A_642 = arith.minsi %min3A_622, %max3A_621 : vector<16xi32>
          %max3A_643 = arith.maxsi %min3A_622, %max3A_621 : vector<16xi32>
          %min3A_644 = arith.minsi %max3A_623, %min3A_624 : vector<16xi32>
          %max3A_645 = arith.maxsi %max3A_623, %min3A_624 : vector<16xi32>
          %min3A_646 = arith.minsi %max3A_549, %max3A_625 : vector<16xi32>
          %max3A_647 = arith.maxsi %max3A_549, %max3A_625 : vector<16xi32>
          %min3A_648 = arith.minsi %min3A_580, %min3A_596 : vector<16xi32>
          %max3A_649 = arith.maxsi %min3A_580, %min3A_596 : vector<16xi32>
          %min3A_650 = arith.minsi %min3A_626, %min3A_640 : vector<16xi32>
          %max3A_651 = arith.maxsi %min3A_626, %min3A_640 : vector<16xi32>
          %min3A_652 = arith.minsi %max3A_627, %max3A_641 : vector<16xi32>
          %max3A_653 = arith.maxsi %max3A_627, %max3A_641 : vector<16xi32>
          %min3A_654 = arith.minsi %min3A_628, %min3A_642 : vector<16xi32>
          %max3A_655 = arith.maxsi %min3A_628, %min3A_642 : vector<16xi32>
          %min3A_656 = arith.minsi %max3A_629, %max3A_643 : vector<16xi32>
          %max3A_657 = arith.maxsi %max3A_629, %max3A_643 : vector<16xi32>
          %min3A_658 = arith.minsi %min3A_630, %min3A_644 : vector<16xi32>
          %max3A_659 = arith.maxsi %min3A_630, %min3A_644 : vector<16xi32>
          %min3A_660 = arith.minsi %max3A_631, %max3A_645 : vector<16xi32>
          %max3A_661 = arith.maxsi %max3A_631, %max3A_645 : vector<16xi32>
          %min3A_662 = arith.minsi %min3A_632, %min3A_646 : vector<16xi32>
          %max3A_663 = arith.maxsi %min3A_632, %min3A_646 : vector<16xi32>
          %min3A_664 = arith.minsi %max3A_633, %max3A_647 : vector<16xi32>
          %max3A_665 = arith.maxsi %max3A_633, %max3A_647 : vector<16xi32>
          %min3A_666 = arith.minsi %min3A_664, %max3A_649 : vector<16xi32>
          %max3A_667 = arith.maxsi %min3A_664, %max3A_649 : vector<16xi32>
          %min3A_668 = arith.minsi %min3A_634, %max3A_651 : vector<16xi32>
          %max3A_669 = arith.maxsi %min3A_634, %max3A_651 : vector<16xi32>
          %min3A_670 = arith.minsi %max3A_635, %max3A_653 : vector<16xi32>
          %max3A_671 = arith.maxsi %max3A_635, %max3A_653 : vector<16xi32>
          %min3A_672 = arith.minsi %min3A_636, %max3A_655 : vector<16xi32>
          %max3A_673 = arith.maxsi %min3A_636, %max3A_655 : vector<16xi32>
          %min3A_674 = arith.minsi %max3A_637, %max3A_657 : vector<16xi32>
          %max3A_675 = arith.maxsi %max3A_637, %max3A_657 : vector<16xi32>
          %min3A_676 = arith.minsi %min3A_638, %max3A_659 : vector<16xi32>
          %max3A_677 = arith.maxsi %min3A_638, %max3A_659 : vector<16xi32>
          %min3A_678 = arith.minsi %max3A_639, %max3A_661 : vector<16xi32>
          %max3A_679 = arith.maxsi %max3A_639, %max3A_661 : vector<16xi32>
          %min3A_680 = arith.minsi %max3A_595, %max3A_663 : vector<16xi32>
          %max3A_681 = arith.maxsi %max3A_595, %max3A_663 : vector<16xi32>
          %min3A_682 = arith.minsi %min3A_656, %min3A_666 : vector<16xi32>
          %max3A_683 = arith.maxsi %min3A_656, %min3A_666 : vector<16xi32>
          %min3A_684 = arith.minsi %min3A_658, %min3A_668 : vector<16xi32>
          %max3A_685 = arith.maxsi %min3A_658, %min3A_668 : vector<16xi32>
          %min3A_686 = arith.minsi %min3A_660, %min3A_670 : vector<16xi32>
          %max3A_687 = arith.maxsi %min3A_660, %min3A_670 : vector<16xi32>
          %min3A_688 = arith.minsi %min3A_662, %min3A_672 : vector<16xi32>
          %max3A_689 = arith.maxsi %min3A_662, %min3A_672 : vector<16xi32>
          %min3A_690 = arith.minsi %min3A_674, %max3A_667 : vector<16xi32>
          %max3A_691 = arith.maxsi %min3A_674, %max3A_667 : vector<16xi32>
          %min3A_692 = arith.minsi %min3A_676, %max3A_669 : vector<16xi32>
          %max3A_693 = arith.maxsi %min3A_676, %max3A_669 : vector<16xi32>
          %min3A_694 = arith.minsi %min3A_678, %max3A_671 : vector<16xi32>
          %max3A_695 = arith.maxsi %min3A_678, %max3A_671 : vector<16xi32>
          %min3A_696 = arith.minsi %min3A_680, %max3A_673 : vector<16xi32>
          %max3A_697 = arith.maxsi %min3A_680, %max3A_673 : vector<16xi32>
          %min3A_698 = arith.minsi %max3A_675, %max3A_665 : vector<16xi32>
          %max3A_699 = arith.maxsi %max3A_675, %max3A_665 : vector<16xi32>
          %min3A_700 = arith.minsi %min3A_652, %min3A_682 : vector<16xi32>
          %max3A_701 = arith.maxsi %min3A_652, %min3A_682 : vector<16xi32>
          %min3A_702 = arith.minsi %min3A_654, %min3A_684 : vector<16xi32>
          %max3A_703 = arith.maxsi %min3A_654, %min3A_684 : vector<16xi32>
          %min3A_704 = arith.minsi %min3A_686, %max3A_683 : vector<16xi32>
          %max3A_705 = arith.maxsi %min3A_686, %max3A_683 : vector<16xi32>
          %min3A_706 = arith.minsi %min3A_688, %max3A_685 : vector<16xi32>
          %max3A_707 = arith.maxsi %min3A_688, %max3A_685 : vector<16xi32>
          %min3A_708 = arith.minsi %max3A_687, %min3A_690 : vector<16xi32>
          %max3A_709 = arith.maxsi %max3A_687, %min3A_690 : vector<16xi32>
          %min3A_710 = arith.minsi %max3A_689, %min3A_692 : vector<16xi32>
          %max3A_711 = arith.maxsi %max3A_689, %min3A_692 : vector<16xi32>
          %min3A_712 = arith.minsi %min3A_694, %max3A_691 : vector<16xi32>
          %max3A_713 = arith.maxsi %min3A_694, %max3A_691 : vector<16xi32>
          %min3A_714 = arith.minsi %min3A_696, %max3A_693 : vector<16xi32>
          %max3A_715 = arith.maxsi %min3A_696, %max3A_693 : vector<16xi32>
          %min3A_716 = arith.minsi %max3A_695, %min3A_698 : vector<16xi32>
          %max3A_717 = arith.maxsi %max3A_695, %min3A_698 : vector<16xi32>
          %min3A_718 = arith.minsi %max3A_697, %max3A_677 : vector<16xi32>
          %max3A_719 = arith.maxsi %max3A_697, %max3A_677 : vector<16xi32>
          %min3A_720 = arith.minsi %max3A_679, %max3A_699 : vector<16xi32>
          %max3A_721 = arith.maxsi %max3A_679, %max3A_699 : vector<16xi32>
          %min3A_722 = arith.minsi %min3A_650, %min3A_700 : vector<16xi32>
          %max3A_723 = arith.maxsi %min3A_650, %min3A_700 : vector<16xi32>
          %min3A_724 = arith.minsi %min3A_702, %max3A_701 : vector<16xi32>
          %max3A_725 = arith.maxsi %min3A_702, %max3A_701 : vector<16xi32>
          %min3A_726 = arith.minsi %max3A_703, %min3A_704 : vector<16xi32>
          %max3A_727 = arith.maxsi %max3A_703, %min3A_704 : vector<16xi32>
          %min3A_728 = arith.minsi %min3A_706, %max3A_705 : vector<16xi32>
          %max3A_729 = arith.maxsi %min3A_706, %max3A_705 : vector<16xi32>
          %min3A_730 = arith.minsi %max3A_707, %min3A_708 : vector<16xi32>
          %max3A_731 = arith.maxsi %max3A_707, %min3A_708 : vector<16xi32>
          %min3A_732 = arith.minsi %min3A_710, %max3A_709 : vector<16xi32>
          %max3A_733 = arith.maxsi %min3A_710, %max3A_709 : vector<16xi32>
          %min3A_734 = arith.minsi %max3A_711, %min3A_712 : vector<16xi32>
          %max3A_735 = arith.maxsi %max3A_711, %min3A_712 : vector<16xi32>
          %min3A_736 = arith.minsi %min3A_714, %max3A_713 : vector<16xi32>
          %max3A_737 = arith.maxsi %min3A_714, %max3A_713 : vector<16xi32>
          %min3A_738 = arith.minsi %max3A_715, %min3A_716 : vector<16xi32>
          %max3A_739 = arith.maxsi %max3A_715, %min3A_716 : vector<16xi32>
          %min3A_740 = arith.minsi %min3A_718, %max3A_717 : vector<16xi32>
          %max3A_741 = arith.maxsi %min3A_718, %max3A_717 : vector<16xi32>
          %min3A_742 = arith.minsi %max3A_719, %min3A_720 : vector<16xi32>
          %max3A_743 = arith.maxsi %max3A_719, %min3A_720 : vector<16xi32>
          %min3A_744 = arith.minsi %max3A_681, %max3A_721 : vector<16xi32>
          %max3A_745 = arith.maxsi %max3A_681, %max3A_721 : vector<16xi32>
          %shift_left3A_746 = arith.constant 6 : i32
          %shift_left3A_747 = vector.broadcast %shift_left3A_746 : i32 to vector<16xi32>
          %shift_left3A_748 = arith.shli %min3A_722, %shift_left3A_747 : vector<16xi32>
          %shift_right_arithmetic3A = arith.constant 2 : i32
          %shift_right_arithmetic3A_749 = vector.broadcast %shift_right_arithmetic3A : i32 to vector<16xi32>
          %shift_right_arithmetic3A_750 = arith.shrsi %min3A_648, %shift_right_arithmetic3A_749 : vector<16xi32>
          %add3A_751 = arith.addi %shift_left3A_748, %shift_right_arithmetic3A_750 : vector<16xi32>
          %gather3A_752 = tpu.vector_load_idx %arg13[%add3A_751] : memref<32784xi32, #tpu.memory_space<vmem>>[vector<16xi32>], vector<16xi32>,
          %and3A = arith.constant 3 : i32
          %and3A_753 = vector.broadcast %and3A : i32 to vector<16xi32>
          %and3A_754 = arith.andi %min3A_648, %and3A_753 : vector<16xi32>
          %shift_left3A_755 = arith.constant 3 : i32
          %shift_left3A_756 = vector.broadcast %shift_left3A_755 : i32 to vector<16xi32>
          %shift_left3A_757 = arith.shli %and3A_754, %shift_left3A_756 : vector<16xi32>
          %shift_right_arithmetic3A_758 = arith.shrsi %gather3A_752, %shift_left3A_757 : vector<16xi32>
          %and3A_759 = arith.constant 255 : i32
          %and3A_760 = vector.broadcast %and3A_759 : i32 to vector<16xi32>
          %and3A_761 = arith.andi %shift_right_arithmetic3A_758, %and3A_760 : vector<16xi32>
          %shift_left3A_762 = arith.constant 6 : i32
          %shift_left3A_763 = vector.broadcast %shift_left3A_762 : i32 to vector<16xi32>
          %shift_left3A_764 = arith.shli %max3A_723, %shift_left3A_763 : vector<16xi32>
          %shift_right_arithmetic3A_765 = arith.constant 2 : i32
          %shift_right_arithmetic3A_766 = vector.broadcast %shift_right_arithmetic3A_765 : i32 to vector<16xi32>
          %shift_right_arithmetic3A_767 = arith.shrsi %and3A_761, %shift_right_arithmetic3A_766 : vector<16xi32>
          %add3A_768 = arith.addi %shift_left3A_764, %shift_right_arithmetic3A_767 : vector<16xi32>
          %gather3A_769 = tpu.vector_load_idx %arg13[%add3A_768] : memref<32784xi32, #tpu.memory_space<vmem>>[vector<16xi32>], vector<16xi32>,
          %and3A_770 = arith.constant 3 : i32
          %and3A_771 = vector.broadcast %and3A_770 : i32 to vector<16xi32>
          %and3A_772 = arith.andi %and3A_761, %and3A_771 : vector<16xi32>
          %shift_left3A_773 = arith.constant 3 : i32
          %shift_left3A_774 = vector.broadcast %shift_left3A_773 : i32 to vector<16xi32>
          %shift_left3A_775 = arith.shli %and3A_772, %shift_left3A_774 : vector<16xi32>
          %shift_right_arithmetic3A_776 = arith.shrsi %gather3A_769, %shift_left3A_775 : vector<16xi32>
          %and3A_777 = arith.constant 255 : i32
          %and3A_778 = vector.broadcast %and3A_777 : i32 to vector<16xi32>
          %and3A_779 = arith.andi %shift_right_arithmetic3A_776, %and3A_778 : vector<16xi32>
          %shift_left3A_780 = arith.constant 6 : i32
          %shift_left3A_781 = vector.broadcast %shift_left3A_780 : i32 to vector<16xi32>
          %shift_left3A_782 = arith.shli %min3A_724, %shift_left3A_781 : vector<16xi32>
          %shift_right_arithmetic3A_783 = arith.constant 2 : i32
          %shift_right_arithmetic3A_784 = vector.broadcast %shift_right_arithmetic3A_783 : i32 to vector<16xi32>
          %shift_right_arithmetic3A_785 = arith.shrsi %and3A_779, %shift_right_arithmetic3A_784 : vector<16xi32>
          %add3A_786 = arith.addi %shift_left3A_782, %shift_right_arithmetic3A_785 : vector<16xi32>
          %gather3A_787 = tpu.vector_load_idx %arg13[%add3A_786] : memref<32784xi32, #tpu.memory_space<vmem>>[vector<16xi32>], vector<16xi32>,
          %and3A_788 = arith.constant 3 : i32
          %and3A_789 = vector.broadcast %and3A_788 : i32 to vector<16xi32>
          %and3A_790 = arith.andi %and3A_779, %and3A_789 : vector<16xi32>
          %shift_left3A_791 = arith.constant 3 : i32
          %shift_left3A_792 = vector.broadcast %shift_left3A_791 : i32 to vector<16xi32>
          %shift_left3A_793 = arith.shli %and3A_790, %shift_left3A_792 : vector<16xi32>
          %shift_right_arithmetic3A_794 = arith.shrsi %gather3A_787, %shift_left3A_793 : vector<16xi32>
          %and3A_795 = arith.constant 255 : i32
          %and3A_796 = vector.broadcast %and3A_795 : i32 to vector<16xi32>
          %and3A_797 = arith.andi %shift_right_arithmetic3A_794, %and3A_796 : vector<16xi32>
          %shift_left3A_798 = arith.constant 6 : i32
          %shift_left3A_799 = vector.broadcast %shift_left3A_798 : i32 to vector<16xi32>
          %shift_left3A_800 = arith.shli %max3A_725, %shift_left3A_799 : vector<16xi32>
          %shift_right_arithmetic3A_801 = arith.constant 2 : i32
          %shift_right_arithmetic3A_802 = vector.broadcast %shift_right_arithmetic3A_801 : i32 to vector<16xi32>
          %shift_right_arithmetic3A_803 = arith.shrsi %and3A_797, %shift_right_arithmetic3A_802 : vector<16xi32>
          %add3A_804 = arith.addi %shift_left3A_800, %shift_right_arithmetic3A_803 : vector<16xi32>
          %gather3A_805 = tpu.vector_load_idx %arg13[%add3A_804] : memref<32784xi32, #tpu.memory_space<vmem>>[vector<16xi32>], vector<16xi32>,
          %and3A_806 = arith.constant 3 : i32
          %and3A_807 = vector.broadcast %and3A_806 : i32 to vector<16xi32>
          %and3A_808 = arith.andi %and3A_797, %and3A_807 : vector<16xi32>
          %shift_left3A_809 = arith.constant 3 : i32
          %shift_left3A_810 = vector.broadcast %shift_left3A_809 : i32 to vector<16xi32>
          %shift_left3A_811 = arith.shli %and3A_808, %shift_left3A_810 : vector<16xi32>
          %shift_right_arithmetic3A_812 = arith.shrsi %gather3A_805, %shift_left3A_811 : vector<16xi32>
          %and3A_813 = arith.constant 255 : i32
          %and3A_814 = vector.broadcast %and3A_813 : i32 to vector<16xi32>
          %and3A_815 = arith.andi %shift_right_arithmetic3A_812, %and3A_814 : vector<16xi32>
          %shift_left3A_816 = arith.constant 6 : i32
          %shift_left3A_817 = vector.broadcast %shift_left3A_816 : i32 to vector<16xi32>
          %shift_left3A_818 = arith.shli %min3A_726, %shift_left3A_817 : vector<16xi32>
          %shift_right_arithmetic3A_819 = arith.constant 2 : i32
          %shift_right_arithmetic3A_820 = vector.broadcast %shift_right_arithmetic3A_819 : i32 to vector<16xi32>
          %shift_right_arithmetic3A_821 = arith.shrsi %and3A_815, %shift_right_arithmetic3A_820 : vector<16xi32>
          %add3A_822 = arith.addi %shift_left3A_818, %shift_right_arithmetic3A_821 : vector<16xi32>
          %gather3A_823 = tpu.vector_load_idx %arg13[%add3A_822] : memref<32784xi32, #tpu.memory_space<vmem>>[vector<16xi32>], vector<16xi32>,
          %and3A_824 = arith.constant 3 : i32
          %and3A_825 = vector.broadcast %and3A_824 : i32 to vector<16xi32>
          %and3A_826 = arith.andi %and3A_815, %and3A_825 : vector<16xi32>
          %shift_left3A_827 = arith.constant 3 : i32
          %shift_left3A_828 = vector.broadcast %shift_left3A_827 : i32 to vector<16xi32>
          %shift_left3A_829 = arith.shli %and3A_826, %shift_left3A_828 : vector<16xi32>
          %shift_right_arithmetic3A_830 = arith.shrsi %gather3A_823, %shift_left3A_829 : vector<16xi32>
          %and3A_831 = arith.constant 255 : i32
          %and3A_832 = vector.broadcast %and3A_831 : i32 to vector<16xi32>
          %and3A_833 = arith.andi %shift_right_arithmetic3A_830, %and3A_832 : vector<16xi32>
          %shift_left3A_834 = arith.constant 6 : i32
          %shift_left3A_835 = vector.broadcast %shift_left3A_834 : i32 to vector<16xi32>
          %shift_left3A_836 = arith.shli %max3A_727, %shift_left3A_835 : vector<16xi32>
          %shift_right_arithmetic3A_837 = arith.constant 2 : i32
          %shift_right_arithmetic3A_838 = vector.broadcast %shift_right_arithmetic3A_837 : i32 to vector<16xi32>
          %shift_right_arithmetic3A_839 = arith.shrsi %and3A_833, %shift_right_arithmetic3A_838 : vector<16xi32>
          %add3A_840 = arith.addi %shift_left3A_836, %shift_right_arithmetic3A_839 : vector<16xi32>
          %gather3A_841 = tpu.vector_load_idx %arg13[%add3A_840] : memref<32784xi32, #tpu.memory_space<vmem>>[vector<16xi32>], vector<16xi32>,
          %and3A_842 = arith.constant 3 : i32
          %and3A_843 = vector.broadcast %and3A_842 : i32 to vector<16xi32>
          %and3A_844 = arith.andi %and3A_833, %and3A_843 : vector<16xi32>
          %shift_left3A_845 = arith.constant 3 : i32
          %shift_left3A_846 = vector.broadcast %shift_left3A_845 : i32 to vector<16xi32>
          %shift_left3A_847 = arith.shli %and3A_844, %shift_left3A_846 : vector<16xi32>
          %shift_right_arithmetic3A_848 = arith.shrsi %gather3A_841, %shift_left3A_847 : vector<16xi32>
          %and3A_849 = arith.constant 255 : i32
          %and3A_850 = vector.broadcast %and3A_849 : i32 to vector<16xi32>
          %and3A_851 = arith.andi %shift_right_arithmetic3A_848, %and3A_850 : vector<16xi32>
          %shift_left3A_852 = arith.constant 6 : i32
          %shift_left3A_853 = vector.broadcast %shift_left3A_852 : i32 to vector<16xi32>
          %shift_left3A_854 = arith.shli %min3A_728, %shift_left3A_853 : vector<16xi32>
          %shift_right_arithmetic3A_855 = arith.constant 2 : i32
          %shift_right_arithmetic3A_856 = vector.broadcast %shift_right_arithmetic3A_855 : i32 to vector<16xi32>
          %shift_right_arithmetic3A_857 = arith.shrsi %and3A_851, %shift_right_arithmetic3A_856 : vector<16xi32>
          %add3A_858 = arith.addi %shift_left3A_854, %shift_right_arithmetic3A_857 : vector<16xi32>
          %gather3A_859 = tpu.vector_load_idx %arg13[%add3A_858] : memref<32784xi32, #tpu.memory_space<vmem>>[vector<16xi32>], vector<16xi32>,
          %and3A_860 = arith.constant 3 : i32
          %and3A_861 = vector.broadcast %and3A_860 : i32 to vector<16xi32>
          %and3A_862 = arith.andi %and3A_851, %and3A_861 : vector<16xi32>
          %shift_left3A_863 = arith.constant 3 : i32
          %shift_left3A_864 = vector.broadcast %shift_left3A_863 : i32 to vector<16xi32>
          %shift_left3A_865 = arith.shli %and3A_862, %shift_left3A_864 : vector<16xi32>
          %shift_right_arithmetic3A_866 = arith.shrsi %gather3A_859, %shift_left3A_865 : vector<16xi32>
          %and3A_867 = arith.constant 255 : i32
          %and3A_868 = vector.broadcast %and3A_867 : i32 to vector<16xi32>
          %and3A_869 = arith.andi %shift_right_arithmetic3A_866, %and3A_868 : vector<16xi32>
          %shift_left3A_870 = arith.constant 6 : i32
          %shift_left3A_871 = vector.broadcast %shift_left3A_870 : i32 to vector<16xi32>
          %shift_left3A_872 = arith.shli %max3A_729, %shift_left3A_871 : vector<16xi32>
          %shift_right_arithmetic3A_873 = arith.constant 2 : i32
          %shift_right_arithmetic3A_874 = vector.broadcast %shift_right_arithmetic3A_873 : i32 to vector<16xi32>
          %shift_right_arithmetic3A_875 = arith.shrsi %and3A_869, %shift_right_arithmetic3A_874 : vector<16xi32>
          %add3A_876 = arith.addi %shift_left3A_872, %shift_right_arithmetic3A_875 : vector<16xi32>
          %gather3A_877 = tpu.vector_load_idx %arg13[%add3A_876] : memref<32784xi32, #tpu.memory_space<vmem>>[vector<16xi32>], vector<16xi32>,
          %and3A_878 = arith.constant 3 : i32
          %and3A_879 = vector.broadcast %and3A_878 : i32 to vector<16xi32>
          %and3A_880 = arith.andi %and3A_869, %and3A_879 : vector<16xi32>
          %shift_left3A_881 = arith.constant 3 : i32
          %shift_left3A_882 = vector.broadcast %shift_left3A_881 : i32 to vector<16xi32>
          %shift_left3A_883 = arith.shli %and3A_880, %shift_left3A_882 : vector<16xi32>
          %shift_right_arithmetic3A_884 = arith.shrsi %gather3A_877, %shift_left3A_883 : vector<16xi32>
          %and3A_885 = arith.constant 255 : i32
          %and3A_886 = vector.broadcast %and3A_885 : i32 to vector<16xi32>
          %and3A_887 = arith.andi %shift_right_arithmetic3A_884, %and3A_886 : vector<16xi32>
          %shift_left3A_888 = arith.constant 6 : i32
          %shift_left3A_889 = vector.broadcast %shift_left3A_888 : i32 to vector<16xi32>
          %shift_left3A_890 = arith.shli %min3A_730, %shift_left3A_889 : vector<16xi32>
          %shift_right_arithmetic3A_891 = arith.constant 2 : i32
          %shift_right_arithmetic3A_892 = vector.broadcast %shift_right_arithmetic3A_891 : i32 to vector<16xi32>
          %shift_right_arithmetic3A_893 = arith.shrsi %and3A_887, %shift_right_arithmetic3A_892 : vector<16xi32>
          %add3A_894 = arith.addi %shift_left3A_890, %shift_right_arithmetic3A_893 : vector<16xi32>
          %gather3A_895 = tpu.vector_load_idx %arg13[%add3A_894] : memref<32784xi32, #tpu.memory_space<vmem>>[vector<16xi32>], vector<16xi32>,
          %and3A_896 = arith.constant 3 : i32
          %and3A_897 = vector.broadcast %and3A_896 : i32 to vector<16xi32>
          %and3A_898 = arith.andi %and3A_887, %and3A_897 : vector<16xi32>
          %shift_left3A_899 = arith.constant 3 : i32
          %shift_left3A_900 = vector.broadcast %shift_left3A_899 : i32 to vector<16xi32>
          %shift_left3A_901 = arith.shli %and3A_898, %shift_left3A_900 : vector<16xi32>
          %shift_right_arithmetic3A_902 = arith.shrsi %gather3A_895, %shift_left3A_901 : vector<16xi32>
          %and3A_903 = arith.constant 255 : i32
          %and3A_904 = vector.broadcast %and3A_903 : i32 to vector<16xi32>
          %and3A_905 = arith.andi %shift_right_arithmetic3A_902, %and3A_904 : vector<16xi32>
          %shift_left3A_906 = arith.constant 6 : i32
          %shift_left3A_907 = vector.broadcast %shift_left3A_906 : i32 to vector<16xi32>
          %shift_left3A_908 = arith.shli %max3A_731, %shift_left3A_907 : vector<16xi32>
          %shift_right_arithmetic3A_909 = arith.constant 2 : i32
          %shift_right_arithmetic3A_910 = vector.broadcast %shift_right_arithmetic3A_909 : i32 to vector<16xi32>
          %shift_right_arithmetic3A_911 = arith.shrsi %and3A_905, %shift_right_arithmetic3A_910 : vector<16xi32>
          %add3A_912 = arith.addi %shift_left3A_908, %shift_right_arithmetic3A_911 : vector<16xi32>
          %gather3A_913 = tpu.vector_load_idx %arg13[%add3A_912] : memref<32784xi32, #tpu.memory_space<vmem>>[vector<16xi32>], vector<16xi32>,
          %and3A_914 = arith.constant 3 : i32
          %and3A_915 = vector.broadcast %and3A_914 : i32 to vector<16xi32>
          %and3A_916 = arith.andi %and3A_905, %and3A_915 : vector<16xi32>
          %shift_left3A_917 = arith.constant 3 : i32
          %shift_left3A_918 = vector.broadcast %shift_left3A_917 : i32 to vector<16xi32>
          %shift_left3A_919 = arith.shli %and3A_916, %shift_left3A_918 : vector<16xi32>
          %shift_right_arithmetic3A_920 = arith.shrsi %gather3A_913, %shift_left3A_919 : vector<16xi32>
          %and3A_921 = arith.constant 255 : i32
          %and3A_922 = vector.broadcast %and3A_921 : i32 to vector<16xi32>
          %and3A_923 = arith.andi %shift_right_arithmetic3A_920, %and3A_922 : vector<16xi32>
          %shift_left3A_924 = arith.constant 6 : i32
          %shift_left3A_925 = vector.broadcast %shift_left3A_924 : i32 to vector<16xi32>
          %shift_left3A_926 = arith.shli %min3A_732, %shift_left3A_925 : vector<16xi32>
          %shift_right_arithmetic3A_927 = arith.constant 2 : i32
          %shift_right_arithmetic3A_928 = vector.broadcast %shift_right_arithmetic3A_927 : i32 to vector<16xi32>
          %shift_right_arithmetic3A_929 = arith.shrsi %and3A_923, %shift_right_arithmetic3A_928 : vector<16xi32>
          %add3A_930 = arith.addi %shift_left3A_926, %shift_right_arithmetic3A_929 : vector<16xi32>
          %gather3A_931 = tpu.vector_load_idx %arg13[%add3A_930] : memref<32784xi32, #tpu.memory_space<vmem>>[vector<16xi32>], vector<16xi32>,
          %and3A_932 = arith.constant 3 : i32
          %and3A_933 = vector.broadcast %and3A_932 : i32 to vector<16xi32>
          %and3A_934 = arith.andi %and3A_923, %and3A_933 : vector<16xi32>
          %shift_left3A_935 = arith.constant 3 : i32
          %shift_left3A_936 = vector.broadcast %shift_left3A_935 : i32 to vector<16xi32>
          %shift_left3A_937 = arith.shli %and3A_934, %shift_left3A_936 : vector<16xi32>
          %shift_right_arithmetic3A_938 = arith.shrsi %gather3A_931, %shift_left3A_937 : vector<16xi32>
          %and3A_939 = arith.constant 255 : i32
          %and3A_940 = vector.broadcast %and3A_939 : i32 to vector<16xi32>
          %and3A_941 = arith.andi %shift_right_arithmetic3A_938, %and3A_940 : vector<16xi32>
          %shift_left3A_942 = arith.constant 6 : i32
          %shift_left3A_943 = vector.broadcast %shift_left3A_942 : i32 to vector<16xi32>
          %shift_left3A_944 = arith.shli %max3A_733, %shift_left3A_943 : vector<16xi32>
          %shift_right_arithmetic3A_945 = arith.constant 2 : i32
          %shift_right_arithmetic3A_946 = vector.broadcast %shift_right_arithmetic3A_945 : i32 to vector<16xi32>
          %shift_right_arithmetic3A_947 = arith.shrsi %and3A_941, %shift_right_arithmetic3A_946 : vector<16xi32>
          %add3A_948 = arith.addi %shift_left3A_944, %shift_right_arithmetic3A_947 : vector<16xi32>
          %gather3A_949 = tpu.vector_load_idx %arg13[%add3A_948] : memref<32784xi32, #tpu.memory_space<vmem>>[vector<16xi32>], vector<16xi32>,
          %and3A_950 = arith.constant 3 : i32
          %and3A_951 = vector.broadcast %and3A_950 : i32 to vector<16xi32>
          %and3A_952 = arith.andi %and3A_941, %and3A_951 : vector<16xi32>
          %shift_left3A_953 = arith.constant 3 : i32
          %shift_left3A_954 = vector.broadcast %shift_left3A_953 : i32 to vector<16xi32>
          %shift_left3A_955 = arith.shli %and3A_952, %shift_left3A_954 : vector<16xi32>
          %shift_right_arithmetic3A_956 = arith.shrsi %gather3A_949, %shift_left3A_955 : vector<16xi32>
          %and3A_957 = arith.constant 255 : i32
          %and3A_958 = vector.broadcast %and3A_957 : i32 to vector<16xi32>
          %and3A_959 = arith.andi %shift_right_arithmetic3A_956, %and3A_958 : vector<16xi32>
          %shift_left3A_960 = arith.constant 6 : i32
          %shift_left3A_961 = vector.broadcast %shift_left3A_960 : i32 to vector<16xi32>
          %shift_left3A_962 = arith.shli %min3A_734, %shift_left3A_961 : vector<16xi32>
          %shift_right_arithmetic3A_963 = arith.constant 2 : i32
          %shift_right_arithmetic3A_964 = vector.broadcast %shift_right_arithmetic3A_963 : i32 to vector<16xi32>
          %shift_right_arithmetic3A_965 = arith.shrsi %and3A_959, %shift_right_arithmetic3A_964 : vector<16xi32>
          %add3A_966 = arith.addi %shift_left3A_962, %shift_right_arithmetic3A_965 : vector<16xi32>
          %gather3A_967 = tpu.vector_load_idx %arg13[%add3A_966] : memref<32784xi32, #tpu.memory_space<vmem>>[vector<16xi32>], vector<16xi32>,
          %and3A_968 = arith.constant 3 : i32
          %and3A_969 = vector.broadcast %and3A_968 : i32 to vector<16xi32>
          %and3A_970 = arith.andi %and3A_959, %and3A_969 : vector<16xi32>
          %shift_left3A_971 = arith.constant 3 : i32
          %shift_left3A_972 = vector.broadcast %shift_left3A_971 : i32 to vector<16xi32>
          %shift_left3A_973 = arith.shli %and3A_970, %shift_left3A_972 : vector<16xi32>
          %shift_right_arithmetic3A_974 = arith.shrsi %gather3A_967, %shift_left3A_973 : vector<16xi32>
          %and3A_975 = arith.constant 255 : i32
          %and3A_976 = vector.broadcast %and3A_975 : i32 to vector<16xi32>
          %and3A_977 = arith.andi %shift_right_arithmetic3A_974, %and3A_976 : vector<16xi32>
          %shift_left3A_978 = arith.constant 6 : i32
          %shift_left3A_979 = vector.broadcast %shift_left3A_978 : i32 to vector<16xi32>
          %shift_left3A_980 = arith.shli %max3A_735, %shift_left3A_979 : vector<16xi32>
          %shift_right_arithmetic3A_981 = arith.constant 2 : i32
          %shift_right_arithmetic3A_982 = vector.broadcast %shift_right_arithmetic3A_981 : i32 to vector<16xi32>
          %shift_right_arithmetic3A_983 = arith.shrsi %and3A_977, %shift_right_arithmetic3A_982 : vector<16xi32>
          %add3A_984 = arith.addi %shift_left3A_980, %shift_right_arithmetic3A_983 : vector<16xi32>
          %gather3A_985 = tpu.vector_load_idx %arg13[%add3A_984] : memref<32784xi32, #tpu.memory_space<vmem>>[vector<16xi32>], vector<16xi32>,
          %and3A_986 = arith.constant 3 : i32
          %and3A_987 = vector.broadcast %and3A_986 : i32 to vector<16xi32>
          %and3A_988 = arith.andi %and3A_977, %and3A_987 : vector<16xi32>
          %shift_left3A_989 = arith.constant 3 : i32
          %shift_left3A_990 = vector.broadcast %shift_left3A_989 : i32 to vector<16xi32>
          %shift_left3A_991 = arith.shli %and3A_988, %shift_left3A_990 : vector<16xi32>
          %shift_right_arithmetic3A_992 = arith.shrsi %gather3A_985, %shift_left3A_991 : vector<16xi32>
          %and3A_993 = arith.constant 255 : i32
          %and3A_994 = vector.broadcast %and3A_993 : i32 to vector<16xi32>
          %and3A_995 = arith.andi %shift_right_arithmetic3A_992, %and3A_994 : vector<16xi32>
          %shift_left3A_996 = arith.constant 6 : i32
          %shift_left3A_997 = vector.broadcast %shift_left3A_996 : i32 to vector<16xi32>
          %shift_left3A_998 = arith.shli %min3A_736, %shift_left3A_997 : vector<16xi32>
          %shift_right_arithmetic3A_999 = arith.constant 2 : i32
          %shift_right_arithmetic3A_1000 = vector.broadcast %shift_right_arithmetic3A_999 : i32 to vector<16xi32>
          %shift_right_arithmetic3A_1001 = arith.shrsi %and3A_995, %shift_right_arithmetic3A_1000 : vector<16xi32>
          %add3A_1002 = arith.addi %shift_left3A_998, %shift_right_arithmetic3A_1001 : vector<16xi32>
          %gather3A_1003 = tpu.vector_load_idx %arg13[%add3A_1002] : memref<32784xi32, #tpu.memory_space<vmem>>[vector<16xi32>], vector<16xi32>,
          %and3A_1004 = arith.constant 3 : i32
          %and3A_1005 = vector.broadcast %and3A_1004 : i32 to vector<16xi32>
          %and3A_1006 = arith.andi %and3A_995, %and3A_1005 : vector<16xi32>
          %shift_left3A_1007 = arith.constant 3 : i32
          %shift_left3A_1008 = vector.broadcast %shift_left3A_1007 : i32 to vector<16xi32>
          %shift_left3A_1009 = arith.shli %and3A_1006, %shift_left3A_1008 : vector<16xi32>
          %shift_right_arithmetic3A_1010 = arith.shrsi %gather3A_1003, %shift_left3A_1009 : vector<16xi32>
          %and3A_1011 = arith.constant 255 : i32
          %and3A_1012 = vector.broadcast %and3A_1011 : i32 to vector<16xi32>
          %and3A_1013 = arith.andi %shift_right_arithmetic3A_1010, %and3A_1012 : vector<16xi32>
          %shift_left3A_1014 = arith.constant 6 : i32
          %shift_left3A_1015 = vector.broadcast %shift_left3A_1014 : i32 to vector<16xi32>
          %shift_left3A_1016 = arith.shli %max3A_737, %shift_left3A_1015 : vector<16xi32>
          %shift_right_arithmetic3A_1017 = arith.constant 2 : i32
          %shift_right_arithmetic3A_1018 = vector.broadcast %shift_right_arithmetic3A_1017 : i32 to vector<16xi32>
          %shift_right_arithmetic3A_1019 = arith.shrsi %and3A_1013, %shift_right_arithmetic3A_1018 : vector<16xi32>
          %add3A_1020 = arith.addi %shift_left3A_1016, %shift_right_arithmetic3A_1019 : vector<16xi32>
          %gather3A_1021 = tpu.vector_load_idx %arg13[%add3A_1020] : memref<32784xi32, #tpu.memory_space<vmem>>[vector<16xi32>], vector<16xi32>,
          %and3A_1022 = arith.constant 3 : i32
          %and3A_1023 = vector.broadcast %and3A_1022 : i32 to vector<16xi32>
          %and3A_1024 = arith.andi %and3A_1013, %and3A_1023 : vector<16xi32>
          %shift_left3A_1025 = arith.constant 3 : i32
          %shift_left3A_1026 = vector.broadcast %shift_left3A_1025 : i32 to vector<16xi32>
          %shift_left3A_1027 = arith.shli %and3A_1024, %shift_left3A_1026 : vector<16xi32>
          %shift_right_arithmetic3A_1028 = arith.shrsi %gather3A_1021, %shift_left3A_1027 : vector<16xi32>
          %and3A_1029 = arith.constant 255 : i32
          %and3A_1030 = vector.broadcast %and3A_1029 : i32 to vector<16xi32>
          %and3A_1031 = arith.andi %shift_right_arithmetic3A_1028, %and3A_1030 : vector<16xi32>
          %shift_left3A_1032 = arith.constant 6 : i32
          %shift_left3A_1033 = vector.broadcast %shift_left3A_1032 : i32 to vector<16xi32>
          %shift_left3A_1034 = arith.shli %min3A_738, %shift_left3A_1033 : vector<16xi32>
          %shift_right_arithmetic3A_1035 = arith.constant 2 : i32
          %shift_right_arithmetic3A_1036 = vector.broadcast %shift_right_arithmetic3A_1035 : i32 to vector<16xi32>
          %shift_right_arithmetic3A_1037 = arith.shrsi %and3A_1031, %shift_right_arithmetic3A_1036 : vector<16xi32>
          %add3A_1038 = arith.addi %shift_left3A_1034, %shift_right_arithmetic3A_1037 : vector<16xi32>
          %gather3A_1039 = tpu.vector_load_idx %arg13[%add3A_1038] : memref<32784xi32, #tpu.memory_space<vmem>>[vector<16xi32>], vector<16xi32>,
          %and3A_1040 = arith.constant 3 : i32
          %and3A_1041 = vector.broadcast %and3A_1040 : i32 to vector<16xi32>
          %and3A_1042 = arith.andi %and3A_1031, %and3A_1041 : vector<16xi32>
          %shift_left3A_1043 = arith.constant 3 : i32
          %shift_left3A_1044 = vector.broadcast %shift_left3A_1043 : i32 to vector<16xi32>
          %shift_left3A_1045 = arith.shli %and3A_1042, %shift_left3A_1044 : vector<16xi32>
          %shift_right_arithmetic3A_1046 = arith.shrsi %gather3A_1039, %shift_left3A_1045 : vector<16xi32>
          %and3A_1047 = arith.constant 255 : i32
          %and3A_1048 = vector.broadcast %and3A_1047 : i32 to vector<16xi32>
          %and3A_1049 = arith.andi %shift_right_arithmetic3A_1046, %and3A_1048 : vector<16xi32>
          %shift_left3A_1050 = arith.constant 6 : i32
          %shift_left3A_1051 = vector.broadcast %shift_left3A_1050 : i32 to vector<16xi32>
          %shift_left3A_1052 = arith.shli %max3A_739, %shift_left3A_1051 : vector<16xi32>
          %shift_right_arithmetic3A_1053 = arith.constant 2 : i32
          %shift_right_arithmetic3A_1054 = vector.broadcast %shift_right_arithmetic3A_1053 : i32 to vector<16xi32>
          %shift_right_arithmetic3A_1055 = arith.shrsi %and3A_1049, %shift_right_arithmetic3A_1054 : vector<16xi32>
          %add3A_1056 = arith.addi %shift_left3A_1052, %shift_right_arithmetic3A_1055 : vector<16xi32>
          %gather3A_1057 = tpu.vector_load_idx %arg13[%add3A_1056] : memref<32784xi32, #tpu.memory_space<vmem>>[vector<16xi32>], vector<16xi32>,
          %and3A_1058 = arith.constant 3 : i32
          %and3A_1059 = vector.broadcast %and3A_1058 : i32 to vector<16xi32>
          %and3A_1060 = arith.andi %and3A_1049, %and3A_1059 : vector<16xi32>
          %shift_left3A_1061 = arith.constant 3 : i32
          %shift_left3A_1062 = vector.broadcast %shift_left3A_1061 : i32 to vector<16xi32>
          %shift_left3A_1063 = arith.shli %and3A_1060, %shift_left3A_1062 : vector<16xi32>
          %shift_right_arithmetic3A_1064 = arith.shrsi %gather3A_1057, %shift_left3A_1063 : vector<16xi32>
          %and3A_1065 = arith.constant 255 : i32
          %and3A_1066 = vector.broadcast %and3A_1065 : i32 to vector<16xi32>
          %and3A_1067 = arith.andi %shift_right_arithmetic3A_1064, %and3A_1066 : vector<16xi32>
          %shift_left3A_1068 = arith.constant 6 : i32
          %shift_left3A_1069 = vector.broadcast %shift_left3A_1068 : i32 to vector<16xi32>
          %shift_left3A_1070 = arith.shli %min3A_740, %shift_left3A_1069 : vector<16xi32>
          %shift_right_arithmetic3A_1071 = arith.constant 2 : i32
          %shift_right_arithmetic3A_1072 = vector.broadcast %shift_right_arithmetic3A_1071 : i32 to vector<16xi32>
          %shift_right_arithmetic3A_1073 = arith.shrsi %and3A_1067, %shift_right_arithmetic3A_1072 : vector<16xi32>
          %add3A_1074 = arith.addi %shift_left3A_1070, %shift_right_arithmetic3A_1073 : vector<16xi32>
          %gather3A_1075 = tpu.vector_load_idx %arg13[%add3A_1074] : memref<32784xi32, #tpu.memory_space<vmem>>[vector<16xi32>], vector<16xi32>,
          %and3A_1076 = arith.constant 3 : i32
          %and3A_1077 = vector.broadcast %and3A_1076 : i32 to vector<16xi32>
          %and3A_1078 = arith.andi %and3A_1067, %and3A_1077 : vector<16xi32>
          %shift_left3A_1079 = arith.constant 3 : i32
          %shift_left3A_1080 = vector.broadcast %shift_left3A_1079 : i32 to vector<16xi32>
          %shift_left3A_1081 = arith.shli %and3A_1078, %shift_left3A_1080 : vector<16xi32>
          %shift_right_arithmetic3A_1082 = arith.shrsi %gather3A_1075, %shift_left3A_1081 : vector<16xi32>
          %and3A_1083 = arith.constant 255 : i32
          %and3A_1084 = vector.broadcast %and3A_1083 : i32 to vector<16xi32>
          %and3A_1085 = arith.andi %shift_right_arithmetic3A_1082, %and3A_1084 : vector<16xi32>
          %shift_left3A_1086 = arith.constant 6 : i32
          %shift_left3A_1087 = vector.broadcast %shift_left3A_1086 : i32 to vector<16xi32>
          %shift_left3A_1088 = arith.shli %max3A_741, %shift_left3A_1087 : vector<16xi32>
          %shift_right_arithmetic3A_1089 = arith.constant 2 : i32
          %shift_right_arithmetic3A_1090 = vector.broadcast %shift_right_arithmetic3A_1089 : i32 to vector<16xi32>
          %shift_right_arithmetic3A_1091 = arith.shrsi %and3A_1085, %shift_right_arithmetic3A_1090 : vector<16xi32>
          %add3A_1092 = arith.addi %shift_left3A_1088, %shift_right_arithmetic3A_1091 : vector<16xi32>
          %gather3A_1093 = tpu.vector_load_idx %arg13[%add3A_1092] : memref<32784xi32, #tpu.memory_space<vmem>>[vector<16xi32>], vector<16xi32>,
          %and3A_1094 = arith.constant 3 : i32
          %and3A_1095 = vector.broadcast %and3A_1094 : i32 to vector<16xi32>
          %and3A_1096 = arith.andi %and3A_1085, %and3A_1095 : vector<16xi32>
          %shift_left3A_1097 = arith.constant 3 : i32
          %shift_left3A_1098 = vector.broadcast %shift_left3A_1097 : i32 to vector<16xi32>
          %shift_left3A_1099 = arith.shli %and3A_1096, %shift_left3A_1098 : vector<16xi32>
          %shift_right_arithmetic3A_1100 = arith.shrsi %gather3A_1093, %shift_left3A_1099 : vector<16xi32>
          %and3A_1101 = arith.constant 255 : i32
          %and3A_1102 = vector.broadcast %and3A_1101 : i32 to vector<16xi32>
          %and3A_1103 = arith.andi %shift_right_arithmetic3A_1100, %and3A_1102 : vector<16xi32>
          %shift_left3A_1104 = arith.constant 6 : i32
          %shift_left3A_1105 = vector.broadcast %shift_left3A_1104 : i32 to vector<16xi32>
          %shift_left3A_1106 = arith.shli %min3A_742, %shift_left3A_1105 : vector<16xi32>
          %shift_right_arithmetic3A_1107 = arith.constant 2 : i32
          %shift_right_arithmetic3A_1108 = vector.broadcast %shift_right_arithmetic3A_1107 : i32 to vector<16xi32>
          %shift_right_arithmetic3A_1109 = arith.shrsi %and3A_1103, %shift_right_arithmetic3A_1108 : vector<16xi32>
          %add3A_1110 = arith.addi %shift_left3A_1106, %shift_right_arithmetic3A_1109 : vector<16xi32>
          %gather3A_1111 = tpu.vector_load_idx %arg13[%add3A_1110] : memref<32784xi32, #tpu.memory_space<vmem>>[vector<16xi32>], vector<16xi32>,
          %and3A_1112 = arith.constant 3 : i32
          %and3A_1113 = vector.broadcast %and3A_1112 : i32 to vector<16xi32>
          %and3A_1114 = arith.andi %and3A_1103, %and3A_1113 : vector<16xi32>
          %shift_left3A_1115 = arith.constant 3 : i32
          %shift_left3A_1116 = vector.broadcast %shift_left3A_1115 : i32 to vector<16xi32>
          %shift_left3A_1117 = arith.shli %and3A_1114, %shift_left3A_1116 : vector<16xi32>
          %shift_right_arithmetic3A_1118 = arith.shrsi %gather3A_1111, %shift_left3A_1117 : vector<16xi32>
          %and3A_1119 = arith.constant 255 : i32
          %and3A_1120 = vector.broadcast %and3A_1119 : i32 to vector<16xi32>
          %and3A_1121 = arith.andi %shift_right_arithmetic3A_1118, %and3A_1120 : vector<16xi32>
          %shift_left3A_1122 = arith.constant 6 : i32
          %shift_left3A_1123 = vector.broadcast %shift_left3A_1122 : i32 to vector<16xi32>
          %shift_left3A_1124 = arith.shli %max3A_743, %shift_left3A_1123 : vector<16xi32>
          %shift_right_arithmetic3A_1125 = arith.constant 2 : i32
          %shift_right_arithmetic3A_1126 = vector.broadcast %shift_right_arithmetic3A_1125 : i32 to vector<16xi32>
          %shift_right_arithmetic3A_1127 = arith.shrsi %and3A_1121, %shift_right_arithmetic3A_1126 : vector<16xi32>
          %add3A_1128 = arith.addi %shift_left3A_1124, %shift_right_arithmetic3A_1127 : vector<16xi32>
          %gather3A_1129 = tpu.vector_load_idx %arg13[%add3A_1128] : memref<32784xi32, #tpu.memory_space<vmem>>[vector<16xi32>], vector<16xi32>,
          %and3A_1130 = arith.constant 3 : i32
          %and3A_1131 = vector.broadcast %and3A_1130 : i32 to vector<16xi32>
          %and3A_1132 = arith.andi %and3A_1121, %and3A_1131 : vector<16xi32>
          %shift_left3A_1133 = arith.constant 3 : i32
          %shift_left3A_1134 = vector.broadcast %shift_left3A_1133 : i32 to vector<16xi32>
          %shift_left3A_1135 = arith.shli %and3A_1132, %shift_left3A_1134 : vector<16xi32>
          %shift_right_arithmetic3A_1136 = arith.shrsi %gather3A_1129, %shift_left3A_1135 : vector<16xi32>
          %and3A_1137 = arith.constant 255 : i32
          %and3A_1138 = vector.broadcast %and3A_1137 : i32 to vector<16xi32>
          %and3A_1139 = arith.andi %shift_right_arithmetic3A_1136, %and3A_1138 : vector<16xi32>
          %shift_left3A_1140 = arith.constant 6 : i32
          %shift_left3A_1141 = vector.broadcast %shift_left3A_1140 : i32 to vector<16xi32>
          %shift_left3A_1142 = arith.shli %min3A_744, %shift_left3A_1141 : vector<16xi32>
          %shift_right_arithmetic3A_1143 = arith.constant 2 : i32
          %shift_right_arithmetic3A_1144 = vector.broadcast %shift_right_arithmetic3A_1143 : i32 to vector<16xi32>
          %shift_right_arithmetic3A_1145 = arith.shrsi %and3A_1139, %shift_right_arithmetic3A_1144 : vector<16xi32>
          %add3A_1146 = arith.addi %shift_left3A_1142, %shift_right_arithmetic3A_1145 : vector<16xi32>
          %gather3A_1147 = tpu.vector_load_idx %arg13[%add3A_1146] : memref<32784xi32, #tpu.memory_space<vmem>>[vector<16xi32>], vector<16xi32>,
          %and3A_1148 = arith.constant 3 : i32
          %and3A_1149 = vector.broadcast %and3A_1148 : i32 to vector<16xi32>
          %and3A_1150 = arith.andi %and3A_1139, %and3A_1149 : vector<16xi32>
          %shift_left3A_1151 = arith.constant 3 : i32
          %shift_left3A_1152 = vector.broadcast %shift_left3A_1151 : i32 to vector<16xi32>
          %shift_left3A_1153 = arith.shli %and3A_1150, %shift_left3A_1152 : vector<16xi32>
          %shift_right_arithmetic3A_1154 = arith.shrsi %gather3A_1147, %shift_left3A_1153 : vector<16xi32>
          %and3A_1155 = arith.constant 255 : i32
          %and3A_1156 = vector.broadcast %and3A_1155 : i32 to vector<16xi32>
          %and3A_1157 = arith.andi %shift_right_arithmetic3A_1154, %and3A_1156 : vector<16xi32>
          %shift_left3A_1158 = arith.constant 6 : i32
          %shift_left3A_1159 = vector.broadcast %shift_left3A_1158 : i32 to vector<16xi32>
          %shift_left3A_1160 = arith.shli %max3A_745, %shift_left3A_1159 : vector<16xi32>
          %shift_right_arithmetic3A_1161 = arith.constant 2 : i32
          %shift_right_arithmetic3A_1162 = vector.broadcast %shift_right_arithmetic3A_1161 : i32 to vector<16xi32>
          %shift_right_arithmetic3A_1163 = arith.shrsi %and3A_1157, %shift_right_arithmetic3A_1162 : vector<16xi32>
          %add3A_1164 = arith.addi %shift_left3A_1160, %shift_right_arithmetic3A_1163 : vector<16xi32>
          %gather3A_1165 = tpu.vector_load_idx %arg13[%add3A_1164] : memref<32784xi32, #tpu.memory_space<vmem>>[vector<16xi32>], vector<16xi32>,
          %and3A_1166 = arith.constant 3 : i32
          %and3A_1167 = vector.broadcast %and3A_1166 : i32 to vector<16xi32>
          %and3A_1168 = arith.andi %and3A_1157, %and3A_1167 : vector<16xi32>
          %shift_left3A_1169 = arith.constant 3 : i32
          %shift_left3A_1170 = vector.broadcast %shift_left3A_1169 : i32 to vector<16xi32>
          %shift_left3A_1171 = arith.shli %and3A_1168, %shift_left3A_1170 : vector<16xi32>
          %shift_right_arithmetic3A_1172 = arith.shrsi %gather3A_1165, %shift_left3A_1171 : vector<16xi32>
          %and3A_1173 = arith.constant 255 : i32
          %and3A_1174 = vector.broadcast %and3A_1173 : i32 to vector<16xi32>
          %and3A_1175 = arith.andi %shift_right_arithmetic3A_1172, %and3A_1174 : vector<16xi32>
          %mul3A_1176 = arith.constant 16 : i32
          %mul3A_1177 = vector.broadcast %mul3A_1176 : i32 to vector<16xi32>
          %mul3A_1178 = arith.muli %and3A_1175, %mul3A_1177 : vector<16xi32>
          %add3A_1179 = vector.broadcast %scan3A_284 : i32 to vector<16xi32>
          %add3A_1180 = arith.addi %mul3A_1178, %add3A_1179 : vector<16xi32>
          %gather3A_1181 = tpu.vector_load_idx %arg16[%add3A_1180] : memref<4096xi32, #tpu.memory_space<vmem>>[vector<16xi32>], vector<16xi32>,
          %mul3A_1182 = arith.constant 6 : i32
          %mul3A_1183 = vector.broadcast %mul3A_1182 : i32 to vector<16xi32>
          %mul3A_1184 = arith.muli %add3A_47, %mul3A_1183 : vector<16xi32>
          %add3A_1185 = vector.broadcast %scan3A_284 : i32 to vector<16xi32>
          %add3A_1186 = arith.addi %mul3A_1184, %add3A_1185 : vector<16xi32>
          tpu.vector_store_idx %arg19[%add3A_1186], %gather3A_1181 masked %lt3A_49 : memref<1200xi32, #tpu.memory_space<vmem>>[vector<16xi32>], vector<16xi32>, vector<16xi1>
          %scan3A_1187 = arith.constant 1 : i32
          %scan3A_1188 = arith.addi %scan3A_284, %scan3A_1187 : i32
          %mul3A_1189 = arith.constant 32 : i32
          %mul3A_1190 = arith.muli %scan3A_1188, %mul3A_1189 : i32
          %get3A_1191 = arith.index_cast %mul3A_1190 : i32 to index
          %get3A_1192 = tpu.vector_load %arg14[%get3A_1191] {strides = array<i32>} : memref<192xi32, #tpu.memory_space<vmem>>, vector<16xi32>,
          %mul3A_1193 = arith.constant 32 : i32
          %mul3A_1194 = arith.muli %scan3A_1188, %mul3A_1193 : i32
          %add3A_1195 = arith.constant 16 : i32
          %add3A_1196 = arith.addi %mul3A_1194, %add3A_1195 : i32
          %get3A_1197 = arith.index_cast %add3A_1196 : i32 to index
          %get3A_1198 = tpu.vector_load %arg14[%get3A_1197] {strides = array<i32>} : memref<192xi32, #tpu.memory_space<vmem>>, vector<16xi32>,
          %slice3A_1199 = vector.extract_strided_slice %get3A_1192 {offsets = [0], sizes = [1], strides = [1]} : vector<16xi32> to vector<1xi32>
          %squeeze3A_1200 = vector.extract %slice3A_1199[0] : i32 from vector<1xi32>
          %get3A_1201 = arith.constant 0 : index
          %get3A_1202 = tpu.vector_load %arg20[%get3A_1201] {strides = array<i32>} : memref<400xi32, #tpu.memory_space<vmem>>, vector<16xi32>,
          %add3A_1203 = vector.broadcast %squeeze3A_1200 : i32 to vector<16xi32>
          %add3A_1204 = arith.addi %get3A_1202, %add3A_1203 : vector<16xi32>
          %gather3A_1205 = tpu.vector_load_idx %arg12[%add3A_1204] : memref<65536xi32, #tpu.memory_space<vmem>>[vector<16xi32>], vector<16xi32>,
          %slice3A_1206 = vector.extract_strided_slice %get3A_1192 {offsets = [1], sizes = [1], strides = [1]} : vector<16xi32> to vector<1xi32>
          %squeeze3A_1207 = vector.extract %slice3A_1206[0] : i32 from vector<1xi32>
          %get3A_1208 = arith.constant 16 : index
          %get3A_1209 = tpu.vector_load %arg20[%get3A_1208] {strides = array<i32>} : memref<400xi32, #tpu.memory_space<vmem>>, vector<16xi32>,
          %add3A_1210 = vector.broadcast %squeeze3A_1207 : i32 to vector<16xi32>
          %add3A_1211 = arith.addi %get3A_1209, %add3A_1210 : vector<16xi32>
          %gather3A_1212 = tpu.vector_load_idx %arg12[%add3A_1211] : memref<65536xi32, #tpu.memory_space<vmem>>[vector<16xi32>], vector<16xi32>,
          %slice3A_1213 = vector.extract_strided_slice %get3A_1192 {offsets = [2], sizes = [1], strides = [1]} : vector<16xi32> to vector<1xi32>
          %squeeze3A_1214 = vector.extract %slice3A_1213[0] : i32 from vector<1xi32>
          %get3A_1215 = arith.constant 32 : index
          %get3A_1216 = tpu.vector_load %arg20[%get3A_1215] {strides = array<i32>} : memref<400xi32, #tpu.memory_space<vmem>>, vector<16xi32>,
          %add3A_1217 = vector.broadcast %squeeze3A_1214 : i32 to vector<16xi32>
          %add3A_1218 = arith.addi %get3A_1216, %add3A_1217 : vector<16xi32>
          %gather3A_1219 = tpu.vector_load_idx %arg12[%add3A_1218] : memref<65536xi32, #tpu.memory_space<vmem>>[vector<16xi32>], vector<16xi32>,
          %slice3A_1220 = vector.extract_strided_slice %get3A_1192 {offsets = [3], sizes = [1], strides = [1]} : vector<16xi32> to vector<1xi32>
          %squeeze3A_1221 = vector.extract %slice3A_1220[0] : i32 from vector<1xi32>
          %get3A_1222 = arith.constant 48 : index
          %get3A_1223 = tpu.vector_load %arg20[%get3A_1222] {strides = array<i32>} : memref<400xi32, #tpu.memory_space<vmem>>, vector<16xi32>,
          %add3A_1224 = vector.broadcast %squeeze3A_1221 : i32 to vector<16xi32>
          %add3A_1225 = arith.addi %get3A_1223, %add3A_1224 : vector<16xi32>
          %gather3A_1226 = tpu.vector_load_idx %arg12[%add3A_1225] : memref<65536xi32, #tpu.memory_space<vmem>>[vector<16xi32>], vector<16xi32>,
          %slice3A_1227 = vector.extract_strided_slice %get3A_1192 {offsets = [4], sizes = [1], strides = [1]} : vector<16xi32> to vector<1xi32>
          %squeeze3A_1228 = vector.extract %slice3A_1227[0] : i32 from vector<1xi32>
          %get3A_1229 = arith.constant 64 : index
          %get3A_1230 = tpu.vector_load %arg20[%get3A_1229] {strides = array<i32>} : memref<400xi32, #tpu.memory_space<vmem>>, vector<16xi32>,
          %add3A_1231 = vector.broadcast %squeeze3A_1228 : i32 to vector<16xi32>
          %add3A_1232 = arith.addi %get3A_1230, %add3A_1231 : vector<16xi32>
          %gather3A_1233 = tpu.vector_load_idx %arg12[%add3A_1232] : memref<65536xi32, #tpu.memory_space<vmem>>[vector<16xi32>], vector<16xi32>,
          %slice3A_1234 = vector.extract_strided_slice %get3A_1192 {offsets = [5], sizes = [1], strides = [1]} : vector<16xi32> to vector<1xi32>
          %squeeze3A_1235 = vector.extract %slice3A_1234[0] : i32 from vector<1xi32>
          %get3A_1236 = arith.constant 80 : index
          %get3A_1237 = tpu.vector_load %arg20[%get3A_1236] {strides = array<i32>} : memref<400xi32, #tpu.memory_space<vmem>>, vector<16xi32>,
          %add3A_1238 = vector.broadcast %squeeze3A_1235 : i32 to vector<16xi32>
          %add3A_1239 = arith.addi %get3A_1237, %add3A_1238 : vector<16xi32>
          %gather3A_1240 = tpu.vector_load_idx %arg12[%add3A_1239] : memref<65536xi32, #tpu.memory_space<vmem>>[vector<16xi32>], vector<16xi32>,
          %slice3A_1241 = vector.extract_strided_slice %get3A_1192 {offsets = [6], sizes = [1], strides = [1]} : vector<16xi32> to vector<1xi32>
          %squeeze3A_1242 = vector.extract %slice3A_1241[0] : i32 from vector<1xi32>
          %get3A_1243 = arith.constant 96 : index
          %get3A_1244 = tpu.vector_load %arg20[%get3A_1243] {strides = array<i32>} : memref<400xi32, #tpu.memory_space<vmem>>, vector<16xi32>,
          %add3A_1245 = vector.broadcast %squeeze3A_1242 : i32 to vector<16xi32>
          %add3A_1246 = arith.addi %get3A_1244, %add3A_1245 : vector<16xi32>
          %gather3A_1247 = tpu.vector_load_idx %arg12[%add3A_1246] : memref<65536xi32, #tpu.memory_space<vmem>>[vector<16xi32>], vector<16xi32>,
          %slice3A_1248 = vector.extract_strided_slice %get3A_1192 {offsets = [7], sizes = [1], strides = [1]} : vector<16xi32> to vector<1xi32>
          %squeeze3A_1249 = vector.extract %slice3A_1248[0] : i32 from vector<1xi32>
          %get3A_1250 = arith.constant 112 : index
          %get3A_1251 = tpu.vector_load %arg20[%get3A_1250] {strides = array<i32>} : memref<400xi32, #tpu.memory_space<vmem>>, vector<16xi32>,
          %add3A_1252 = vector.broadcast %squeeze3A_1249 : i32 to vector<16xi32>
          %add3A_1253 = arith.addi %get3A_1251, %add3A_1252 : vector<16xi32>
          %gather3A_1254 = tpu.vector_load_idx %arg12[%add3A_1253] : memref<65536xi32, #tpu.memory_space<vmem>>[vector<16xi32>], vector<16xi32>,
          %slice3A_1255 = vector.extract_strided_slice %get3A_1192 {offsets = [8], sizes = [1], strides = [1]} : vector<16xi32> to vector<1xi32>
          %squeeze3A_1256 = vector.extract %slice3A_1255[0] : i32 from vector<1xi32>
          %get3A_1257 = arith.constant 128 : index
          %get3A_1258 = tpu.vector_load %arg20[%get3A_1257] {strides = array<i32>} : memref<400xi32, #tpu.memory_space<vmem>>, vector<16xi32>,
          %add3A_1259 = vector.broadcast %squeeze3A_1256 : i32 to vector<16xi32>
          %add3A_1260 = arith.addi %get3A_1258, %add3A_1259 : vector<16xi32>
          %gather3A_1261 = tpu.vector_load_idx %arg12[%add3A_1260] : memref<65536xi32, #tpu.memory_space<vmem>>[vector<16xi32>], vector<16xi32>,
          %slice3A_1262 = vector.extract_strided_slice %get3A_1192 {offsets = [9], sizes = [1], strides = [1]} : vector<16xi32> to vector<1xi32>
          %squeeze3A_1263 = vector.extract %slice3A_1262[0] : i32 from vector<1xi32>
          %get3A_1264 = arith.constant 144 : index
          %get3A_1265 = tpu.vector_load %arg20[%get3A_1264] {strides = array<i32>} : memref<400xi32, #tpu.memory_space<vmem>>, vector<16xi32>,
          %add3A_1266 = vector.broadcast %squeeze3A_1263 : i32 to vector<16xi32>
          %add3A_1267 = arith.addi %get3A_1265, %add3A_1266 : vector<16xi32>
          %gather3A_1268 = tpu.vector_load_idx %arg12[%add3A_1267] : memref<65536xi32, #tpu.memory_space<vmem>>[vector<16xi32>], vector<16xi32>,
          %slice3A_1269 = vector.extract_strided_slice %get3A_1192 {offsets = [10], sizes = [1], strides = [1]} : vector<16xi32> to vector<1xi32>
          %squeeze3A_1270 = vector.extract %slice3A_1269[0] : i32 from vector<1xi32>
          %get3A_1271 = arith.constant 160 : index
          %get3A_1272 = tpu.vector_load %arg20[%get3A_1271] {strides = array<i32>} : memref<400xi32, #tpu.memory_space<vmem>>, vector<16xi32>,
          %add3A_1273 = vector.broadcast %squeeze3A_1270 : i32 to vector<16xi32>
          %add3A_1274 = arith.addi %get3A_1272, %add3A_1273 : vector<16xi32>
          %gather3A_1275 = tpu.vector_load_idx %arg12[%add3A_1274] : memref<65536xi32, #tpu.memory_space<vmem>>[vector<16xi32>], vector<16xi32>,
          %slice3A_1276 = vector.extract_strided_slice %get3A_1192 {offsets = [11], sizes = [1], strides = [1]} : vector<16xi32> to vector<1xi32>
          %squeeze3A_1277 = vector.extract %slice3A_1276[0] : i32 from vector<1xi32>
          %get3A_1278 = arith.constant 176 : index
          %get3A_1279 = tpu.vector_load %arg20[%get3A_1278] {strides = array<i32>} : memref<400xi32, #tpu.memory_space<vmem>>, vector<16xi32>,
          %add3A_1280 = vector.broadcast %squeeze3A_1277 : i32 to vector<16xi32>
          %add3A_1281 = arith.addi %get3A_1279, %add3A_1280 : vector<16xi32>
          %gather3A_1282 = tpu.vector_load_idx %arg12[%add3A_1281] : memref<65536xi32, #tpu.memory_space<vmem>>[vector<16xi32>], vector<16xi32>,
          %slice3A_1283 = vector.extract_strided_slice %get3A_1192 {offsets = [12], sizes = [1], strides = [1]} : vector<16xi32> to vector<1xi32>
          %squeeze3A_1284 = vector.extract %slice3A_1283[0] : i32 from vector<1xi32>
          %get3A_1285 = arith.constant 192 : index
          %get3A_1286 = tpu.vector_load %arg20[%get3A_1285] {strides = array<i32>} : memref<400xi32, #tpu.memory_space<vmem>>, vector<16xi32>,
          %add3A_1287 = vector.broadcast %squeeze3A_1284 : i32 to vector<16xi32>
          %add3A_1288 = arith.addi %get3A_1286, %add3A_1287 : vector<16xi32>
          %gather3A_1289 = tpu.vector_load_idx %arg12[%add3A_1288] : memref<65536xi32, #tpu.memory_space<vmem>>[vector<16xi32>], vector<16xi32>,
          %slice3A_1290 = vector.extract_strided_slice %get3A_1192 {offsets = [13], sizes = [1], strides = [1]} : vector<16xi32> to vector<1xi32>
          %squeeze3A_1291 = vector.extract %slice3A_1290[0] : i32 from vector<1xi32>
          %get3A_1292 = arith.constant 208 : index
          %get3A_1293 = tpu.vector_load %arg20[%get3A_1292] {strides = array<i32>} : memref<400xi32, #tpu.memory_space<vmem>>, vector<16xi32>,
          %add3A_1294 = vector.broadcast %squeeze3A_1291 : i32 to vector<16xi32>
          %add3A_1295 = arith.addi %get3A_1293, %add3A_1294 : vector<16xi32>
          %gather3A_1296 = tpu.vector_load_idx %arg12[%add3A_1295] : memref<65536xi32, #tpu.memory_space<vmem>>[vector<16xi32>], vector<16xi32>,
          %slice3A_1297 = vector.extract_strided_slice %get3A_1192 {offsets = [14], sizes = [1], strides = [1]} : vector<16xi32> to vector<1xi32>
          %squeeze3A_1298 = vector.extract %slice3A_1297[0] : i32 from vector<1xi32>
          %get3A_1299 = arith.constant 224 : index
          %get3A_1300 = tpu.vector_load %arg20[%get3A_1299] {strides = array<i32>} : memref<400xi32, #tpu.memory_space<vmem>>, vector<16xi32>,
          %add3A_1301 = vector.broadcast %squeeze3A_1298 : i32 to vector<16xi32>
          %add3A_1302 = arith.addi %get3A_1300, %add3A_1301 : vector<16xi32>
          %gather3A_1303 = tpu.vector_load_idx %arg12[%add3A_1302] : memref<65536xi32, #tpu.memory_space<vmem>>[vector<16xi32>], vector<16xi32>,
          %slice3A_1304 = vector.extract_strided_slice %get3A_1192 {offsets = [15], sizes = [1], strides = [1]} : vector<16xi32> to vector<1xi32>
          %squeeze3A_1305 = vector.extract %slice3A_1304[0] : i32 from vector<1xi32>
          %get3A_1306 = arith.constant 240 : index
          %get3A_1307 = tpu.vector_load %arg20[%get3A_1306] {strides = array<i32>} : memref<400xi32, #tpu.memory_space<vmem>>, vector<16xi32>,
          %add3A_1308 = vector.broadcast %squeeze3A_1305 : i32 to vector<16xi32>
          %add3A_1309 = arith.addi %get3A_1307, %add3A_1308 : vector<16xi32>
          %gather3A_1310 = tpu.vector_load_idx %arg12[%add3A_1309] : memref<65536xi32, #tpu.memory_space<vmem>>[vector<16xi32>], vector<16xi32>,
          %slice3A_1311 = vector.extract_strided_slice %get3A_1198 {offsets = [0], sizes = [1], strides = [1]} : vector<16xi32> to vector<1xi32>
          %squeeze3A_1312 = vector.extract %slice3A_1311[0] : i32 from vector<1xi32>
          %get3A_1313 = arith.constant 256 : index
          %get3A_1314 = tpu.vector_load %arg20[%get3A_1313] {strides = array<i32>} : memref<400xi32, #tpu.memory_space<vmem>>, vector<16xi32>,
          %add3A_1315 = vector.broadcast %squeeze3A_1312 : i32 to vector<16xi32>
          %add3A_1316 = arith.addi %get3A_1314, %add3A_1315 : vector<16xi32>
          %gather3A_1317 = tpu.vector_load_idx %arg12[%add3A_1316] : memref<65536xi32, #tpu.memory_space<vmem>>[vector<16xi32>], vector<16xi32>,
          %slice3A_1318 = vector.extract_strided_slice %get3A_1198 {offsets = [1], sizes = [1], strides = [1]} : vector<16xi32> to vector<1xi32>
          %squeeze3A_1319 = vector.extract %slice3A_1318[0] : i32 from vector<1xi32>
          %get3A_1320 = arith.constant 272 : index
          %get3A_1321 = tpu.vector_load %arg20[%get3A_1320] {strides = array<i32>} : memref<400xi32, #tpu.memory_space<vmem>>, vector<16xi32>,
          %add3A_1322 = vector.broadcast %squeeze3A_1319 : i32 to vector<16xi32>
          %add3A_1323 = arith.addi %get3A_1321, %add3A_1322 : vector<16xi32>
          %gather3A_1324 = tpu.vector_load_idx %arg12[%add3A_1323] : memref<65536xi32, #tpu.memory_space<vmem>>[vector<16xi32>], vector<16xi32>,
          %slice3A_1325 = vector.extract_strided_slice %get3A_1198 {offsets = [2], sizes = [1], strides = [1]} : vector<16xi32> to vector<1xi32>
          %squeeze3A_1326 = vector.extract %slice3A_1325[0] : i32 from vector<1xi32>
          %get3A_1327 = arith.constant 288 : index
          %get3A_1328 = tpu.vector_load %arg20[%get3A_1327] {strides = array<i32>} : memref<400xi32, #tpu.memory_space<vmem>>, vector<16xi32>,
          %add3A_1329 = vector.broadcast %squeeze3A_1326 : i32 to vector<16xi32>
          %add3A_1330 = arith.addi %get3A_1328, %add3A_1329 : vector<16xi32>
          %gather3A_1331 = tpu.vector_load_idx %arg12[%add3A_1330] : memref<65536xi32, #tpu.memory_space<vmem>>[vector<16xi32>], vector<16xi32>,
          %slice3A_1332 = vector.extract_strided_slice %get3A_1198 {offsets = [3], sizes = [1], strides = [1]} : vector<16xi32> to vector<1xi32>
          %squeeze3A_1333 = vector.extract %slice3A_1332[0] : i32 from vector<1xi32>
          %get3A_1334 = arith.constant 304 : index
          %get3A_1335 = tpu.vector_load %arg20[%get3A_1334] {strides = array<i32>} : memref<400xi32, #tpu.memory_space<vmem>>, vector<16xi32>,
          %add3A_1336 = vector.broadcast %squeeze3A_1333 : i32 to vector<16xi32>
          %add3A_1337 = arith.addi %get3A_1335, %add3A_1336 : vector<16xi32>
          %gather3A_1338 = tpu.vector_load_idx %arg12[%add3A_1337] : memref<65536xi32, #tpu.memory_space<vmem>>[vector<16xi32>], vector<16xi32>,
          %slice3A_1339 = vector.extract_strided_slice %get3A_1198 {offsets = [4], sizes = [1], strides = [1]} : vector<16xi32> to vector<1xi32>
          %squeeze3A_1340 = vector.extract %slice3A_1339[0] : i32 from vector<1xi32>
          %get3A_1341 = arith.constant 320 : index
          %get3A_1342 = tpu.vector_load %arg20[%get3A_1341] {strides = array<i32>} : memref<400xi32, #tpu.memory_space<vmem>>, vector<16xi32>,
          %add3A_1343 = vector.broadcast %squeeze3A_1340 : i32 to vector<16xi32>
          %add3A_1344 = arith.addi %get3A_1342, %add3A_1343 : vector<16xi32>
          %gather3A_1345 = tpu.vector_load_idx %arg12[%add3A_1344] : memref<65536xi32, #tpu.memory_space<vmem>>[vector<16xi32>], vector<16xi32>,
          %slice3A_1346 = vector.extract_strided_slice %get3A_1198 {offsets = [5], sizes = [1], strides = [1]} : vector<16xi32> to vector<1xi32>
          %squeeze3A_1347 = vector.extract %slice3A_1346[0] : i32 from vector<1xi32>
          %get3A_1348 = arith.constant 336 : index
          %get3A_1349 = tpu.vector_load %arg20[%get3A_1348] {strides = array<i32>} : memref<400xi32, #tpu.memory_space<vmem>>, vector<16xi32>,
          %add3A_1350 = vector.broadcast %squeeze3A_1347 : i32 to vector<16xi32>
          %add3A_1351 = arith.addi %get3A_1349, %add3A_1350 : vector<16xi32>
          %gather3A_1352 = tpu.vector_load_idx %arg12[%add3A_1351] : memref<65536xi32, #tpu.memory_space<vmem>>[vector<16xi32>], vector<16xi32>,
          %slice3A_1353 = vector.extract_strided_slice %get3A_1198 {offsets = [6], sizes = [1], strides = [1]} : vector<16xi32> to vector<1xi32>
          %squeeze3A_1354 = vector.extract %slice3A_1353[0] : i32 from vector<1xi32>
          %get3A_1355 = arith.constant 352 : index
          %get3A_1356 = tpu.vector_load %arg20[%get3A_1355] {strides = array<i32>} : memref<400xi32, #tpu.memory_space<vmem>>, vector<16xi32>,
          %add3A_1357 = vector.broadcast %squeeze3A_1354 : i32 to vector<16xi32>
          %add3A_1358 = arith.addi %get3A_1356, %add3A_1357 : vector<16xi32>
          %gather3A_1359 = tpu.vector_load_idx %arg12[%add3A_1358] : memref<65536xi32, #tpu.memory_space<vmem>>[vector<16xi32>], vector<16xi32>,
          %slice3A_1360 = vector.extract_strided_slice %get3A_1198 {offsets = [7], sizes = [1], strides = [1]} : vector<16xi32> to vector<1xi32>
          %squeeze3A_1361 = vector.extract %slice3A_1360[0] : i32 from vector<1xi32>
          %get3A_1362 = arith.constant 368 : index
          %get3A_1363 = tpu.vector_load %arg20[%get3A_1362] {strides = array<i32>} : memref<400xi32, #tpu.memory_space<vmem>>, vector<16xi32>,
          %add3A_1364 = vector.broadcast %squeeze3A_1361 : i32 to vector<16xi32>
          %add3A_1365 = arith.addi %get3A_1363, %add3A_1364 : vector<16xi32>
          %gather3A_1366 = tpu.vector_load_idx %arg12[%add3A_1365] : memref<65536xi32, #tpu.memory_space<vmem>>[vector<16xi32>], vector<16xi32>,
          %slice3A_1367 = vector.extract_strided_slice %get3A_1198 {offsets = [8], sizes = [1], strides = [1]} : vector<16xi32> to vector<1xi32>
          %squeeze3A_1368 = vector.extract %slice3A_1367[0] : i32 from vector<1xi32>
          %get3A_1369 = arith.constant 384 : index
          %get3A_1370 = tpu.vector_load %arg20[%get3A_1369] {strides = array<i32>} : memref<400xi32, #tpu.memory_space<vmem>>, vector<16xi32>,
          %add3A_1371 = vector.broadcast %squeeze3A_1368 : i32 to vector<16xi32>
          %add3A_1372 = arith.addi %get3A_1370, %add3A_1371 : vector<16xi32>
          %gather3A_1373 = tpu.vector_load_idx %arg12[%add3A_1372] : memref<65536xi32, #tpu.memory_space<vmem>>[vector<16xi32>], vector<16xi32>,
          %min3A_1374 = arith.minsi %gather3A_1205, %gather3A_1212 : vector<16xi32>
          %max3A_1375 = arith.maxsi %gather3A_1205, %gather3A_1212 : vector<16xi32>
          %min3A_1376 = arith.minsi %gather3A_1219, %gather3A_1226 : vector<16xi32>
          %max3A_1377 = arith.maxsi %gather3A_1219, %gather3A_1226 : vector<16xi32>
          %min3A_1378 = arith.minsi %gather3A_1233, %gather3A_1240 : vector<16xi32>
          %max3A_1379 = arith.maxsi %gather3A_1233, %gather3A_1240 : vector<16xi32>
          %min3A_1380 = arith.minsi %gather3A_1247, %gather3A_1254 : vector<16xi32>
          %max3A_1381 = arith.maxsi %gather3A_1247, %gather3A_1254 : vector<16xi32>
          %min3A_1382 = arith.minsi %gather3A_1261, %gather3A_1268 : vector<16xi32>
          %max3A_1383 = arith.maxsi %gather3A_1261, %gather3A_1268 : vector<16xi32>
          %min3A_1384 = arith.minsi %gather3A_1275, %gather3A_1282 : vector<16xi32>
          %max3A_1385 = arith.maxsi %gather3A_1275, %gather3A_1282 : vector<16xi32>
          %min3A_1386 = arith.minsi %gather3A_1289, %gather3A_1296 : vector<16xi32>
          %max3A_1387 = arith.maxsi %gather3A_1289, %gather3A_1296 : vector<16xi32>
          %min3A_1388 = arith.minsi %gather3A_1303, %gather3A_1310 : vector<16xi32>
          %max3A_1389 = arith.maxsi %gather3A_1303, %gather3A_1310 : vector<16xi32>
          %min3A_1390 = arith.minsi %gather3A_1317, %gather3A_1324 : vector<16xi32>
          %max3A_1391 = arith.maxsi %gather3A_1317, %gather3A_1324 : vector<16xi32>
          %min3A_1392 = arith.minsi %gather3A_1331, %gather3A_1338 : vector<16xi32>
          %max3A_1393 = arith.maxsi %gather3A_1331, %gather3A_1338 : vector<16xi32>
          %min3A_1394 = arith.minsi %gather3A_1345, %gather3A_1352 : vector<16xi32>
          %max3A_1395 = arith.maxsi %gather3A_1345, %gather3A_1352 : vector<16xi32>
          %min3A_1396 = arith.minsi %gather3A_1359, %gather3A_1366 : vector<16xi32>
          %max3A_1397 = arith.maxsi %gather3A_1359, %gather3A_1366 : vector<16xi32>
          %min3A_1398 = arith.minsi %min3A_1374, %min3A_1376 : vector<16xi32>
          %max3A_1399 = arith.maxsi %min3A_1374, %min3A_1376 : vector<16xi32>
          %min3A_1400 = arith.minsi %max3A_1375, %max3A_1377 : vector<16xi32>
          %max3A_1401 = arith.maxsi %max3A_1375, %max3A_1377 : vector<16xi32>
          %min3A_1402 = arith.minsi %min3A_1378, %min3A_1380 : vector<16xi32>
          %max3A_1403 = arith.maxsi %min3A_1378, %min3A_1380 : vector<16xi32>
          %min3A_1404 = arith.minsi %max3A_1379, %max3A_1381 : vector<16xi32>
          %max3A_1405 = arith.maxsi %max3A_1379, %max3A_1381 : vector<16xi32>
          %min3A_1406 = arith.minsi %min3A_1382, %min3A_1384 : vector<16xi32>
          %max3A_1407 = arith.maxsi %min3A_1382, %min3A_1384 : vector<16xi32>
          %min3A_1408 = arith.minsi %max3A_1383, %max3A_1385 : vector<16xi32>
          %max3A_1409 = arith.maxsi %max3A_1383, %max3A_1385 : vector<16xi32>
          %min3A_1410 = arith.minsi %min3A_1386, %min3A_1388 : vector<16xi32>
          %max3A_1411 = arith.maxsi %min3A_1386, %min3A_1388 : vector<16xi32>
          %min3A_1412 = arith.minsi %max3A_1387, %max3A_1389 : vector<16xi32>
          %max3A_1413 = arith.maxsi %max3A_1387, %max3A_1389 : vector<16xi32>
          %min3A_1414 = arith.minsi %min3A_1390, %min3A_1392 : vector<16xi32>
          %max3A_1415 = arith.maxsi %min3A_1390, %min3A_1392 : vector<16xi32>
          %min3A_1416 = arith.minsi %max3A_1391, %max3A_1393 : vector<16xi32>
          %max3A_1417 = arith.maxsi %max3A_1391, %max3A_1393 : vector<16xi32>
          %min3A_1418 = arith.minsi %min3A_1394, %min3A_1396 : vector<16xi32>
          %max3A_1419 = arith.maxsi %min3A_1394, %min3A_1396 : vector<16xi32>
          %min3A_1420 = arith.minsi %max3A_1395, %max3A_1397 : vector<16xi32>
          %max3A_1421 = arith.maxsi %max3A_1395, %max3A_1397 : vector<16xi32>
          %min3A_1422 = arith.minsi %min3A_1400, %max3A_1399 : vector<16xi32>
          %max3A_1423 = arith.maxsi %min3A_1400, %max3A_1399 : vector<16xi32>
          %min3A_1424 = arith.minsi %min3A_1404, %max3A_1403 : vector<16xi32>
          %max3A_1425 = arith.maxsi %min3A_1404, %max3A_1403 : vector<16xi32>
          %min3A_1426 = arith.minsi %min3A_1408, %max3A_1407 : vector<16xi32>
          %max3A_1427 = arith.maxsi %min3A_1408, %max3A_1407 : vector<16xi32>
          %min3A_1428 = arith.minsi %min3A_1412, %max3A_1411 : vector<16xi32>
          %max3A_1429 = arith.maxsi %min3A_1412, %max3A_1411 : vector<16xi32>
          %min3A_1430 = arith.minsi %min3A_1416, %max3A_1415 : vector<16xi32>
          %max3A_1431 = arith.maxsi %min3A_1416, %max3A_1415 : vector<16xi32>
          %min3A_1432 = arith.minsi %min3A_1420, %max3A_1419 : vector<16xi32>
          %max3A_1433 = arith.maxsi %min3A_1420, %max3A_1419 : vector<16xi32>
          %min3A_1434 = arith.minsi %min3A_1398, %min3A_1402 : vector<16xi32>
          %max3A_1435 = arith.maxsi %min3A_1398, %min3A_1402 : vector<16xi32>
          %min3A_1436 = arith.minsi %min3A_1422, %min3A_1424 : vector<16xi32>
          %max3A_1437 = arith.maxsi %min3A_1422, %min3A_1424 : vector<16xi32>
          %min3A_1438 = arith.minsi %max3A_1423, %max3A_1425 : vector<16xi32>
          %max3A_1439 = arith.maxsi %max3A_1423, %max3A_1425 : vector<16xi32>
          %min3A_1440 = arith.minsi %max3A_1401, %max3A_1405 : vector<16xi32>
          %max3A_1441 = arith.maxsi %max3A_1401, %max3A_1405 : vector<16xi32>
          %min3A_1442 = arith.minsi %min3A_1406, %min3A_1410 : vector<16xi32>
          %max3A_1443 = arith.maxsi %min3A_1406, %min3A_1410 : vector<16xi32>
          %min3A_1444 = arith.minsi %min3A_1426, %min3A_1428 : vector<16xi32>
          %max3A_1445 = arith.maxsi %min3A_1426, %min3A_1428 : vector<16xi32>
          %min3A_1446 = arith.minsi %max3A_1427, %max3A_1429 : vector<16xi32>
          %max3A_1447 = arith.maxsi %max3A_1427, %max3A_1429 : vector<16xi32>
          %min3A_1448 = arith.minsi %max3A_1409, %max3A_1413 : vector<16xi32>
          %max3A_1449 = arith.maxsi %max3A_1409, %max3A_1413 : vector<16xi32>
          %min3A_1450 = arith.minsi %min3A_1414, %min3A_1418 : vector<16xi32>
          %max3A_1451 = arith.maxsi %min3A_1414, %min3A_1418 : vector<16xi32>
          %min3A_1452 = arith.minsi %min3A_1430, %min3A_1432 : vector<16xi32>
          %max3A_1453 = arith.maxsi %min3A_1430, %min3A_1432 : vector<16xi32>
          %min3A_1454 = arith.minsi %max3A_1431, %max3A_1433 : vector<16xi32>
          %max3A_1455 = arith.maxsi %max3A_1431, %max3A_1433 : vector<16xi32>
          %min3A_1456 = arith.minsi %max3A_1417, %max3A_1421 : vector<16xi32>
          %max3A_1457 = arith.maxsi %max3A_1417, %max3A_1421 : vector<16xi32>
          %min3A_1458 = arith.minsi %min3A_1438, %max3A_1435 : vector<16xi32>
          %max3A_1459 = arith.maxsi %min3A_1438, %max3A_1435 : vector<16xi32>
          %min3A_1460 = arith.minsi %min3A_1440, %max3A_1437 : vector<16xi32>
          %max3A_1461 = arith.maxsi %min3A_1440, %max3A_1437 : vector<16xi32>
          %min3A_1462 = arith.minsi %min3A_1446, %max3A_1443 : vector<16xi32>
          %max3A_1463 = arith.maxsi %min3A_1446, %max3A_1443 : vector<16xi32>
          %min3A_1464 = arith.minsi %min3A_1448, %max3A_1445 : vector<16xi32>
          %max3A_1465 = arith.maxsi %min3A_1448, %max3A_1445 : vector<16xi32>
          %min3A_1466 = arith.minsi %min3A_1454, %max3A_1451 : vector<16xi32>
          %max3A_1467 = arith.maxsi %min3A_1454, %max3A_1451 : vector<16xi32>
          %min3A_1468 = arith.minsi %min3A_1456, %max3A_1453 : vector<16xi32>
          %max3A_1469 = arith.maxsi %min3A_1456, %max3A_1453 : vector<16xi32>
          %min3A_1470 = arith.minsi %min3A_1436, %min3A_1458 : vector<16xi32>
          %max3A_1471 = arith.maxsi %min3A_1436, %min3A_1458 : vector<16xi32>
          %min3A_1472 = arith.minsi %min3A_1460, %max3A_1459 : vector<16xi32>
          %max3A_1473 = arith.maxsi %min3A_1460, %max3A_1459 : vector<16xi32>
          %min3A_1474 = arith.minsi %max3A_1461, %max3A_1439 : vector<16xi32>
          %max3A_1475 = arith.maxsi %max3A_1461, %max3A_1439 : vector<16xi32>
          %min3A_1476 = arith.minsi %min3A_1444, %min3A_1462 : vector<16xi32>
          %max3A_1477 = arith.maxsi %min3A_1444, %min3A_1462 : vector<16xi32>
          %min3A_1478 = arith.minsi %min3A_1464, %max3A_1463 : vector<16xi32>
          %max3A_1479 = arith.maxsi %min3A_1464, %max3A_1463 : vector<16xi32>
          %min3A_1480 = arith.minsi %max3A_1465, %max3A_1447 : vector<16xi32>
          %max3A_1481 = arith.maxsi %max3A_1465, %max3A_1447 : vector<16xi32>
          %min3A_1482 = arith.minsi %min3A_1452, %min3A_1466 : vector<16xi32>
          %max3A_1483 = arith.maxsi %min3A_1452, %min3A_1466 : vector<16xi32>
          %min3A_1484 = arith.minsi %min3A_1468, %max3A_1467 : vector<16xi32>
          %max3A_1485 = arith.maxsi %min3A_1468, %max3A_1467 : vector<16xi32>
          %min3A_1486 = arith.minsi %max3A_1469, %max3A_1455 : vector<16xi32>
          %max3A_1487 = arith.maxsi %max3A_1469, %max3A_1455 : vector<16xi32>
          %min3A_1488 = arith.minsi %min3A_1434, %min3A_1442 : vector<16xi32>
          %max3A_1489 = arith.maxsi %min3A_1434, %min3A_1442 : vector<16xi32>
          %min3A_1490 = arith.minsi %min3A_1470, %min3A_1476 : vector<16xi32>
          %max3A_1491 = arith.maxsi %min3A_1470, %min3A_1476 : vector<16xi32>
          %min3A_1492 = arith.minsi %max3A_1471, %max3A_1477 : vector<16xi32>
          %max3A_1493 = arith.maxsi %max3A_1471, %max3A_1477 : vector<16xi32>
          %min3A_1494 = arith.minsi %min3A_1472, %min3A_1478 : vector<16xi32>
          %max3A_1495 = arith.maxsi %min3A_1472, %min3A_1478 : vector<16xi32>
          %min3A_1496 = arith.minsi %max3A_1473, %max3A_1479 : vector<16xi32>
          %max3A_1497 = arith.maxsi %max3A_1473, %max3A_1479 : vector<16xi32>
          %min3A_1498 = arith.minsi %min3A_1474, %min3A_1480 : vector<16xi32>
          %max3A_1499 = arith.maxsi %min3A_1474, %min3A_1480 : vector<16xi32>
          %min3A_1500 = arith.minsi %max3A_1475, %max3A_1481 : vector<16xi32>
          %max3A_1501 = arith.maxsi %max3A_1475, %max3A_1481 : vector<16xi32>
          %min3A_1502 = arith.minsi %max3A_1441, %max3A_1449 : vector<16xi32>
          %max3A_1503 = arith.maxsi %max3A_1441, %max3A_1449 : vector<16xi32>
          %min3A_1504 = arith.minsi %min3A_1450, %gather3A_1373 : vector<16xi32>
          %max3A_1505 = arith.maxsi %min3A_1450, %gather3A_1373 : vector<16xi32>
          %min3A_1506 = arith.minsi %min3A_1496, %max3A_1489 : vector<16xi32>
          %max3A_1507 = arith.maxsi %min3A_1496, %max3A_1489 : vector<16xi32>
          %min3A_1508 = arith.minsi %min3A_1498, %max3A_1491 : vector<16xi32>
          %max3A_1509 = arith.maxsi %min3A_1498, %max3A_1491 : vector<16xi32>
          %min3A_1510 = arith.minsi %min3A_1500, %max3A_1493 : vector<16xi32>
          %max3A_1511 = arith.maxsi %min3A_1500, %max3A_1493 : vector<16xi32>
          %min3A_1512 = arith.minsi %min3A_1502, %max3A_1495 : vector<16xi32>
          %max3A_1513 = arith.maxsi %min3A_1502, %max3A_1495 : vector<16xi32>
          %min3A_1514 = arith.minsi %max3A_1485, %max3A_1505 : vector<16xi32>
          %max3A_1515 = arith.maxsi %max3A_1485, %max3A_1505 : vector<16xi32>
          %min3A_1516 = arith.minsi %min3A_1492, %min3A_1506 : vector<16xi32>
          %max3A_1517 = arith.maxsi %min3A_1492, %min3A_1506 : vector<16xi32>
          %min3A_1518 = arith.minsi %min3A_1494, %min3A_1508 : vector<16xi32>
          %max3A_1519 = arith.maxsi %min3A_1494, %min3A_1508 : vector<16xi32>
          %min3A_1520 = arith.minsi %min3A_1510, %max3A_1507 : vector<16xi32>
          %max3A_1521 = arith.maxsi %min3A_1510, %max3A_1507 : vector<16xi32>
          %min3A_1522 = arith.minsi %min3A_1512, %max3A_1509 : vector<16xi32>
          %max3A_1523 = arith.maxsi %min3A_1512, %max3A_1509 : vector<16xi32>
          %min3A_1524 = arith.minsi %max3A_1511, %max3A_1497 : vector<16xi32>
          %max3A_1525 = arith.maxsi %max3A_1511, %max3A_1497 : vector<16xi32>
          %min3A_1526 = arith.minsi %max3A_1513, %max3A_1499 : vector<16xi32>
          %max3A_1527 = arith.maxsi %max3A_1513, %max3A_1499 : vector<16xi32>
          %min3A_1528 = arith.minsi %max3A_1483, %min3A_1514 : vector<16xi32>
          %max3A_1529 = arith.maxsi %max3A_1483, %min3A_1514 : vector<16xi32>
          %min3A_1530 = arith.minsi %min3A_1484, %min3A_1486 : vector<16xi32>
          %max3A_1531 = arith.maxsi %min3A_1484, %min3A_1486 : vector<16xi32>
          %min3A_1532 = arith.minsi %max3A_1487, %max3A_1515 : vector<16xi32>
          %max3A_1533 = arith.maxsi %max3A_1487, %max3A_1515 : vector<16xi32>
          %min3A_1534 = arith.minsi %min3A_1490, %min3A_1516 : vector<16xi32>
          %max3A_1535 = arith.maxsi %min3A_1490, %min3A_1516 : vector<16xi32>
          %min3A_1536 = arith.minsi %min3A_1518, %max3A_1517 : vector<16xi32>
          %max3A_1537 = arith.maxsi %min3A_1518, %max3A_1517 : vector<16xi32>
          %min3A_1538 = arith.minsi %max3A_1519, %min3A_1520 : vector<16xi32>
          %max3A_1539 = arith.maxsi %max3A_1519, %min3A_1520 : vector<16xi32>
          %min3A_1540 = arith.minsi %min3A_1522, %max3A_1521 : vector<16xi32>
          %max3A_1541 = arith.maxsi %min3A_1522, %max3A_1521 : vector<16xi32>
          %min3A_1542 = arith.minsi %max3A_1523, %min3A_1524 : vector<16xi32>
          %max3A_1543 = arith.maxsi %max3A_1523, %min3A_1524 : vector<16xi32>
          %min3A_1544 = arith.minsi %min3A_1526, %max3A_1525 : vector<16xi32>
          %max3A_1545 = arith.maxsi %min3A_1526, %max3A_1525 : vector<16xi32>
          %min3A_1546 = arith.minsi %max3A_1527, %max3A_1501 : vector<16xi32>
          %max3A_1547 = arith.maxsi %max3A_1527, %max3A_1501 : vector<16xi32>
          %min3A_1548 = arith.minsi %min3A_1482, %min3A_1528 : vector<16xi32>
          %max3A_1549 = arith.maxsi %min3A_1482, %min3A_1528 : vector<16xi32>
          %min3A_1550 = arith.minsi %min3A_1530, %max3A_1529 : vector<16xi32>
          %max3A_1551 = arith.maxsi %min3A_1530, %max3A_1529 : vector<16xi32>
          %min3A_1552 = arith.minsi %max3A_1531, %min3A_1532 : vector<16xi32>
          %max3A_1553 = arith.maxsi %max3A_1531, %min3A_1532 : vector<16xi32>
          %min3A_1554 = arith.minsi %max3A_1457, %max3A_1533 : vector<16xi32>
          %max3A_1555 = arith.maxsi %max3A_1457, %max3A_1533 : vector<16xi32>
          %min3A_1556 = arith.minsi %min3A_1488, %min3A_1504 : vector<16xi32>
          %max3A_1557 = arith.maxsi %min3A_1488, %min3A_1504 : vector<16xi32>
          %min3A_1558 = arith.minsi %min3A_1534, %min3A_1548 : vector<16xi32>
          %max3A_1559 = arith.maxsi %min3A_1534, %min3A_1548 : vector<16xi32>
          %min3A_1560 = arith.minsi %max3A_1535, %max3A_1549 : vector<16xi32>
          %max3A_1561 = arith.maxsi %max3A_1535, %max3A_1549 : vector<16xi32>
          %min3A_1562 = arith.minsi %min3A_1536, %min3A_1550 : vector<16xi32>
          %max3A_1563 = arith.maxsi %min3A_1536, %min3A_1550 : vector<16xi32>
          %min3A_1564 = arith.minsi %max3A_1537, %max3A_1551 : vector<16xi32>
          %max3A_1565 = arith.maxsi %max3A_1537, %max3A_1551 : vector<16xi32>
          %min3A_1566 = arith.minsi %min3A_1538, %min3A_1552 : vector<16xi32>
          %max3A_1567 = arith.maxsi %min3A_1538, %min3A_1552 : vector<16xi32>
          %min3A_1568 = arith.minsi %max3A_1539, %max3A_1553 : vector<16xi32>
          %max3A_1569 = arith.maxsi %max3A_1539, %max3A_1553 : vector<16xi32>
          %min3A_1570 = arith.minsi %min3A_1540, %min3A_1554 : vector<16xi32>
          %max3A_1571 = arith.maxsi %min3A_1540, %min3A_1554 : vector<16xi32>
          %min3A_1572 = arith.minsi %max3A_1541, %max3A_1555 : vector<16xi32>
          %max3A_1573 = arith.maxsi %max3A_1541, %max3A_1555 : vector<16xi32>
          %min3A_1574 = arith.minsi %min3A_1572, %max3A_1557 : vector<16xi32>
          %max3A_1575 = arith.maxsi %min3A_1572, %max3A_1557 : vector<16xi32>
          %min3A_1576 = arith.minsi %min3A_1542, %max3A_1559 : vector<16xi32>
          %max3A_1577 = arith.maxsi %min3A_1542, %max3A_1559 : vector<16xi32>
          %min3A_1578 = arith.minsi %max3A_1543, %max3A_1561 : vector<16xi32>
          %max3A_1579 = arith.maxsi %max3A_1543, %max3A_1561 : vector<16xi32>
          %min3A_1580 = arith.minsi %min3A_1544, %max3A_1563 : vector<16xi32>
          %max3A_1581 = arith.maxsi %min3A_1544, %max3A_1563 : vector<16xi32>
          %min3A_1582 = arith.minsi %max3A_1545, %max3A_1565 : vector<16xi32>
          %max3A_1583 = arith.maxsi %max3A_1545, %max3A_1565 : vector<16xi32>
          %min3A_1584 = arith.minsi %min3A_1546, %max3A_1567 : vector<16xi32>
          %max3A_1585 = arith.maxsi %min3A_1546, %max3A_1567 : vector<16xi32>
          %min3A_1586 = arith.minsi %max3A_1547, %max3A_1569 : vector<16xi32>
          %max3A_1587 = arith.maxsi %max3A_1547, %max3A_1569 : vector<16xi32>
          %min3A_1588 = arith.minsi %max3A_1503, %max3A_1571 : vector<16xi32>
          %max3A_1589 = arith.maxsi %max3A_1503, %max3A_1571 : vector<16xi32>
          %min3A_1590 = arith.minsi %min3A_1564, %min3A_1574 : vector<16xi32>
          %max3A_1591 = arith.maxsi %min3A_1564, %min3A_1574 : vector<16xi32>
          %min3A_1592 = arith.minsi %min3A_1566, %min3A_1576 : vector<16xi32>
          %max3A_1593 = arith.maxsi %min3A_1566, %min3A_1576 : vector<16xi32>
          %min3A_1594 = arith.minsi %min3A_1568, %min3A_1578 : vector<16xi32>
          %max3A_1595 = arith.maxsi %min3A_1568, %min3A_1578 : vector<16xi32>
          %min3A_1596 = arith.minsi %min3A_1570, %min3A_1580 : vector<16xi32>
          %max3A_1597 = arith.maxsi %min3A_1570, %min3A_1580 : vector<16xi32>
          %min3A_1598 = arith.minsi %min3A_1582, %max3A_1575 : vector<16xi32>
          %max3A_1599 = arith.maxsi %min3A_1582, %max3A_1575 : vector<16xi32>
          %min3A_1600 = arith.minsi %min3A_1584, %max3A_1577 : vector<16xi32>
          %max3A_1601 = arith.maxsi %min3A_1584, %max3A_1577 : vector<16xi32>
          %min3A_1602 = arith.minsi %min3A_1586, %max3A_1579 : vector<16xi32>
          %max3A_1603 = arith.maxsi %min3A_1586, %max3A_1579 : vector<16xi32>
          %min3A_1604 = arith.minsi %min3A_1588, %max3A_1581 : vector<16xi32>
          %max3A_1605 = arith.maxsi %min3A_1588, %max3A_1581 : vector<16xi32>
          %min3A_1606 = arith.minsi %max3A_1583, %max3A_1573 : vector<16xi32>
          %max3A_1607 = arith.maxsi %max3A_1583, %max3A_1573 : vector<16xi32>
          %min3A_1608 = arith.minsi %min3A_1560, %min3A_1590 : vector<16xi32>
          %max3A_1609 = arith.maxsi %min3A_1560, %min3A_1590 : vector<16xi32>
          %min3A_1610 = arith.minsi %min3A_1562, %min3A_1592 : vector<16xi32>
          %max3A_1611 = arith.maxsi %min3A_1562, %min3A_1592 : vector<16xi32>
          %min3A_1612 = arith.minsi %min3A_1594, %max3A_1591 : vector<16xi32>
          %max3A_1613 = arith.maxsi %min3A_1594, %max3A_1591 : vector<16xi32>
          %min3A_1614 = arith.minsi %min3A_1596, %max3A_1593 : vector<16xi32>
          %max3A_1615 = arith.maxsi %min3A_1596, %max3A_1593 : vector<16xi32>
          %min3A_1616 = arith.minsi %max3A_1595, %min3A_1598 : vector<16xi32>
          %max3A_1617 = arith.maxsi %max3A_1595, %min3A_1598 : vector<16xi32>
          %min3A_1618 = arith.minsi %max3A_1597, %min3A_1600 : vector<16xi32>
          %max3A_1619 = arith.maxsi %max3A_1597, %min3A_1600 : vector<16xi32>
          %min3A_1620 = arith.minsi %min3A_1602, %max3A_1599 : vector<16xi32>
          %max3A_1621 = arith.maxsi %min3A_1602, %max3A_1599 : vector<16xi32>
          %min3A_1622 = arith.minsi %min3A_1604, %max3A_1601 : vector<16xi32>
          %max3A_1623 = arith.maxsi %min3A_1604, %max3A_1601 : vector<16xi32>
          %min3A_1624 = arith.minsi %max3A_1603, %min3A_1606 : vector<16xi32>
          %max3A_1625 = arith.maxsi %max3A_1603, %min3A_1606 : vector<16xi32>
          %min3A_1626 = arith.minsi %max3A_1605, %max3A_1585 : vector<16xi32>
          %max3A_1627 = arith.maxsi %max3A_1605, %max3A_1585 : vector<16xi32>
          %min3A_1628 = arith.minsi %max3A_1587, %max3A_1607 : vector<16xi32>
          %max3A_1629 = arith.maxsi %max3A_1587, %max3A_1607 : vector<16xi32>
          %min3A_1630 = arith.minsi %min3A_1558, %min3A_1608 : vector<16xi32>
          %max3A_1631 = arith.maxsi %min3A_1558, %min3A_1608 : vector<16xi32>
          %min3A_1632 = arith.minsi %min3A_1610, %max3A_1609 : vector<16xi32>
          %max3A_1633 = arith.maxsi %min3A_1610, %max3A_1609 : vector<16xi32>
          %min3A_1634 = arith.minsi %max3A_1611, %min3A_1612 : vector<16xi32>
          %max3A_1635 = arith.maxsi %max3A_1611, %min3A_1612 : vector<16xi32>
          %min3A_1636 = arith.minsi %min3A_1614, %max3A_1613 : vector<16xi32>
          %max3A_1637 = arith.maxsi %min3A_1614, %max3A_1613 : vector<16xi32>
          %min3A_1638 = arith.minsi %max3A_1615, %min3A_1616 : vector<16xi32>
          %max3A_1639 = arith.maxsi %max3A_1615, %min3A_1616 : vector<16xi32>
          %min3A_1640 = arith.minsi %min3A_1618, %max3A_1617 : vector<16xi32>
          %max3A_1641 = arith.maxsi %min3A_1618, %max3A_1617 : vector<16xi32>
          %min3A_1642 = arith.minsi %max3A_1619, %min3A_1620 : vector<16xi32>
          %max3A_1643 = arith.maxsi %max3A_1619, %min3A_1620 : vector<16xi32>
          %min3A_1644 = arith.minsi %min3A_1622, %max3A_1621 : vector<16xi32>
          %max3A_1645 = arith.maxsi %min3A_1622, %max3A_1621 : vector<16xi32>
          %min3A_1646 = arith.minsi %max3A_1623, %min3A_1624 : vector<16xi32>
          %max3A_1647 = arith.maxsi %max3A_1623, %min3A_1624 : vector<16xi32>
          %min3A_1648 = arith.minsi %min3A_1626, %max3A_1625 : vector<16xi32>
          %max3A_1649 = arith.maxsi %min3A_1626, %max3A_1625 : vector<16xi32>
          %min3A_1650 = arith.minsi %max3A_1627, %min3A_1628 : vector<16xi32>
          %max3A_1651 = arith.maxsi %max3A_1627, %min3A_1628 : vector<16xi32>
          %min3A_1652 = arith.minsi %max3A_1589, %max3A_1629 : vector<16xi32>
          %max3A_1653 = arith.maxsi %max3A_1589, %max3A_1629 : vector<16xi32>
          %shift_left3A_1654 = arith.constant 6 : i32
          %shift_left3A_1655 = vector.broadcast %shift_left3A_1654 : i32 to vector<16xi32>
          %shift_left3A_1656 = arith.shli %min3A_1630, %shift_left3A_1655 : vector<16xi32>
          %shift_right_arithmetic3A_1657 = arith.constant 2 : i32
          %shift_right_arithmetic3A_1658 = vector.broadcast %shift_right_arithmetic3A_1657 : i32 to vector<16xi32>
          %shift_right_arithmetic3A_1659 = arith.shrsi %min3A_1556, %shift_right_arithmetic3A_1658 : vector<16xi32>
          %add3A_1660 = arith.addi %shift_left3A_1656, %shift_right_arithmetic3A_1659 : vector<16xi32>
          %gather3A_1661 = tpu.vector_load_idx %arg13[%add3A_1660] : memref<32784xi32, #tpu.memory_space<vmem>>[vector<16xi32>], vector<16xi32>,
          %and3A_1662 = arith.constant 3 : i32
          %and3A_1663 = vector.broadcast %and3A_1662 : i32 to vector<16xi32>
          %and3A_1664 = arith.andi %min3A_1556, %and3A_1663 : vector<16xi32>
          %shift_left3A_1665 = arith.constant 3 : i32
          %shift_left3A_1666 = vector.broadcast %shift_left3A_1665 : i32 to vector<16xi32>
          %shift_left3A_1667 = arith.shli %and3A_1664, %shift_left3A_1666 : vector<16xi32>
          %shift_right_arithmetic3A_1668 = arith.shrsi %gather3A_1661, %shift_left3A_1667 : vector<16xi32>
          %and3A_1669 = arith.constant 255 : i32
          %and3A_1670 = vector.broadcast %and3A_1669 : i32 to vector<16xi32>
          %and3A_1671 = arith.andi %shift_right_arithmetic3A_1668, %and3A_1670 : vector<16xi32>
          %shift_left3A_1672 = arith.constant 6 : i32
          %shift_left3A_1673 = vector.broadcast %shift_left3A_1672 : i32 to vector<16xi32>
          %shift_left3A_1674 = arith.shli %max3A_1631, %shift_left3A_1673 : vector<16xi32>
          %shift_right_arithmetic3A_1675 = arith.constant 2 : i32
          %shift_right_arithmetic3A_1676 = vector.broadcast %shift_right_arithmetic3A_1675 : i32 to vector<16xi32>
          %shift_right_arithmetic3A_1677 = arith.shrsi %and3A_1671, %shift_right_arithmetic3A_1676 : vector<16xi32>
          %add3A_1678 = arith.addi %shift_left3A_1674, %shift_right_arithmetic3A_1677 : vector<16xi32>
          %gather3A_1679 = tpu.vector_load_idx %arg13[%add3A_1678] : memref<32784xi32, #tpu.memory_space<vmem>>[vector<16xi32>], vector<16xi32>,
          %and3A_1680 = arith.constant 3 : i32
          %and3A_1681 = vector.broadcast %and3A_1680 : i32 to vector<16xi32>
          %and3A_1682 = arith.andi %and3A_1671, %and3A_1681 : vector<16xi32>
          %shift_left3A_1683 = arith.constant 3 : i32
          %shift_left3A_1684 = vector.broadcast %shift_left3A_1683 : i32 to vector<16xi32>
          %shift_left3A_1685 = arith.shli %and3A_1682, %shift_left3A_1684 : vector<16xi32>
          %shift_right_arithmetic3A_1686 = arith.shrsi %gather3A_1679, %shift_left3A_1685 : vector<16xi32>
          %and3A_1687 = arith.constant 255 : i32
          %and3A_1688 = vector.broadcast %and3A_1687 : i32 to vector<16xi32>
          %and3A_1689 = arith.andi %shift_right_arithmetic3A_1686, %and3A_1688 : vector<16xi32>
          %shift_left3A_1690 = arith.constant 6 : i32
          %shift_left3A_1691 = vector.broadcast %shift_left3A_1690 : i32 to vector<16xi32>
          %shift_left3A_1692 = arith.shli %min3A_1632, %shift_left3A_1691 : vector<16xi32>
          %shift_right_arithmetic3A_1693 = arith.constant 2 : i32
          %shift_right_arithmetic3A_1694 = vector.broadcast %shift_right_arithmetic3A_1693 : i32 to vector<16xi32>
          %shift_right_arithmetic3A_1695 = arith.shrsi %and3A_1689, %shift_right_arithmetic3A_1694 : vector<16xi32>
          %add3A_1696 = arith.addi %shift_left3A_1692, %shift_right_arithmetic3A_1695 : vector<16xi32>
          %gather3A_1697 = tpu.vector_load_idx %arg13[%add3A_1696] : memref<32784xi32, #tpu.memory_space<vmem>>[vector<16xi32>], vector<16xi32>,
          %and3A_1698 = arith.constant 3 : i32
          %and3A_1699 = vector.broadcast %and3A_1698 : i32 to vector<16xi32>
          %and3A_1700 = arith.andi %and3A_1689, %and3A_1699 : vector<16xi32>
          %shift_left3A_1701 = arith.constant 3 : i32
          %shift_left3A_1702 = vector.broadcast %shift_left3A_1701 : i32 to vector<16xi32>
          %shift_left3A_1703 = arith.shli %and3A_1700, %shift_left3A_1702 : vector<16xi32>
          %shift_right_arithmetic3A_1704 = arith.shrsi %gather3A_1697, %shift_left3A_1703 : vector<16xi32>
          %and3A_1705 = arith.constant 255 : i32
          %and3A_1706 = vector.broadcast %and3A_1705 : i32 to vector<16xi32>
          %and3A_1707 = arith.andi %shift_right_arithmetic3A_1704, %and3A_1706 : vector<16xi32>
          %shift_left3A_1708 = arith.constant 6 : i32
          %shift_left3A_1709 = vector.broadcast %shift_left3A_1708 : i32 to vector<16xi32>
          %shift_left3A_1710 = arith.shli %max3A_1633, %shift_left3A_1709 : vector<16xi32>
          %shift_right_arithmetic3A_1711 = arith.constant 2 : i32
          %shift_right_arithmetic3A_1712 = vector.broadcast %shift_right_arithmetic3A_1711 : i32 to vector<16xi32>
          %shift_right_arithmetic3A_1713 = arith.shrsi %and3A_1707, %shift_right_arithmetic3A_1712 : vector<16xi32>
          %add3A_1714 = arith.addi %shift_left3A_1710, %shift_right_arithmetic3A_1713 : vector<16xi32>
          %gather3A_1715 = tpu.vector_load_idx %arg13[%add3A_1714] : memref<32784xi32, #tpu.memory_space<vmem>>[vector<16xi32>], vector<16xi32>,
          %and3A_1716 = arith.constant 3 : i32
          %and3A_1717 = vector.broadcast %and3A_1716 : i32 to vector<16xi32>
          %and3A_1718 = arith.andi %and3A_1707, %and3A_1717 : vector<16xi32>
          %shift_left3A_1719 = arith.constant 3 : i32
          %shift_left3A_1720 = vector.broadcast %shift_left3A_1719 : i32 to vector<16xi32>
          %shift_left3A_1721 = arith.shli %and3A_1718, %shift_left3A_1720 : vector<16xi32>
          %shift_right_arithmetic3A_1722 = arith.shrsi %gather3A_1715, %shift_left3A_1721 : vector<16xi32>
          %and3A_1723 = arith.constant 255 : i32
          %and3A_1724 = vector.broadcast %and3A_1723 : i32 to vector<16xi32>
          %and3A_1725 = arith.andi %shift_right_arithmetic3A_1722, %and3A_1724 : vector<16xi32>
          %shift_left3A_1726 = arith.constant 6 : i32
          %shift_left3A_1727 = vector.broadcast %shift_left3A_1726 : i32 to vector<16xi32>
          %shift_left3A_1728 = arith.shli %min3A_1634, %shift_left3A_1727 : vector<16xi32>
          %shift_right_arithmetic3A_1729 = arith.constant 2 : i32
          %shift_right_arithmetic3A_1730 = vector.broadcast %shift_right_arithmetic3A_1729 : i32 to vector<16xi32>
          %shift_right_arithmetic3A_1731 = arith.shrsi %and3A_1725, %shift_right_arithmetic3A_1730 : vector<16xi32>
          %add3A_1732 = arith.addi %shift_left3A_1728, %shift_right_arithmetic3A_1731 : vector<16xi32>
          %gather3A_1733 = tpu.vector_load_idx %arg13[%add3A_1732] : memref<32784xi32, #tpu.memory_space<vmem>>[vector<16xi32>], vector<16xi32>,
          %and3A_1734 = arith.constant 3 : i32
          %and3A_1735 = vector.broadcast %and3A_1734 : i32 to vector<16xi32>
          %and3A_1736 = arith.andi %and3A_1725, %and3A_1735 : vector<16xi32>
          %shift_left3A_1737 = arith.constant 3 : i32
          %shift_left3A_1738 = vector.broadcast %shift_left3A_1737 : i32 to vector<16xi32>
          %shift_left3A_1739 = arith.shli %and3A_1736, %shift_left3A_1738 : vector<16xi32>
          %shift_right_arithmetic3A_1740 = arith.shrsi %gather3A_1733, %shift_left3A_1739 : vector<16xi32>
          %and3A_1741 = arith.constant 255 : i32
          %and3A_1742 = vector.broadcast %and3A_1741 : i32 to vector<16xi32>
          %and3A_1743 = arith.andi %shift_right_arithmetic3A_1740, %and3A_1742 : vector<16xi32>
          %shift_left3A_1744 = arith.constant 6 : i32
          %shift_left3A_1745 = vector.broadcast %shift_left3A_1744 : i32 to vector<16xi32>
          %shift_left3A_1746 = arith.shli %max3A_1635, %shift_left3A_1745 : vector<16xi32>
          %shift_right_arithmetic3A_1747 = arith.constant 2 : i32
          %shift_right_arithmetic3A_1748 = vector.broadcast %shift_right_arithmetic3A_1747 : i32 to vector<16xi32>
          %shift_right_arithmetic3A_1749 = arith.shrsi %and3A_1743, %shift_right_arithmetic3A_1748 : vector<16xi32>
          %add3A_1750 = arith.addi %shift_left3A_1746, %shift_right_arithmetic3A_1749 : vector<16xi32>
          %gather3A_1751 = tpu.vector_load_idx %arg13[%add3A_1750] : memref<32784xi32, #tpu.memory_space<vmem>>[vector<16xi32>], vector<16xi32>,
          %and3A_1752 = arith.constant 3 : i32
          %and3A_1753 = vector.broadcast %and3A_1752 : i32 to vector<16xi32>
          %and3A_1754 = arith.andi %and3A_1743, %and3A_1753 : vector<16xi32>
          %shift_left3A_1755 = arith.constant 3 : i32
          %shift_left3A_1756 = vector.broadcast %shift_left3A_1755 : i32 to vector<16xi32>
          %shift_left3A_1757 = arith.shli %and3A_1754, %shift_left3A_1756 : vector<16xi32>
          %shift_right_arithmetic3A_1758 = arith.shrsi %gather3A_1751, %shift_left3A_1757 : vector<16xi32>
          %and3A_1759 = arith.constant 255 : i32
          %and3A_1760 = vector.broadcast %and3A_1759 : i32 to vector<16xi32>
          %and3A_1761 = arith.andi %shift_right_arithmetic3A_1758, %and3A_1760 : vector<16xi32>
          %shift_left3A_1762 = arith.constant 6 : i32
          %shift_left3A_1763 = vector.broadcast %shift_left3A_1762 : i32 to vector<16xi32>
          %shift_left3A_1764 = arith.shli %min3A_1636, %shift_left3A_1763 : vector<16xi32>
          %shift_right_arithmetic3A_1765 = arith.constant 2 : i32
          %shift_right_arithmetic3A_1766 = vector.broadcast %shift_right_arithmetic3A_1765 : i32 to vector<16xi32>
          %shift_right_arithmetic3A_1767 = arith.shrsi %and3A_1761, %shift_right_arithmetic3A_1766 : vector<16xi32>
          %add3A_1768 = arith.addi %shift_left3A_1764, %shift_right_arithmetic3A_1767 : vector<16xi32>
          %gather3A_1769 = tpu.vector_load_idx %arg13[%add3A_1768] : memref<32784xi32, #tpu.memory_space<vmem>>[vector<16xi32>], vector<16xi32>,
          %and3A_1770 = arith.constant 3 : i32
          %and3A_1771 = vector.broadcast %and3A_1770 : i32 to vector<16xi32>
          %and3A_1772 = arith.andi %and3A_1761, %and3A_1771 : vector<16xi32>
          %shift_left3A_1773 = arith.constant 3 : i32
          %shift_left3A_1774 = vector.broadcast %shift_left3A_1773 : i32 to vector<16xi32>
          %shift_left3A_1775 = arith.shli %and3A_1772, %shift_left3A_1774 : vector<16xi32>
          %shift_right_arithmetic3A_1776 = arith.shrsi %gather3A_1769, %shift_left3A_1775 : vector<16xi32>
          %and3A_1777 = arith.constant 255 : i32
          %and3A_1778 = vector.broadcast %and3A_1777 : i32 to vector<16xi32>
          %and3A_1779 = arith.andi %shift_right_arithmetic3A_1776, %and3A_1778 : vector<16xi32>
          %shift_left3A_1780 = arith.constant 6 : i32
          %shift_left3A_1781 = vector.broadcast %shift_left3A_1780 : i32 to vector<16xi32>
          %shift_left3A_1782 = arith.shli %max3A_1637, %shift_left3A_1781 : vector<16xi32>
          %shift_right_arithmetic3A_1783 = arith.constant 2 : i32
          %shift_right_arithmetic3A_1784 = vector.broadcast %shift_right_arithmetic3A_1783 : i32 to vector<16xi32>
          %shift_right_arithmetic3A_1785 = arith.shrsi %and3A_1779, %shift_right_arithmetic3A_1784 : vector<16xi32>
          %add3A_1786 = arith.addi %shift_left3A_1782, %shift_right_arithmetic3A_1785 : vector<16xi32>
          %gather3A_1787 = tpu.vector_load_idx %arg13[%add3A_1786] : memref<32784xi32, #tpu.memory_space<vmem>>[vector<16xi32>], vector<16xi32>,
          %and3A_1788 = arith.constant 3 : i32
          %and3A_1789 = vector.broadcast %and3A_1788 : i32 to vector<16xi32>
          %and3A_1790 = arith.andi %and3A_1779, %and3A_1789 : vector<16xi32>
          %shift_left3A_1791 = arith.constant 3 : i32
          %shift_left3A_1792 = vector.broadcast %shift_left3A_1791 : i32 to vector<16xi32>
          %shift_left3A_1793 = arith.shli %and3A_1790, %shift_left3A_1792 : vector<16xi32>
          %shift_right_arithmetic3A_1794 = arith.shrsi %gather3A_1787, %shift_left3A_1793 : vector<16xi32>
          %and3A_1795 = arith.constant 255 : i32
          %and3A_1796 = vector.broadcast %and3A_1795 : i32 to vector<16xi32>
          %and3A_1797 = arith.andi %shift_right_arithmetic3A_1794, %and3A_1796 : vector<16xi32>
          %shift_left3A_1798 = arith.constant 6 : i32
          %shift_left3A_1799 = vector.broadcast %shift_left3A_1798 : i32 to vector<16xi32>
          %shift_left3A_1800 = arith.shli %min3A_1638, %shift_left3A_1799 : vector<16xi32>
          %shift_right_arithmetic3A_1801 = arith.constant 2 : i32
          %shift_right_arithmetic3A_1802 = vector.broadcast %shift_right_arithmetic3A_1801 : i32 to vector<16xi32>
          %shift_right_arithmetic3A_1803 = arith.shrsi %and3A_1797, %shift_right_arithmetic3A_1802 : vector<16xi32>
          %add3A_1804 = arith.addi %shift_left3A_1800, %shift_right_arithmetic3A_1803 : vector<16xi32>
          %gather3A_1805 = tpu.vector_load_idx %arg13[%add3A_1804] : memref<32784xi32, #tpu.memory_space<vmem>>[vector<16xi32>], vector<16xi32>,
          %and3A_1806 = arith.constant 3 : i32
          %and3A_1807 = vector.broadcast %and3A_1806 : i32 to vector<16xi32>
          %and3A_1808 = arith.andi %and3A_1797, %and3A_1807 : vector<16xi32>
          %shift_left3A_1809 = arith.constant 3 : i32
          %shift_left3A_1810 = vector.broadcast %shift_left3A_1809 : i32 to vector<16xi32>
          %shift_left3A_1811 = arith.shli %and3A_1808, %shift_left3A_1810 : vector<16xi32>
          %shift_right_arithmetic3A_1812 = arith.shrsi %gather3A_1805, %shift_left3A_1811 : vector<16xi32>
          %and3A_1813 = arith.constant 255 : i32
          %and3A_1814 = vector.broadcast %and3A_1813 : i32 to vector<16xi32>
          %and3A_1815 = arith.andi %shift_right_arithmetic3A_1812, %and3A_1814 : vector<16xi32>
          %shift_left3A_1816 = arith.constant 6 : i32
          %shift_left3A_1817 = vector.broadcast %shift_left3A_1816 : i32 to vector<16xi32>
          %shift_left3A_1818 = arith.shli %max3A_1639, %shift_left3A_1817 : vector<16xi32>
          %shift_right_arithmetic3A_1819 = arith.constant 2 : i32
          %shift_right_arithmetic3A_1820 = vector.broadcast %shift_right_arithmetic3A_1819 : i32 to vector<16xi32>
          %shift_right_arithmetic3A_1821 = arith.shrsi %and3A_1815, %shift_right_arithmetic3A_1820 : vector<16xi32>
          %add3A_1822 = arith.addi %shift_left3A_1818, %shift_right_arithmetic3A_1821 : vector<16xi32>
          %gather3A_1823 = tpu.vector_load_idx %arg13[%add3A_1822] : memref<32784xi32, #tpu.memory_space<vmem>>[vector<16xi32>], vector<16xi32>,
          %and3A_1824 = arith.constant 3 : i32
          %and3A_1825 = vector.broadcast %and3A_1824 : i32 to vector<16xi32>
          %and3A_1826 = arith.andi %and3A_1815, %and3A_1825 : vector<16xi32>
          %shift_left3A_1827 = arith.constant 3 : i32
          %shift_left3A_1828 = vector.broadcast %shift_left3A_1827 : i32 to vector<16xi32>
          %shift_left3A_1829 = arith.shli %and3A_1826, %shift_left3A_1828 : vector<16xi32>
          %shift_right_arithmetic3A_1830 = arith.shrsi %gather3A_1823, %shift_left3A_1829 : vector<16xi32>
          %and3A_1831 = arith.constant 255 : i32
          %and3A_1832 = vector.broadcast %and3A_1831 : i32 to vector<16xi32>
          %and3A_1833 = arith.andi %shift_right_arithmetic3A_1830, %and3A_1832 : vector<16xi32>
          %shift_left3A_1834 = arith.constant 6 : i32
          %shift_left3A_1835 = vector.broadcast %shift_left3A_1834 : i32 to vector<16xi32>
          %shift_left3A_1836 = arith.shli %min3A_1640, %shift_left3A_1835 : vector<16xi32>
          %shift_right_arithmetic3A_1837 = arith.constant 2 : i32
          %shift_right_arithmetic3A_1838 = vector.broadcast %shift_right_arithmetic3A_1837 : i32 to vector<16xi32>
          %shift_right_arithmetic3A_1839 = arith.shrsi %and3A_1833, %shift_right_arithmetic3A_1838 : vector<16xi32>
          %add3A_1840 = arith.addi %shift_left3A_1836, %shift_right_arithmetic3A_1839 : vector<16xi32>
          %gather3A_1841 = tpu.vector_load_idx %arg13[%add3A_1840] : memref<32784xi32, #tpu.memory_space<vmem>>[vector<16xi32>], vector<16xi32>,
          %and3A_1842 = arith.constant 3 : i32
          %and3A_1843 = vector.broadcast %and3A_1842 : i32 to vector<16xi32>
          %and3A_1844 = arith.andi %and3A_1833, %and3A_1843 : vector<16xi32>
          %shift_left3A_1845 = arith.constant 3 : i32
          %shift_left3A_1846 = vector.broadcast %shift_left3A_1845 : i32 to vector<16xi32>
          %shift_left3A_1847 = arith.shli %and3A_1844, %shift_left3A_1846 : vector<16xi32>
          %shift_right_arithmetic3A_1848 = arith.shrsi %gather3A_1841, %shift_left3A_1847 : vector<16xi32>
          %and3A_1849 = arith.constant 255 : i32
          %and3A_1850 = vector.broadcast %and3A_1849 : i32 to vector<16xi32>
          %and3A_1851 = arith.andi %shift_right_arithmetic3A_1848, %and3A_1850 : vector<16xi32>
          %shift_left3A_1852 = arith.constant 6 : i32
          %shift_left3A_1853 = vector.broadcast %shift_left3A_1852 : i32 to vector<16xi32>
          %shift_left3A_1854 = arith.shli %max3A_1641, %shift_left3A_1853 : vector<16xi32>
          %shift_right_arithmetic3A_1855 = arith.constant 2 : i32
          %shift_right_arithmetic3A_1856 = vector.broadcast %shift_right_arithmetic3A_1855 : i32 to vector<16xi32>
          %shift_right_arithmetic3A_1857 = arith.shrsi %and3A_1851, %shift_right_arithmetic3A_1856 : vector<16xi32>
          %add3A_1858 = arith.addi %shift_left3A_1854, %shift_right_arithmetic3A_1857 : vector<16xi32>
          %gather3A_1859 = tpu.vector_load_idx %arg13[%add3A_1858] : memref<32784xi32, #tpu.memory_space<vmem>>[vector<16xi32>], vector<16xi32>,
          %and3A_1860 = arith.constant 3 : i32
          %and3A_1861 = vector.broadcast %and3A_1860 : i32 to vector<16xi32>
          %and3A_1862 = arith.andi %and3A_1851, %and3A_1861 : vector<16xi32>
          %shift_left3A_1863 = arith.constant 3 : i32
          %shift_left3A_1864 = vector.broadcast %shift_left3A_1863 : i32 to vector<16xi32>
          %shift_left3A_1865 = arith.shli %and3A_1862, %shift_left3A_1864 : vector<16xi32>
          %shift_right_arithmetic3A_1866 = arith.shrsi %gather3A_1859, %shift_left3A_1865 : vector<16xi32>
          %and3A_1867 = arith.constant 255 : i32
          %and3A_1868 = vector.broadcast %and3A_1867 : i32 to vector<16xi32>
          %and3A_1869 = arith.andi %shift_right_arithmetic3A_1866, %and3A_1868 : vector<16xi32>
          %shift_left3A_1870 = arith.constant 6 : i32
          %shift_left3A_1871 = vector.broadcast %shift_left3A_1870 : i32 to vector<16xi32>
          %shift_left3A_1872 = arith.shli %min3A_1642, %shift_left3A_1871 : vector<16xi32>
          %shift_right_arithmetic3A_1873 = arith.constant 2 : i32
          %shift_right_arithmetic3A_1874 = vector.broadcast %shift_right_arithmetic3A_1873 : i32 to vector<16xi32>
          %shift_right_arithmetic3A_1875 = arith.shrsi %and3A_1869, %shift_right_arithmetic3A_1874 : vector<16xi32>
          %add3A_1876 = arith.addi %shift_left3A_1872, %shift_right_arithmetic3A_1875 : vector<16xi32>
          %gather3A_1877 = tpu.vector_load_idx %arg13[%add3A_1876] : memref<32784xi32, #tpu.memory_space<vmem>>[vector<16xi32>], vector<16xi32>,
          %and3A_1878 = arith.constant 3 : i32
          %and3A_1879 = vector.broadcast %and3A_1878 : i32 to vector<16xi32>
          %and3A_1880 = arith.andi %and3A_1869, %and3A_1879 : vector<16xi32>
          %shift_left3A_1881 = arith.constant 3 : i32
          %shift_left3A_1882 = vector.broadcast %shift_left3A_1881 : i32 to vector<16xi32>
          %shift_left3A_1883 = arith.shli %and3A_1880, %shift_left3A_1882 : vector<16xi32>
          %shift_right_arithmetic3A_1884 = arith.shrsi %gather3A_1877, %shift_left3A_1883 : vector<16xi32>
          %and3A_1885 = arith.constant 255 : i32
          %and3A_1886 = vector.broadcast %and3A_1885 : i32 to vector<16xi32>
          %and3A_1887 = arith.andi %shift_right_arithmetic3A_1884, %and3A_1886 : vector<16xi32>
          %shift_left3A_1888 = arith.constant 6 : i32
          %shift_left3A_1889 = vector.broadcast %shift_left3A_1888 : i32 to vector<16xi32>
          %shift_left3A_1890 = arith.shli %max3A_1643, %shift_left3A_1889 : vector<16xi32>
          %shift_right_arithmetic3A_1891 = arith.constant 2 : i32
          %shift_right_arithmetic3A_1892 = vector.broadcast %shift_right_arithmetic3A_1891 : i32 to vector<16xi32>
          %shift_right_arithmetic3A_1893 = arith.shrsi %and3A_1887, %shift_right_arithmetic3A_1892 : vector<16xi32>
          %add3A_1894 = arith.addi %shift_left3A_1890, %shift_right_arithmetic3A_1893 : vector<16xi32>
          %gather3A_1895 = tpu.vector_load_idx %arg13[%add3A_1894] : memref<32784xi32, #tpu.memory_space<vmem>>[vector<16xi32>], vector<16xi32>,
          %and3A_1896 = arith.constant 3 : i32
          %and3A_1897 = vector.broadcast %and3A_1896 : i32 to vector<16xi32>
          %and3A_1898 = arith.andi %and3A_1887, %and3A_1897 : vector<16xi32>
          %shift_left3A_1899 = arith.constant 3 : i32
          %shift_left3A_1900 = vector.broadcast %shift_left3A_1899 : i32 to vector<16xi32>
          %shift_left3A_1901 = arith.shli %and3A_1898, %shift_left3A_1900 : vector<16xi32>
          %shift_right_arithmetic3A_1902 = arith.shrsi %gather3A_1895, %shift_left3A_1901 : vector<16xi32>
          %and3A_1903 = arith.constant 255 : i32
          %and3A_1904 = vector.broadcast %and3A_1903 : i32 to vector<16xi32>
          %and3A_1905 = arith.andi %shift_right_arithmetic3A_1902, %and3A_1904 : vector<16xi32>
          %shift_left3A_1906 = arith.constant 6 : i32
          %shift_left3A_1907 = vector.broadcast %shift_left3A_1906 : i32 to vector<16xi32>
          %shift_left3A_1908 = arith.shli %min3A_1644, %shift_left3A_1907 : vector<16xi32>
          %shift_right_arithmetic3A_1909 = arith.constant 2 : i32
          %shift_right_arithmetic3A_1910 = vector.broadcast %shift_right_arithmetic3A_1909 : i32 to vector<16xi32>
          %shift_right_arithmetic3A_1911 = arith.shrsi %and3A_1905, %shift_right_arithmetic3A_1910 : vector<16xi32>
          %add3A_1912 = arith.addi %shift_left3A_1908, %shift_right_arithmetic3A_1911 : vector<16xi32>
          %gather3A_1913 = tpu.vector_load_idx %arg13[%add3A_1912] : memref<32784xi32, #tpu.memory_space<vmem>>[vector<16xi32>], vector<16xi32>,
          %and3A_1914 = arith.constant 3 : i32
          %and3A_1915 = vector.broadcast %and3A_1914 : i32 to vector<16xi32>
          %and3A_1916 = arith.andi %and3A_1905, %and3A_1915 : vector<16xi32>
          %shift_left3A_1917 = arith.constant 3 : i32
          %shift_left3A_1918 = vector.broadcast %shift_left3A_1917 : i32 to vector<16xi32>
          %shift_left3A_1919 = arith.shli %and3A_1916, %shift_left3A_1918 : vector<16xi32>
          %shift_right_arithmetic3A_1920 = arith.shrsi %gather3A_1913, %shift_left3A_1919 : vector<16xi32>
          %and3A_1921 = arith.constant 255 : i32
          %and3A_1922 = vector.broadcast %and3A_1921 : i32 to vector<16xi32>
          %and3A_1923 = arith.andi %shift_right_arithmetic3A_1920, %and3A_1922 : vector<16xi32>
          %shift_left3A_1924 = arith.constant 6 : i32
          %shift_left3A_1925 = vector.broadcast %shift_left3A_1924 : i32 to vector<16xi32>
          %shift_left3A_1926 = arith.shli %max3A_1645, %shift_left3A_1925 : vector<16xi32>
          %shift_right_arithmetic3A_1927 = arith.constant 2 : i32
          %shift_right_arithmetic3A_1928 = vector.broadcast %shift_right_arithmetic3A_1927 : i32 to vector<16xi32>
          %shift_right_arithmetic3A_1929 = arith.shrsi %and3A_1923, %shift_right_arithmetic3A_1928 : vector<16xi32>
          %add3A_1930 = arith.addi %shift_left3A_1926, %shift_right_arithmetic3A_1929 : vector<16xi32>
          %gather3A_1931 = tpu.vector_load_idx %arg13[%add3A_1930] : memref<32784xi32, #tpu.memory_space<vmem>>[vector<16xi32>], vector<16xi32>,
          %and3A_1932 = arith.constant 3 : i32
          %and3A_1933 = vector.broadcast %and3A_1932 : i32 to vector<16xi32>
          %and3A_1934 = arith.andi %and3A_1923, %and3A_1933 : vector<16xi32>
          %shift_left3A_1935 = arith.constant 3 : i32
          %shift_left3A_1936 = vector.broadcast %shift_left3A_1935 : i32 to vector<16xi32>
          %shift_left3A_1937 = arith.shli %and3A_1934, %shift_left3A_1936 : vector<16xi32>
          %shift_right_arithmetic3A_1938 = arith.shrsi %gather3A_1931, %shift_left3A_1937 : vector<16xi32>
          %and3A_1939 = arith.constant 255 : i32
          %and3A_1940 = vector.broadcast %and3A_1939 : i32 to vector<16xi32>
          %and3A_1941 = arith.andi %shift_right_arithmetic3A_1938, %and3A_1940 : vector<16xi32>
          %shift_left3A_1942 = arith.constant 6 : i32
          %shift_left3A_1943 = vector.broadcast %shift_left3A_1942 : i32 to vector<16xi32>
          %shift_left3A_1944 = arith.shli %min3A_1646, %shift_left3A_1943 : vector<16xi32>
          %shift_right_arithmetic3A_1945 = arith.constant 2 : i32
          %shift_right_arithmetic3A_1946 = vector.broadcast %shift_right_arithmetic3A_1945 : i32 to vector<16xi32>
          %shift_right_arithmetic3A_1947 = arith.shrsi %and3A_1941, %shift_right_arithmetic3A_1946 : vector<16xi32>
          %add3A_1948 = arith.addi %shift_left3A_1944, %shift_right_arithmetic3A_1947 : vector<16xi32>
          %gather3A_1949 = tpu.vector_load_idx %arg13[%add3A_1948] : memref<32784xi32, #tpu.memory_space<vmem>>[vector<16xi32>], vector<16xi32>,
          %and3A_1950 = arith.constant 3 : i32
          %and3A_1951 = vector.broadcast %and3A_1950 : i32 to vector<16xi32>
          %and3A_1952 = arith.andi %and3A_1941, %and3A_1951 : vector<16xi32>
          %shift_left3A_1953 = arith.constant 3 : i32
          %shift_left3A_1954 = vector.broadcast %shift_left3A_1953 : i32 to vector<16xi32>
          %shift_left3A_1955 = arith.shli %and3A_1952, %shift_left3A_1954 : vector<16xi32>
          %shift_right_arithmetic3A_1956 = arith.shrsi %gather3A_1949, %shift_left3A_1955 : vector<16xi32>
          %and3A_1957 = arith.constant 255 : i32
          %and3A_1958 = vector.broadcast %and3A_1957 : i32 to vector<16xi32>
          %and3A_1959 = arith.andi %shift_right_arithmetic3A_1956, %and3A_1958 : vector<16xi32>
          %shift_left3A_1960 = arith.constant 6 : i32
          %shift_left3A_1961 = vector.broadcast %shift_left3A_1960 : i32 to vector<16xi32>
          %shift_left3A_1962 = arith.shli %max3A_1647, %shift_left3A_1961 : vector<16xi32>
          %shift_right_arithmetic3A_1963 = arith.constant 2 : i32
          %shift_right_arithmetic3A_1964 = vector.broadcast %shift_right_arithmetic3A_1963 : i32 to vector<16xi32>
          %shift_right_arithmetic3A_1965 = arith.shrsi %and3A_1959, %shift_right_arithmetic3A_1964 : vector<16xi32>
          %add3A_1966 = arith.addi %shift_left3A_1962, %shift_right_arithmetic3A_1965 : vector<16xi32>
          %gather3A_1967 = tpu.vector_load_idx %arg13[%add3A_1966] : memref<32784xi32, #tpu.memory_space<vmem>>[vector<16xi32>], vector<16xi32>,
          %and3A_1968 = arith.constant 3 : i32
          %and3A_1969 = vector.broadcast %and3A_1968 : i32 to vector<16xi32>
          %and3A_1970 = arith.andi %and3A_1959, %and3A_1969 : vector<16xi32>
          %shift_left3A_1971 = arith.constant 3 : i32
          %shift_left3A_1972 = vector.broadcast %shift_left3A_1971 : i32 to vector<16xi32>
          %shift_left3A_1973 = arith.shli %and3A_1970, %shift_left3A_1972 : vector<16xi32>
          %shift_right_arithmetic3A_1974 = arith.shrsi %gather3A_1967, %shift_left3A_1973 : vector<16xi32>
          %and3A_1975 = arith.constant 255 : i32
          %and3A_1976 = vector.broadcast %and3A_1975 : i32 to vector<16xi32>
          %and3A_1977 = arith.andi %shift_right_arithmetic3A_1974, %and3A_1976 : vector<16xi32>
          %shift_left3A_1978 = arith.constant 6 : i32
          %shift_left3A_1979 = vector.broadcast %shift_left3A_1978 : i32 to vector<16xi32>
          %shift_left3A_1980 = arith.shli %min3A_1648, %shift_left3A_1979 : vector<16xi32>
          %shift_right_arithmetic3A_1981 = arith.constant 2 : i32
          %shift_right_arithmetic3A_1982 = vector.broadcast %shift_right_arithmetic3A_1981 : i32 to vector<16xi32>
          %shift_right_arithmetic3A_1983 = arith.shrsi %and3A_1977, %shift_right_arithmetic3A_1982 : vector<16xi32>
          %add3A_1984 = arith.addi %shift_left3A_1980, %shift_right_arithmetic3A_1983 : vector<16xi32>
          %gather3A_1985 = tpu.vector_load_idx %arg13[%add3A_1984] : memref<32784xi32, #tpu.memory_space<vmem>>[vector<16xi32>], vector<16xi32>,
          %and3A_1986 = arith.constant 3 : i32
          %and3A_1987 = vector.broadcast %and3A_1986 : i32 to vector<16xi32>
          %and3A_1988 = arith.andi %and3A_1977, %and3A_1987 : vector<16xi32>
          %shift_left3A_1989 = arith.constant 3 : i32
          %shift_left3A_1990 = vector.broadcast %shift_left3A_1989 : i32 to vector<16xi32>
          %shift_left3A_1991 = arith.shli %and3A_1988, %shift_left3A_1990 : vector<16xi32>
          %shift_right_arithmetic3A_1992 = arith.shrsi %gather3A_1985, %shift_left3A_1991 : vector<16xi32>
          %and3A_1993 = arith.constant 255 : i32
          %and3A_1994 = vector.broadcast %and3A_1993 : i32 to vector<16xi32>
          %and3A_1995 = arith.andi %shift_right_arithmetic3A_1992, %and3A_1994 : vector<16xi32>
          %shift_left3A_1996 = arith.constant 6 : i32
          %shift_left3A_1997 = vector.broadcast %shift_left3A_1996 : i32 to vector<16xi32>
          %shift_left3A_1998 = arith.shli %max3A_1649, %shift_left3A_1997 : vector<16xi32>
          %shift_right_arithmetic3A_1999 = arith.constant 2 : i32
          %shift_right_arithmetic3A_2000 = vector.broadcast %shift_right_arithmetic3A_1999 : i32 to vector<16xi32>
          %shift_right_arithmetic3A_2001 = arith.shrsi %and3A_1995, %shift_right_arithmetic3A_2000 : vector<16xi32>
          %add3A_2002 = arith.addi %shift_left3A_1998, %shift_right_arithmetic3A_2001 : vector<16xi32>
          %gather3A_2003 = tpu.vector_load_idx %arg13[%add3A_2002] : memref<32784xi32, #tpu.memory_space<vmem>>[vector<16xi32>], vector<16xi32>,
          %and3A_2004 = arith.constant 3 : i32
          %and3A_2005 = vector.broadcast %and3A_2004 : i32 to vector<16xi32>
          %and3A_2006 = arith.andi %and3A_1995, %and3A_2005 : vector<16xi32>
          %shift_left3A_2007 = arith.constant 3 : i32
          %shift_left3A_2008 = vector.broadcast %shift_left3A_2007 : i32 to vector<16xi32>
          %shift_left3A_2009 = arith.shli %and3A_2006, %shift_left3A_2008 : vector<16xi32>
          %shift_right_arithmetic3A_2010 = arith.shrsi %gather3A_2003, %shift_left3A_2009 : vector<16xi32>
          %and3A_2011 = arith.constant 255 : i32
          %and3A_2012 = vector.broadcast %and3A_2011 : i32 to vector<16xi32>
          %and3A_2013 = arith.andi %shift_right_arithmetic3A_2010, %and3A_2012 : vector<16xi32>
          %shift_left3A_2014 = arith.constant 6 : i32
          %shift_left3A_2015 = vector.broadcast %shift_left3A_2014 : i32 to vector<16xi32>
          %shift_left3A_2016 = arith.shli %min3A_1650, %shift_left3A_2015 : vector<16xi32>
          %shift_right_arithmetic3A_2017 = arith.constant 2 : i32
          %shift_right_arithmetic3A_2018 = vector.broadcast %shift_right_arithmetic3A_2017 : i32 to vector<16xi32>
          %shift_right_arithmetic3A_2019 = arith.shrsi %and3A_2013, %shift_right_arithmetic3A_2018 : vector<16xi32>
          %add3A_2020 = arith.addi %shift_left3A_2016, %shift_right_arithmetic3A_2019 : vector<16xi32>
          %gather3A_2021 = tpu.vector_load_idx %arg13[%add3A_2020] : memref<32784xi32, #tpu.memory_space<vmem>>[vector<16xi32>], vector<16xi32>,
          %and3A_2022 = arith.constant 3 : i32
          %and3A_2023 = vector.broadcast %and3A_2022 : i32 to vector<16xi32>
          %and3A_2024 = arith.andi %and3A_2013, %and3A_2023 : vector<16xi32>
          %shift_left3A_2025 = arith.constant 3 : i32
          %shift_left3A_2026 = vector.broadcast %shift_left3A_2025 : i32 to vector<16xi32>
          %shift_left3A_2027 = arith.shli %and3A_2024, %shift_left3A_2026 : vector<16xi32>
          %shift_right_arithmetic3A_2028 = arith.shrsi %gather3A_2021, %shift_left3A_2027 : vector<16xi32>
          %and3A_2029 = arith.constant 255 : i32
          %and3A_2030 = vector.broadcast %and3A_2029 : i32 to vector<16xi32>
          %and3A_2031 = arith.andi %shift_right_arithmetic3A_2028, %and3A_2030 : vector<16xi32>
          %shift_left3A_2032 = arith.constant 6 : i32
          %shift_left3A_2033 = vector.broadcast %shift_left3A_2032 : i32 to vector<16xi32>
          %shift_left3A_2034 = arith.shli %max3A_1651, %shift_left3A_2033 : vector<16xi32>
          %shift_right_arithmetic3A_2035 = arith.constant 2 : i32
          %shift_right_arithmetic3A_2036 = vector.broadcast %shift_right_arithmetic3A_2035 : i32 to vector<16xi32>
          %shift_right_arithmetic3A_2037 = arith.shrsi %and3A_2031, %shift_right_arithmetic3A_2036 : vector<16xi32>
          %add3A_2038 = arith.addi %shift_left3A_2034, %shift_right_arithmetic3A_2037 : vector<16xi32>
          %gather3A_2039 = tpu.vector_load_idx %arg13[%add3A_2038] : memref<32784xi32, #tpu.memory_space<vmem>>[vector<16xi32>], vector<16xi32>,
          %and3A_2040 = arith.constant 3 : i32
          %and3A_2041 = vector.broadcast %and3A_2040 : i32 to vector<16xi32>
          %and3A_2042 = arith.andi %and3A_2031, %and3A_2041 : vector<16xi32>
          %shift_left3A_2043 = arith.constant 3 : i32
          %shift_left3A_2044 = vector.broadcast %shift_left3A_2043 : i32 to vector<16xi32>
          %shift_left3A_2045 = arith.shli %and3A_2042, %shift_left3A_2044 : vector<16xi32>
          %shift_right_arithmetic3A_2046 = arith.shrsi %gather3A_2039, %shift_left3A_2045 : vector<16xi32>
          %and3A_2047 = arith.constant 255 : i32
          %and3A_2048 = vector.broadcast %and3A_2047 : i32 to vector<16xi32>
          %and3A_2049 = arith.andi %shift_right_arithmetic3A_2046, %and3A_2048 : vector<16xi32>
          %shift_left3A_2050 = arith.constant 6 : i32
          %shift_left3A_2051 = vector.broadcast %shift_left3A_2050 : i32 to vector<16xi32>
          %shift_left3A_2052 = arith.shli %min3A_1652, %shift_left3A_2051 : vector<16xi32>
          %shift_right_arithmetic3A_2053 = arith.constant 2 : i32
          %shift_right_arithmetic3A_2054 = vector.broadcast %shift_right_arithmetic3A_2053 : i32 to vector<16xi32>
          %shift_right_arithmetic3A_2055 = arith.shrsi %and3A_2049, %shift_right_arithmetic3A_2054 : vector<16xi32>
          %add3A_2056 = arith.addi %shift_left3A_2052, %shift_right_arithmetic3A_2055 : vector<16xi32>
          %gather3A_2057 = tpu.vector_load_idx %arg13[%add3A_2056] : memref<32784xi32, #tpu.memory_space<vmem>>[vector<16xi32>], vector<16xi32>,
          %and3A_2058 = arith.constant 3 : i32
          %and3A_2059 = vector.broadcast %and3A_2058 : i32 to vector<16xi32>
          %and3A_2060 = arith.andi %and3A_2049, %and3A_2059 : vector<16xi32>
          %shift_left3A_2061 = arith.constant 3 : i32
          %shift_left3A_2062 = vector.broadcast %shift_left3A_2061 : i32 to vector<16xi32>
          %shift_left3A_2063 = arith.shli %and3A_2060, %shift_left3A_2062 : vector<16xi32>
          %shift_right_arithmetic3A_2064 = arith.shrsi %gather3A_2057, %shift_left3A_2063 : vector<16xi32>
          %and3A_2065 = arith.constant 255 : i32
          %and3A_2066 = vector.broadcast %and3A_2065 : i32 to vector<16xi32>
          %and3A_2067 = arith.andi %shift_right_arithmetic3A_2064, %and3A_2066 : vector<16xi32>
          %shift_left3A_2068 = arith.constant 6 : i32
          %shift_left3A_2069 = vector.broadcast %shift_left3A_2068 : i32 to vector<16xi32>
          %shift_left3A_2070 = arith.shli %max3A_1653, %shift_left3A_2069 : vector<16xi32>
          %shift_right_arithmetic3A_2071 = arith.constant 2 : i32
          %shift_right_arithmetic3A_2072 = vector.broadcast %shift_right_arithmetic3A_2071 : i32 to vector<16xi32>
          %shift_right_arithmetic3A_2073 = arith.shrsi %and3A_2067, %shift_right_arithmetic3A_2072 : vector<16xi32>
          %add3A_2074 = arith.addi %shift_left3A_2070, %shift_right_arithmetic3A_2073 : vector<16xi32>
          %gather3A_2075 = tpu.vector_load_idx %arg13[%add3A_2074] : memref<32784xi32, #tpu.memory_space<vmem>>[vector<16xi32>], vector<16xi32>,
          %and3A_2076 = arith.constant 3 : i32
          %and3A_2077 = vector.broadcast %and3A_2076 : i32 to vector<16xi32>
          %and3A_2078 = arith.andi %and3A_2067, %and3A_2077 : vector<16xi32>
          %shift_left3A_2079 = arith.constant 3 : i32
          %shift_left3A_2080 = vector.broadcast %shift_left3A_2079 : i32 to vector<16xi32>
          %shift_left3A_2081 = arith.shli %and3A_2078, %shift_left3A_2080 : vector<16xi32>
          %shift_right_arithmetic3A_2082 = arith.shrsi %gather3A_2075, %shift_left3A_2081 : vector<16xi32>
          %and3A_2083 = arith.constant 255 : i32
          %and3A_2084 = vector.broadcast %and3A_2083 : i32 to vector<16xi32>
          %and3A_2085 = arith.andi %shift_right_arithmetic3A_2082, %and3A_2084 : vector<16xi32>
          %mul3A_2086 = arith.constant 16 : i32
          %mul3A_2087 = vector.broadcast %mul3A_2086 : i32 to vector<16xi32>
          %mul3A_2088 = arith.muli %and3A_2085, %mul3A_2087 : vector<16xi32>
          %add3A_2089 = vector.broadcast %scan3A_1188 : i32 to vector<16xi32>
          %add3A_2090 = arith.addi %mul3A_2088, %add3A_2089 : vector<16xi32>
          %gather3A_2091 = tpu.vector_load_idx %arg16[%add3A_2090] : memref<4096xi32, #tpu.memory_space<vmem>>[vector<16xi32>], vector<16xi32>,
          %mul3A_2092 = arith.constant 6 : i32
          %mul3A_2093 = vector.broadcast %mul3A_2092 : i32 to vector<16xi32>
          %mul3A_2094 = arith.muli %add3A_47, %mul3A_2093 : vector<16xi32>
          %add3A_2095 = vector.broadcast %scan3A_1188 : i32 to vector<16xi32>
          %add3A_2096 = arith.addi %mul3A_2094, %add3A_2095 : vector<16xi32>
          tpu.vector_store_idx %arg19[%add3A_2096], %gather3A_2091 masked %lt3A_49 : memref<1200xi32, #tpu.memory_space<vmem>>[vector<16xi32>], vector<16xi32>, vector<16xi1>
        }
        %scan3A_283 = arith.constant 6 : i32
      }
      %scan3A_36 = arith.constant 13 : i32
      %scan3A_37 = arith.constant 0 : i32
      %scan3A_38 = arith.constant 0 : i32
      %scan3A_39 = arith.constant 7 : i32
      %scan3A_40 = arith.addi %scan3A_38, %scan3A_39 : i32
      %scan3A_41 = arith.constant 1 : i32
      scf.for %scan3A_43 = %scan3A_38 to %scan3A_40 step %scan3A_41  : i32 {
        %add3A_44 = arith.constant 7 : i32
        %add3A_45 = arith.addi %scan3A_43, %add3A_44 : i32
        %add3A_46 = arith.constant 14 : i32
        %add3A_47 = arith.addi %scan3A_43, %add3A_46 : i32
        %add3A_48 = arith.constant 21 : i32
        %add3A_49 = arith.addi %scan3A_43, %add3A_48 : i32
        %min3A = arith.constant 24 : i32
        %min3A_50 = arith.minsi %add3A_49, %min3A : i32
        %jit3A = arith.constant 5 : i32
        %div3A = arith.divsi %scan3A_43, %jit3A : i32
        %sign3A = arith.constant 0 : i32
        %sign3A_51 = arith.cmpi sgt, %scan3A_43, %sign3A : i32
        %sign3A_52 = arith.extui %sign3A_51 : i1 to i32
        %sign3A_53 = arith.constant 0 : i32
        %sign3A_54 = arith.cmpi slt, %scan3A_43, %sign3A_53 : i32
        %sign3A_55 = arith.extui %sign3A_54 : i1 to i32
        %sign3A_56 = arith.subi %sign3A_52, %sign3A_55 : i32
        %sign3A_57 = arith.constant 0 : i32
        %sign3A_58 = arith.cmpi sgt, %jit3A, %sign3A_57 : i32
        %sign3A_59 = arith.extui %sign3A_58 : i1 to i32
        %sign3A_60 = arith.constant 0 : i32
        %sign3A_61 = arith.cmpi slt, %jit3A, %sign3A_60 : i32
        %sign3A_62 = arith.extui %sign3A_61 : i1 to i32
        %sign3A_63 = arith.subi %sign3A_59, %sign3A_62 : i32
        %ne3A = arith.cmpi ne, %sign3A_56, %sign3A_63 : i32
        %rem3A = arith.remsi %scan3A_43, %jit3A : i32
        %ne3A_64 = arith.constant 0 : i32
        %ne3A_65 = arith.cmpi ne, %rem3A, %ne3A_64 : i32
        %and3A = arith.andi %ne3A, %ne3A_65 : i1
        %sub3A = arith.constant 1 : i32
        %sub3A_66 = arith.subi %div3A, %sub3A : i32
        %select_n3A = arith.select %and3A, %sub3A_66, %div3A : i32
        %mul3A_67 = arith.constant 168 : i32
        %mul3A_68 = arith.muli %mul3A_67, %select_n3A : i32
        %jit3A_69 = arith.constant 5 : i32
        %eq3A = arith.constant 0 : i32
        %eq3A_70 = arith.cmpi eq, %jit3A_69, %eq3A : i32
        %jit3A_71 = arith.constant 1 : i32
        %select_n3A_72 = arith.select %eq3A_70, %jit3A_71, %jit3A_69 : i32
        %rem3A_73 = arith.remsi %scan3A_43, %select_n3A_72 : i32
        %ne3A_74 = arith.constant 0 : i32
        %ne3A_75 = arith.cmpi ne, %rem3A_73, %ne3A_74 : i32
        %lt3A = arith.constant 0 : i32
        %lt3A_76 = arith.cmpi slt, %rem3A_73, %lt3A : i32
        %lt3A_77 = arith.constant 0 : i32
        %lt3A_78 = arith.cmpi slt, %select_n3A_72, %lt3A_77 : i32
        %ne3A_79 = arith.xori %lt3A_76, %lt3A_78 : i1
        %and3A_80 = arith.andi %ne3A_79, %ne3A_75 : i1
        %add3A_81 = arith.addi %rem3A_73, %select_n3A_72 : i32
        %select_n3A_82 = arith.select %and3A_80, %add3A_81, %rem3A_73 : i32
        %mul3A_83 = arith.constant 12 : i32
        %mul3A_84 = arith.muli %mul3A_83, %select_n3A_82 : i32
        %add3A_85 = arith.addi %mul3A_68, %mul3A_84 : i32
        %jit3A_86 = arith.constant 5 : i32
        %div3A_87 = arith.divsi %add3A_45, %jit3A_86 : i32
        %sign3A_88 = arith.constant 0 : i32
        %sign3A_89 = arith.cmpi sgt, %add3A_45, %sign3A_88 : i32
        %sign3A_90 = arith.extui %sign3A_89 : i1 to i32
        %sign3A_91 = arith.constant 0 : i32
        %sign3A_92 = arith.cmpi slt, %add3A_45, %sign3A_91 : i32
        %sign3A_93 = arith.extui %sign3A_92 : i1 to i32
        %sign3A_94 = arith.subi %sign3A_90, %sign3A_93 : i32
        %sign3A_95 = arith.constant 0 : i32
        %sign3A_96 = arith.cmpi sgt, %jit3A_86, %sign3A_95 : i32
        %sign3A_97 = arith.extui %sign3A_96 : i1 to i32
        %sign3A_98 = arith.constant 0 : i32
        %sign3A_99 = arith.cmpi slt, %jit3A_86, %sign3A_98 : i32
        %sign3A_100 = arith.extui %sign3A_99 : i1 to i32
        %sign3A_101 = arith.subi %sign3A_97, %sign3A_100 : i32
        %ne3A_102 = arith.cmpi ne, %sign3A_94, %sign3A_101 : i32
        %rem3A_103 = arith.remsi %add3A_45, %jit3A_86 : i32
        %ne3A_104 = arith.constant 0 : i32
        %ne3A_105 = arith.cmpi ne, %rem3A_103, %ne3A_104 : i32
        %and3A_106 = arith.andi %ne3A_102, %ne3A_105 : i1
        %sub3A_107 = arith.constant 1 : i32
        %sub3A_108 = arith.subi %div3A_87, %sub3A_107 : i32
        %select_n3A_109 = arith.select %and3A_106, %sub3A_108, %div3A_87 : i32
        %mul3A_110 = arith.constant 168 : i32
        %mul3A_111 = arith.muli %mul3A_110, %select_n3A_109 : i32
        %jit3A_112 = arith.constant 5 : i32
        %eq3A_113 = arith.constant 0 : i32
        %eq3A_114 = arith.cmpi eq, %jit3A_112, %eq3A_113 : i32
        %jit3A_115 = arith.constant 1 : i32
        %select_n3A_116 = arith.select %eq3A_114, %jit3A_115, %jit3A_112 : i32
        %rem3A_117 = arith.remsi %add3A_45, %select_n3A_116 : i32
        %ne3A_118 = arith.constant 0 : i32
        %ne3A_119 = arith.cmpi ne, %rem3A_117, %ne3A_118 : i32
        %lt3A_120 = arith.constant 0 : i32
        %lt3A_121 = arith.cmpi slt, %rem3A_117, %lt3A_120 : i32
        %lt3A_122 = arith.constant 0 : i32
        %lt3A_123 = arith.cmpi slt, %select_n3A_116, %lt3A_122 : i32
        %ne3A_124 = arith.xori %lt3A_121, %lt3A_123 : i1
        %and3A_125 = arith.andi %ne3A_124, %ne3A_119 : i1
        %add3A_126 = arith.addi %rem3A_117, %select_n3A_116 : i32
        %select_n3A_127 = arith.select %and3A_125, %add3A_126, %rem3A_117 : i32
        %mul3A_128 = arith.constant 12 : i32
        %mul3A_129 = arith.muli %mul3A_128, %select_n3A_127 : i32
        %add3A_130 = arith.addi %mul3A_111, %mul3A_129 : i32
        %jit3A_131 = arith.constant 5 : i32
        %div3A_132 = arith.divsi %add3A_47, %jit3A_131 : i32
        %sign3A_133 = arith.constant 0 : i32
        %sign3A_134 = arith.cmpi sgt, %add3A_47, %sign3A_133 : i32
        %sign3A_135 = arith.extui %sign3A_134 : i1 to i32
        %sign3A_136 = arith.constant 0 : i32
        %sign3A_137 = arith.cmpi slt, %add3A_47, %sign3A_136 : i32
        %sign3A_138 = arith.extui %sign3A_137 : i1 to i32
        %sign3A_139 = arith.subi %sign3A_135, %sign3A_138 : i32
        %sign3A_140 = arith.constant 0 : i32
        %sign3A_141 = arith.cmpi sgt, %jit3A_131, %sign3A_140 : i32
        %sign3A_142 = arith.extui %sign3A_141 : i1 to i32
        %sign3A_143 = arith.constant 0 : i32
        %sign3A_144 = arith.cmpi slt, %jit3A_131, %sign3A_143 : i32
        %sign3A_145 = arith.extui %sign3A_144 : i1 to i32
        %sign3A_146 = arith.subi %sign3A_142, %sign3A_145 : i32
        %ne3A_147 = arith.cmpi ne, %sign3A_139, %sign3A_146 : i32
        %rem3A_148 = arith.remsi %add3A_47, %jit3A_131 : i32
        %ne3A_149 = arith.constant 0 : i32
        %ne3A_150 = arith.cmpi ne, %rem3A_148, %ne3A_149 : i32
        %and3A_151 = arith.andi %ne3A_147, %ne3A_150 : i1
        %sub3A_152 = arith.constant 1 : i32
        %sub3A_153 = arith.subi %div3A_132, %sub3A_152 : i32
        %select_n3A_154 = arith.select %and3A_151, %sub3A_153, %div3A_132 : i32
        %mul3A_155 = arith.constant 168 : i32
        %mul3A_156 = arith.muli %mul3A_155, %select_n3A_154 : i32
        %jit3A_157 = arith.constant 5 : i32
        %eq3A_158 = arith.constant 0 : i32
        %eq3A_159 = arith.cmpi eq, %jit3A_157, %eq3A_158 : i32
        %jit3A_160 = arith.constant 1 : i32
        %select_n3A_161 = arith.select %eq3A_159, %jit3A_160, %jit3A_157 : i32
        %rem3A_162 = arith.remsi %add3A_47, %select_n3A_161 : i32
        %ne3A_163 = arith.constant 0 : i32
        %ne3A_164 = arith.cmpi ne, %rem3A_162, %ne3A_163 : i32
        %lt3A_165 = arith.constant 0 : i32
        %lt3A_166 = arith.cmpi slt, %rem3A_162, %lt3A_165 : i32
        %lt3A_167 = arith.constant 0 : i32
        %lt3A_168 = arith.cmpi slt, %select_n3A_161, %lt3A_167 : i32
        %ne3A_169 = arith.xori %lt3A_166, %lt3A_168 : i1
        %and3A_170 = arith.andi %ne3A_169, %ne3A_164 : i1
        %add3A_171 = arith.addi %rem3A_162, %select_n3A_161 : i32
        %select_n3A_172 = arith.select %and3A_170, %add3A_171, %rem3A_162 : i32
        %mul3A_173 = arith.constant 12 : i32
        %mul3A_174 = arith.muli %mul3A_173, %select_n3A_172 : i32
        %add3A_175 = arith.addi %mul3A_156, %mul3A_174 : i32
        %jit3A_176 = arith.constant 5 : i32
        %div3A_177 = arith.divsi %min3A_50, %jit3A_176 : i32
        %sign3A_178 = arith.constant 0 : i32
        %sign3A_179 = arith.cmpi sgt, %min3A_50, %sign3A_178 : i32
        %sign3A_180 = arith.extui %sign3A_179 : i1 to i32
        %sign3A_181 = arith.constant 0 : i32
        %sign3A_182 = arith.cmpi slt, %min3A_50, %sign3A_181 : i32
        %sign3A_183 = arith.extui %sign3A_182 : i1 to i32
        %sign3A_184 = arith.subi %sign3A_180, %sign3A_183 : i32
        %sign3A_185 = arith.constant 0 : i32
        %sign3A_186 = arith.cmpi sgt, %jit3A_176, %sign3A_185 : i32
        %sign3A_187 = arith.extui %sign3A_186 : i1 to i32
        %sign3A_188 = arith.constant 0 : i32
        %sign3A_189 = arith.cmpi slt, %jit3A_176, %sign3A_188 : i32
        %sign3A_190 = arith.extui %sign3A_189 : i1 to i32
        %sign3A_191 = arith.subi %sign3A_187, %sign3A_190 : i32
        %ne3A_192 = arith.cmpi ne, %sign3A_184, %sign3A_191 : i32
        %rem3A_193 = arith.remsi %min3A_50, %jit3A_176 : i32
        %ne3A_194 = arith.constant 0 : i32
        %ne3A_195 = arith.cmpi ne, %rem3A_193, %ne3A_194 : i32
        %and3A_196 = arith.andi %ne3A_192, %ne3A_195 : i1
        %sub3A_197 = arith.constant 1 : i32
        %sub3A_198 = arith.subi %div3A_177, %sub3A_197 : i32
        %select_n3A_199 = arith.select %and3A_196, %sub3A_198, %div3A_177 : i32
        %mul3A_200 = arith.constant 168 : i32
        %mul3A_201 = arith.muli %mul3A_200, %select_n3A_199 : i32
        %jit3A_202 = arith.constant 5 : i32
        %eq3A_203 = arith.constant 0 : i32
        %eq3A_204 = arith.cmpi eq, %jit3A_202, %eq3A_203 : i32
        %jit3A_205 = arith.constant 1 : i32
        %select_n3A_206 = arith.select %eq3A_204, %jit3A_205, %jit3A_202 : i32
        %rem3A_207 = arith.remsi %min3A_50, %select_n3A_206 : i32
        %ne3A_208 = arith.constant 0 : i32
        %ne3A_209 = arith.cmpi ne, %rem3A_207, %ne3A_208 : i32
        %lt3A_210 = arith.constant 0 : i32
        %lt3A_211 = arith.cmpi slt, %rem3A_207, %lt3A_210 : i32
        %lt3A_212 = arith.constant 0 : i32
        %lt3A_213 = arith.cmpi slt, %select_n3A_206, %lt3A_212 : i32
        %ne3A_214 = arith.xori %lt3A_211, %lt3A_213 : i1
        %and3A_215 = arith.andi %ne3A_214, %ne3A_209 : i1
        %add3A_216 = arith.addi %rem3A_207, %select_n3A_206 : i32
        %select_n3A_217 = arith.select %and3A_215, %add3A_216, %rem3A_207 : i32
        %mul3A_218 = arith.constant 12 : i32
        %mul3A_219 = arith.muli %mul3A_218, %select_n3A_217 : i32
        %add3A_220 = arith.addi %mul3A_201, %mul3A_219 : i32
        %scan3A_221 = arith.constant 0 : i32
        %scan3A_222 = arith.constant 0 : i32
        %scan3A_223 = arith.constant 150 : i32
        %scan3A_224 = arith.addi %scan3A_222, %scan3A_223 : i32
        %scan3A_225 = arith.constant 2 : i32
        scf.for %scan3A_520 = %scan3A_222 to %scan3A_224 step %scan3A_225  : i32 {
          %jit3A_521 = arith.constant 30 : i32
          %div3A_522 = arith.divsi %scan3A_520, %jit3A_521 : i32
          %sign3A_523 = arith.constant 0 : i32
          %sign3A_524 = arith.cmpi sgt, %scan3A_520, %sign3A_523 : i32
          %sign3A_525 = arith.extui %sign3A_524 : i1 to i32
          %sign3A_526 = arith.constant 0 : i32
          %sign3A_527 = arith.cmpi slt, %scan3A_520, %sign3A_526 : i32
          %sign3A_528 = arith.extui %sign3A_527 : i1 to i32
          %sign3A_529 = arith.subi %sign3A_525, %sign3A_528 : i32
          %sign3A_530 = arith.constant 0 : i32
          %sign3A_531 = arith.cmpi sgt, %jit3A_521, %sign3A_530 : i32
          %sign3A_532 = arith.extui %sign3A_531 : i1 to i32
          %sign3A_533 = arith.constant 0 : i32
          %sign3A_534 = arith.cmpi slt, %jit3A_521, %sign3A_533 : i32
          %sign3A_535 = arith.extui %sign3A_534 : i1 to i32
          %sign3A_536 = arith.subi %sign3A_532, %sign3A_535 : i32
          %ne3A_537 = arith.cmpi ne, %sign3A_529, %sign3A_536 : i32
          %rem3A_538 = arith.remsi %scan3A_520, %jit3A_521 : i32
          %ne3A_539 = arith.constant 0 : i32
          %ne3A_540 = arith.cmpi ne, %rem3A_538, %ne3A_539 : i32
          %and3A_541 = arith.andi %ne3A_537, %ne3A_540 : i1
          %sub3A_542 = arith.constant 1 : i32
          %sub3A_543 = arith.subi %div3A_522, %sub3A_542 : i32
          %select_n3A_544 = arith.select %and3A_541, %sub3A_543, %div3A_522 : i32
          %mul3A_545 = arith.constant 30 : i32
          %mul3A_546 = arith.muli %select_n3A_544, %mul3A_545 : i32
          %sub3A_547 = arith.subi %scan3A_520, %mul3A_546 : i32
          %jit3A_548 = arith.constant 6 : i32
          %div3A_549 = arith.divsi %sub3A_547, %jit3A_548 : i32
          %sign3A_550 = arith.constant 0 : i32
          %sign3A_551 = arith.cmpi sgt, %sub3A_547, %sign3A_550 : i32
          %sign3A_552 = arith.extui %sign3A_551 : i1 to i32
          %sign3A_553 = arith.constant 0 : i32
          %sign3A_554 = arith.cmpi slt, %sub3A_547, %sign3A_553 : i32
          %sign3A_555 = arith.extui %sign3A_554 : i1 to i32
          %sign3A_556 = arith.subi %sign3A_552, %sign3A_555 : i32
          %sign3A_557 = arith.constant 0 : i32
          %sign3A_558 = arith.cmpi sgt, %jit3A_548, %sign3A_557 : i32
          %sign3A_559 = arith.extui %sign3A_558 : i1 to i32
          %sign3A_560 = arith.constant 0 : i32
          %sign3A_561 = arith.cmpi slt, %jit3A_548, %sign3A_560 : i32
          %sign3A_562 = arith.extui %sign3A_561 : i1 to i32
          %sign3A_563 = arith.subi %sign3A_559, %sign3A_562 : i32
          %ne3A_564 = arith.cmpi ne, %sign3A_556, %sign3A_563 : i32
          %rem3A_565 = arith.remsi %sub3A_547, %jit3A_548 : i32
          %ne3A_566 = arith.constant 0 : i32
          %ne3A_567 = arith.cmpi ne, %rem3A_565, %ne3A_566 : i32
          %and3A_568 = arith.andi %ne3A_564, %ne3A_567 : i1
          %sub3A_569 = arith.constant 1 : i32
          %sub3A_570 = arith.subi %div3A_549, %sub3A_569 : i32
          %select_n3A_571 = arith.select %and3A_568, %sub3A_570, %div3A_549 : i32
          %mul3A_572 = arith.constant 6 : i32
          %mul3A_573 = arith.muli %select_n3A_571, %mul3A_572 : i32
          %sub3A_574 = arith.subi %sub3A_547, %mul3A_573 : i32
          %mul3A_575 = arith.constant 84 : i32
          %mul3A_576 = arith.muli %select_n3A_544, %mul3A_575 : i32
          %mul3A_577 = arith.constant 6 : i32
          %mul3A_578 = arith.muli %select_n3A_571, %mul3A_577 : i32
          %add3A_579 = arith.addi %mul3A_576, %mul3A_578 : i32
          %add3A_580 = arith.addi %add3A_579, %sub3A_574 : i32
          %mul3A_581 = arith.constant 16 : i32
          %mul3A_582 = arith.muli %scan3A_520, %mul3A_581 : i32
          %get3A = arith.index_cast %mul3A_582 : i32 to index
          %get3A_583 = tpu.vector_load %arg15[%get3A] {strides = array<i32>} : memref<2400xi32, #tpu.memory_space<vmem>>, vector<16xi32>,
          %add3A_584 = arith.addi %add3A_85, %add3A_580 : i32
          %broadcast_in_dim3A_585 = vector.broadcast %add3A_584 : i32 to vector<16xi32>
          %gather3A_586 = tpu.vector_load_idx %arg19[%broadcast_in_dim3A_585] : memref<1200xi32, #tpu.memory_space<vmem>>[vector<16xi32>], vector<16xi32>,
          %shift_left3A_587 = arith.constant 8 : i32
          %shift_left3A_588 = vector.broadcast %shift_left3A_587 : i32 to vector<16xi32>
          %shift_left3A_589 = arith.shli %gather3A_586, %shift_left3A_588 : vector<16xi32>
          %add3A_590 = arith.addi %get3A_583, %shift_left3A_589 : vector<16xi32>
          %gather3A_591 = tpu.vector_load_idx %arg12[%add3A_590] : memref<65536xi32, #tpu.memory_space<vmem>>[vector<16xi32>], vector<16xi32>,
          %shift_left3A_592 = arith.constant 4 : i32
          %shift_left3A_593 = vector.broadcast %shift_left3A_592 : i32 to vector<16xi32>
          %shift_left3A_594 = arith.shli %gather3A_591, %shift_left3A_593 : vector<16xi32>
          %add3A_595 = arith.constant 16384 : i32
          %add3A_596 = vector.broadcast %add3A_595 : i32 to vector<16xi32>
          %add3A_597 = arith.addi %add3A_596, %shift_left3A_594 : vector<16xi32>
          %add3A_598 = arith.addi %add3A_597, %iota3A : vector<16xi32>
          tpu.vector_store_idx %arg13[%add3A_598], %broadcast_in_dim3A_1 {add = true} : memref<32784xi32, #tpu.memory_space<vmem>>[vector<16xi32>], vector<16xi32>,
          %add3A_599 = arith.addi %add3A_130, %add3A_580 : i32
          %broadcast_in_dim3A_600 = vector.broadcast %add3A_599 : i32 to vector<16xi32>
          %gather3A_601 = tpu.vector_load_idx %arg19[%broadcast_in_dim3A_600] : memref<1200xi32, #tpu.memory_space<vmem>>[vector<16xi32>], vector<16xi32>,
          %shift_left3A_602 = arith.constant 8 : i32
          %shift_left3A_603 = vector.broadcast %shift_left3A_602 : i32 to vector<16xi32>
          %shift_left3A_604 = arith.shli %gather3A_601, %shift_left3A_603 : vector<16xi32>
          %add3A_605 = arith.addi %get3A_583, %shift_left3A_604 : vector<16xi32>
          %gather3A_606 = tpu.vector_load_idx %arg12[%add3A_605] : memref<65536xi32, #tpu.memory_space<vmem>>[vector<16xi32>], vector<16xi32>,
          %shift_left3A_607 = arith.constant 4 : i32
          %shift_left3A_608 = vector.broadcast %shift_left3A_607 : i32 to vector<16xi32>
          %shift_left3A_609 = arith.shli %gather3A_606, %shift_left3A_608 : vector<16xi32>
          %add3A_610 = arith.constant 20480 : i32
          %add3A_611 = vector.broadcast %add3A_610 : i32 to vector<16xi32>
          %add3A_612 = arith.addi %add3A_611, %shift_left3A_609 : vector<16xi32>
          %add3A_613 = arith.addi %add3A_612, %iota3A : vector<16xi32>
          tpu.vector_store_idx %arg13[%add3A_613], %broadcast_in_dim3A_1 {add = true} : memref<32784xi32, #tpu.memory_space<vmem>>[vector<16xi32>], vector<16xi32>,
          %add3A_614 = arith.addi %add3A_175, %add3A_580 : i32
          %broadcast_in_dim3A_615 = vector.broadcast %add3A_614 : i32 to vector<16xi32>
          %gather3A_616 = tpu.vector_load_idx %arg19[%broadcast_in_dim3A_615] : memref<1200xi32, #tpu.memory_space<vmem>>[vector<16xi32>], vector<16xi32>,
          %shift_left3A_617 = arith.constant 8 : i32
          %shift_left3A_618 = vector.broadcast %shift_left3A_617 : i32 to vector<16xi32>
          %shift_left3A_619 = arith.shli %gather3A_616, %shift_left3A_618 : vector<16xi32>
          %add3A_620 = arith.addi %get3A_583, %shift_left3A_619 : vector<16xi32>
          %gather3A_621 = tpu.vector_load_idx %arg12[%add3A_620] : memref<65536xi32, #tpu.memory_space<vmem>>[vector<16xi32>], vector<16xi32>,
          %shift_left3A_622 = arith.constant 4 : i32
          %shift_left3A_623 = vector.broadcast %shift_left3A_622 : i32 to vector<16xi32>
          %shift_left3A_624 = arith.shli %gather3A_621, %shift_left3A_623 : vector<16xi32>
          %add3A_625 = arith.constant 24576 : i32
          %add3A_626 = vector.broadcast %add3A_625 : i32 to vector<16xi32>
          %add3A_627 = arith.addi %add3A_626, %shift_left3A_624 : vector<16xi32>
          %add3A_628 = arith.addi %add3A_627, %iota3A : vector<16xi32>
          tpu.vector_store_idx %arg13[%add3A_628], %broadcast_in_dim3A_1 {add = true} : memref<32784xi32, #tpu.memory_space<vmem>>[vector<16xi32>], vector<16xi32>,
          %add3A_629 = arith.addi %add3A_220, %add3A_580 : i32
          %broadcast_in_dim3A_630 = vector.broadcast %add3A_629 : i32 to vector<16xi32>
          %gather3A_631 = tpu.vector_load_idx %arg19[%broadcast_in_dim3A_630] : memref<1200xi32, #tpu.memory_space<vmem>>[vector<16xi32>], vector<16xi32>,
          %shift_left3A_632 = arith.constant 8 : i32
          %shift_left3A_633 = vector.broadcast %shift_left3A_632 : i32 to vector<16xi32>
          %shift_left3A_634 = arith.shli %gather3A_631, %shift_left3A_633 : vector<16xi32>
          %add3A_635 = arith.addi %get3A_583, %shift_left3A_634 : vector<16xi32>
          %gather3A_636 = tpu.vector_load_idx %arg12[%add3A_635] : memref<65536xi32, #tpu.memory_space<vmem>>[vector<16xi32>], vector<16xi32>,
          %shift_left3A_637 = arith.constant 4 : i32
          %shift_left3A_638 = vector.broadcast %shift_left3A_637 : i32 to vector<16xi32>
          %shift_left3A_639 = arith.shli %gather3A_636, %shift_left3A_638 : vector<16xi32>
          %add3A_640 = arith.constant 28672 : i32
          %add3A_641 = vector.broadcast %add3A_640 : i32 to vector<16xi32>
          %add3A_642 = arith.addi %add3A_641, %shift_left3A_639 : vector<16xi32>
          %add3A_643 = arith.addi %add3A_642, %iota3A : vector<16xi32>
          tpu.vector_store_idx %arg13[%add3A_643], %broadcast_in_dim3A_1 {add = true} : memref<32784xi32, #tpu.memory_space<vmem>>[vector<16xi32>], vector<16xi32>,
          %scan3A_644 = arith.constant 1 : i32
          %scan3A_645 = arith.addi %scan3A_520, %scan3A_644 : i32
          %jit3A_646 = arith.constant 30 : i32
          %div3A_647 = arith.divsi %scan3A_645, %jit3A_646 : i32
          %sign3A_648 = arith.constant 0 : i32
          %sign3A_649 = arith.cmpi sgt, %scan3A_645, %sign3A_648 : i32
          %sign3A_650 = arith.extui %sign3A_649 : i1 to i32
          %sign3A_651 = arith.constant 0 : i32
          %sign3A_652 = arith.cmpi slt, %scan3A_645, %sign3A_651 : i32
          %sign3A_653 = arith.extui %sign3A_652 : i1 to i32
          %sign3A_654 = arith.subi %sign3A_650, %sign3A_653 : i32
          %sign3A_655 = arith.constant 0 : i32
          %sign3A_656 = arith.cmpi sgt, %jit3A_646, %sign3A_655 : i32
          %sign3A_657 = arith.extui %sign3A_656 : i1 to i32
          %sign3A_658 = arith.constant 0 : i32
          %sign3A_659 = arith.cmpi slt, %jit3A_646, %sign3A_658 : i32
          %sign3A_660 = arith.extui %sign3A_659 : i1 to i32
          %sign3A_661 = arith.subi %sign3A_657, %sign3A_660 : i32
          %ne3A_662 = arith.cmpi ne, %sign3A_654, %sign3A_661 : i32
          %rem3A_663 = arith.remsi %scan3A_645, %jit3A_646 : i32
          %ne3A_664 = arith.constant 0 : i32
          %ne3A_665 = arith.cmpi ne, %rem3A_663, %ne3A_664 : i32
          %and3A_666 = arith.andi %ne3A_662, %ne3A_665 : i1
          %sub3A_667 = arith.constant 1 : i32
          %sub3A_668 = arith.subi %div3A_647, %sub3A_667 : i32
          %select_n3A_669 = arith.select %and3A_666, %sub3A_668, %div3A_647 : i32
          %mul3A_670 = arith.constant 30 : i32
          %mul3A_671 = arith.muli %select_n3A_669, %mul3A_670 : i32
          %sub3A_672 = arith.subi %scan3A_645, %mul3A_671 : i32
          %jit3A_673 = arith.constant 6 : i32
          %div3A_674 = arith.divsi %sub3A_672, %jit3A_673 : i32
          %sign3A_675 = arith.constant 0 : i32
          %sign3A_676 = arith.cmpi sgt, %sub3A_672, %sign3A_675 : i32
          %sign3A_677 = arith.extui %sign3A_676 : i1 to i32
          %sign3A_678 = arith.constant 0 : i32
          %sign3A_679 = arith.cmpi slt, %sub3A_672, %sign3A_678 : i32
          %sign3A_680 = arith.extui %sign3A_679 : i1 to i32
          %sign3A_681 = arith.subi %sign3A_677, %sign3A_680 : i32
          %sign3A_682 = arith.constant 0 : i32
          %sign3A_683 = arith.cmpi sgt, %jit3A_673, %sign3A_682 : i32
          %sign3A_684 = arith.extui %sign3A_683 : i1 to i32
          %sign3A_685 = arith.constant 0 : i32
          %sign3A_686 = arith.cmpi slt, %jit3A_673, %sign3A_685 : i32
          %sign3A_687 = arith.extui %sign3A_686 : i1 to i32
          %sign3A_688 = arith.subi %sign3A_684, %sign3A_687 : i32
          %ne3A_689 = arith.cmpi ne, %sign3A_681, %sign3A_688 : i32
          %rem3A_690 = arith.remsi %sub3A_672, %jit3A_673 : i32
          %ne3A_691 = arith.constant 0 : i32
          %ne3A_692 = arith.cmpi ne, %rem3A_690, %ne3A_691 : i32
          %and3A_693 = arith.andi %ne3A_689, %ne3A_692 : i1
          %sub3A_694 = arith.constant 1 : i32
          %sub3A_695 = arith.subi %div3A_674, %sub3A_694 : i32
          %select_n3A_696 = arith.select %and3A_693, %sub3A_695, %div3A_674 : i32
          %mul3A_697 = arith.constant 6 : i32
          %mul3A_698 = arith.muli %select_n3A_696, %mul3A_697 : i32
          %sub3A_699 = arith.subi %sub3A_672, %mul3A_698 : i32
          %mul3A_700 = arith.constant 84 : i32
          %mul3A_701 = arith.muli %select_n3A_669, %mul3A_700 : i32
          %mul3A_702 = arith.constant 6 : i32
          %mul3A_703 = arith.muli %select_n3A_696, %mul3A_702 : i32
          %add3A_704 = arith.addi %mul3A_701, %mul3A_703 : i32
          %add3A_705 = arith.addi %add3A_704, %sub3A_699 : i32
          %mul3A_706 = arith.constant 16 : i32
          %mul3A_707 = arith.muli %scan3A_645, %mul3A_706 : i32
          %get3A_708 = arith.index_cast %mul3A_707 : i32 to index
          %get3A_709 = tpu.vector_load %arg15[%get3A_708] {strides = array<i32>} : memref<2400xi32, #tpu.memory_space<vmem>>, vector<16xi32>,
          %add3A_710 = arith.addi %add3A_85, %add3A_705 : i32
          %broadcast_in_dim3A_711 = vector.broadcast %add3A_710 : i32 to vector<16xi32>
          %gather3A_712 = tpu.vector_load_idx %arg19[%broadcast_in_dim3A_711] : memref<1200xi32, #tpu.memory_space<vmem>>[vector<16xi32>], vector<16xi32>,
          %shift_left3A_713 = arith.constant 8 : i32
          %shift_left3A_714 = vector.broadcast %shift_left3A_713 : i32 to vector<16xi32>
          %shift_left3A_715 = arith.shli %gather3A_712, %shift_left3A_714 : vector<16xi32>
          %add3A_716 = arith.addi %get3A_709, %shift_left3A_715 : vector<16xi32>
          %gather3A_717 = tpu.vector_load_idx %arg12[%add3A_716] : memref<65536xi32, #tpu.memory_space<vmem>>[vector<16xi32>], vector<16xi32>,
          %shift_left3A_718 = arith.constant 4 : i32
          %shift_left3A_719 = vector.broadcast %shift_left3A_718 : i32 to vector<16xi32>
          %shift_left3A_720 = arith.shli %gather3A_717, %shift_left3A_719 : vector<16xi32>
          %add3A_721 = arith.constant 16384 : i32
          %add3A_722 = vector.broadcast %add3A_721 : i32 to vector<16xi32>
          %add3A_723 = arith.addi %add3A_722, %shift_left3A_720 : vector<16xi32>
          %add3A_724 = arith.addi %add3A_723, %iota3A : vector<16xi32>
          tpu.vector_store_idx %arg13[%add3A_724], %broadcast_in_dim3A_1 {add = true} : memref<32784xi32, #tpu.memory_space<vmem>>[vector<16xi32>], vector<16xi32>,
          %add3A_725 = arith.addi %add3A_130, %add3A_705 : i32
          %broadcast_in_dim3A_726 = vector.broadcast %add3A_725 : i32 to vector<16xi32>
          %gather3A_727 = tpu.vector_load_idx %arg19[%broadcast_in_dim3A_726] : memref<1200xi32, #tpu.memory_space<vmem>>[vector<16xi32>], vector<16xi32>,
          %shift_left3A_728 = arith.constant 8 : i32
          %shift_left3A_729 = vector.broadcast %shift_left3A_728 : i32 to vector<16xi32>
          %shift_left3A_730 = arith.shli %gather3A_727, %shift_left3A_729 : vector<16xi32>
          %add3A_731 = arith.addi %get3A_709, %shift_left3A_730 : vector<16xi32>
          %gather3A_732 = tpu.vector_load_idx %arg12[%add3A_731] : memref<65536xi32, #tpu.memory_space<vmem>>[vector<16xi32>], vector<16xi32>,
          %shift_left3A_733 = arith.constant 4 : i32
          %shift_left3A_734 = vector.broadcast %shift_left3A_733 : i32 to vector<16xi32>
          %shift_left3A_735 = arith.shli %gather3A_732, %shift_left3A_734 : vector<16xi32>
          %add3A_736 = arith.constant 20480 : i32
          %add3A_737 = vector.broadcast %add3A_736 : i32 to vector<16xi32>
          %add3A_738 = arith.addi %add3A_737, %shift_left3A_735 : vector<16xi32>
          %add3A_739 = arith.addi %add3A_738, %iota3A : vector<16xi32>
          tpu.vector_store_idx %arg13[%add3A_739], %broadcast_in_dim3A_1 {add = true} : memref<32784xi32, #tpu.memory_space<vmem>>[vector<16xi32>], vector<16xi32>,
          %add3A_740 = arith.addi %add3A_175, %add3A_705 : i32
          %broadcast_in_dim3A_741 = vector.broadcast %add3A_740 : i32 to vector<16xi32>
          %gather3A_742 = tpu.vector_load_idx %arg19[%broadcast_in_dim3A_741] : memref<1200xi32, #tpu.memory_space<vmem>>[vector<16xi32>], vector<16xi32>,
          %shift_left3A_743 = arith.constant 8 : i32
          %shift_left3A_744 = vector.broadcast %shift_left3A_743 : i32 to vector<16xi32>
          %shift_left3A_745 = arith.shli %gather3A_742, %shift_left3A_744 : vector<16xi32>
          %add3A_746 = arith.addi %get3A_709, %shift_left3A_745 : vector<16xi32>
          %gather3A_747 = tpu.vector_load_idx %arg12[%add3A_746] : memref<65536xi32, #tpu.memory_space<vmem>>[vector<16xi32>], vector<16xi32>,
          %shift_left3A_748 = arith.constant 4 : i32
          %shift_left3A_749 = vector.broadcast %shift_left3A_748 : i32 to vector<16xi32>
          %shift_left3A_750 = arith.shli %gather3A_747, %shift_left3A_749 : vector<16xi32>
          %add3A_751 = arith.constant 24576 : i32
          %add3A_752 = vector.broadcast %add3A_751 : i32 to vector<16xi32>
          %add3A_753 = arith.addi %add3A_752, %shift_left3A_750 : vector<16xi32>
          %add3A_754 = arith.addi %add3A_753, %iota3A : vector<16xi32>
          tpu.vector_store_idx %arg13[%add3A_754], %broadcast_in_dim3A_1 {add = true} : memref<32784xi32, #tpu.memory_space<vmem>>[vector<16xi32>], vector<16xi32>,
          %add3A_755 = arith.addi %add3A_220, %add3A_705 : i32
          %broadcast_in_dim3A_756 = vector.broadcast %add3A_755 : i32 to vector<16xi32>
          %gather3A_757 = tpu.vector_load_idx %arg19[%broadcast_in_dim3A_756] : memref<1200xi32, #tpu.memory_space<vmem>>[vector<16xi32>], vector<16xi32>,
          %shift_left3A_758 = arith.constant 8 : i32
          %shift_left3A_759 = vector.broadcast %shift_left3A_758 : i32 to vector<16xi32>
          %shift_left3A_760 = arith.shli %gather3A_757, %shift_left3A_759 : vector<16xi32>
          %add3A_761 = arith.addi %get3A_709, %shift_left3A_760 : vector<16xi32>
          %gather3A_762 = tpu.vector_load_idx %arg12[%add3A_761] : memref<65536xi32, #tpu.memory_space<vmem>>[vector<16xi32>], vector<16xi32>,
          %shift_left3A_763 = arith.constant 4 : i32
          %shift_left3A_764 = vector.broadcast %shift_left3A_763 : i32 to vector<16xi32>
          %shift_left3A_765 = arith.shli %gather3A_762, %shift_left3A_764 : vector<16xi32>
          %add3A_766 = arith.constant 28672 : i32
          %add3A_767 = vector.broadcast %add3A_766 : i32 to vector<16xi32>
          %add3A_768 = arith.addi %add3A_767, %shift_left3A_765 : vector<16xi32>
          %add3A_769 = arith.addi %add3A_768, %iota3A : vector<16xi32>
          tpu.vector_store_idx %arg13[%add3A_769], %broadcast_in_dim3A_1 {add = true} : memref<32784xi32, #tpu.memory_space<vmem>>[vector<16xi32>], vector<16xi32>,
        }
        %scan3A_226 = arith.constant 150 : i32
        %scan3A_227 = arith.constant 0 : i32
        %scan3A_228 = arith.constant 406 : i32
        %scan3A_229 = arith.addi %scan3A_227, %scan3A_228 : i32
        %scan3A_230 = arith.constant 2 : i32
        %scan3A_231:12 = scf.for %scan3A_520 = %scan3A_227 to %scan3A_229 step %scan3A_230 iter_args(%scan3A_521 = %broadcast_in_dim3A_3, %scan3A_522 = %broadcast_in_dim3A_5, %scan3A_523 = %broadcast_in_dim3A_3, %scan3A_524 = %broadcast_in_dim3A_3, %scan3A_525 = %broadcast_in_dim3A_5, %scan3A_526 = %broadcast_in_dim3A_3, %scan3A_527 = %broadcast_in_dim3A_3, %scan3A_528 = %broadcast_in_dim3A_5, %scan3A_529 = %broadcast_in_dim3A_3, %scan3A_530 = %broadcast_in_dim3A_3, %scan3A_531 = %broadcast_in_dim3A_5, %scan3A_532 = %broadcast_in_dim3A_3) -> (vector<16xi32>, vector<16xi32>, vector<16xi32>, vector<16xi32>, vector<16xi32>, vector<16xi32>, vector<16xi32>, vector<16xi32>, vector<16xi32>, vector<16xi32>, vector<16xi32>, vector<16xi32>)  : i32 {
          %gt3A_533 = arith.constant 0 : i32
          %gt3A_534 = vector.broadcast %gt3A_533 : i32 to vector<16xi32>
          %gt3A_535 = arith.cmpi sgt, %scan3A_522, %gt3A_534 : vector<16xi32>
          %min3A_536 = arith.constant 255 : i32
          %min3A_537 = vector.broadcast %min3A_536 : i32 to vector<16xi32>
          %min3A_538 = arith.minsi %scan3A_521, %min3A_537 : vector<16xi32>
          %max3A_539 = arith.constant 0 : i32
          %max3A_540 = vector.broadcast %max3A_539 : i32 to vector<16xi32>
          %max3A_541 = arith.maxsi %min3A_538, %max3A_540 : vector<16xi32>
          %max3A_542 = arith.constant 0 : i32
          %max3A_543 = vector.broadcast %max3A_542 : i32 to vector<16xi32>
          %max3A_544 = arith.maxsi %scan3A_523, %max3A_543 : vector<16xi32>
          %shift_left3A_545 = arith.constant 6 : i32
          %shift_left3A_546 = vector.broadcast %shift_left3A_545 : i32 to vector<16xi32>
          %shift_left3A_547 = arith.shli %max3A_541, %shift_left3A_546 : vector<16xi32>
          %shift_right_arithmetic3A_548 = arith.constant 2 : i32
          %shift_right_arithmetic3A_549 = vector.broadcast %shift_right_arithmetic3A_548 : i32 to vector<16xi32>
          %shift_right_arithmetic3A_550 = arith.shrsi %max3A_544, %shift_right_arithmetic3A_549 : vector<16xi32>
          %add3A_551 = arith.addi %shift_left3A_547, %shift_right_arithmetic3A_550 : vector<16xi32>
          %add3A_552 = arith.constant 1 : i32
          %add3A_553 = vector.broadcast %add3A_552 : i32 to vector<16xi32>
          %add3A_554 = arith.addi %scan3A_521, %add3A_553 : vector<16xi32>
          %gt3A_555 = arith.constant 255 : i32
          %gt3A_556 = vector.broadcast %gt3A_555 : i32 to vector<16xi32>
          %gt3A_557 = arith.cmpi sgt, %add3A_554, %gt3A_556 : vector<16xi32>
          %shift_left3A_558 = arith.constant 4 : i32
          %shift_left3A_559 = vector.broadcast %shift_left3A_558 : i32 to vector<16xi32>
          %shift_left3A_560 = arith.shli %add3A_554, %shift_left3A_559 : vector<16xi32>
          %add3A_561 = arith.constant 16384 : i32
          %add3A_562 = vector.broadcast %add3A_561 : i32 to vector<16xi32>
          %add3A_563 = arith.addi %add3A_562, %shift_left3A_560 : vector<16xi32>
          %jit3A_564 = arith.constant 32768 : i32
          %broadcast_in_dim3A_565 = vector.broadcast %jit3A_564 : i32 to vector<16xi32>
          %select_n3A_566 = arith.select %gt3A_557, %broadcast_in_dim3A_565, %add3A_563 : vector<16xi1>, vector<16xi32>
          %add3A_567 = arith.addi %select_n3A_566, %iota3A : vector<16xi32>
          %select_n3A_568 = arith.select %gt3A_535, %add3A_551, %add3A_567 : vector<16xi1>, vector<16xi32>
          %gather3A_569 = tpu.vector_load_idx %arg13[%select_n3A_568] : memref<32784xi32, #tpu.memory_space<vmem>>[vector<16xi32>], vector<16xi32>,
          %and3A_570 = arith.constant 3 : i32
          %and3A_571 = vector.broadcast %and3A_570 : i32 to vector<16xi32>
          %and3A_572 = arith.andi %max3A_544, %and3A_571 : vector<16xi32>
          %shift_left3A_573 = arith.constant 3 : i32
          %shift_left3A_574 = vector.broadcast %shift_left3A_573 : i32 to vector<16xi32>
          %shift_left3A_575 = arith.shli %and3A_572, %shift_left3A_574 : vector<16xi32>
          %shift_right_arithmetic3A_576 = arith.shrsi %gather3A_569, %shift_left3A_575 : vector<16xi32>
          %and3A_577 = arith.constant 255 : i32
          %and3A_578 = vector.broadcast %and3A_577 : i32 to vector<16xi32>
          %and3A_579 = arith.andi %shift_right_arithmetic3A_576, %and3A_578 : vector<16xi32>
          %lt3A_580 = arith.constant 0 : i32
          %lt3A_581 = vector.broadcast %lt3A_580 : i32 to vector<16xi32>
          %lt3A_582 = arith.cmpi slt, %scan3A_523, %lt3A_581 : vector<16xi32>
          %select_n3A_583 = arith.select %lt3A_582, %max3A_541, %and3A_579 : vector<16xi1>, vector<16xi32>
          %select_n3A_584 = arith.select %gt3A_535, %select_n3A_583, %scan3A_523 : vector<16xi1>, vector<16xi32>
          %sub3A_585 = arith.constant 1 : i32
          %sub3A_586 = vector.broadcast %sub3A_585 : i32 to vector<16xi32>
          %sub3A_587 = arith.subi %scan3A_522, %sub3A_586 : vector<16xi32>
          %select_n3A_588 = arith.select %gt3A_535, %sub3A_587, %gather3A_569 : vector<16xi1>, vector<16xi32>
          %select_n3A_589 = arith.select %gt3A_535, %scan3A_521, %add3A_554 : vector<16xi1>, vector<16xi32>
          %gt3A_590 = arith.constant 0 : i32
          %gt3A_591 = vector.broadcast %gt3A_590 : i32 to vector<16xi32>
          %gt3A_592 = arith.cmpi sgt, %scan3A_525, %gt3A_591 : vector<16xi32>
          %min3A_593 = arith.constant 255 : i32
          %min3A_594 = vector.broadcast %min3A_593 : i32 to vector<16xi32>
          %min3A_595 = arith.minsi %scan3A_524, %min3A_594 : vector<16xi32>
          %max3A_596 = arith.constant 0 : i32
          %max3A_597 = vector.broadcast %max3A_596 : i32 to vector<16xi32>
          %max3A_598 = arith.maxsi %min3A_595, %max3A_597 : vector<16xi32>
          %max3A_599 = arith.constant 0 : i32
          %max3A_600 = vector.broadcast %max3A_599 : i32 to vector<16xi32>
          %max3A_601 = arith.maxsi %scan3A_526, %max3A_600 : vector<16xi32>
          %shift_left3A_602 = arith.constant 6 : i32
          %shift_left3A_603 = vector.broadcast %shift_left3A_602 : i32 to vector<16xi32>
          %shift_left3A_604 = arith.shli %max3A_598, %shift_left3A_603 : vector<16xi32>
          %shift_right_arithmetic3A_605 = arith.constant 2 : i32
          %shift_right_arithmetic3A_606 = vector.broadcast %shift_right_arithmetic3A_605 : i32 to vector<16xi32>
          %shift_right_arithmetic3A_607 = arith.shrsi %max3A_601, %shift_right_arithmetic3A_606 : vector<16xi32>
          %add3A_608 = arith.addi %shift_left3A_604, %shift_right_arithmetic3A_607 : vector<16xi32>
          %add3A_609 = arith.constant 1 : i32
          %add3A_610 = vector.broadcast %add3A_609 : i32 to vector<16xi32>
          %add3A_611 = arith.addi %scan3A_524, %add3A_610 : vector<16xi32>
          %gt3A_612 = arith.constant 255 : i32
          %gt3A_613 = vector.broadcast %gt3A_612 : i32 to vector<16xi32>
          %gt3A_614 = arith.cmpi sgt, %add3A_611, %gt3A_613 : vector<16xi32>
          %shift_left3A_615 = arith.constant 4 : i32
          %shift_left3A_616 = vector.broadcast %shift_left3A_615 : i32 to vector<16xi32>
          %shift_left3A_617 = arith.shli %add3A_611, %shift_left3A_616 : vector<16xi32>
          %add3A_618 = arith.constant 20480 : i32
          %add3A_619 = vector.broadcast %add3A_618 : i32 to vector<16xi32>
          %add3A_620 = arith.addi %add3A_619, %shift_left3A_617 : vector<16xi32>
          %jit3A_621 = arith.constant 32768 : i32
          %broadcast_in_dim3A_622 = vector.broadcast %jit3A_621 : i32 to vector<16xi32>
          %select_n3A_623 = arith.select %gt3A_614, %broadcast_in_dim3A_622, %add3A_620 : vector<16xi1>, vector<16xi32>
          %add3A_624 = arith.addi %select_n3A_623, %iota3A : vector<16xi32>
          %select_n3A_625 = arith.select %gt3A_592, %add3A_608, %add3A_624 : vector<16xi1>, vector<16xi32>
          %gather3A_626 = tpu.vector_load_idx %arg13[%select_n3A_625] : memref<32784xi32, #tpu.memory_space<vmem>>[vector<16xi32>], vector<16xi32>,
          %and3A_627 = arith.constant 3 : i32
          %and3A_628 = vector.broadcast %and3A_627 : i32 to vector<16xi32>
          %and3A_629 = arith.andi %max3A_601, %and3A_628 : vector<16xi32>
          %shift_left3A_630 = arith.constant 3 : i32
          %shift_left3A_631 = vector.broadcast %shift_left3A_630 : i32 to vector<16xi32>
          %shift_left3A_632 = arith.shli %and3A_629, %shift_left3A_631 : vector<16xi32>
          %shift_right_arithmetic3A_633 = arith.shrsi %gather3A_626, %shift_left3A_632 : vector<16xi32>
          %and3A_634 = arith.constant 255 : i32
          %and3A_635 = vector.broadcast %and3A_634 : i32 to vector<16xi32>
          %and3A_636 = arith.andi %shift_right_arithmetic3A_633, %and3A_635 : vector<16xi32>
          %lt3A_637 = arith.constant 0 : i32
          %lt3A_638 = vector.broadcast %lt3A_637 : i32 to vector<16xi32>
          %lt3A_639 = arith.cmpi slt, %scan3A_526, %lt3A_638 : vector<16xi32>
          %select_n3A_640 = arith.select %lt3A_639, %max3A_598, %and3A_636 : vector<16xi1>, vector<16xi32>
          %select_n3A_641 = arith.select %gt3A_592, %select_n3A_640, %scan3A_526 : vector<16xi1>, vector<16xi32>
          %sub3A_642 = arith.constant 1 : i32
          %sub3A_643 = vector.broadcast %sub3A_642 : i32 to vector<16xi32>
          %sub3A_644 = arith.subi %scan3A_525, %sub3A_643 : vector<16xi32>
          %select_n3A_645 = arith.select %gt3A_592, %sub3A_644, %gather3A_626 : vector<16xi1>, vector<16xi32>
          %select_n3A_646 = arith.select %gt3A_592, %scan3A_524, %add3A_611 : vector<16xi1>, vector<16xi32>
          %gt3A_647 = arith.constant 0 : i32
          %gt3A_648 = vector.broadcast %gt3A_647 : i32 to vector<16xi32>
          %gt3A_649 = arith.cmpi sgt, %scan3A_528, %gt3A_648 : vector<16xi32>
          %min3A_650 = arith.constant 255 : i32
          %min3A_651 = vector.broadcast %min3A_650 : i32 to vector<16xi32>
          %min3A_652 = arith.minsi %scan3A_527, %min3A_651 : vector<16xi32>
          %max3A_653 = arith.constant 0 : i32
          %max3A_654 = vector.broadcast %max3A_653 : i32 to vector<16xi32>
          %max3A_655 = arith.maxsi %min3A_652, %max3A_654 : vector<16xi32>
          %max3A_656 = arith.constant 0 : i32
          %max3A_657 = vector.broadcast %max3A_656 : i32 to vector<16xi32>
          %max3A_658 = arith.maxsi %scan3A_529, %max3A_657 : vector<16xi32>
          %shift_left3A_659 = arith.constant 6 : i32
          %shift_left3A_660 = vector.broadcast %shift_left3A_659 : i32 to vector<16xi32>
          %shift_left3A_661 = arith.shli %max3A_655, %shift_left3A_660 : vector<16xi32>
          %shift_right_arithmetic3A_662 = arith.constant 2 : i32
          %shift_right_arithmetic3A_663 = vector.broadcast %shift_right_arithmetic3A_662 : i32 to vector<16xi32>
          %shift_right_arithmetic3A_664 = arith.shrsi %max3A_658, %shift_right_arithmetic3A_663 : vector<16xi32>
          %add3A_665 = arith.addi %shift_left3A_661, %shift_right_arithmetic3A_664 : vector<16xi32>
          %add3A_666 = arith.constant 1 : i32
          %add3A_667 = vector.broadcast %add3A_666 : i32 to vector<16xi32>
          %add3A_668 = arith.addi %scan3A_527, %add3A_667 : vector<16xi32>
          %gt3A_669 = arith.constant 255 : i32
          %gt3A_670 = vector.broadcast %gt3A_669 : i32 to vector<16xi32>
          %gt3A_671 = arith.cmpi sgt, %add3A_668, %gt3A_670 : vector<16xi32>
          %shift_left3A_672 = arith.constant 4 : i32
          %shift_left3A_673 = vector.broadcast %shift_left3A_672 : i32 to vector<16xi32>
          %shift_left3A_674 = arith.shli %add3A_668, %shift_left3A_673 : vector<16xi32>
          %add3A_675 = arith.constant 24576 : i32
          %add3A_676 = vector.broadcast %add3A_675 : i32 to vector<16xi32>
          %add3A_677 = arith.addi %add3A_676, %shift_left3A_674 : vector<16xi32>
          %jit3A_678 = arith.constant 32768 : i32
          %broadcast_in_dim3A_679 = vector.broadcast %jit3A_678 : i32 to vector<16xi32>
          %select_n3A_680 = arith.select %gt3A_671, %broadcast_in_dim3A_679, %add3A_677 : vector<16xi1>, vector<16xi32>
          %add3A_681 = arith.addi %select_n3A_680, %iota3A : vector<16xi32>
          %select_n3A_682 = arith.select %gt3A_649, %add3A_665, %add3A_681 : vector<16xi1>, vector<16xi32>
          %gather3A_683 = tpu.vector_load_idx %arg13[%select_n3A_682] : memref<32784xi32, #tpu.memory_space<vmem>>[vector<16xi32>], vector<16xi32>,
          %and3A_684 = arith.constant 3 : i32
          %and3A_685 = vector.broadcast %and3A_684 : i32 to vector<16xi32>
          %and3A_686 = arith.andi %max3A_658, %and3A_685 : vector<16xi32>
          %shift_left3A_687 = arith.constant 3 : i32
          %shift_left3A_688 = vector.broadcast %shift_left3A_687 : i32 to vector<16xi32>
          %shift_left3A_689 = arith.shli %and3A_686, %shift_left3A_688 : vector<16xi32>
          %shift_right_arithmetic3A_690 = arith.shrsi %gather3A_683, %shift_left3A_689 : vector<16xi32>
          %and3A_691 = arith.constant 255 : i32
          %and3A_692 = vector.broadcast %and3A_691 : i32 to vector<16xi32>
          %and3A_693 = arith.andi %shift_right_arithmetic3A_690, %and3A_692 : vector<16xi32>
          %lt3A_694 = arith.constant 0 : i32
          %lt3A_695 = vector.broadcast %lt3A_694 : i32 to vector<16xi32>
          %lt3A_696 = arith.cmpi slt, %scan3A_529, %lt3A_695 : vector<16xi32>
          %select_n3A_697 = arith.select %lt3A_696, %max3A_655, %and3A_693 : vector<16xi1>, vector<16xi32>
          %select_n3A_698 = arith.select %gt3A_649, %select_n3A_697, %scan3A_529 : vector<16xi1>, vector<16xi32>
          %sub3A_699 = arith.constant 1 : i32
          %sub3A_700 = vector.broadcast %sub3A_699 : i32 to vector<16xi32>
          %sub3A_701 = arith.subi %scan3A_528, %sub3A_700 : vector<16xi32>
          %select_n3A_702 = arith.select %gt3A_649, %sub3A_701, %gather3A_683 : vector<16xi1>, vector<16xi32>
          %select_n3A_703 = arith.select %gt3A_649, %scan3A_527, %add3A_668 : vector<16xi1>, vector<16xi32>
          %gt3A_704 = arith.constant 0 : i32
          %gt3A_705 = vector.broadcast %gt3A_704 : i32 to vector<16xi32>
          %gt3A_706 = arith.cmpi sgt, %scan3A_531, %gt3A_705 : vector<16xi32>
          %min3A_707 = arith.constant 255 : i32
          %min3A_708 = vector.broadcast %min3A_707 : i32 to vector<16xi32>
          %min3A_709 = arith.minsi %scan3A_530, %min3A_708 : vector<16xi32>
          %max3A_710 = arith.constant 0 : i32
          %max3A_711 = vector.broadcast %max3A_710 : i32 to vector<16xi32>
          %max3A_712 = arith.maxsi %min3A_709, %max3A_711 : vector<16xi32>
          %max3A_713 = arith.constant 0 : i32
          %max3A_714 = vector.broadcast %max3A_713 : i32 to vector<16xi32>
          %max3A_715 = arith.maxsi %scan3A_532, %max3A_714 : vector<16xi32>
          %shift_left3A_716 = arith.constant 6 : i32
          %shift_left3A_717 = vector.broadcast %shift_left3A_716 : i32 to vector<16xi32>
          %shift_left3A_718 = arith.shli %max3A_712, %shift_left3A_717 : vector<16xi32>
          %shift_right_arithmetic3A_719 = arith.constant 2 : i32
          %shift_right_arithmetic3A_720 = vector.broadcast %shift_right_arithmetic3A_719 : i32 to vector<16xi32>
          %shift_right_arithmetic3A_721 = arith.shrsi %max3A_715, %shift_right_arithmetic3A_720 : vector<16xi32>
          %add3A_722 = arith.addi %shift_left3A_718, %shift_right_arithmetic3A_721 : vector<16xi32>
          %add3A_723 = arith.constant 1 : i32
          %add3A_724 = vector.broadcast %add3A_723 : i32 to vector<16xi32>
          %add3A_725 = arith.addi %scan3A_530, %add3A_724 : vector<16xi32>
          %gt3A_726 = arith.constant 255 : i32
          %gt3A_727 = vector.broadcast %gt3A_726 : i32 to vector<16xi32>
          %gt3A_728 = arith.cmpi sgt, %add3A_725, %gt3A_727 : vector<16xi32>
          %shift_left3A_729 = arith.constant 4 : i32
          %shift_left3A_730 = vector.broadcast %shift_left3A_729 : i32 to vector<16xi32>
          %shift_left3A_731 = arith.shli %add3A_725, %shift_left3A_730 : vector<16xi32>
          %add3A_732 = arith.constant 28672 : i32
          %add3A_733 = vector.broadcast %add3A_732 : i32 to vector<16xi32>
          %add3A_734 = arith.addi %add3A_733, %shift_left3A_731 : vector<16xi32>
          %jit3A_735 = arith.constant 32768 : i32
          %broadcast_in_dim3A_736 = vector.broadcast %jit3A_735 : i32 to vector<16xi32>
          %select_n3A_737 = arith.select %gt3A_728, %broadcast_in_dim3A_736, %add3A_734 : vector<16xi1>, vector<16xi32>
          %add3A_738 = arith.addi %select_n3A_737, %iota3A : vector<16xi32>
          %select_n3A_739 = arith.select %gt3A_706, %add3A_722, %add3A_738 : vector<16xi1>, vector<16xi32>
          %gather3A_740 = tpu.vector_load_idx %arg13[%select_n3A_739] : memref<32784xi32, #tpu.memory_space<vmem>>[vector<16xi32>], vector<16xi32>,
          %and3A_741 = arith.constant 3 : i32
          %and3A_742 = vector.broadcast %and3A_741 : i32 to vector<16xi32>
          %and3A_743 = arith.andi %max3A_715, %and3A_742 : vector<16xi32>
          %shift_left3A_744 = arith.constant 3 : i32
          %shift_left3A_745 = vector.broadcast %shift_left3A_744 : i32 to vector<16xi32>
          %shift_left3A_746 = arith.shli %and3A_743, %shift_left3A_745 : vector<16xi32>
          %shift_right_arithmetic3A_747 = arith.shrsi %gather3A_740, %shift_left3A_746 : vector<16xi32>
          %and3A_748 = arith.constant 255 : i32
          %and3A_749 = vector.broadcast %and3A_748 : i32 to vector<16xi32>
          %and3A_750 = arith.andi %shift_right_arithmetic3A_747, %and3A_749 : vector<16xi32>
          %lt3A_751 = arith.constant 0 : i32
          %lt3A_752 = vector.broadcast %lt3A_751 : i32 to vector<16xi32>
          %lt3A_753 = arith.cmpi slt, %scan3A_532, %lt3A_752 : vector<16xi32>
          %select_n3A_754 = arith.select %lt3A_753, %max3A_712, %and3A_750 : vector<16xi1>, vector<16xi32>
          %select_n3A_755 = arith.select %gt3A_706, %select_n3A_754, %scan3A_532 : vector<16xi1>, vector<16xi32>
          %sub3A_756 = arith.constant 1 : i32
          %sub3A_757 = vector.broadcast %sub3A_756 : i32 to vector<16xi32>
          %sub3A_758 = arith.subi %scan3A_531, %sub3A_757 : vector<16xi32>
          %select_n3A_759 = arith.select %gt3A_706, %sub3A_758, %gather3A_740 : vector<16xi1>, vector<16xi32>
          %select_n3A_760 = arith.select %gt3A_706, %scan3A_530, %add3A_725 : vector<16xi1>, vector<16xi32>
          %scan3A_761 = arith.constant 1 : i32
          %scan3A_762 = arith.addi %scan3A_520, %scan3A_761 : i32
          %gt3A_763 = arith.constant 0 : i32
          %gt3A_764 = vector.broadcast %gt3A_763 : i32 to vector<16xi32>
          %gt3A_765 = arith.cmpi sgt, %select_n3A_588, %gt3A_764 : vector<16xi32>
          %min3A_766 = arith.constant 255 : i32
          %min3A_767 = vector.broadcast %min3A_766 : i32 to vector<16xi32>
          %min3A_768 = arith.minsi %select_n3A_589, %min3A_767 : vector<16xi32>
          %max3A_769 = arith.constant 0 : i32
          %max3A_770 = vector.broadcast %max3A_769 : i32 to vector<16xi32>
          %max3A_771 = arith.maxsi %min3A_768, %max3A_770 : vector<16xi32>
          %max3A_772 = arith.constant 0 : i32
          %max3A_773 = vector.broadcast %max3A_772 : i32 to vector<16xi32>
          %max3A_774 = arith.maxsi %select_n3A_584, %max3A_773 : vector<16xi32>
          %shift_left3A_775 = arith.constant 6 : i32
          %shift_left3A_776 = vector.broadcast %shift_left3A_775 : i32 to vector<16xi32>
          %shift_left3A_777 = arith.shli %max3A_771, %shift_left3A_776 : vector<16xi32>
          %shift_right_arithmetic3A_778 = arith.constant 2 : i32
          %shift_right_arithmetic3A_779 = vector.broadcast %shift_right_arithmetic3A_778 : i32 to vector<16xi32>
          %shift_right_arithmetic3A_780 = arith.shrsi %max3A_774, %shift_right_arithmetic3A_779 : vector<16xi32>
          %add3A_781 = arith.addi %shift_left3A_777, %shift_right_arithmetic3A_780 : vector<16xi32>
          %add3A_782 = arith.constant 1 : i32
          %add3A_783 = vector.broadcast %add3A_782 : i32 to vector<16xi32>
          %add3A_784 = arith.addi %select_n3A_589, %add3A_783 : vector<16xi32>
          %gt3A_785 = arith.constant 255 : i32
          %gt3A_786 = vector.broadcast %gt3A_785 : i32 to vector<16xi32>
          %gt3A_787 = arith.cmpi sgt, %add3A_784, %gt3A_786 : vector<16xi32>
          %shift_left3A_788 = arith.constant 4 : i32
          %shift_left3A_789 = vector.broadcast %shift_left3A_788 : i32 to vector<16xi32>
          %shift_left3A_790 = arith.shli %add3A_784, %shift_left3A_789 : vector<16xi32>
          %add3A_791 = arith.constant 16384 : i32
          %add3A_792 = vector.broadcast %add3A_791 : i32 to vector<16xi32>
          %add3A_793 = arith.addi %add3A_792, %shift_left3A_790 : vector<16xi32>
          %jit3A_794 = arith.constant 32768 : i32
          %broadcast_in_dim3A_795 = vector.broadcast %jit3A_794 : i32 to vector<16xi32>
          %select_n3A_796 = arith.select %gt3A_787, %broadcast_in_dim3A_795, %add3A_793 : vector<16xi1>, vector<16xi32>
          %add3A_797 = arith.addi %select_n3A_796, %iota3A : vector<16xi32>
          %select_n3A_798 = arith.select %gt3A_765, %add3A_781, %add3A_797 : vector<16xi1>, vector<16xi32>
          %gather3A_799 = tpu.vector_load_idx %arg13[%select_n3A_798] : memref<32784xi32, #tpu.memory_space<vmem>>[vector<16xi32>], vector<16xi32>,
          %and3A_800 = arith.constant 3 : i32
          %and3A_801 = vector.broadcast %and3A_800 : i32 to vector<16xi32>
          %and3A_802 = arith.andi %max3A_774, %and3A_801 : vector<16xi32>
          %shift_left3A_803 = arith.constant 3 : i32
          %shift_left3A_804 = vector.broadcast %shift_left3A_803 : i32 to vector<16xi32>
          %shift_left3A_805 = arith.shli %and3A_802, %shift_left3A_804 : vector<16xi32>
          %shift_right_arithmetic3A_806 = arith.shrsi %gather3A_799, %shift_left3A_805 : vector<16xi32>
          %and3A_807 = arith.constant 255 : i32
          %and3A_808 = vector.broadcast %and3A_807 : i32 to vector<16xi32>
          %and3A_809 = arith.andi %shift_right_arithmetic3A_806, %and3A_808 : vector<16xi32>
          %lt3A_810 = arith.constant 0 : i32
          %lt3A_811 = vector.broadcast %lt3A_810 : i32 to vector<16xi32>
          %lt3A_812 = arith.cmpi slt, %select_n3A_584, %lt3A_811 : vector<16xi32>
          %select_n3A_813 = arith.select %lt3A_812, %max3A_771, %and3A_809 : vector<16xi1>, vector<16xi32>
          %select_n3A_814 = arith.select %gt3A_765, %select_n3A_813, %select_n3A_584 : vector<16xi1>, vector<16xi32>
          %sub3A_815 = arith.constant 1 : i32
          %sub3A_816 = vector.broadcast %sub3A_815 : i32 to vector<16xi32>
          %sub3A_817 = arith.subi %select_n3A_588, %sub3A_816 : vector<16xi32>
          %select_n3A_818 = arith.select %gt3A_765, %sub3A_817, %gather3A_799 : vector<16xi1>, vector<16xi32>
          %select_n3A_819 = arith.select %gt3A_765, %select_n3A_589, %add3A_784 : vector<16xi1>, vector<16xi32>
          %gt3A_820 = arith.constant 0 : i32
          %gt3A_821 = vector.broadcast %gt3A_820 : i32 to vector<16xi32>
          %gt3A_822 = arith.cmpi sgt, %select_n3A_645, %gt3A_821 : vector<16xi32>
          %min3A_823 = arith.constant 255 : i32
          %min3A_824 = vector.broadcast %min3A_823 : i32 to vector<16xi32>
          %min3A_825 = arith.minsi %select_n3A_646, %min3A_824 : vector<16xi32>
          %max3A_826 = arith.constant 0 : i32
          %max3A_827 = vector.broadcast %max3A_826 : i32 to vector<16xi32>
          %max3A_828 = arith.maxsi %min3A_825, %max3A_827 : vector<16xi32>
          %max3A_829 = arith.constant 0 : i32
          %max3A_830 = vector.broadcast %max3A_829 : i32 to vector<16xi32>
          %max3A_831 = arith.maxsi %select_n3A_641, %max3A_830 : vector<16xi32>
          %shift_left3A_832 = arith.constant 6 : i32
          %shift_left3A_833 = vector.broadcast %shift_left3A_832 : i32 to vector<16xi32>
          %shift_left3A_834 = arith.shli %max3A_828, %shift_left3A_833 : vector<16xi32>
          %shift_right_arithmetic3A_835 = arith.constant 2 : i32
          %shift_right_arithmetic3A_836 = vector.broadcast %shift_right_arithmetic3A_835 : i32 to vector<16xi32>
          %shift_right_arithmetic3A_837 = arith.shrsi %max3A_831, %shift_right_arithmetic3A_836 : vector<16xi32>
          %add3A_838 = arith.addi %shift_left3A_834, %shift_right_arithmetic3A_837 : vector<16xi32>
          %add3A_839 = arith.constant 1 : i32
          %add3A_840 = vector.broadcast %add3A_839 : i32 to vector<16xi32>
          %add3A_841 = arith.addi %select_n3A_646, %add3A_840 : vector<16xi32>
          %gt3A_842 = arith.constant 255 : i32
          %gt3A_843 = vector.broadcast %gt3A_842 : i32 to vector<16xi32>
          %gt3A_844 = arith.cmpi sgt, %add3A_841, %gt3A_843 : vector<16xi32>
          %shift_left3A_845 = arith.constant 4 : i32
          %shift_left3A_846 = vector.broadcast %shift_left3A_845 : i32 to vector<16xi32>
          %shift_left3A_847 = arith.shli %add3A_841, %shift_left3A_846 : vector<16xi32>
          %add3A_848 = arith.constant 20480 : i32
          %add3A_849 = vector.broadcast %add3A_848 : i32 to vector<16xi32>
          %add3A_850 = arith.addi %add3A_849, %shift_left3A_847 : vector<16xi32>
          %jit3A_851 = arith.constant 32768 : i32
          %broadcast_in_dim3A_852 = vector.broadcast %jit3A_851 : i32 to vector<16xi32>
          %select_n3A_853 = arith.select %gt3A_844, %broadcast_in_dim3A_852, %add3A_850 : vector<16xi1>, vector<16xi32>
          %add3A_854 = arith.addi %select_n3A_853, %iota3A : vector<16xi32>
          %select_n3A_855 = arith.select %gt3A_822, %add3A_838, %add3A_854 : vector<16xi1>, vector<16xi32>
          %gather3A_856 = tpu.vector_load_idx %arg13[%select_n3A_855] : memref<32784xi32, #tpu.memory_space<vmem>>[vector<16xi32>], vector<16xi32>,
          %and3A_857 = arith.constant 3 : i32
          %and3A_858 = vector.broadcast %and3A_857 : i32 to vector<16xi32>
          %and3A_859 = arith.andi %max3A_831, %and3A_858 : vector<16xi32>
          %shift_left3A_860 = arith.constant 3 : i32
          %shift_left3A_861 = vector.broadcast %shift_left3A_860 : i32 to vector<16xi32>
          %shift_left3A_862 = arith.shli %and3A_859, %shift_left3A_861 : vector<16xi32>
          %shift_right_arithmetic3A_863 = arith.shrsi %gather3A_856, %shift_left3A_862 : vector<16xi32>
          %and3A_864 = arith.constant 255 : i32
          %and3A_865 = vector.broadcast %and3A_864 : i32 to vector<16xi32>
          %and3A_866 = arith.andi %shift_right_arithmetic3A_863, %and3A_865 : vector<16xi32>
          %lt3A_867 = arith.constant 0 : i32
          %lt3A_868 = vector.broadcast %lt3A_867 : i32 to vector<16xi32>
          %lt3A_869 = arith.cmpi slt, %select_n3A_641, %lt3A_868 : vector<16xi32>
          %select_n3A_870 = arith.select %lt3A_869, %max3A_828, %and3A_866 : vector<16xi1>, vector<16xi32>
          %select_n3A_871 = arith.select %gt3A_822, %select_n3A_870, %select_n3A_641 : vector<16xi1>, vector<16xi32>
          %sub3A_872 = arith.constant 1 : i32
          %sub3A_873 = vector.broadcast %sub3A_872 : i32 to vector<16xi32>
          %sub3A_874 = arith.subi %select_n3A_645, %sub3A_873 : vector<16xi32>
          %select_n3A_875 = arith.select %gt3A_822, %sub3A_874, %gather3A_856 : vector<16xi1>, vector<16xi32>
          %select_n3A_876 = arith.select %gt3A_822, %select_n3A_646, %add3A_841 : vector<16xi1>, vector<16xi32>
          %gt3A_877 = arith.constant 0 : i32
          %gt3A_878 = vector.broadcast %gt3A_877 : i32 to vector<16xi32>
          %gt3A_879 = arith.cmpi sgt, %select_n3A_702, %gt3A_878 : vector<16xi32>
          %min3A_880 = arith.constant 255 : i32
          %min3A_881 = vector.broadcast %min3A_880 : i32 to vector<16xi32>
          %min3A_882 = arith.minsi %select_n3A_703, %min3A_881 : vector<16xi32>
          %max3A_883 = arith.constant 0 : i32
          %max3A_884 = vector.broadcast %max3A_883 : i32 to vector<16xi32>
          %max3A_885 = arith.maxsi %min3A_882, %max3A_884 : vector<16xi32>
          %max3A_886 = arith.constant 0 : i32
          %max3A_887 = vector.broadcast %max3A_886 : i32 to vector<16xi32>
          %max3A_888 = arith.maxsi %select_n3A_698, %max3A_887 : vector<16xi32>
          %shift_left3A_889 = arith.constant 6 : i32
          %shift_left3A_890 = vector.broadcast %shift_left3A_889 : i32 to vector<16xi32>
          %shift_left3A_891 = arith.shli %max3A_885, %shift_left3A_890 : vector<16xi32>
          %shift_right_arithmetic3A_892 = arith.constant 2 : i32
          %shift_right_arithmetic3A_893 = vector.broadcast %shift_right_arithmetic3A_892 : i32 to vector<16xi32>
          %shift_right_arithmetic3A_894 = arith.shrsi %max3A_888, %shift_right_arithmetic3A_893 : vector<16xi32>
          %add3A_895 = arith.addi %shift_left3A_891, %shift_right_arithmetic3A_894 : vector<16xi32>
          %add3A_896 = arith.constant 1 : i32
          %add3A_897 = vector.broadcast %add3A_896 : i32 to vector<16xi32>
          %add3A_898 = arith.addi %select_n3A_703, %add3A_897 : vector<16xi32>
          %gt3A_899 = arith.constant 255 : i32
          %gt3A_900 = vector.broadcast %gt3A_899 : i32 to vector<16xi32>
          %gt3A_901 = arith.cmpi sgt, %add3A_898, %gt3A_900 : vector<16xi32>
          %shift_left3A_902 = arith.constant 4 : i32
          %shift_left3A_903 = vector.broadcast %shift_left3A_902 : i32 to vector<16xi32>
          %shift_left3A_904 = arith.shli %add3A_898, %shift_left3A_903 : vector<16xi32>
          %add3A_905 = arith.constant 24576 : i32
          %add3A_906 = vector.broadcast %add3A_905 : i32 to vector<16xi32>
          %add3A_907 = arith.addi %add3A_906, %shift_left3A_904 : vector<16xi32>
          %jit3A_908 = arith.constant 32768 : i32
          %broadcast_in_dim3A_909 = vector.broadcast %jit3A_908 : i32 to vector<16xi32>
          %select_n3A_910 = arith.select %gt3A_901, %broadcast_in_dim3A_909, %add3A_907 : vector<16xi1>, vector<16xi32>
          %add3A_911 = arith.addi %select_n3A_910, %iota3A : vector<16xi32>
          %select_n3A_912 = arith.select %gt3A_879, %add3A_895, %add3A_911 : vector<16xi1>, vector<16xi32>
          %gather3A_913 = tpu.vector_load_idx %arg13[%select_n3A_912] : memref<32784xi32, #tpu.memory_space<vmem>>[vector<16xi32>], vector<16xi32>,
          %and3A_914 = arith.constant 3 : i32
          %and3A_915 = vector.broadcast %and3A_914 : i32 to vector<16xi32>
          %and3A_916 = arith.andi %max3A_888, %and3A_915 : vector<16xi32>
          %shift_left3A_917 = arith.constant 3 : i32
          %shift_left3A_918 = vector.broadcast %shift_left3A_917 : i32 to vector<16xi32>
          %shift_left3A_919 = arith.shli %and3A_916, %shift_left3A_918 : vector<16xi32>
          %shift_right_arithmetic3A_920 = arith.shrsi %gather3A_913, %shift_left3A_919 : vector<16xi32>
          %and3A_921 = arith.constant 255 : i32
          %and3A_922 = vector.broadcast %and3A_921 : i32 to vector<16xi32>
          %and3A_923 = arith.andi %shift_right_arithmetic3A_920, %and3A_922 : vector<16xi32>
          %lt3A_924 = arith.constant 0 : i32
          %lt3A_925 = vector.broadcast %lt3A_924 : i32 to vector<16xi32>
          %lt3A_926 = arith.cmpi slt, %select_n3A_698, %lt3A_925 : vector<16xi32>
          %select_n3A_927 = arith.select %lt3A_926, %max3A_885, %and3A_923 : vector<16xi1>, vector<16xi32>
          %select_n3A_928 = arith.select %gt3A_879, %select_n3A_927, %select_n3A_698 : vector<16xi1>, vector<16xi32>
          %sub3A_929 = arith.constant 1 : i32
          %sub3A_930 = vector.broadcast %sub3A_929 : i32 to vector<16xi32>
          %sub3A_931 = arith.subi %select_n3A_702, %sub3A_930 : vector<16xi32>
          %select_n3A_932 = arith.select %gt3A_879, %sub3A_931, %gather3A_913 : vector<16xi1>, vector<16xi32>
          %select_n3A_933 = arith.select %gt3A_879, %select_n3A_703, %add3A_898 : vector<16xi1>, vector<16xi32>
          %gt3A_934 = arith.constant 0 : i32
          %gt3A_935 = vector.broadcast %gt3A_934 : i32 to vector<16xi32>
          %gt3A_936 = arith.cmpi sgt, %select_n3A_759, %gt3A_935 : vector<16xi32>
          %min3A_937 = arith.constant 255 : i32
          %min3A_938 = vector.broadcast %min3A_937 : i32 to vector<16xi32>
          %min3A_939 = arith.minsi %select_n3A_760, %min3A_938 : vector<16xi32>
          %max3A_940 = arith.constant 0 : i32
          %max3A_941 = vector.broadcast %max3A_940 : i32 to vector<16xi32>
          %max3A_942 = arith.maxsi %min3A_939, %max3A_941 : vector<16xi32>
          %max3A_943 = arith.constant 0 : i32
          %max3A_944 = vector.broadcast %max3A_943 : i32 to vector<16xi32>
          %max3A_945 = arith.maxsi %select_n3A_755, %max3A_944 : vector<16xi32>
          %shift_left3A_946 = arith.constant 6 : i32
          %shift_left3A_947 = vector.broadcast %shift_left3A_946 : i32 to vector<16xi32>
          %shift_left3A_948 = arith.shli %max3A_942, %shift_left3A_947 : vector<16xi32>
          %shift_right_arithmetic3A_949 = arith.constant 2 : i32
          %shift_right_arithmetic3A_950 = vector.broadcast %shift_right_arithmetic3A_949 : i32 to vector<16xi32>
          %shift_right_arithmetic3A_951 = arith.shrsi %max3A_945, %shift_right_arithmetic3A_950 : vector<16xi32>
          %add3A_952 = arith.addi %shift_left3A_948, %shift_right_arithmetic3A_951 : vector<16xi32>
          %add3A_953 = arith.constant 1 : i32
          %add3A_954 = vector.broadcast %add3A_953 : i32 to vector<16xi32>
          %add3A_955 = arith.addi %select_n3A_760, %add3A_954 : vector<16xi32>
          %gt3A_956 = arith.constant 255 : i32
          %gt3A_957 = vector.broadcast %gt3A_956 : i32 to vector<16xi32>
          %gt3A_958 = arith.cmpi sgt, %add3A_955, %gt3A_957 : vector<16xi32>
          %shift_left3A_959 = arith.constant 4 : i32
          %shift_left3A_960 = vector.broadcast %shift_left3A_959 : i32 to vector<16xi32>
          %shift_left3A_961 = arith.shli %add3A_955, %shift_left3A_960 : vector<16xi32>
          %add3A_962 = arith.constant 28672 : i32
          %add3A_963 = vector.broadcast %add3A_962 : i32 to vector<16xi32>
          %add3A_964 = arith.addi %add3A_963, %shift_left3A_961 : vector<16xi32>
          %jit3A_965 = arith.constant 32768 : i32
          %broadcast_in_dim3A_966 = vector.broadcast %jit3A_965 : i32 to vector<16xi32>
          %select_n3A_967 = arith.select %gt3A_958, %broadcast_in_dim3A_966, %add3A_964 : vector<16xi1>, vector<16xi32>
          %add3A_968 = arith.addi %select_n3A_967, %iota3A : vector<16xi32>
          %select_n3A_969 = arith.select %gt3A_936, %add3A_952, %add3A_968 : vector<16xi1>, vector<16xi32>
          %gather3A_970 = tpu.vector_load_idx %arg13[%select_n3A_969] : memref<32784xi32, #tpu.memory_space<vmem>>[vector<16xi32>], vector<16xi32>,
          %and3A_971 = arith.constant 3 : i32
          %and3A_972 = vector.broadcast %and3A_971 : i32 to vector<16xi32>
          %and3A_973 = arith.andi %max3A_945, %and3A_972 : vector<16xi32>
          %shift_left3A_974 = arith.constant 3 : i32
          %shift_left3A_975 = vector.broadcast %shift_left3A_974 : i32 to vector<16xi32>
          %shift_left3A_976 = arith.shli %and3A_973, %shift_left3A_975 : vector<16xi32>
          %shift_right_arithmetic3A_977 = arith.shrsi %gather3A_970, %shift_left3A_976 : vector<16xi32>
          %and3A_978 = arith.constant 255 : i32
          %and3A_979 = vector.broadcast %and3A_978 : i32 to vector<16xi32>
          %and3A_980 = arith.andi %shift_right_arithmetic3A_977, %and3A_979 : vector<16xi32>
          %lt3A_981 = arith.constant 0 : i32
          %lt3A_982 = vector.broadcast %lt3A_981 : i32 to vector<16xi32>
          %lt3A_983 = arith.cmpi slt, %select_n3A_755, %lt3A_982 : vector<16xi32>
          %select_n3A_984 = arith.select %lt3A_983, %max3A_942, %and3A_980 : vector<16xi1>, vector<16xi32>
          %select_n3A_985 = arith.select %gt3A_936, %select_n3A_984, %select_n3A_755 : vector<16xi1>, vector<16xi32>
          %sub3A_986 = arith.constant 1 : i32
          %sub3A_987 = vector.broadcast %sub3A_986 : i32 to vector<16xi32>
          %sub3A_988 = arith.subi %select_n3A_759, %sub3A_987 : vector<16xi32>
          %select_n3A_989 = arith.select %gt3A_936, %sub3A_988, %gather3A_970 : vector<16xi1>, vector<16xi32>
          %select_n3A_990 = arith.select %gt3A_936, %select_n3A_760, %add3A_955 : vector<16xi1>, vector<16xi32>
          scf.yield %select_n3A_819, %select_n3A_818, %select_n3A_814, %select_n3A_876, %select_n3A_875, %select_n3A_871, %select_n3A_933, %select_n3A_932, %select_n3A_928, %select_n3A_990, %select_n3A_989, %select_n3A_985 : vector<16xi32>, vector<16xi32>, vector<16xi32>, vector<16xi32>, vector<16xi32>, vector<16xi32>, vector<16xi32>, vector<16xi32>, vector<16xi32>, vector<16xi32>, vector<16xi32>, vector<16xi32>
        }
        %scan3A_232 = arith.constant 406 : i32
        %scan3A_233 = arith.addi %scan3A_227, %scan3A_232 : i32
        %gt3A = arith.constant 0 : i32
        %gt3A_234 = vector.broadcast %gt3A : i32 to vector<16xi32>
        %gt3A_235 = arith.cmpi sgt, %scan3A_231#1, %gt3A_234 : vector<16xi32>
        %min3A_236 = arith.constant 255 : i32
        %min3A_237 = vector.broadcast %min3A_236 : i32 to vector<16xi32>
        %min3A_238 = arith.minsi %scan3A_231#0, %min3A_237 : vector<16xi32>
        %max3A = arith.constant 0 : i32
        %max3A_239 = vector.broadcast %max3A : i32 to vector<16xi32>
        %max3A_240 = arith.maxsi %min3A_238, %max3A_239 : vector<16xi32>
        %max3A_241 = arith.constant 0 : i32
        %max3A_242 = vector.broadcast %max3A_241 : i32 to vector<16xi32>
        %max3A_243 = arith.maxsi %scan3A_231#2, %max3A_242 : vector<16xi32>
        %shift_left3A = arith.constant 6 : i32
        %shift_left3A_244 = vector.broadcast %shift_left3A : i32 to vector<16xi32>
        %shift_left3A_245 = arith.shli %max3A_240, %shift_left3A_244 : vector<16xi32>
        %shift_right_arithmetic3A = arith.constant 2 : i32
        %shift_right_arithmetic3A_246 = vector.broadcast %shift_right_arithmetic3A : i32 to vector<16xi32>
        %shift_right_arithmetic3A_247 = arith.shrsi %max3A_243, %shift_right_arithmetic3A_246 : vector<16xi32>
        %add3A_248 = arith.addi %shift_left3A_245, %shift_right_arithmetic3A_247 : vector<16xi32>
        %add3A_249 = arith.constant 1 : i32
        %add3A_250 = vector.broadcast %add3A_249 : i32 to vector<16xi32>
        %add3A_251 = arith.addi %scan3A_231#0, %add3A_250 : vector<16xi32>
        %gt3A_252 = arith.constant 255 : i32
        %gt3A_253 = vector.broadcast %gt3A_252 : i32 to vector<16xi32>
        %gt3A_254 = arith.cmpi sgt, %add3A_251, %gt3A_253 : vector<16xi32>
        %shift_left3A_255 = arith.constant 4 : i32
        %shift_left3A_256 = vector.broadcast %shift_left3A_255 : i32 to vector<16xi32>
        %shift_left3A_257 = arith.shli %add3A_251, %shift_left3A_256 : vector<16xi32>
        %add3A_258 = arith.constant 16384 : i32
        %add3A_259 = vector.broadcast %add3A_258 : i32 to vector<16xi32>
        %add3A_260 = arith.addi %add3A_259, %shift_left3A_257 : vector<16xi32>
        %jit3A_261 = arith.constant 32768 : i32
        %broadcast_in_dim3A_262 = vector.broadcast %jit3A_261 : i32 to vector<16xi32>
        %select_n3A_263 = arith.select %gt3A_254, %broadcast_in_dim3A_262, %add3A_260 : vector<16xi1>, vector<16xi32>
        %add3A_264 = arith.addi %select_n3A_263, %iota3A : vector<16xi32>
        %select_n3A_265 = arith.select %gt3A_235, %add3A_248, %add3A_264 : vector<16xi1>, vector<16xi32>
        %gather3A = tpu.vector_load_idx %arg13[%select_n3A_265] : memref<32784xi32, #tpu.memory_space<vmem>>[vector<16xi32>], vector<16xi32>,
        %and3A_266 = arith.constant 3 : i32
        %and3A_267 = vector.broadcast %and3A_266 : i32 to vector<16xi32>
        %and3A_268 = arith.andi %max3A_243, %and3A_267 : vector<16xi32>
        %shift_left3A_269 = arith.constant 3 : i32
        %shift_left3A_270 = vector.broadcast %shift_left3A_269 : i32 to vector<16xi32>
        %shift_left3A_271 = arith.shli %and3A_268, %shift_left3A_270 : vector<16xi32>
        %shift_right_arithmetic3A_272 = arith.shrsi %gather3A, %shift_left3A_271 : vector<16xi32>
        %and3A_273 = arith.constant 255 : i32
        %and3A_274 = vector.broadcast %and3A_273 : i32 to vector<16xi32>
        %and3A_275 = arith.andi %shift_right_arithmetic3A_272, %and3A_274 : vector<16xi32>
        %lt3A_276 = arith.constant 0 : i32
        %lt3A_277 = vector.broadcast %lt3A_276 : i32 to vector<16xi32>
        %lt3A_278 = arith.cmpi slt, %scan3A_231#2, %lt3A_277 : vector<16xi32>
        %select_n3A_279 = arith.select %lt3A_278, %max3A_240, %and3A_275 : vector<16xi1>, vector<16xi32>
        %select_n3A_280 = arith.select %gt3A_235, %select_n3A_279, %scan3A_231#2 : vector<16xi1>, vector<16xi32>
        %sub3A_281 = arith.constant 1 : i32
        %sub3A_282 = vector.broadcast %sub3A_281 : i32 to vector<16xi32>
        %sub3A_283 = arith.subi %scan3A_231#1, %sub3A_282 : vector<16xi32>
        %select_n3A_284 = arith.select %gt3A_235, %sub3A_283, %gather3A : vector<16xi1>, vector<16xi32>
        %select_n3A_285 = arith.select %gt3A_235, %scan3A_231#0, %add3A_251 : vector<16xi1>, vector<16xi32>
        %gt3A_286 = arith.constant 0 : i32
        %gt3A_287 = vector.broadcast %gt3A_286 : i32 to vector<16xi32>
        %gt3A_288 = arith.cmpi sgt, %scan3A_231#4, %gt3A_287 : vector<16xi32>
        %min3A_289 = arith.constant 255 : i32
        %min3A_290 = vector.broadcast %min3A_289 : i32 to vector<16xi32>
        %min3A_291 = arith.minsi %scan3A_231#3, %min3A_290 : vector<16xi32>
        %max3A_292 = arith.constant 0 : i32
        %max3A_293 = vector.broadcast %max3A_292 : i32 to vector<16xi32>
        %max3A_294 = arith.maxsi %min3A_291, %max3A_293 : vector<16xi32>
        %max3A_295 = arith.constant 0 : i32
        %max3A_296 = vector.broadcast %max3A_295 : i32 to vector<16xi32>
        %max3A_297 = arith.maxsi %scan3A_231#5, %max3A_296 : vector<16xi32>
        %shift_left3A_298 = arith.constant 6 : i32
        %shift_left3A_299 = vector.broadcast %shift_left3A_298 : i32 to vector<16xi32>
        %shift_left3A_300 = arith.shli %max3A_294, %shift_left3A_299 : vector<16xi32>
        %shift_right_arithmetic3A_301 = arith.constant 2 : i32
        %shift_right_arithmetic3A_302 = vector.broadcast %shift_right_arithmetic3A_301 : i32 to vector<16xi32>
        %shift_right_arithmetic3A_303 = arith.shrsi %max3A_297, %shift_right_arithmetic3A_302 : vector<16xi32>
        %add3A_304 = arith.addi %shift_left3A_300, %shift_right_arithmetic3A_303 : vector<16xi32>
        %add3A_305 = arith.constant 1 : i32
        %add3A_306 = vector.broadcast %add3A_305 : i32 to vector<16xi32>
        %add3A_307 = arith.addi %scan3A_231#3, %add3A_306 : vector<16xi32>
        %gt3A_308 = arith.constant 255 : i32
        %gt3A_309 = vector.broadcast %gt3A_308 : i32 to vector<16xi32>
        %gt3A_310 = arith.cmpi sgt, %add3A_307, %gt3A_309 : vector<16xi32>
        %shift_left3A_311 = arith.constant 4 : i32
        %shift_left3A_312 = vector.broadcast %shift_left3A_311 : i32 to vector<16xi32>
        %shift_left3A_313 = arith.shli %add3A_307, %shift_left3A_312 : vector<16xi32>
        %add3A_314 = arith.constant 20480 : i32
        %add3A_315 = vector.broadcast %add3A_314 : i32 to vector<16xi32>
        %add3A_316 = arith.addi %add3A_315, %shift_left3A_313 : vector<16xi32>
        %jit3A_317 = arith.constant 32768 : i32
        %broadcast_in_dim3A_318 = vector.broadcast %jit3A_317 : i32 to vector<16xi32>
        %select_n3A_319 = arith.select %gt3A_310, %broadcast_in_dim3A_318, %add3A_316 : vector<16xi1>, vector<16xi32>
        %add3A_320 = arith.addi %select_n3A_319, %iota3A : vector<16xi32>
        %select_n3A_321 = arith.select %gt3A_288, %add3A_304, %add3A_320 : vector<16xi1>, vector<16xi32>
        %gather3A_322 = tpu.vector_load_idx %arg13[%select_n3A_321] : memref<32784xi32, #tpu.memory_space<vmem>>[vector<16xi32>], vector<16xi32>,
        %and3A_323 = arith.constant 3 : i32
        %and3A_324 = vector.broadcast %and3A_323 : i32 to vector<16xi32>
        %and3A_325 = arith.andi %max3A_297, %and3A_324 : vector<16xi32>
        %shift_left3A_326 = arith.constant 3 : i32
        %shift_left3A_327 = vector.broadcast %shift_left3A_326 : i32 to vector<16xi32>
        %shift_left3A_328 = arith.shli %and3A_325, %shift_left3A_327 : vector<16xi32>
        %shift_right_arithmetic3A_329 = arith.shrsi %gather3A_322, %shift_left3A_328 : vector<16xi32>
        %and3A_330 = arith.constant 255 : i32
        %and3A_331 = vector.broadcast %and3A_330 : i32 to vector<16xi32>
        %and3A_332 = arith.andi %shift_right_arithmetic3A_329, %and3A_331 : vector<16xi32>
        %lt3A_333 = arith.constant 0 : i32
        %lt3A_334 = vector.broadcast %lt3A_333 : i32 to vector<16xi32>
        %lt3A_335 = arith.cmpi slt, %scan3A_231#5, %lt3A_334 : vector<16xi32>
        %select_n3A_336 = arith.select %lt3A_335, %max3A_294, %and3A_332 : vector<16xi1>, vector<16xi32>
        %select_n3A_337 = arith.select %gt3A_288, %select_n3A_336, %scan3A_231#5 : vector<16xi1>, vector<16xi32>
        %sub3A_338 = arith.constant 1 : i32
        %sub3A_339 = vector.broadcast %sub3A_338 : i32 to vector<16xi32>
        %sub3A_340 = arith.subi %scan3A_231#4, %sub3A_339 : vector<16xi32>
        %select_n3A_341 = arith.select %gt3A_288, %sub3A_340, %gather3A_322 : vector<16xi1>, vector<16xi32>
        %select_n3A_342 = arith.select %gt3A_288, %scan3A_231#3, %add3A_307 : vector<16xi1>, vector<16xi32>
        %gt3A_343 = arith.constant 0 : i32
        %gt3A_344 = vector.broadcast %gt3A_343 : i32 to vector<16xi32>
        %gt3A_345 = arith.cmpi sgt, %scan3A_231#7, %gt3A_344 : vector<16xi32>
        %min3A_346 = arith.constant 255 : i32
        %min3A_347 = vector.broadcast %min3A_346 : i32 to vector<16xi32>
        %min3A_348 = arith.minsi %scan3A_231#6, %min3A_347 : vector<16xi32>
        %max3A_349 = arith.constant 0 : i32
        %max3A_350 = vector.broadcast %max3A_349 : i32 to vector<16xi32>
        %max3A_351 = arith.maxsi %min3A_348, %max3A_350 : vector<16xi32>
        %max3A_352 = arith.constant 0 : i32
        %max3A_353 = vector.broadcast %max3A_352 : i32 to vector<16xi32>
        %max3A_354 = arith.maxsi %scan3A_231#8, %max3A_353 : vector<16xi32>
        %shift_left3A_355 = arith.constant 6 : i32
        %shift_left3A_356 = vector.broadcast %shift_left3A_355 : i32 to vector<16xi32>
        %shift_left3A_357 = arith.shli %max3A_351, %shift_left3A_356 : vector<16xi32>
        %shift_right_arithmetic3A_358 = arith.constant 2 : i32
        %shift_right_arithmetic3A_359 = vector.broadcast %shift_right_arithmetic3A_358 : i32 to vector<16xi32>
        %shift_right_arithmetic3A_360 = arith.shrsi %max3A_354, %shift_right_arithmetic3A_359 : vector<16xi32>
        %add3A_361 = arith.addi %shift_left3A_357, %shift_right_arithmetic3A_360 : vector<16xi32>
        %add3A_362 = arith.constant 1 : i32
        %add3A_363 = vector.broadcast %add3A_362 : i32 to vector<16xi32>
        %add3A_364 = arith.addi %scan3A_231#6, %add3A_363 : vector<16xi32>
        %gt3A_365 = arith.constant 255 : i32
        %gt3A_366 = vector.broadcast %gt3A_365 : i32 to vector<16xi32>
        %gt3A_367 = arith.cmpi sgt, %add3A_364, %gt3A_366 : vector<16xi32>
        %shift_left3A_368 = arith.constant 4 : i32
        %shift_left3A_369 = vector.broadcast %shift_left3A_368 : i32 to vector<16xi32>
        %shift_left3A_370 = arith.shli %add3A_364, %shift_left3A_369 : vector<16xi32>
        %add3A_371 = arith.constant 24576 : i32
        %add3A_372 = vector.broadcast %add3A_371 : i32 to vector<16xi32>
        %add3A_373 = arith.addi %add3A_372, %shift_left3A_370 : vector<16xi32>
        %jit3A_374 = arith.constant 32768 : i32
        %broadcast_in_dim3A_375 = vector.broadcast %jit3A_374 : i32 to vector<16xi32>
        %select_n3A_376 = arith.select %gt3A_367, %broadcast_in_dim3A_375, %add3A_373 : vector<16xi1>, vector<16xi32>
        %add3A_377 = arith.addi %select_n3A_376, %iota3A : vector<16xi32>
        %select_n3A_378 = arith.select %gt3A_345, %add3A_361, %add3A_377 : vector<16xi1>, vector<16xi32>
        %gather3A_379 = tpu.vector_load_idx %arg13[%select_n3A_378] : memref<32784xi32, #tpu.memory_space<vmem>>[vector<16xi32>], vector<16xi32>,
        %and3A_380 = arith.constant 3 : i32
        %and3A_381 = vector.broadcast %and3A_380 : i32 to vector<16xi32>
        %and3A_382 = arith.andi %max3A_354, %and3A_381 : vector<16xi32>
        %shift_left3A_383 = arith.constant 3 : i32
        %shift_left3A_384 = vector.broadcast %shift_left3A_383 : i32 to vector<16xi32>
        %shift_left3A_385 = arith.shli %and3A_382, %shift_left3A_384 : vector<16xi32>
        %shift_right_arithmetic3A_386 = arith.shrsi %gather3A_379, %shift_left3A_385 : vector<16xi32>
        %and3A_387 = arith.constant 255 : i32
        %and3A_388 = vector.broadcast %and3A_387 : i32 to vector<16xi32>
        %and3A_389 = arith.andi %shift_right_arithmetic3A_386, %and3A_388 : vector<16xi32>
        %lt3A_390 = arith.constant 0 : i32
        %lt3A_391 = vector.broadcast %lt3A_390 : i32 to vector<16xi32>
        %lt3A_392 = arith.cmpi slt, %scan3A_231#8, %lt3A_391 : vector<16xi32>
        %select_n3A_393 = arith.select %lt3A_392, %max3A_351, %and3A_389 : vector<16xi1>, vector<16xi32>
        %select_n3A_394 = arith.select %gt3A_345, %select_n3A_393, %scan3A_231#8 : vector<16xi1>, vector<16xi32>
        %sub3A_395 = arith.constant 1 : i32
        %sub3A_396 = vector.broadcast %sub3A_395 : i32 to vector<16xi32>
        %sub3A_397 = arith.subi %scan3A_231#7, %sub3A_396 : vector<16xi32>
        %select_n3A_398 = arith.select %gt3A_345, %sub3A_397, %gather3A_379 : vector<16xi1>, vector<16xi32>
        %select_n3A_399 = arith.select %gt3A_345, %scan3A_231#6, %add3A_364 : vector<16xi1>, vector<16xi32>
        %gt3A_400 = arith.constant 0 : i32
        %gt3A_401 = vector.broadcast %gt3A_400 : i32 to vector<16xi32>
        %gt3A_402 = arith.cmpi sgt, %scan3A_231#10, %gt3A_401 : vector<16xi32>
        %min3A_403 = arith.constant 255 : i32
        %min3A_404 = vector.broadcast %min3A_403 : i32 to vector<16xi32>
        %min3A_405 = arith.minsi %scan3A_231#9, %min3A_404 : vector<16xi32>
        %max3A_406 = arith.constant 0 : i32
        %max3A_407 = vector.broadcast %max3A_406 : i32 to vector<16xi32>
        %max3A_408 = arith.maxsi %min3A_405, %max3A_407 : vector<16xi32>
        %max3A_409 = arith.constant 0 : i32
        %max3A_410 = vector.broadcast %max3A_409 : i32 to vector<16xi32>
        %max3A_411 = arith.maxsi %scan3A_231#11, %max3A_410 : vector<16xi32>
        %shift_left3A_412 = arith.constant 6 : i32
        %shift_left3A_413 = vector.broadcast %shift_left3A_412 : i32 to vector<16xi32>
        %shift_left3A_414 = arith.shli %max3A_408, %shift_left3A_413 : vector<16xi32>
        %shift_right_arithmetic3A_415 = arith.constant 2 : i32
        %shift_right_arithmetic3A_416 = vector.broadcast %shift_right_arithmetic3A_415 : i32 to vector<16xi32>
        %shift_right_arithmetic3A_417 = arith.shrsi %max3A_411, %shift_right_arithmetic3A_416 : vector<16xi32>
        %add3A_418 = arith.addi %shift_left3A_414, %shift_right_arithmetic3A_417 : vector<16xi32>
        %add3A_419 = arith.constant 1 : i32
        %add3A_420 = vector.broadcast %add3A_419 : i32 to vector<16xi32>
        %add3A_421 = arith.addi %scan3A_231#9, %add3A_420 : vector<16xi32>
        %gt3A_422 = arith.constant 255 : i32
        %gt3A_423 = vector.broadcast %gt3A_422 : i32 to vector<16xi32>
        %gt3A_424 = arith.cmpi sgt, %add3A_421, %gt3A_423 : vector<16xi32>
        %shift_left3A_425 = arith.constant 4 : i32
        %shift_left3A_426 = vector.broadcast %shift_left3A_425 : i32 to vector<16xi32>
        %shift_left3A_427 = arith.shli %add3A_421, %shift_left3A_426 : vector<16xi32>
        %add3A_428 = arith.constant 28672 : i32
        %add3A_429 = vector.broadcast %add3A_428 : i32 to vector<16xi32>
        %add3A_430 = arith.addi %add3A_429, %shift_left3A_427 : vector<16xi32>
        %jit3A_431 = arith.constant 32768 : i32
        %broadcast_in_dim3A_432 = vector.broadcast %jit3A_431 : i32 to vector<16xi32>
        %select_n3A_433 = arith.select %gt3A_424, %broadcast_in_dim3A_432, %add3A_430 : vector<16xi1>, vector<16xi32>
        %add3A_434 = arith.addi %select_n3A_433, %iota3A : vector<16xi32>
        %select_n3A_435 = arith.select %gt3A_402, %add3A_418, %add3A_434 : vector<16xi1>, vector<16xi32>
        %gather3A_436 = tpu.vector_load_idx %arg13[%select_n3A_435] : memref<32784xi32, #tpu.memory_space<vmem>>[vector<16xi32>], vector<16xi32>,
        %and3A_437 = arith.constant 3 : i32
        %and3A_438 = vector.broadcast %and3A_437 : i32 to vector<16xi32>
        %and3A_439 = arith.andi %max3A_411, %and3A_438 : vector<16xi32>
        %shift_left3A_440 = arith.constant 3 : i32
        %shift_left3A_441 = vector.broadcast %shift_left3A_440 : i32 to vector<16xi32>
        %shift_left3A_442 = arith.shli %and3A_439, %shift_left3A_441 : vector<16xi32>
        %shift_right_arithmetic3A_443 = arith.shrsi %gather3A_436, %shift_left3A_442 : vector<16xi32>
        %and3A_444 = arith.constant 255 : i32
        %and3A_445 = vector.broadcast %and3A_444 : i32 to vector<16xi32>
        %and3A_446 = arith.andi %shift_right_arithmetic3A_443, %and3A_445 : vector<16xi32>
        %lt3A_447 = arith.constant 0 : i32
        %lt3A_448 = vector.broadcast %lt3A_447 : i32 to vector<16xi32>
        %lt3A_449 = arith.cmpi slt, %scan3A_231#11, %lt3A_448 : vector<16xi32>
        %select_n3A_450 = arith.select %lt3A_449, %max3A_408, %and3A_446 : vector<16xi1>, vector<16xi32>
        %select_n3A_451 = arith.select %gt3A_402, %select_n3A_450, %scan3A_231#11 : vector<16xi1>, vector<16xi32>
        %sub3A_452 = arith.constant 1 : i32
        %sub3A_453 = vector.broadcast %sub3A_452 : i32 to vector<16xi32>
        %sub3A_454 = arith.subi %scan3A_231#10, %sub3A_453 : vector<16xi32>
        %select_n3A_455 = arith.select %gt3A_402, %sub3A_454, %gather3A_436 : vector<16xi1>, vector<16xi32>
        %select_n3A_456 = arith.select %gt3A_402, %scan3A_231#9, %add3A_421 : vector<16xi1>, vector<16xi32>
        %scan3A_457 = arith.constant 407 : i32
        %mul3A_458 = arith.constant 16 : i32
        %mul3A_459 = vector.broadcast %mul3A_458 : i32 to vector<16xi32>
        %mul3A_460 = arith.muli %select_n3A_280, %mul3A_459 : vector<16xi32>
        %add3A_461 = arith.addi %mul3A_460, %iota3A : vector<16xi32>
        %gather3A_462 = tpu.vector_load_idx %arg17[%add3A_461] : memref<4096xf32, #tpu.memory_space<vmem>>[vector<16xi32>], vector<16xf32>,
        %mul3A_463 = arith.constant 400 : i32
        %mul3A_464 = arith.muli %scan3A_28, %mul3A_463 : i32
        %mul3A_465 = arith.constant 25 : i32
        %mul3A_466 = vector.broadcast %mul3A_465 : i32 to vector<16xi32>
        %mul3A_467 = arith.muli %iota3A, %mul3A_466 : vector<16xi32>
        %add3A_468 = vector.broadcast %mul3A_464 : i32 to vector<16xi32>
        %add3A_469 = arith.addi %add3A_468, %mul3A_467 : vector<16xi32>
        %add3A_470 = vector.broadcast %scan3A_43 : i32 to vector<16xi32>
        %add3A_471 = arith.addi %add3A_469, %add3A_470 : vector<16xi32>
        tpu.vector_store_idx %arg21[%add3A_471], %gather3A_462 : memref<1600xf32, #tpu.memory_space<vmem>>[vector<16xi32>], vector<16xf32>,
        %mul3A_472 = arith.constant 16 : i32
        %mul3A_473 = vector.broadcast %mul3A_472 : i32 to vector<16xi32>
        %mul3A_474 = arith.muli %select_n3A_337, %mul3A_473 : vector<16xi32>
        %add3A_475 = arith.addi %mul3A_474, %iota3A : vector<16xi32>
        %gather3A_476 = tpu.vector_load_idx %arg17[%add3A_475] : memref<4096xf32, #tpu.memory_space<vmem>>[vector<16xi32>], vector<16xf32>,
        %mul3A_477 = arith.constant 400 : i32
        %mul3A_478 = arith.muli %scan3A_28, %mul3A_477 : i32
        %mul3A_479 = arith.constant 25 : i32
        %mul3A_480 = vector.broadcast %mul3A_479 : i32 to vector<16xi32>
        %mul3A_481 = arith.muli %iota3A, %mul3A_480 : vector<16xi32>
        %add3A_482 = vector.broadcast %mul3A_478 : i32 to vector<16xi32>
        %add3A_483 = arith.addi %add3A_482, %mul3A_481 : vector<16xi32>
        %add3A_484 = vector.broadcast %add3A_45 : i32 to vector<16xi32>
        %add3A_485 = arith.addi %add3A_483, %add3A_484 : vector<16xi32>
        tpu.vector_store_idx %arg21[%add3A_485], %gather3A_476 : memref<1600xf32, #tpu.memory_space<vmem>>[vector<16xi32>], vector<16xf32>,
        %mul3A_486 = arith.constant 16 : i32
        %mul3A_487 = vector.broadcast %mul3A_486 : i32 to vector<16xi32>
        %mul3A_488 = arith.muli %select_n3A_394, %mul3A_487 : vector<16xi32>
        %add3A_489 = arith.addi %mul3A_488, %iota3A : vector<16xi32>
        %gather3A_490 = tpu.vector_load_idx %arg17[%add3A_489] : memref<4096xf32, #tpu.memory_space<vmem>>[vector<16xi32>], vector<16xf32>,
        %mul3A_491 = arith.constant 400 : i32
        %mul3A_492 = arith.muli %scan3A_28, %mul3A_491 : i32
        %mul3A_493 = arith.constant 25 : i32
        %mul3A_494 = vector.broadcast %mul3A_493 : i32 to vector<16xi32>
        %mul3A_495 = arith.muli %iota3A, %mul3A_494 : vector<16xi32>
        %add3A_496 = vector.broadcast %mul3A_492 : i32 to vector<16xi32>
        %add3A_497 = arith.addi %add3A_496, %mul3A_495 : vector<16xi32>
        %add3A_498 = vector.broadcast %add3A_47 : i32 to vector<16xi32>
        %add3A_499 = arith.addi %add3A_497, %add3A_498 : vector<16xi32>
        tpu.vector_store_idx %arg21[%add3A_499], %gather3A_490 : memref<1600xf32, #tpu.memory_space<vmem>>[vector<16xi32>], vector<16xf32>,
        %mul3A_500 = arith.constant 16 : i32
        %mul3A_501 = vector.broadcast %mul3A_500 : i32 to vector<16xi32>
        %mul3A_502 = arith.muli %select_n3A_451, %mul3A_501 : vector<16xi32>
        %add3A_503 = arith.addi %mul3A_502, %iota3A : vector<16xi32>
        %gather3A_504 = tpu.vector_load_idx %arg17[%add3A_503] : memref<4096xf32, #tpu.memory_space<vmem>>[vector<16xi32>], vector<16xf32>,
        %mul3A_505 = arith.constant 400 : i32
        %mul3A_506 = arith.muli %scan3A_28, %mul3A_505 : i32
        %mul3A_507 = arith.constant 25 : i32
        %mul3A_508 = vector.broadcast %mul3A_507 : i32 to vector<16xi32>
        %mul3A_509 = arith.muli %iota3A, %mul3A_508 : vector<16xi32>
        %add3A_510 = vector.broadcast %mul3A_506 : i32 to vector<16xi32>
        %add3A_511 = arith.addi %add3A_510, %mul3A_509 : vector<16xi32>
        %add3A_512 = vector.broadcast %min3A_50 : i32 to vector<16xi32>
        %add3A_513 = arith.addi %add3A_511, %add3A_512 : vector<16xi32>
        tpu.vector_store_idx %arg21[%add3A_513], %gather3A_504 : memref<1600xf32, #tpu.memory_space<vmem>>[vector<16xi32>], vector<16xf32>,
        %scan3A_514 = arith.constant 0 : i32
        %scan3A_515 = arith.constant 0 : i32
        %scan3A_516 = arith.constant 1024 : i32
        %scan3A_517 = arith.addi %scan3A_515, %scan3A_516 : i32
        %scan3A_518 = arith.constant 8 : i32
        scf.for %scan3A_520 = %scan3A_515 to %scan3A_517 step %scan3A_518  : i32 {
          %mul3A_521 = arith.constant 16 : i32
          %mul3A_522 = arith.muli %scan3A_520, %mul3A_521 : i32
          %add3A_523 = arith.constant 16384 : i32
          %add3A_524 = arith.addi %add3A_523, %mul3A_522 : i32
          %swap3A_525 = arith.index_cast %add3A_524 : i32 to index
          %swap3A_526 = tpu.vector_load %arg13[%swap3A_525] {strides = array<i32>} : memref<32784xi32, #tpu.memory_space<vmem>>, vector<16xi32>,
          tpu.vector_store %arg13[%swap3A_525], %broadcast_in_dim3A_5 {strides = array<i32>} : memref<32784xi32, #tpu.memory_space<vmem>>, vector<16xi32>,
          %scan3A_527 = arith.constant 1 : i32
          %scan3A_528 = arith.addi %scan3A_520, %scan3A_527 : i32
          %mul3A_529 = arith.constant 16 : i32
          %mul3A_530 = arith.muli %scan3A_528, %mul3A_529 : i32
          %add3A_531 = arith.constant 16384 : i32
          %add3A_532 = arith.addi %add3A_531, %mul3A_530 : i32
          %swap3A_533 = arith.index_cast %add3A_532 : i32 to index
          %swap3A_534 = tpu.vector_load %arg13[%swap3A_533] {strides = array<i32>} : memref<32784xi32, #tpu.memory_space<vmem>>, vector<16xi32>,
          tpu.vector_store %arg13[%swap3A_533], %broadcast_in_dim3A_5 {strides = array<i32>} : memref<32784xi32, #tpu.memory_space<vmem>>, vector<16xi32>,
          %scan3A_535 = arith.constant 2 : i32
          %scan3A_536 = arith.addi %scan3A_520, %scan3A_535 : i32
          %mul3A_537 = arith.constant 16 : i32
          %mul3A_538 = arith.muli %scan3A_536, %mul3A_537 : i32
          %add3A_539 = arith.constant 16384 : i32
          %add3A_540 = arith.addi %add3A_539, %mul3A_538 : i32
          %swap3A_541 = arith.index_cast %add3A_540 : i32 to index
          %swap3A_542 = tpu.vector_load %arg13[%swap3A_541] {strides = array<i32>} : memref<32784xi32, #tpu.memory_space<vmem>>, vector<16xi32>,
          tpu.vector_store %arg13[%swap3A_541], %broadcast_in_dim3A_5 {strides = array<i32>} : memref<32784xi32, #tpu.memory_space<vmem>>, vector<16xi32>,
          %scan3A_543 = arith.constant 3 : i32
          %scan3A_544 = arith.addi %scan3A_520, %scan3A_543 : i32
          %mul3A_545 = arith.constant 16 : i32
          %mul3A_546 = arith.muli %scan3A_544, %mul3A_545 : i32
          %add3A_547 = arith.constant 16384 : i32
          %add3A_548 = arith.addi %add3A_547, %mul3A_546 : i32
          %swap3A_549 = arith.index_cast %add3A_548 : i32 to index
          %swap3A_550 = tpu.vector_load %arg13[%swap3A_549] {strides = array<i32>} : memref<32784xi32, #tpu.memory_space<vmem>>, vector<16xi32>,
          tpu.vector_store %arg13[%swap3A_549], %broadcast_in_dim3A_5 {strides = array<i32>} : memref<32784xi32, #tpu.memory_space<vmem>>, vector<16xi32>,
          %scan3A_551 = arith.constant 4 : i32
          %scan3A_552 = arith.addi %scan3A_520, %scan3A_551 : i32
          %mul3A_553 = arith.constant 16 : i32
          %mul3A_554 = arith.muli %scan3A_552, %mul3A_553 : i32
          %add3A_555 = arith.constant 16384 : i32
          %add3A_556 = arith.addi %add3A_555, %mul3A_554 : i32
          %swap3A_557 = arith.index_cast %add3A_556 : i32 to index
          %swap3A_558 = tpu.vector_load %arg13[%swap3A_557] {strides = array<i32>} : memref<32784xi32, #tpu.memory_space<vmem>>, vector<16xi32>,
          tpu.vector_store %arg13[%swap3A_557], %broadcast_in_dim3A_5 {strides = array<i32>} : memref<32784xi32, #tpu.memory_space<vmem>>, vector<16xi32>,
          %scan3A_559 = arith.constant 5 : i32
          %scan3A_560 = arith.addi %scan3A_520, %scan3A_559 : i32
          %mul3A_561 = arith.constant 16 : i32
          %mul3A_562 = arith.muli %scan3A_560, %mul3A_561 : i32
          %add3A_563 = arith.constant 16384 : i32
          %add3A_564 = arith.addi %add3A_563, %mul3A_562 : i32
          %swap3A_565 = arith.index_cast %add3A_564 : i32 to index
          %swap3A_566 = tpu.vector_load %arg13[%swap3A_565] {strides = array<i32>} : memref<32784xi32, #tpu.memory_space<vmem>>, vector<16xi32>,
          tpu.vector_store %arg13[%swap3A_565], %broadcast_in_dim3A_5 {strides = array<i32>} : memref<32784xi32, #tpu.memory_space<vmem>>, vector<16xi32>,
          %scan3A_567 = arith.constant 6 : i32
          %scan3A_568 = arith.addi %scan3A_520, %scan3A_567 : i32
          %mul3A_569 = arith.constant 16 : i32
          %mul3A_570 = arith.muli %scan3A_568, %mul3A_569 : i32
          %add3A_571 = arith.constant 16384 : i32
          %add3A_572 = arith.addi %add3A_571, %mul3A_570 : i32
          %swap3A_573 = arith.index_cast %add3A_572 : i32 to index
          %swap3A_574 = tpu.vector_load %arg13[%swap3A_573] {strides = array<i32>} : memref<32784xi32, #tpu.memory_space<vmem>>, vector<16xi32>,
          tpu.vector_store %arg13[%swap3A_573], %broadcast_in_dim3A_5 {strides = array<i32>} : memref<32784xi32, #tpu.memory_space<vmem>>, vector<16xi32>,
          %scan3A_575 = arith.constant 7 : i32
          %scan3A_576 = arith.addi %scan3A_520, %scan3A_575 : i32
          %mul3A_577 = arith.constant 16 : i32
          %mul3A_578 = arith.muli %scan3A_576, %mul3A_577 : i32
          %add3A_579 = arith.constant 16384 : i32
          %add3A_580 = arith.addi %add3A_579, %mul3A_578 : i32
          %swap3A_581 = arith.index_cast %add3A_580 : i32 to index
          %swap3A_582 = tpu.vector_load %arg13[%swap3A_581] {strides = array<i32>} : memref<32784xi32, #tpu.memory_space<vmem>>, vector<16xi32>,
          tpu.vector_store %arg13[%swap3A_581], %broadcast_in_dim3A_5 {strides = array<i32>} : memref<32784xi32, #tpu.memory_space<vmem>>, vector<16xi32>,
        }
        %scan3A_519 = arith.constant 1024 : i32
      }
      %scan3A_42 = arith.constant 7 : i32
    }
    %scan3A_25 = arith.constant 4 : i32
    %mul3A_26 = arith.constant 1600 : i32
    %mul3A_27 = arith.muli %add3A, %mul3A_26 : i32
    "tpu.region"() ({
      %run_scoped3A = tpu.sem_alloc : memref<!tpu.dma_semaphore, #tpu.memory_space<semaphore_mem>>
      %dma_start3A = tpu.memref_slice %arg10[%mul3A_27] : memref<51200xf32, #tpu.memory_space<hbm>> -> memref<1600xf32, #tpu.memory_space<hbm>>
      %dma_start3A_28 = tpu.memref_slice %arg10[%mul3A_27] : memref<51200xf32, #tpu.memory_space<hbm>> -> memref<1600xf32, #tpu.memory_space<hbm>>
      tpu.enqueue_dma source(%arg21 : memref<1600xf32, #tpu.memory_space<vmem>>) target(%dma_start3A_28 : memref<1600xf32, #tpu.memory_space<hbm>>) target_semaphore(%run_scoped3A : memref<!tpu.dma_semaphore, #tpu.memory_space<semaphore_mem>>)
      %dma_wait3A = tpu.memref_slice %arg10[%mul3A_27] : memref<51200xf32, #tpu.memory_space<hbm>> -> memref<1600xf32, #tpu.memory_space<hbm>>
      %dma_wait3A_29 = tpu.memref_slice %arg10[%mul3A_27] : memref<51200xf32, #tpu.memory_space<hbm>> -> memref<1600xf32, #tpu.memory_space<hbm>>
      tpu.wait_dma2 semaphore(%run_scoped3A : memref<!tpu.dma_semaphore, #tpu.memory_space<semaphore_mem>>) src(%arg21 : memref<1600xf32, #tpu.memory_space<vmem>>) dst(%dma_wait3A_29 : memref<1600xf32, #tpu.memory_space<hbm>>)
      tpu.yield
    }) : () -> ()
    return
  }
}

module attributes {stable_mosaic.version = 14 : i64} {
  func.func @_fc_body(%arg0: memref<128x400xf32, #tpu.memory_space<vmem>>, %arg1: memref<400x120xf32, #tpu.memory_space<vmem>>, %arg2: memref<1x120xf32, #tpu.memory_space<vmem>>, %arg3: memref<120x84xf32, #tpu.memory_space<vmem>>, %arg4: memref<1x84xf32, #tpu.memory_space<vmem>>, %arg5: memref<84x10xf32, #tpu.memory_space<vmem>>, %arg6: memref<1x10xf32, #tpu.memory_space<vmem>>, %arg7: memref<128x10xf32, #tpu.memory_space<vmem>>) attributes {dimension_semantics = [], scalar_prefetch = 0 : i64, scratch_operands = 0 : i64, tpu.core_type = #tpu.core_type<tc>} {
    %get3A = arith.constant 0 : index
    %get3A_0 = arith.constant 0 : index
    %get3A_1 = vector.load %arg0[%get3A, %get3A_0] : memref<128x400xf32, #tpu.memory_space<vmem>>, vector<128x400xf32>
    %get3A_2 = arith.constant 0 : index
    %get3A_3 = arith.constant 0 : index
    %get3A_4 = vector.load %arg1[%get3A_2, %get3A_3] : memref<400x120xf32, #tpu.memory_space<vmem>>, vector<400x120xf32>
    %dot_general3A = arith.constant dense<0.000000e+00> : vector<128x120xf32>
    %dot_general3A_5 = tpu.matmul %get3A_1, %get3A_4, %dot_general3A {dimension_numbers = #tpu.dot_dimension_numbers<[1], [0], [0], [1], [0, 0, 1, 1], [], []>, transpose_lhs_hint = false} : vector<128x400xf32>, vector<400x120xf32>, vector<128x120xf32> -> vector<128x120xf32>
    %get3A_6 = arith.constant 0 : index
    %get3A_7 = arith.constant 0 : index
    %get3A_8 = vector.load %arg2[%get3A_6, %get3A_7] : memref<1x120xf32, #tpu.memory_space<vmem>>, vector<1x120xf32>
    %add3A = vector.broadcast %get3A_8 : vector<1x120xf32> to vector<128x120xf32>
    %add3A_9 = arith.addf %dot_general3A_5, %add3A : vector<128x120xf32>
    %neg3A = arith.constant 0.000000e+00 : f32
    %neg3A_10 = vector.broadcast %neg3A : f32 to vector<128x120xf32>
    %neg3A_11 = arith.subf %neg3A_10, %add3A_9 : vector<128x120xf32>
    %exp3A = math.exp %neg3A_11 : vector<128x120xf32>
    %add3A_12 = arith.constant 1.000000e+00 : f32
    %add3A_13 = vector.broadcast %add3A_12 : f32 to vector<128x120xf32>
    %add3A_14 = arith.addf %add3A_13, %exp3A : vector<128x120xf32>
    %div3A = arith.constant 1.000000e+00 : f32
    %div3A_15 = vector.broadcast %div3A : f32 to vector<128x120xf32>
    %div3A_16 = arith.divf %div3A_15, %add3A_14 : vector<128x120xf32>
    %get3A_17 = arith.constant 0 : index
    %get3A_18 = arith.constant 0 : index
    %get3A_19 = vector.load %arg3[%get3A_17, %get3A_18] : memref<120x84xf32, #tpu.memory_space<vmem>>, vector<120x84xf32>
    %dot_general3A_20 = arith.constant dense<0.000000e+00> : vector<128x84xf32>
    %dot_general3A_21 = tpu.matmul %div3A_16, %get3A_19, %dot_general3A_20 {dimension_numbers = #tpu.dot_dimension_numbers<[1], [0], [0], [1], [0, 0, 1, 1], [], []>, transpose_lhs_hint = false} : vector<128x120xf32>, vector<120x84xf32>, vector<128x84xf32> -> vector<128x84xf32>
    %get3A_22 = arith.constant 0 : index
    %get3A_23 = arith.constant 0 : index
    %get3A_24 = vector.load %arg4[%get3A_22, %get3A_23] : memref<1x84xf32, #tpu.memory_space<vmem>>, vector<1x84xf32>
    %add3A_25 = vector.broadcast %get3A_24 : vector<1x84xf32> to vector<128x84xf32>
    %add3A_26 = arith.addf %dot_general3A_21, %add3A_25 : vector<128x84xf32>
    %neg3A_27 = arith.constant 0.000000e+00 : f32
    %neg3A_28 = vector.broadcast %neg3A_27 : f32 to vector<128x84xf32>
    %neg3A_29 = arith.subf %neg3A_28, %add3A_26 : vector<128x84xf32>
    %exp3A_30 = math.exp %neg3A_29 : vector<128x84xf32>
    %add3A_31 = arith.constant 1.000000e+00 : f32
    %add3A_32 = vector.broadcast %add3A_31 : f32 to vector<128x84xf32>
    %add3A_33 = arith.addf %add3A_32, %exp3A_30 : vector<128x84xf32>
    %div3A_34 = arith.constant 1.000000e+00 : f32
    %div3A_35 = vector.broadcast %div3A_34 : f32 to vector<128x84xf32>
    %div3A_36 = arith.divf %div3A_35, %add3A_33 : vector<128x84xf32>
    %get3A_37 = arith.constant 0 : index
    %get3A_38 = arith.constant 0 : index
    %get3A_39 = vector.load %arg5[%get3A_37, %get3A_38] : memref<84x10xf32, #tpu.memory_space<vmem>>, vector<84x10xf32>
    %dot_general3A_40 = arith.constant dense<0.000000e+00> : vector<128x10xf32>
    %dot_general3A_41 = tpu.matmul %div3A_36, %get3A_39, %dot_general3A_40 {dimension_numbers = #tpu.dot_dimension_numbers<[1], [0], [0], [1], [0, 0, 1, 1], [], []>, transpose_lhs_hint = false} : vector<128x84xf32>, vector<84x10xf32>, vector<128x10xf32> -> vector<128x10xf32>
    %get3A_42 = arith.constant 0 : index
    %get3A_43 = arith.constant 0 : index
    %get3A_44 = vector.load %arg6[%get3A_42, %get3A_43] : memref<1x10xf32, #tpu.memory_space<vmem>>, vector<1x10xf32>
    %add3A_45 = vector.broadcast %get3A_44 : vector<1x10xf32> to vector<128x10xf32>
    %add3A_46 = arith.addf %dot_general3A_41, %add3A_45 : vector<128x10xf32>
    %reduce_max3A = arith.constant dense<0xFF800000> : vector<128xf32>
    %reduce_max3A_47 = vector.multi_reduction <maximumf>, %add3A_46, %reduce_max3A [1] : vector<128x10xf32> to vector<128xf32>
    %broadcast_in_dim3A = vector.shape_cast %reduce_max3A_47 : vector<128xf32> to vector<128x1xf32>
    %sub3A = vector.broadcast %broadcast_in_dim3A : vector<128x1xf32> to vector<128x10xf32>
    %sub3A_48 = arith.subf %add3A_46, %sub3A : vector<128x10xf32>
    %exp3A_49 = math.exp %sub3A_48 : vector<128x10xf32>
    %reduce_sum3A = arith.constant dense<0.000000e+00> : vector<128xf32>
    %reduce_sum3A_50 = vector.multi_reduction <add>, %exp3A_49, %reduce_sum3A [1] : vector<128x10xf32> to vector<128xf32>
    %broadcast_in_dim3A_51 = vector.shape_cast %reduce_sum3A_50 : vector<128xf32> to vector<128x1xf32>
    %div3A_52 = vector.broadcast %broadcast_in_dim3A_51 : vector<128x1xf32> to vector<128x10xf32>
    %div3A_53 = arith.divf %exp3A_49, %div3A_52 : vector<128x10xf32>
    %swap3A = arith.constant 0 : index
    %swap3A_54 = arith.constant 0 : index
    %swap3A_55 = vector.load %arg7[%swap3A, %swap3A_54] : memref<128x10xf32, #tpu.memory_space<vmem>>, vector<128x10xf32>
    tpu.vector_store %arg7[%swap3A, %swap3A_54], %div3A_53 {strides = array<i32>} : memref<128x10xf32, #tpu.memory_space<vmem>>, vector<128x10xf32>,
    return
  }
}

</mosaic_0001>

<sc_bundles>
// kernel: kernel.4.cloned.1.call-start
scs
__scs_entry_jumppad:
0x0: {  	(pc) =	sbr.rel $0x88, $3  }
0x1: {  	(tag) =	ssettag $0x0;
	lr =	simm.s32 $0x1  }
0x2: {  	[smem:$0x3F92] =	sst lr;
	_ =	strace $0xD0000000  }
0x3: {  	_ = 	snop  }
0x4: {  	_ = 	snop  }
0x5: {  	_ = 	snop  }
0x6: {  	_ = 	snop  }
0x7: {  	_ = 	snop  }
__scs_overlays_trampoline_lowered:
0x8: {  	[smem:$0x3FA1] =	sst s0  }
0x9: {  	[smem:$0x3FA2] =	sst s1  }
0xa: {  	[smem:$0x3FA3] =	sst s2  }
0xb: {  	[smem:$0x3FA4] =	sst s3  }
0xc: {  	[smem:$0x3FA5] =	sst s4  }
0xd: {  	[smem:$0x3FA6] =	sst s5  }
0xe: {  	[smem:$0x3FA7] =	sst s6  }
0xf: {  	[smem:$0x3FA8] =	sst s7  }
0x10: {  	[smem:$0x3FA9] =	sst s8  }
0x11: {  	[smem:$0x3FAA] =	sst s9;
	s0 =	simm.s32 @!p0 $0x0  }
0x12: {  	s1 =	sld [smem:$0x3F90];
	s0 =	simm.s32 @p0 $0x1  }
0x13: {  	[smem:$0x3FAB] =	sst s0;
	s0 =	simm.s32 @!p1 $0x0  }
0x14: {  	s2 =	sld [smem:$0x3F8F];
	s0 =	simm.s32 @p1 $0x1  }
0x15: {  	[smem:$0x3FAC] =	sst s0;
	s0 =	simm.s32 @!p2 $0x0  }
0x16: {  	s3 =	sld [smem:$0x3FDB];
	s0 =	simm.s32 @p2 $0x1  }
0x17: {  	s4 =	simm.s32 $0x1BF5;
	[smem:$0x3FAE] =	sst s0  }
0x18: {  	s0 =	sld [smem:$0x3F91];
	_ =	swait.ge [sflag:s4], $0x0  }
0x19: {  	s7 =	sld [smem:$0x3F92]  }
0x1a: {  	s8 =	sadd.s32 $0xFFFFE003, lr  }
0x1b: {  	s9 =	sadd.s32 $0xFFFFFEF7, lr;
	s5 =	simm.s32 $0xFFFFFFFF;
	p2 =	slt.u32 s8, $0xFFFFF086  }
0x1c: {  	p1 =	slt.u32 s9, $0xF7A;
	s5 =	simm.s32 @!p2 $0x0  }
0x1d: {  	s5 =	simm.s32 @p1 $0x1;
	p0 =	seq.s32 s7, s2  }
0x1e: {  	s7 =	smul.u32 @!p0 $0xF7A, s2;
	p2 =	seq.s32 @!p0 s5, $0x0  }
0x1f: {  	s9 =	smul.u32 $0xF7A, s1;
	s8 =	simm.s32 @!p0 $0x1BF5;
	p2 =	por !p2, p0  }
0x20: {  	[sflag:s8] =	ssyncset.s32 @!p0 $0xFFFFF086;
	s6 =	sadd.s32 @!p0 s3, s7;
	s7 =	simm.s32 @!p0 $0x108  }
0x21: {  	s3 =	sadd.s32 s3, s9;
	s6 =	sadd.s32 @!p0 $0x88, s6;
	s7 =	simm.s32 @p2 $0x1082  }
0x22: {  	[simem:s7], [sflag:s8] =	dma.local @!p0 [hbm:s6], $0xF7A  }
0x23: {  	s9 =	sor.u32 $0xD0000000, s2;
	s6 =	simm.s32 $0x108;
	_ =	swait.ge @!p0 [sflag:s8], $0x0  }
0x24: {  	s3 =	sadd.s32 $0x88, s3;
	s6 =	simm.s32 @!p1 $0x1082;
	[sflag:s4] =	ssyncset.s32 $0xFFFFF086  }
0x25: {  	[simem:s6], [sflag:s4] =	dma.local [hbm:s3], $0xF7A  }
0x26: {  	[smem:$0x3F92] =	sst s1;
	(tag) =	ssettag s2;
	_ =	strace s9  }
0x27: {  	s1 =	sld [smem:$0x3FA2]  }
0x28: {  	s2 =	sld [smem:$0x3FA3]  }
0x29: {  	s4 =	sld [smem:$0x3FA5]  }
0x2a: {  	p0 =	seq.s32 s5, $0x0;
	s5 =	sld [smem:$0x3FA6]  }
0x2b: {  	s6 =	sld [smem:$0x3FA7]  }
0x2c: {  	s7 =	sld [smem:$0x3FA8]  }
0x2d: {  	s3 =	simm.s32 $0x108;
	s8 =	sld [smem:$0x3FA9]  }
0x2e: {  	s3 =	simm.s32 @!p0 $0x1082;
	s9 =	sld [smem:$0x3FAA]  }
0x2f: {  	lr =	sadd.s32 s0, s3;
	s0 =	sld [smem:$0x3FA1]  }
0x30: {  	s3 =	sld [smem:$0x3FA4]  }
0x31: {  	[smem:$0x3FAD] =	sst s10  }
0x32: {  	s10 =	sld [smem:$0x3FAB];
	_ =	sdelay $0x3  }
0x33: {  	p0 =	seq.s32 s10, $0x1;
	s10 =	sld [smem:$0x3FAD];
	_ =	sdelay $0x3  }
0x34: {  	[smem:$0x3FAD] =	sst s10  }
0x35: {  	s10 =	sld [smem:$0x3FAC];
	_ =	sdelay $0x3  }
0x36: {  	p1 =	seq.s32 s10, $0x1;
	s10 =	sld [smem:$0x3FAD];
	_ =	sdelay $0x3  }
0x37: {  	[smem:$0x3FAD] =	sst s10  }
0x38: {  	s10 =	sld [smem:$0x3FAE]  }
0x39: {  	_ = 	snop;
	(pc) =	sbr.ind lr, $3  }
0x3a: {  	_ = 	snop  }
0x3b: {  	_ = 	snop  }
0x3c: {  	p2 =	seq.s32 s10, $0x1;
	s10 =	sld [smem:$0x3FAD]  }
0x3d: {  	_ =	shalt  }
0x3e: {  	_ =	shalt  }
0x3f: {  	_ =	shalt  }
0x40: {  	_ =	shalt  }
0x41: {  	_ =	shalt  }
0x42: {  	_ =	shalt  }
0x43: {  	_ =	shalt  }
0x44: {  	_ =	shalt  }
0x45: {  	_ =	shalt  }
0x46: {  	_ =	shalt  }
0x47: {  	_ =	shalt  }
0x48: {  	_ =	shalt  }
0x49: {  	_ =	shalt  }
0x4a: {  	_ =	shalt  }
0x4b: {  	_ =	shalt  }
0x4c: {  	_ =	shalt  }
0x4d: {  	_ =	shalt  }
0x4e: {  	_ =	shalt  }
0x4f: {  	_ =	shalt  }
0x50: {  	_ =	shalt  }
0x51: {  	_ =	shalt  }
0x52: {  	_ =	shalt  }
0x53: {  	_ =	shalt  }
0x54: {  	_ =	shalt  }
0x55: {  	_ =	shalt  }
0x56: {  	_ =	shalt  }
0x57: {  	_ =	shalt  }
0x58: {  	_ =	shalt  }
0x59: {  	_ =	shalt  }
0x5a: {  	_ =	shalt  }
0x5b: {  	_ =	shalt  }
0x5c: {  	_ =	shalt  }
0x5d: {  	_ =	shalt  }
0x5e: {  	_ =	shalt  }
0x5f: {  	_ =	shalt  }
0x60: {  	_ =	shalt  }
0x61: {  	_ =	shalt  }
0x62: {  	_ =	shalt  }
0x63: {  	_ =	shalt  }
0x64: {  	_ =	shalt  }
0x65: {  	_ =	shalt  }
0x66: {  	_ =	shalt  }
0x67: {  	_ =	shalt  }
0x68: {  	_ =	shalt  }
0x69: {  	_ =	shalt  }
0x6a: {  	_ =	shalt  }
0x6b: {  	_ =	shalt  }
0x6c: {  	_ =	shalt  }
0x6d: {  	_ =	shalt  }
0x6e: {  	_ =	shalt  }
0x6f: {  	_ =	shalt  }
0x70: {  	_ =	shalt  }
0x71: {  	_ =	shalt  }
0x72: {  	_ =	shalt  }
0x73: {  	_ =	shalt  }
0x74: {  	_ =	shalt  }
0x75: {  	_ =	shalt  }
0x76: {  	_ =	shalt  }
0x77: {  	_ =	shalt  }
0x78: {  	_ =	shalt  }
0x79: {  	_ =	shalt  }
0x7a: {  	_ =	shalt  }
0x7b: {  	_ =	shalt  }
0x7c: {  	_ =	shalt  }
0x7d: {  	_ =	shalt  }
0x7e: {  	_ =	shalt  }
0x7f: {  	_ =	shalt  }
0x80: {  	_ =	shalt  }
0x81: {  	_ =	shalt  }
0x82: {  	_ =	shalt  }
0x83: {  	_ =	shalt  }
0x84: {  	_ =	shalt  }
0x85: {  	_ =	shalt  }
0x86: {  	_ =	shalt  }
0x87: {  	_ =	shalt  }
.Lfunc_end0:
.L_simem_size_0:
called_computation_lowered:
.L_overlay_start_0:
0x88: {  	s2 =	sld [smem:$0x3FD9]  }
0x89: {  	s3 =	sld [smem:$0x3FFE];
	_ =	sdelay $0x1  }
0x8a: {  	s1 =	srdreg.scid  }
0x8b: {  	s0 =	sand.u32 $0x1, s1  }
0x8c: {  	s17 =	sshll.u32 s0, $0xA;
	s2 =	sadd.s32 s3, s2  }
0x8d: {  	s2 =	sadd.s32 s2, s17  }
0x8e: {  	[smem:$0x3FB9] =	sst s2  }
0x8f: {  	_ = 	snop  }
0x90: {  	s2 =	sld [smem:$0x3FD0];
	(tm) =	ssettm $0x1  }
0x91: {  	s18 =	sld [smem:$0x3FFB];
	_ =	sdelay $0x3  }
0x92: {  	_ =	strace s18  }
0x93: {  	s3 =	sld [smem:$0x3FFC];
	_ =	sdelay $0x3  }
0x94: {  	_ =	strace s3  }
0x95: {  	s3 =	sld [smem:$0x3FFD];
	_ =	sdelay $0x3  }
0x96: {  	_ =	strace s3  }
0x97: {  	_ =	strace $0x8FFFFFFF  }
0x98: {  	s19 =	sld [smem:$0x3FDB];
	_ =	sdelay $0x1  }
0x99: {  	s4 =	simm.s32 $_scs_section_size  }
0x9a: {  	s5 =	simm.s32 $_size__tile_overlayer_lowered;
	s6 =	simm.s32 $_tile_overlayer_lowered  }
0x9b: {  	s22 =	simm.s32 $0x1BFF;
	s21 =	sshll.u32 s6, $0x1;
	s3 =	sadd.s32 s4, s19  }
0x9c: {  	s7 =	simm.s32 $0x0;
	s20 =	sshll.u32 s5, $0x1;
	s5 =	sadd.s32 s21, s3  }
0x9d: {  	[timem:s7], [sflag:s22] =	dma.local [hbm:s5], s20  }
0x9e: {  	_ =	swait.ge [sflag:s22], s20  }
0x9f: {  	s4 =	ssub.s32 $0x0, s20;
	[sflag:s22] =	ssyncset.done $0x0  }
0xa0: {  	[sflag:s22] =	ssyncadd.s32 s4;
	_ =	sdelay $0x1  }
0xa1: {  	s23 =	simm.s32 $0x1B8B  }
0xa2: {  	_ =	swait.ge [sflag:s23], $0x1  }
0xa3: {  	[sflag:s23] =	ssyncset.done $0x0  }
0xa4: {  	s25 =	simm.s32 $0x1B8E;
	s24 =	sld [smem:$0x3FFE];
	[sflag:s23] =	ssyncadd.s32 $0xFFFFFFFF  }
0xa5: {  	s26 =	simm.s32 $execute0_lowered;
	[smem:$0x3FD2] =	sst s25  }
0xa6: {  	s5 =	sshll.u32 s26, $0x1;
	_ =	strace $0x80000046;
	[dreg:$0x1] =	wrdreg $0xFFFFFFFF  }
0xa7: {  	s28 =	simm.s32 $_size_execute0_lowered;
	s3 =	sadd.s32 s3, s5;
	[dreg:$0x0] =	wrdreg $0x0  }
0xa8: {  	s5 =	sshll.u32 s28, $0x1;
	[dreg:$0x2] =	wrdreg s3  }
0xa9: {  	[dreg:$0x3] =	wrdreg s5  }
0xaa: {  	[dreg:$0x4] =	wrdreg $0xC0  }
0xab: {  	_ =	task [dreg:s7], $0x5FFFF  }
0xac: {  	[dreg:$0x1] =	wrdreg $0xFFFFFFFF  }
0xad: {  	[dreg:$0x0] =	wrdreg $0x60  }
0xae: {  	[dreg:$0x2] =	wrdreg s24  }
0xaf: {  	[dreg:$0x3] =	wrdreg s2  }
0xb0: {  	[dreg:$0x4] =	wrdreg $0x9  }
0xb1: {  	_ =	task.clear_ibuf [dreg:s7], $0x5FFFF;
	_ =	strace $0x90000046  }
0xb2: {  	s29 =	simm.s32 $0x9;
	_ =	strace $0x80000048  }
0xb3: {  	_ =	swait.ge [sflag:s29], $0x1  }
0xb4: {  	[sflag:s29] =	ssyncadd.s32 $0xFFFFFFFF  }
0xb5: {  	_ =	strace $0x90000048  }
0xb6: {  	_ =	sfence  }
0xb7: {  	s30 =	sld [smem:$0x0];
	_ =	sdelay $0x2  }
0xb8: {  	s31 =	sshll.u32 s1, $0xD;
	s1 =	sshrl.u32 s1, $0x2  }
0xb9: {  	s3 =	sand.u32 $0x4000, s31;
	s1 =	sadd.s32 s1, s30  }
0xba: {  	s0 =	sor.u32 s3, s0;
	s1 =	sshll.u32 s1, $0x11  }
0xbb: {  	s0 =	sor.u32 s1, s0  }
0xbc: {  	s0 =	sadd.s32 $0x8F2B, s0  }
0xbd: {  	[sflag:s0] =	ssyncadd.remote.s32 $0x1  }
0xbe: {  	_ =	sfence.sel $0xFFFF  }
0xbf: {  	[dreg:$0x0] =	wrdreg $0xFFFFFFFF;
	(pc) =	sbr.abs _section_cstart, $3  }
0xc0: {  	[dreg:$0x1] =	wrdreg $0xFFFFFFFF  }
0xc1: {  	_ =	task.clear_ibuf [dreg:s7], $0x2FFFF;
	_ =	strace $0x9FFFFFFF  }
0xc2: {  	(tm) =	ssettm $0x7FFFFFFF  }
0xc3: {  	_ =	shalt  }
tec
execute0_lowered:
.L_overlay_start_1:
0x0: {  	(tag) =	ssettag $0x1  }
0x1: {  	s0 =	rddreg [dreg:$0x0]  }
0x2: {  	s1 =	srdreg.scid;
	s2 =	stileid.u32  }
0x3: {  	s3 =	simm.s32 $0x0;
	s13 =	simm.s32 $0x1;
	s14 =	simm.s32 $0x1000  }
0x4: {  	s15 =	simm.s32 $0x11000;
	s18 =	simm.s32 $0x19B00;
	s19 =	simm.s32 $0x1AB00  }
0x5: {  	s1 =	sand.u32 $0x1, s1;
	[smem:$0x7FF] =	sst s3;
	s5 =	sadd.s32 $0x6000, s0  }
0x6: {  	s23 =	sadd.s32 $0x8600, s0;
	_ =	strace $0x80000047;
	[dreg:$0x3] =	wrdreg s5  }
0x7: {  	s2 =	sshll.u32 s2, $0x1;
	s24 =	sadd.s32 $0x8000, s0;
	[dreg:$0x4] =	wrdreg s23  }
0x8: {  	s25 =	sadd.s32 $0x8200, s0;
	s26 =	sadd.s32 $0x8400, s0;
	[dreg:$0x5] =	wrdreg s24  }
0x9: {  	s28 =	sadd.s32 $0x8E00, s0;
	s2 =	sor.u32 s1, s2;
	[dreg:$0x6] =	wrdreg s25  }
0xa: {  	[dreg:$0x7] =	wrdreg s26;
	s1 =	ssub.s32 $0x2, s1;
	s4 =	sshll.u32 s2, $0x9  }
0xb: {  	s2 =	smul.u32 $0xC8, s2;
	s29 =	sshrl.u32 s1, $0x1;
	s4 =	sadd.s32 s4, s0  }
0xc: {  	[dreg:$0x8] =	wrdreg s28;
	s1 =	ssub.s32 s1, s29;
	s30 =	sadd.s32 $0x2000, s4  }
0xd: {  	s0 =	sadd.s32 s2, s0;
	s31 =	smax.u32 s1, $0x1;
	[dreg:$0x9] =	wrdreg s30  }
0xe: {  	s21 =	simm.s32 $0x1BC00;
	s0 =	sadd.s32 $0x9000, s0;
	[dreg:$0xb] =	wrdreg s31  }
0xf: {  	v0 =	vimm.s32 $0x0;
	v1 =	vlaneseq.u32;
	v2 =	vimm.s32 $0x1;
	s22 =	simm.s32 $0x1C300;
	s23 =	simm.s32 $0x0;
	[dreg:$0xa] =	wrdreg s0  }
.LBB2_1:
0x10: {  	s0 =	rddreg [dreg:$0x9]  }
0x11: {  	[tilespmem:s3], [sflag:$0x1] =	stream.linear.gather [hbm4b:s0+s3], $0x1000, $0x38;
	[tilespmem:$0x1C980] =	vst v63  }
0x12: {  	_ =	swait.ge [sflag:s13], $0x1000  }
0x13: {  	[sflag:s13] =	ssyncset.done $0x0  }
0x14: {  	s17 =	rddreg [dreg:$0x3];
	[sflag:s13] =	ssyncadd.s32 $0xFFFFF000  }
0x15: {  	[tilespmem:s14], [sflag:$0x1] =	stream.linear.gather [hbm4b:s17+s3], $0x10000, $0x38;
	[tilespmem:$0x1C980] =	vst v63  }
0x16: {  	_ =	swait.ge [sflag:s13], $0x10000  }
0x17: {  	[sflag:s13] =	ssyncset.done $0x0  }
0x18: {  	s20 =	rddreg [dreg:$0x4];
	[sflag:s13] =	ssyncadd.s32 $0xFFFF0000  }
0x19: {  	[tilespmem:s15], [sflag:$0x1] =	stream.linear.gather [hbm4b:s20+s3], $0x4000, $0x38;
	[tilespmem:$0x1C980] =	vst v63  }
0x1a: {  	_ =	swait.ge [sflag:s13], $0x4000  }
0x1b: {  	[sflag:s13] =	ssyncset.done $0x0  }
0x1c: {  	[sflag:s13] =	ssyncadd.s32 $0xFFFFC000  }
0x1d: {  	s1 =	simm.s32 $0x19080;
	s24 =	rddreg [dreg:$0x1]  }
0x1e: {  	[tilespmem:s1], [sflag:$0x1] =	stream.linear.gather [hbm4b:s24+s3], $0x100, $0x38;
	[tilespmem:$0x1C980] =	vst v63  }
0x1f: {  	_ =	swait.ge [sflag:s13], $0x100  }
0x20: {  	[sflag:s13] =	ssyncset.done $0x0  }
0x21: {  	s26 =	simm.s32 $0x19180;
	s25 =	rddreg [dreg:$0x5];
	[sflag:s13] =	ssyncadd.s32 $0xFFFFFF00  }
0x22: {  	[tilespmem:s26], [sflag:$0x1] =	stream.linear.gather [hbm4b:s25+s3], $0x980, $0x38;
	[tilespmem:$0x1C980] =	vst v63  }
0x23: {  	_ =	swait.ge [sflag:s13], $0x980  }
0x24: {  	[sflag:s13] =	ssyncset.done $0x0  }
0x25: {  	s28 =	rddreg [dreg:$0x6];
	[sflag:s13] =	ssyncadd.s32 $0xFFFFF680  }
0x26: {  	[tilespmem:s18], [sflag:$0x1] =	stream.linear.gather [hbm4b:s28+s3], $0x1000, $0x38;
	[tilespmem:$0x1C980] =	vst v63  }
0x27: {  	_ =	swait.ge [sflag:s13], $0x1000  }
0x28: {  	[sflag:s13] =	ssyncset.done $0x0  }
0x29: {  	s29 =	rddreg [dreg:$0x7];
	[sflag:s13] =	ssyncadd.s32 $0xFFFFF000  }
0x2a: {  	[tilespmem:s19], [sflag:$0x1] =	stream.linear.gather [hbm4b:s29+s3], $0x1000, $0x38;
	[tilespmem:$0x1C980] =	vst v63  }
0x2b: {  	_ =	swait.ge [sflag:s13], $0x1000  }
0x2c: {  	[sflag:s13] =	ssyncset.done $0x0  }
0x2d: {  	s31 =	simm.s32 $0x1BB00;
	s30 =	rddreg [dreg:$0x8];
	[sflag:s13] =	ssyncadd.s32 $0xFFFFF000  }
0x2e: {  	[tilespmem:s31], [sflag:$0x1] =	stream.linear.gather [hbm4b:s30+s3], $0x100, $0x38;
	[tilespmem:$0x1C980] =	vst v63  }
0x2f: {  	_ =	swait.ge [sflag:s13], $0x100  }
0x30: {  	[sflag:s13] =	ssyncset.done $0x0  }
0x31: {  	s0 =	simm.s32 $0x15070;
	[sflag:s13] =	ssyncadd.s32 $0xFFFFFF00  }
0x32: {  	[tilespmem:s0+$0xFFFFFF90] =	vst v0  }
0x33: {  	[tilespmem:s0+$0x0] =	vst v0  }
0x34: {  	[tilespmem:s0+$0xFFFFFFF0] =	vst v0  }
0x35: {  	[tilespmem:s0+$0xFFFFFFE0] =	vst v0  }
0x36: {  	[tilespmem:s0+$0xFFFFFFD0] =	vst v0  }
0x37: {  	[tilespmem:s0+$0xFFFFFFC0] =	vst v0  }
0x38: {  	s1 =	simm.s32 $0x0;
	[tilespmem:s0+$0xFFFFFFB0] =	vst v0  }
.LBB2_2:
0x39: {  	s1 =	sadd.s32 $0x8, s1;
	[tilespmem:s0+$0xFFFFFFA0] =	vst v0;
	s0 =	sadd.s32 $0x80, s0  }
0x3a: {  	[tilespmem:s0+$0xFFFFFF90] =	vst v0;
	p0 =	slt.u32 s1, $0x3F8  }
0x3b: {  	[tilespmem:s0+$0x0] =	vst v0  }
.Ltmp0:
0x3c: {  	[tilespmem:s0+$0xFFFFFFF0] =	vst v0;
	(pc) =	sbr.rel @p0 .LBB2_2-.Ltmp0, $4  }
0x3d: {  	[tilespmem:s0+$0xFFFFFFE0] =	vst v0  }
0x3e: {  	[tilespmem:s0+$0xFFFFFFD0] =	vst v0  }
0x3f: {  	[tilespmem:s0+$0xFFFFFFC0] =	vst v0  }
0x40: {  	[tilespmem:s0+$0xFFFFFFB0] =	vst v0  }
0x41: {  	[tilespmem:s0+$0xFFFFFFA0] =	vst v0  }
0x42: {  	s24 =	simm.s32 $0x0;
	[tilespmem:$0x19000] =	vst v0  }
.LBB2_4:
0x43: {  	s0 =	sshll.u32 s24, $0xA  }
0x44: {  	s25 =	simm.s32 $0x0;
	v3 =	vmov s0  }
.LBB2_5:
0x45: {  	s0 =	sshll.u32 s25, $0x4  }
0x46: {  	v4 =	vld [tilespmem:s0+$0x1BB00];
	_ =	sdelay $0x4  }
0x47: {  	v5 =	vadd.s32 v3, v4;
	_ =	sdelay $0x3  }
0x48: {  	s26 =	simm.s32 $0x0  }
0x49: {  	v6 =	vld.idx.msk [tilespmem:v5+s26+$0x0], $0xffff;
	_ =	sdelay $0x1  }
0x4a: {  	v7 =	vadd.s32 $0x1, v5;
	_ =	sdelay $0x2  }
0x4b: {  	v6 =	vshll.u32 v6, $0x8  }
0x4c: {  	[tilespmem:$0x1C100] =	vst v6  }
0x4d: {  	v6 =	vld.idx.msk [tilespmem:v7+s26+$0x0], $0xffff;
	_ =	sdelay $0x1  }
0x4e: {  	v7 =	vadd.s32 $0x2, v5;
	_ =	sdelay $0x2  }
0x4f: {  	v6 =	vshll.u32 v6, $0x8  }
0x50: {  	[tilespmem:$0x1C110] =	vst v6  }
0x51: {  	v6 =	vld.idx.msk [tilespmem:v7+s26+$0x0], $0xffff;
	_ =	sdelay $0x1  }
0x52: {  	v7 =	vadd.s32 $0x3, v5;
	_ =	sdelay $0x2  }
0x53: {  	v6 =	vshll.u32 v6, $0x8  }
0x54: {  	[tilespmem:$0x1C120] =	vst v6  }
0x55: {  	v6 =	vld.idx.msk [tilespmem:v7+s26+$0x0], $0xffff;
	_ =	sdelay $0x1  }
0x56: {  	v7 =	vadd.s32 $0x4, v5;
	_ =	sdelay $0x2  }
0x57: {  	v6 =	vshll.u32 v6, $0x8  }
0x58: {  	[tilespmem:$0x1C130] =	vst v6  }
0x59: {  	v6 =	vld.idx.msk [tilespmem:v7+s26+$0x0], $0xffff;
	_ =	sdelay $0x1  }
0x5a: {  	v7 =	vadd.s32 $0x20, v5;
	_ =	sdelay $0x2  }
0x5b: {  	v6 =	vshll.u32 v6, $0x8  }
0x5c: {  	[tilespmem:$0x1C140] =	vst v6  }
0x5d: {  	v6 =	vld.idx.msk [tilespmem:v7+s26+$0x0], $0xffff;
	_ =	sdelay $0x1  }
0x5e: {  	v7 =	vadd.s32 $0x21, v5;
	_ =	sdelay $0x2  }
0x5f: {  	v6 =	vshll.u32 v6, $0x8  }
0x60: {  	[tilespmem:$0x1C150] =	vst v6  }
0x61: {  	v6 =	vld.idx.msk [tilespmem:v7+s26+$0x0], $0xffff;
	_ =	sdelay $0x1  }
0x62: {  	v7 =	vadd.s32 $0x22, v5;
	_ =	sdelay $0x2  }
0x63: {  	v6 =	vshll.u32 v6, $0x8  }
0x64: {  	[tilespmem:$0x1C160] =	vst v6  }
0x65: {  	v6 =	vld.idx.msk [tilespmem:v7+s26+$0x0], $0xffff;
	_ =	sdelay $0x1  }
0x66: {  	v7 =	vadd.s32 $0x23, v5;
	_ =	sdelay $0x2  }
0x67: {  	v6 =	vshll.u32 v6, $0x8  }
0x68: {  	[tilespmem:$0x1C170] =	vst v6  }
0x69: {  	v6 =	vld.idx.msk [tilespmem:v7+s26+$0x0], $0xffff;
	_ =	sdelay $0x1  }
0x6a: {  	v7 =	vadd.s32 $0x24, v5;
	_ =	sdelay $0x2  }
0x6b: {  	v6 =	vshll.u32 v6, $0x8  }
0x6c: {  	[tilespmem:$0x1C180] =	vst v6  }
0x6d: {  	v6 =	vld.idx.msk [tilespmem:v7+s26+$0x0], $0xffff;
	_ =	sdelay $0x1  }
0x6e: {  	v7 =	vadd.s32 $0x40, v5;
	_ =	sdelay $0x2  }
0x6f: {  	v6 =	vshll.u32 v6, $0x8  }
0x70: {  	[tilespmem:$0x1C190] =	vst v6  }
0x71: {  	v6 =	vld.idx.msk [tilespmem:v7+s26+$0x0], $0xffff;
	_ =	sdelay $0x1  }
0x72: {  	v7 =	vadd.s32 $0x41, v5;
	_ =	sdelay $0x2  }
0x73: {  	v6 =	vshll.u32 v6, $0x8  }
0x74: {  	[tilespmem:$0x1C1A0] =	vst v6  }
0x75: {  	v6 =	vld.idx.msk [tilespmem:v7+s26+$0x0], $0xffff;
	_ =	sdelay $0x1  }
0x76: {  	v7 =	vadd.s32 $0x42, v5;
	_ =	sdelay $0x2  }
0x77: {  	v6 =	vshll.u32 v6, $0x8  }
0x78: {  	[tilespmem:$0x1C1B0] =	vst v6  }
0x79: {  	v6 =	vld.idx.msk [tilespmem:v7+s26+$0x0], $0xffff;
	_ =	sdelay $0x1  }
0x7a: {  	v7 =	vadd.s32 $0x43, v5;
	_ =	sdelay $0x2  }
0x7b: {  	v6 =	vshll.u32 v6, $0x8  }
0x7c: {  	[tilespmem:$0x1C1C0] =	vst v6  }
0x7d: {  	v6 =	vld.idx.msk [tilespmem:v7+s26+$0x0], $0xffff;
	_ =	sdelay $0x1  }
0x7e: {  	v7 =	vadd.s32 $0x44, v5;
	_ =	sdelay $0x2  }
0x7f: {  	v6 =	vshll.u32 v6, $0x8  }
0x80: {  	[tilespmem:$0x1C1D0] =	vst v6  }
0x81: {  	v6 =	vld.idx.msk [tilespmem:v7+s26+$0x0], $0xffff;
	_ =	sdelay $0x1  }
0x82: {  	v7 =	vadd.s32 $0x60, v5;
	_ =	sdelay $0x2  }
0x83: {  	v6 =	vshll.u32 v6, $0x8  }
0x84: {  	[tilespmem:$0x1C1E0] =	vst v6  }
0x85: {  	v6 =	vld.idx.msk [tilespmem:v7+s26+$0x0], $0xffff;
	_ =	sdelay $0x1  }
0x86: {  	v7 =	vadd.s32 $0x61, v5;
	_ =	sdelay $0x2  }
0x87: {  	v6 =	vshll.u32 v6, $0x8  }
0x88: {  	[tilespmem:$0x1C1F0] =	vst v6  }
0x89: {  	v6 =	vld.idx.msk [tilespmem:v7+s26+$0x0], $0xffff;
	_ =	sdelay $0x1  }
0x8a: {  	v7 =	vadd.s32 $0x62, v5;
	_ =	sdelay $0x2  }
0x8b: {  	v6 =	vshll.u32 v6, $0x8  }
0x8c: {  	[tilespmem:$0x1C200] =	vst v6  }
0x8d: {  	v6 =	vld.idx.msk [tilespmem:v7+s26+$0x0], $0xffff;
	_ =	sdelay $0x1  }
0x8e: {  	v7 =	vadd.s32 $0x63, v5;
	_ =	sdelay $0x2  }
0x8f: {  	v6 =	vshll.u32 v6, $0x8  }
0x90: {  	[tilespmem:$0x1C210] =	vst v6  }
0x91: {  	v6 =	vld.idx.msk [tilespmem:v7+s26+$0x0], $0xffff;
	_ =	sdelay $0x1  }
0x92: {  	v7 =	vadd.s32 $0x64, v5;
	_ =	sdelay $0x2  }
0x93: {  	v6 =	vshll.u32 v6, $0x8  }
0x94: {  	[tilespmem:$0x1C220] =	vst v6  }
0x95: {  	v4 =	vand.u32 $0x7F, v4;
	v6 =	vld.idx.msk [tilespmem:v7+s26+$0x0], $0xffff;
	v7 =	vand.u32 $0xFFFFFF80, v5  }
0x96: {  	v4 =	vor.u32 v4, v7  }
0x97: {  	v4 =	vadd.s32 $0x80, v4;
	_ =	sdelay $0x2  }
0x98: {  	v6 =	vshll.u32 v6, $0x8  }
0x99: {  	[tilespmem:$0x1C230] =	vst v6  }
0x9a: {  	v4 =	vld.idx.msk [tilespmem:v4+s26+$0x0], $0xffff;
	_ =	sdelay $0x1  }
0x9b: {  	v6 =	vadd.s32 $0x81, v5;
	_ =	sdelay $0x2  }
0x9c: {  	v4 =	vshll.u32 v4, $0x8  }
0x9d: {  	[tilespmem:$0x1C240] =	vst v4  }
0x9e: {  	v4 =	vld.idx.msk [tilespmem:v6+s26+$0x0], $0xffff;
	_ =	sdelay $0x1  }
0x9f: {  	v6 =	vadd.s32 $0x82, v5;
	_ =	sdelay $0x2  }
0xa0: {  	v4 =	vshll.u32 v4, $0x8  }
0xa1: {  	[tilespmem:$0x1C250] =	vst v4  }
0xa2: {  	v4 =	vld.idx.msk [tilespmem:v6+s26+$0x0], $0xffff;
	_ =	sdelay $0x1  }
0xa3: {  	v6 =	vadd.s32 $0x83, v5;
	_ =	sdelay $0x2  }
0xa4: {  	v4 =	vshll.u32 v4, $0x8  }
0xa5: {  	[tilespmem:$0x1C260] =	vst v4  }
0xa6: {  	v4 =	vld.idx.msk [tilespmem:v6+s26+$0x0], $0xffff;
	_ =	sdelay $0x1  }
0xa7: {  	v5 =	vadd.s32 $0x84, v5;
	_ =	sdelay $0x2  }
0xa8: {  	v4 =	vshll.u32 v4, $0x8  }
0xa9: {  	[tilespmem:$0x1C270] =	vst v4  }
0xaa: {  	v4 =	vld.idx.msk [tilespmem:v5+s26+$0x0], $0xffff;
	_ =	sdelay $0x4  }
0xab: {  	v5 =	vor.u32 s0, v1;
	v4 =	vshll.u32 v4, $0x8  }
0xac: {  	vm0 =	vlt.u32 v5, $0xC4;
	[tilespmem:$0x1C280] =	vst v4;
	v4 =	vmul.u32 $0x6, v5;
	v5 =	vimm.s32 $0x0  }
0xad: {  	v5 =	vsel vm0, $0xFFFFFFFF, v5  }
0xae: {  	s28 =	simm.s32 $0x190A0;
	[tilespmem:$0x1FFF0] =	vst v5  }
.LBB2_6:
0xaf: {  	v5 =	vld [tilespmem:s28+$0xFFFFFFE0]  }
0xb0: {  	v6 =	vld [tilespmem:$0x1C100]  }
0xb1: {  	v7 =	vld [tilespmem:$0x1C110]  }
0xb2: {  	v8 =	vld [tilespmem:$0x1C120]  }
0xb3: {  	v10 =	vld [tilespmem:$0x1C130]  }
0xb4: {  	v62 =	vld [tilespmem:s28+$0xFFFFFFF0]  }
0xb5: {  	v12 =	vld [tilespmem:$0x1C150]  }
0xb6: {  	v13 =	vld [tilespmem:$0x1C160]  }
0xb7: {  	v15 =	vld [tilespmem:$0x1C170]  }
0xb8: {  	v17 =	vld [tilespmem:$0x1C180]  }
0xb9: {  	v18 =	vld [tilespmem:$0x1C190]  }
0xba: {  	v19 =	vld [tilespmem:$0x1C1A0]  }
0xbb: {  	v20 =	vld [tilespmem:$0x1C1B0]  }
0xbc: {  	v21 =	vld [tilespmem:$0x1C1C0]  }
0xbd: {  	v22 =	vld [tilespmem:$0x1C1D0];
	v11 =	vbroadcast v5, $0x1  }
0xbe: {  	v44 =	vld [tilespmem:$0x1C1F0]  }
0xbf: {  	v45 =	vld [tilespmem:$0x1C200];
	v7 =	vadd.s32 v11, v7  }
0xc0: {  	v24 =	vld [tilespmem:$0x1C210]  }
0xc1: {  	v26 =	vld [tilespmem:$0x1C220];
	v9 =	vbroadcast v5, $0x0  }
0xc2: {  	v27 =	vld [tilespmem:$0x1C230];
	v59 =	vbroadcast v5, $0x2  }
0xc3: {  	v28 =	vld [tilespmem:$0x1C240];
	v60 =	vbroadcast v5, $0x3;
	v6 =	vadd.s32 v9, v6  }
0xc4: {  	v16 =	vbroadcast v5, $0x5;
	v8 =	vadd.s32 v59, v8;
	v63 =	vld.idx.msk [tilespmem:v7+s14+$0x0], $0xffff  }
0xc5: {  	v35 =	vbroadcast v5, $0x6;
	v61 =	vadd.s32 v60, v10;
	v7 =	vld [tilespmem:$0x1C140]  }
0xc6: {  	v30 =	vld [tilespmem:$0x1C260];
	v36 =	vbroadcast v5, $0x7;
	v12 =	vadd.s32 v16, v12  }
0xc7: {  	v31 =	vld [tilespmem:$0x1C270];
	v40 =	vbroadcast v5, $0xB;
	v13 =	vadd.s32 v35, v13  }
0xc8: {  	v14 =	vbroadcast v5, $0x4;
	v15 =	vadd.s32 v36, v15;
	v6 =	vld.idx.msk [tilespmem:v6+s14+$0x0], $0xffff  }
0xc9: {  	v37 =	vbroadcast v5, $0x8;
	v16 =	vadd.s32 v40, v20;
	v8 =	vld.idx.msk [tilespmem:v8+s14+$0x0], $0xffff  }
0xca: {  	v38 =	vbroadcast v5, $0x9;
	v39 =	vbroadcast v5, $0xA;
	v9 =	vld.idx.msk [tilespmem:v61+s14+$0x0], $0xffff;
	v7 =	vadd.s32 v14, v7  }
0xcb: {  	v41 =	vbroadcast v5, $0xC;
	v42 =	vbroadcast v5, $0xD;
	v12 =	vld.idx.msk [tilespmem:v12+s14+$0x0], $0xffff;
	v14 =	vadd.s32 v37, v17  }
0xcc: {  	v25 =	vbroadcast v5, $0xE;
	v46 =	vbroadcast v62, $0x0;
	v13 =	vld.idx.msk [tilespmem:v13+s14+$0x0], $0xffff;
	v17 =	vadd.s32 v39, v19  }
0xcd: {  	v5 =	vbroadcast v5, $0xF;
	v52 =	vbroadcast v62, $0x7;
	v15 =	vld.idx.msk [tilespmem:v15+s14+$0x0], $0xffff;
	v19 =	vadd.s32 v42, v22  }
0xce: {  	v47 =	vbroadcast v62, $0x1;
	v48 =	vbroadcast v62, $0x2;
	v16 =	vld.idx.msk [tilespmem:v16+s14+$0x0], $0xffff;
	v22 =	vadd.s32 v46, v45  }
0xcf: {  	v49 =	vbroadcast v62, $0x3;
	v51 =	vbroadcast v62, $0x6;
	v55 =	vadd.s32 v52, v31;
	v23 =	vld.idx.msk [tilespmem:v7+s14+$0x0], $0xffff  }
0xd0: {  	v50 =	vbroadcast v62, $0x4;
	v5 =	vadd.s32 v5, v44;
	v7 =	vadd.s32 v38, v18;
	v14 =	vld.idx.msk [tilespmem:v14+s14+$0x0], $0xffff  }
0xd1: {  	v54 =	vadd.s32 v51, v30;
	vm0 =	vgt.s32 v6, v63;
	vm1 =	vgt.s32 v8, v9;
	v17 =	vld.idx.msk [tilespmem:v17+s14+$0x0], $0xffff  }
0xd2: {  	vm7 =	vgt.s32 v13, v15;
	v56 =	vsel vm0, v63, v6;
	v18 =	vadd.s32 v41, v21;
	v19 =	vld.idx.msk [tilespmem:v19+s14+$0x0], $0xffff  }
0xd3: {  	v6 =	vsel vm0, v6, v63;
	v57 =	vsel vm1, v9, v8;
	v21 =	vadd.s32 v47, v24;
	v22 =	vld.idx.msk [tilespmem:v22+s14+$0x0], $0xffff  }
0xd4: {  	v8 =	vsel vm1, v8, v9;
	v59 =	vsel vm7, v15, v13;
	v24 =	vadd.s32 v49, v27;
	v27 =	vld.idx.msk [tilespmem:v55+s14+$0x0], $0xffff  }
0xd5: {  	v13 =	vsel vm7, v13, v15;
	vm4 =	vgt.s32 v56, v57;
	vm5 =	vgt.s32 v6, v8;
	v43 =	vld.idx.msk [tilespmem:v7+s14+$0x0], $0xffff  }
0xd6: {  	v37 =	vsel vm4, v57, v56;
	v11 =	vsel vm4, v56, v57;
	v38 =	vsel vm5, v8, v6;
	v7 =	vld [tilespmem:$0x1C1E0]  }
0xd7: {  	v6 =	vsel vm5, v6, v8;
	vm4 =	vgt.s32 v38, v11;
	v18 =	vld.idx.msk [tilespmem:v18+s14+$0x0], $0xffff;
	vm6 =	vgt.s32 v23, v12  }
0xd8: {  	v53 =	vld.idx.msk [tilespmem:v21+s14+$0x0], $0xffff;
	vm9 =	vgt.s32 v17, v16;
	v58 =	vsel vm6, v12, v23;
	v12 =	vsel vm6, v23, v12  }
0xd9: {  	v21 =	vld.idx.msk [tilespmem:v54+s14+$0x0], $0xffff;
	v61 =	vsel vm9, v16, v17;
	v16 =	vsel vm9, v17, v16;
	vm6 =	vgt.s32 v58, v59  }
0xda: {  	vm7 =	vgt.s32 v12, v13;
	v39 =	vsel vm6, v59, v58;
	v9 =	vsel vm6, v58, v59  }
0xdb: {  	v40 =	vsel vm7, v13, v12;
	v12 =	vsel vm7, v12, v13;
	v7 =	vadd.s32 v25, v7  }
0xdc: {  	v29 =	vld [tilespmem:$0x1C250];
	vm5 =	vgt.s32 v40, v9;
	v25 =	vadd.s32 v48, v26;
	v26 =	vadd.s32 v50, v28  }
0xdd: {  	v32 =	vld [tilespmem:$0x1C280];
	vm8 =	vgt.s32 v14, v43;
	vm10 =	vgt.s32 v18, v19;
	vm12 =	vgt.s32 v22, v53  }
0xde: {  	v5 =	vld.idx.msk [tilespmem:v5+s14+$0x0], $0xffff;
	vm15 =	vgt.s32 v21, v27;
	v54 =	vsel vm5, v9, v40;
	v9 =	vsel vm5, v40, v9  }
0xdf: {  	v24 =	vld.idx.msk [tilespmem:v24+s14+$0x0], $0xffff;
	v60 =	vsel vm8, v43, v14;
	v14 =	vsel vm8, v14, v43;
	v10 =	vsel vm12, v22, v53  }
0xe0: {  	v36 =	vsel vm15, v27, v21;
	v21 =	vsel vm15, v21, v27;
	vm8 =	vgt.s32 v60, v61;
	v33 =	vld.idx.msk [tilespmem:v7+s14+$0x0], $0xffff  }
0xe1: {  	vm9 =	vgt.s32 v14, v16;
	v41 =	vsel vm8, v61, v60;
	v7 =	vbroadcast v62, $0x5;
	v25 =	vld.idx.msk [tilespmem:v25+s14+$0x0], $0xffff  }
0xe2: {  	v15 =	vsel vm8, v60, v61;
	v42 =	vsel vm9, v16, v14;
	v14 =	vsel vm9, v14, v16  }
0xe3: {  	vm6 =	vgt.s32 v42, v15;
	v29 =	vadd.s32 v7, v29;
	v7 =	vbroadcast v62, $0x8  }
0xe4: {  	v55 =	vsel vm6, v15, v42;
	v15 =	vsel vm6, v42, v15;
	v62 =	vsel vm10, v19, v18  }
0xe5: {  	v18 =	vsel vm10, v18, v19;
	v7 =	vadd.s32 v7, v32;
	vm11 =	vgt.s32 v33, v5  }
0xe6: {  	vm13 =	vgt.s32 v25, v24;
	v63 =	vsel vm11, v5, v33;
	v5 =	vsel vm11, v33, v5  }
0xe7: {  	v33 =	vsel vm12, v53, v22;
	v34 =	vsel vm13, v24, v25;
	v24 =	vsel vm13, v25, v24  }
0xe8: {  	v53 =	vsel vm4, v11, v38;
	v11 =	vsel vm4, v38, v11;
	vm10 =	vgt.s32 v62, v63  }
0xe9: {  	vm11 =	vgt.s32 v18, v5;
	vm12 =	vgt.s32 v33, v34;
	vm13 =	vgt.s32 v10, v24  }
0xea: {  	v43 =	vsel vm10, v63, v62;
	v17 =	vsel vm10, v62, v63;
	v44 =	vsel vm11, v5, v18  }
0xeb: {  	v18 =	vsel vm11, v18, v5;
	v45 =	vsel vm12, v34, v33;
	v5 =	vsel vm12, v33, v34  }
0xec: {  	v46 =	vsel vm13, v24, v10;
	v10 =	vsel vm13, v10, v24;
	vm10 =	vgt.s32 v37, v39  }
0xed: {  	vm11 =	vgt.s32 v53, v54;
	vm12 =	vgt.s32 v11, v9;
	vm13 =	vgt.s32 v6, v12  }
0xee: {  	v26 =	vld.idx.msk [tilespmem:v26+s14+$0x0], $0xffff;
	vm7 =	vgt.s32 v44, v17;
	vm8 =	vgt.s32 v46, v5;
	v59 =	vsel vm10, v39, v37  }
0xef: {  	v29 =	vld.idx.msk [tilespmem:v29+s14+$0x0], $0xffff;
	v8 =	vsel vm10, v37, v39;
	v60 =	vsel vm11, v54, v53;
	v61 =	vsel vm12, v9, v11  }
0xf0: {  	v9 =	vsel vm12, v11, v9;
	v62 =	vsel vm13, v12, v6;
	vm5 =	vgt.s32 v14, v18  }
0xf1: {  	v56 =	vsel vm7, v17, v44;
	v17 =	vsel vm7, v44, v17;
	v57 =	vsel vm8, v5, v46  }
0xf2: {  	v22 =	vsel vm8, v46, v5;
	v5 =	vsel vm13, v6, v12;
	vm10 =	vgt.s32 v61, v8  }
0xf3: {  	v6 =	vsel vm5, v14, v18;
	vm4 =	vgt.s32 v15, v17;
	v39 =	vsel vm10, v8, v61  }
0xf4: {  	v8 =	vsel vm10, v61, v8;
	v61 =	vimm.s32 $0x0;
	vm14 =	vgt.s32 v26, v29  }
0xf5: {  	v51 =	vsel vm4, v17, v15;
	v15 =	vsel vm4, v15, v17;
	v35 =	vsel vm14, v29, v26  }
0xf6: {  	vm4 =	vgt.s32 v60, v39;
	v26 =	vsel vm14, v26, v29;
	vm14 =	vgt.s32 v35, v36  }
0xf7: {  	v27 =	vsel vm4, v60, v39;
	vm15 =	vgt.s32 v26, v21;
	v47 =	vsel vm14, v36, v35  }
0xf8: {  	v25 =	vsel vm14, v35, v36;
	v52 =	vsel vm15, v21, v26;
	v21 =	vsel vm15, v26, v21  }
0xf9: {  	v26 =	vsel vm11, v53, v54;
	vm14 =	vgt.s32 v41, v43;
	vm15 =	vgt.s32 v55, v56  }
0xfa: {  	vm9 =	vgt.s32 v52, v25;
	v63 =	vsel vm14, v43, v41;
	v48 =	vsel vm14, v41, v43  }
0xfb: {  	v49 =	vsel vm15, v56, v55;
	v50 =	vsel vm15, v55, v56;
	vm6 =	vgt.s32 v45, v47  }
0xfc: {  	vm11 =	vgt.s32 v62, v26;
	v58 =	vsel vm9, v25, v52;
	v25 =	vsel vm9, v52, v25  }
0xfd: {  	v52 =	vsel vm5, v18, v14;
	v53 =	vsel vm6, v47, v45;
	v35 =	vsel vm6, v45, v47  }
0xfe: {  	vm9 =	vgt.s32 v10, v21;
	v40 =	vsel vm11, v26, v62;
	vm12 =	vgt.s32 v51, v48  }
0xff: {  	v26 =	vsel vm11, v62, v26;
	v45 =	vsel vm4, v39, v60;
	v62 =	vimm.s32 $0x0  }
0x100: {  	vm7 =	vgt.s32 v57, v58;
	vm8 =	vgt.s32 v22, v25;
	v38 =	vsel vm9, v21, v10  }
0x101: {  	v11 =	vsel vm9, v10, v21;
	v41 =	vsel vm12, v48, v51;
	vm13 =	vgt.s32 v52, v50  }
0x102: {  	v20 =	vsel vm12, v51, v48;
	vm5 =	vgt.s32 v40, v8;
	vm6 =	vgt.s32 v26, v9  }
0x103: {  	v36 =	vsel vm7, v58, v57;
	v19 =	vsel vm7, v57, v58;
	v37 =	vsel vm8, v25, v22  }
0x104: {  	v22 =	vsel vm8, v22, v25;
	v42 =	vsel vm13, v50, v52;
	v16 =	vsel vm13, v52, v50  }
0x105: {  	v46 =	vsel vm5, v8, v40;
	v21 =	vsel vm5, v40, v8;
	v12 =	vsel vm6, v9, v26  }
0x106: {  	vm7 =	vgt.s32 v49, v41;
	v9 =	vsel vm6, v26, v9;
	vm13 =	vgt.s32 v59, v63  }
0x107: {  	v52 =	vimm.s32 $0x0;
	vm14 =	vgt.s32 v37, v35;
	vm15 =	vgt.s32 v38, v19  }
0x108: {  	v47 =	vsel vm7, v41, v49;
	vm8 =	vgt.s32 v42, v20;
	v48 =	vsel vm7, v49, v41  }
0x109: {  	v7 =	vld.idx.msk [tilespmem:v7+s14+$0x0], $0xffff;
	vm9 =	vgt.s32 v16, v15;
	v34 =	vsel vm13, v63, v59;
	v55 =	vsel vm13, v59, v63  }
0x10a: {  	v59 =	vimm.s32 $0x0;
	vm7 =	vgt.s32 v5, v6;
	v43 =	vsel vm14, v35, v37  }
0x10b: {  	v14 =	vsel vm14, v37, v35;
	v44 =	vsel vm15, v19, v38;
	v19 =	vsel vm15, v38, v19  }
0x10c: {  	v49 =	vsel vm8, v20, v42;
	v20 =	vsel vm8, v42, v20;
	v13 =	vsel vm9, v15, v16  }
0x10d: {  	v10 =	vsel vm9, v16, v15;
	vm14 =	vgt.s32 v45, v47;
	vm15 =	vgt.s32 v27, v48  }
0x10e: {  	vm8 =	vgt.s32 v53, v7;
	vm10 =	vgt.s32 v36, v43;
	vm11 =	vgt.s32 v44, v14  }
0x10f: {  	vm12 =	vgt.s32 v19, v22;
	v56 =	vsel vm14, v47, v45;
	v8 =	vsel vm14, v45, v47  }
0x110: {  	v57 =	vsel vm15, v48, v27;
	vm4 =	vgt.s32 v46, v49;
	v26 =	vsel vm15, v27, v48  }
0x111: {  	vm15 =	vgt.s32 v21, v20;
	vm5 =	vgt.s32 v12, v13;
	vm6 =	vgt.s32 v9, v10  }
0x112: {  	v35 =	vsel vm8, v7, v53;
	v7 =	vsel vm8, v53, v7;
	v48 =	vimm.s32 $0x0  }
0x113: {  	v30 =	vsel vm10, v43, v36;
	v50 =	vsel vm10, v36, v43;
	v23 =	vsel vm11, v14, v44  }
0x114: {  	v54 =	vsel vm11, v44, v14;
	v24 =	vsel vm12, v22, v19;
	v32 =	vsel vm12, v19, v22  }
0x115: {  	v27 =	vsel vm4, v49, v46;
	v14 =	vsel vm4, v46, v49;
	v58 =	vsel vm15, v20, v21  }
0x116: {  	v16 =	vsel vm5, $0xFFFFFFFF, v59;
	v60 =	vsel vm5, v13, v12;
	v63 =	vsel vm6, v10, v9  }
0x117: {  	vm1 =	vgt.s32 v34, v35;
	[tilespmem:$0x1FEF0] =	vst v16;
	v16 =	vsel vm6, $0xFFFFFFFF, v61;
	vm9 =	vgt.s32 v58, v55  }
0x118: {  	vm10 =	vgt.s32 v60, v8;
	vm12 =	vgt.s32 v63, v26;
	vm13 =	vgt.s32 v54, v7  }
0x119: {  	[tilespmem:$0x1FF40] =	vst v16;
	v16 =	vsel vm7, $0xFFFFFFFF, v62;
	v51 =	vsel vm9, v55, v58;
	v36 =	vsel vm9, v58, v55  }
0x11a: {  	v37 =	vsel vm10, v8, v60;
	v28 =	vsel vm10, v60, v8;
	v38 =	vsel vm12, v26, v63  }
0x11b: {  	v53 =	vsel vm13, v7, v54;
	v40 =	vsel vm13, v54, v7;
	v7 =	vimm.s32 $0x0  }
0x11c: {  	v54 =	vimm.s32 $0x0;
	v55 =	vimm.s32 $0x0;
	[tilespmem:$0x1FF50] =	vst v16;
	v16 =	vsel vm7, v6, v5  }
0x11d: {  	vm14 =	vgt.s32 v57, v51;
	vm9 =	vgt.s32 v27, v37;
	vm5 =	vgt.s32 v38, v36  }
0x11e: {  	vm4 =	vgt.s32 v50, v53;
	vm8 =	vgt.s32 v32, v40;
	vm11 =	vgt.s32 v16, v14  }
0x11f: {  	v41 =	vsel vm14, v51, v57;
	v42 =	vsel vm14, v57, v51;
	v43 =	vsel vm9, v37, v27  }
0x120: {  	v22 =	vsel vm5, v38, v36;
	v44 =	vsel vm4, v53, v50;
	v39 =	vsel vm11, v14, v16  }
0x121: {  	v29 =	vsel vm8, v32, v40;
	v8 =	vsel vm11, $0xFFFFFFFF, v52;
	vm11 =	vgt.s32 v39, v28  }
0x122: {  	v45 =	vsel vm4, v50, v53;
	vm6 =	vgt.s32 v11, v29;
	v25 =	vsel vm11, v28, v39  }
0x123: {  	vm4 =	vgt.s32 v23, v24;
	[tilespmem:$0x1FF00] =	vst v8;
	v7 =	vsel vm6, $0xFFFFFFFF, v7;
	vm13 =	vgt.s32 v25, v22  }
0x124: {  	v46 =	vsel vm4, v24, v23;
	v8 =	vsel vm6, v11, v29;
	[tilespmem:$0x1FF10] =	vst v7;
	v7 =	vsel vm13, v25, v22  }
0x125: {  	vm7 =	vgt.s32 v43, v42;
	vm6 =	vgt.s32 v46, v45;
	vm0 =	vgt.s32 v7, v8  }
0x126: {  	v15 =	vsel vm7, v43, v42;
	v18 =	vsel vm6, v46, v45;
	v17 =	vsel vm0, $0xFFFFFFFF, v54  }
0x127: {  	vm3 =	vgt.s32 v15, v18;
	v19 =	vsel vm0, v8, v7;
	[tilespmem:$0x1FF60] =	vst v17;
	v17 =	vsel vm1, v34, v35  }
0x128: {  	vm10 =	vgt.s32 v56, v41;
	v48 =	vsel vm3, $0xFFFFFFFF, v48;
	vm2 =	vgt.s32 v19, v17  }
0x129: {  	v47 =	vsel vm10, v56, v41;
	[tilespmem:$0x1FF20] =	vst v48;
	vm0 =	vgt.s32 v30, v44;
	v48 =	vsel vm2, $0xFFFFFFFF, v55  }
0x12a: {  	v49 =	vsel vm3, v18, v15;
	v50 =	vsel vm2, v17, v19;
	[tilespmem:$0x1FF30] =	vst v48;
	v48 =	vsel vm0, v30, v44  }
0x12b: {  	v33 =	vsel vm10, v41, v56;
	vm14 =	vgt.s32 v49, v50;
	vm10 =	vgt.s32 v47, v48  }
0x12c: {  	v30 =	vsel vm0, v44, v30;
	v56 =	vsel vm14, v50, v49;
	v41 =	vsel vm10, v48, v47  }
0x12d: {  	vm2 =	vgt.s32 v33, v30;
	vm3 =	vgt.s32 v41, v56  }
0x12e: {  	v51 =	vsel vm2, v30, v33;
	v52 =	vsel vm3, v56, v41  }
0x12f: {  	vm0 =	vgt.s32 v51, v52  }
0x130: {  	v34 =	vsel vm1, v35, v34;
	v57 =	vsel vm0, v52, v51  }
0x131: {  	v53 =	vshra.s32 v34, $0x2;
	v35 =	vshll.u32 v57, $0x6  }
0x132: {  	v35 =	vadd.s32 v53, v35;
	_ =	sdelay $0x4  }
0x133: {  	v35 =	vld.idx.msk [tilespmem:v35+s15+$0x0], $0xffff;
	_ =	sdelay $0x2  }
0x134: {  	v34 =	vshll.u32 v34, $0x3  }
0x135: {  	v31 =	vsel vm12, v63, v26;
	v58 =	vand.u32 $0x18, v34  }
0x136: {  	v26 =	vsel vm9, v27, v37;
	v32 =	vsel vm8, v40, v32;
	v59 =	vshra.s32 v35, v58  }
0x137: {  	v62 =	vsel vm4, v23, v24;
	v60 =	vsel vm0, v51, v52;
	v61 =	vshrl.u32 v59, $0x2  }
0x138: {  	v53 =	vsel vm15, v21, v20;
	v20 =	vshll.u32 v60, $0x6;
	v21 =	vand.u32 $0x3F, v61  }
0x139: {  	v28 =	vsel vm11, v39, v28;
	vm15 =	vgt.s32 v31, v53;
	v63 =	vor.u32 v21, v20  }
0x13a: {  	vm11 =	vgt.s32 v62, v32;
	v34 =	vsel vm5, v36, v38;
	v51 =	vsel vm15, v53, v31  }
0x13b: {  	v24 =	vsel vm11, v32, v62;
	vm1 =	vgt.s32 v26, v34;
	vm5 =	vgt.s32 v28, v51  }
0x13c: {  	v23 =	vsel vm1, v34, v26;
	v20 =	vsel vm2, v33, v30;
	v21 =	vsel vm5, v51, v28  }
0x13d: {  	v38 =	vsel vm6, v45, v46;
	vm9 =	vgt.s32 v23, v24;
	vm8 =	vgt.s32 v21, v20  }
0x13e: {  	v39 =	vsel vm9, v24, v23;
	v33 =	vsel vm7, v42, v43;
	v40 =	vsel vm8, v20, v21;
	v52 =	vld.idx.msk [tilespmem:v63+s15+$0x0], $0xffff  }
0x13f: {  	vm0 =	vgt.s32 v33, v38;
	vm6 =	vgt.s32 v39, v40  }
0x140: {  	v54 =	vsel vm0, v38, v33;
	v55 =	vsel vm6, v40, v39  }
0x141: {  	v27 =	vshll.u32 v59, $0x3;
	vm12 =	vgt.s32 v54, v55  }
0x142: {  	v41 =	vsel vm3, v41, v56;
	v27 =	vand.u32 $0x18, v27;
	v56 =	vsel vm12, v55, v54  }
0x143: {  	vm7 =	vgt.s32 v56, v41;
	v27 =	vshra.s32 v52, v27  }
0x144: {  	v57 =	vsel vm7, v41, v56;
	v58 =	vshrl.u32 v27, $0x2  }
0x145: {  	v30 =	vshll.u32 v57, $0x6;
	v44 =	vand.u32 $0x3F, v58  }
0x146: {  	v30 =	vor.u32 v44, v30;
	_ =	sdelay $0x4  }
0x147: {  	v30 =	vld.idx.msk [tilespmem:v30+s15+$0x0], $0xffff;
	_ =	sdelay $0x2  }
0x148: {  	v27 =	vshll.u32 v27, $0x3  }
0x149: {  	v27 =	vand.u32 $0x18, v27  }
0x14a: {  	v59 =	vshra.s32 v30, v27  }
0x14b: {  	v60 =	vsel vm7, v56, v41;
	v30 =	vshrl.u32 v59, $0x2  }
0x14c: {  	v27 =	vshll.u32 v60, $0x6;
	v30 =	vand.u32 $0x3F, v30  }
0x14d: {  	v61 =	vor.u32 v27, v30;
	_ =	sdelay $0x1  }
0x14e: {  	v27 =	vsel vm1, v26, v34  }
0x14f: {  	v26 =	vsel vm5, v28, v51;
	v30 =	vsel vm11, v62, v32;
	v28 =	vsel vm10, v47, v48  }
0x150: {  	vm11 =	vgt.s32 v27, v30;
	vm10 =	vgt.s32 v26, v28  }
0x151: {  	v32 =	vsel vm11, v30, v27;
	v34 =	vsel vm10, v28, v26;
	v62 =	vld.idx.msk [tilespmem:v61+s15+$0x0], $0xffff  }
0x152: {  	vm1 =	vgt.s32 v32, v34  }
0x153: {  	v37 =	vsel vm14, v49, v50;
	v63 =	vsel vm1, v34, v32  }
0x154: {  	v48 =	vshll.u32 v59, $0x3;
	vm5 =	vgt.s32 v63, v37  }
0x155: {  	v36 =	vsel vm12, v54, v55;
	v43 =	vand.u32 $0x18, v48;
	v49 =	vsel vm5, v37, v63  }
0x156: {  	vm12 =	vgt.s32 v36, v49;
	v35 =	vshra.s32 v62, v43  }
0x157: {  	v50 =	vsel vm12, v49, v36;
	v51 =	vshrl.u32 v35, $0x2  }
0x158: {  	v43 =	vshll.u32 v50, $0x6;
	v44 =	vand.u32 $0x3F, v51  }
0x159: {  	v43 =	vor.u32 v43, v44;
	_ =	sdelay $0x3  }
0x15a: {  	v56 =	vld [tilespmem:$0x1FF00]  }
0x15b: {  	v43 =	vld.idx.msk [tilespmem:v43+s15+$0x0], $0xffff  }
0x15c: {  	v52 =	vld [tilespmem:$0x1FEF0];
	_ =	sdelay $0x1  }
0x15d: {  	v35 =	vshll.u32 v35, $0x3  }
0x15e: {  	vm4 =	vnez.u8 v56;
	v35 =	vand.u32 $0x18, v35  }
0x15f: {  	v14 =	vsel vm4, v16, v14;
	v60 =	vld [tilespmem:$0x1FF10];
	v35 =	vshra.s32 v43, v35  }
0x160: {  	vm14 =	vnez.u8 v52;
	v54 =	vsel vm12, v36, v49;
	v55 =	vshrl.u32 v35, $0x2  }
0x161: {  	v12 =	vsel vm14, v12, v13;
	v13 =	vshll.u32 v54, $0x6;
	v57 =	vand.u32 $0x3F, v55  }
0x162: {  	vm14 =	vgt.s32 v14, v12;
	v13 =	vor.u32 v13, v57  }
0x163: {  	v58 =	vsel vm15, v31, v53;
	v59 =	vsel vm14, v12, v14  }
0x164: {  	v22 =	vsel vm13, v22, v25;
	vm13 =	vgt.s32 v59, v58;
	vm7 =	vnez.u8 v60  }
0x165: {  	v25 =	vsel vm13, v58, v59;
	v11 =	vsel vm7, v29, v11;
	v29 =	vsel vm0, v33, v38  }
0x166: {  	vm7 =	vgt.s32 v22, v11;
	vm4 =	vgt.s32 v25, v29  }
0x167: {  	v33 =	vsel vm7, v11, v22;
	v36 =	vsel vm4, v29, v25;
	v13 =	vld.idx.msk [tilespmem:v13+s15+$0x0], $0xffff  }
0x168: {  	vm0 =	vgt.s32 v33, v36  }
0x169: {  	v61 =	vsel vm6, v39, v40;
	v62 =	vsel vm0, v36, v33  }
0x16a: {  	vm3 =	vgt.s32 v62, v61;
	v35 =	vshll.u32 v35, $0x3  }
0x16b: {  	v37 =	vsel vm5, v63, v37;
	v40 =	vsel vm3, v61, v62;
	v35 =	vand.u32 $0x18, v35  }
0x16c: {  	vm12 =	vgt.s32 v40, v37;
	v13 =	vshra.s32 v13, v35  }
0x16d: {  	v63 =	vsel vm12, v37, v40;
	v44 =	vshrl.u32 v13, $0x2  }
0x16e: {  	v35 =	vshll.u32 v63, $0x6;
	v41 =	vand.u32 $0x3F, v44  }
0x16f: {  	v35 =	vor.u32 v35, v41;
	_ =	sdelay $0x4  }
0x170: {  	v35 =	vld.idx.msk [tilespmem:v35+s15+$0x0], $0xffff;
	_ =	sdelay $0x2  }
0x171: {  	v13 =	vshll.u32 v13, $0x3  }
0x172: {  	v13 =	vand.u32 $0x18, v13  }
0x173: {  	v47 =	vld [tilespmem:$0x1FF20];
	v13 =	vshra.s32 v35, v13  }
0x174: {  	v45 =	vsel vm12, v40, v37;
	v46 =	vshrl.u32 v13, $0x2  }
0x175: {  	v48 =	vld [tilespmem:$0x1FF30];
	v35 =	vshll.u32 v45, $0x6;
	v37 =	vand.u32 $0x3F, v46  }
0x176: {  	v35 =	vor.u32 v35, v37;
	_ =	sdelay $0x1  }
0x177: {  	vm15 =	vnez.u8 v47  }
0x178: {  	v16 =	vsel vm13, v59, v58;
	v15 =	vsel vm15, v15, v18  }
0x179: {  	vm5 =	vnez.u8 v48;
	vm6 =	vgt.s32 v16, v15  }
0x17a: {  	v17 =	vsel vm5, v19, v17;
	v49 =	vsel vm6, v15, v16;
	v50 =	vld.idx.msk [tilespmem:v35+s15+$0x0], $0xffff  }
0x17b: {  	vm2 =	vgt.s32 v49, v17  }
0x17c: {  	v52 =	vsel vm2, v17, v49;
	v51 =	vsel vm1, v32, v34  }
0x17d: {  	vm1 =	vgt.s32 v51, v52;
	v13 =	vshll.u32 v13, $0x3  }
0x17e: {  	v53 =	vsel vm3, v62, v61;
	v54 =	vsel vm1, v52, v51;
	v13 =	vand.u32 $0x18, v13  }
0x17f: {  	vm3 =	vgt.s32 v53, v54;
	v13 =	vshra.s32 v50, v13  }
0x180: {  	v55 =	vsel vm3, v54, v53;
	v56 =	vshrl.u32 v13, $0x2  }
0x181: {  	v19 =	vshll.u32 v55, $0x6;
	v37 =	vand.u32 $0x3F, v56  }
0x182: {  	v19 =	vor.u32 v19, v37;
	_ =	sdelay $0x4  }
0x183: {  	v19 =	vld.idx.msk [tilespmem:v19+s15+$0x0], $0xffff;
	_ =	sdelay $0x2  }
0x184: {  	v59 =	vld [tilespmem:$0x1FF40];
	v13 =	vshll.u32 v13, $0x3  }
0x185: {  	v13 =	vand.u32 $0x18, v13  }
0x186: {  	v13 =	vshra.s32 v19, v13  }
0x187: {  	v57 =	vsel vm3, v53, v54;
	v58 =	vshrl.u32 v13, $0x2  }
0x188: {  	v19 =	vshll.u32 v57, $0x6;
	v34 =	vand.u32 $0x3F, v58  }
0x189: {  	vm12 =	vnez.u8 v59;
	v19 =	vor.u32 v19, v34  }
0x18a: {  	v60 =	vsel vm14, v14, v12;
	v9 =	vsel vm12, v9, v10  }
0x18b: {  	vm13 =	vgt.s32 v60, v9  }
0x18c: {  	v14 =	vsel vm9, v23, v24;
	v12 =	vsel vm13, v9, v60  }
0x18d: {  	vm3 =	vgt.s32 v12, v14  }
0x18e: {  	v20 =	vsel vm8, v21, v20;
	v61 =	vsel vm3, v14, v12;
	v19 =	vld.idx.msk [tilespmem:v19+s15+$0x0], $0xffff  }
0x18f: {  	vm8 =	vgt.s32 v61, v20  }
0x190: {  	v62 =	vsel vm0, v33, v36;
	v63 =	vsel vm8, v20, v61  }
0x191: {  	vm14 =	vgt.s32 v62, v63;
	v13 =	vshll.u32 v13, $0x3  }
0x192: {  	v31 =	vsel vm1, v51, v52;
	v36 =	vsel vm14, v63, v62;
	v13 =	vand.u32 $0x18, v13  }
0x193: {  	vm15 =	vgt.s32 v36, v31;
	v13 =	vshra.s32 v19, v13  }
0x194: {  	v37 =	vsel vm15, v31, v36;
	v38 =	vshrl.u32 v13, $0x2  }
0x195: {  	v19 =	vshll.u32 v37, $0x6;
	v33 =	vand.u32 $0x3F, v38  }
0x196: {  	v19 =	vor.u32 v19, v33;
	_ =	sdelay $0x4  }
0x197: {  	v19 =	vld.idx.msk [tilespmem:v19+s15+$0x0], $0xffff;
	_ =	sdelay $0x2  }
0x198: {  	v13 =	vshll.u32 v13, $0x3  }
0x199: {  	v13 =	vand.u32 $0x18, v13  }
0x19a: {  	v13 =	vshra.s32 v19, v13  }
0x19b: {  	v39 =	vsel vm15, v36, v31;
	v40 =	vshrl.u32 v13, $0x2  }
0x19c: {  	v19 =	vshll.u32 v39, $0x6;
	v31 =	vand.u32 $0x3F, v40  }
0x19d: {  	v19 =	vor.u32 v19, v31;
	_ =	sdelay $0x2  }
0x19e: {  	v9 =	vsel vm13, v60, v9;
	v41 =	vsel vm11, v27, v30  }
0x19f: {  	vm5 =	vgt.s32 v9, v41  }
0x1a0: {  	v26 =	vsel vm10, v26, v28;
	v27 =	vsel vm5, v41, v9;
	v19 =	vld.idx.msk [tilespmem:v19+s15+$0x0], $0xffff  }
0x1a1: {  	vm0 =	vgt.s32 v27, v26  }
0x1a2: {  	v17 =	vsel vm2, v49, v17;
	v42 =	vsel vm0, v26, v27  }
0x1a3: {  	vm12 =	vgt.s32 v42, v17;
	v13 =	vshll.u32 v13, $0x3  }
0x1a4: {  	v23 =	vsel vm14, v62, v63;
	v43 =	vsel vm12, v17, v42;
	v13 =	vand.u32 $0x18, v13  }
0x1a5: {  	vm13 =	vgt.s32 v23, v43;
	v13 =	vshra.s32 v19, v13  }
0x1a6: {  	v44 =	vsel vm13, v43, v23;
	v45 =	vshrl.u32 v13, $0x2  }
0x1a7: {  	v19 =	vshll.u32 v44, $0x6;
	v28 =	vand.u32 $0x3F, v45  }
0x1a8: {  	v19 =	vor.u32 v19, v28;
	_ =	sdelay $0x4  }
0x1a9: {  	v19 =	vld.idx.msk [tilespmem:v19+s15+$0x0], $0xffff;
	_ =	sdelay $0x2  }
0x1aa: {  	v13 =	vshll.u32 v13, $0x3  }
0x1ab: {  	v13 =	vand.u32 $0x18, v13  }
0x1ac: {  	v48 =	vld [tilespmem:$0x1FF50];
	v13 =	vshra.s32 v19, v13  }
0x1ad: {  	v46 =	vsel vm13, v23, v43;
	v47 =	vshrl.u32 v13, $0x2  }
0x1ae: {  	v19 =	vshll.u32 v46, $0x6;
	v23 =	vand.u32 $0x3F, v47  }
0x1af: {  	v19 =	vor.u32 v19, v23;
	_ =	sdelay $0x1  }
0x1b0: {  	vm14 =	vnez.u8 v48  }
0x1b1: {  	v5 =	vsel vm14, v5, v6;
	v6 =	vsel vm7, v22, v11  }
0x1b2: {  	vm1 =	vgt.s32 v5, v6  }
0x1b3: {  	v49 =	vsel vm4, v25, v29;
	v22 =	vsel vm1, v6, v5;
	v19 =	vld.idx.msk [tilespmem:v19+s15+$0x0], $0xffff  }
0x1b4: {  	vm15 =	vgt.s32 v22, v49  }
0x1b5: {  	v20 =	vsel vm8, v61, v20;
	v50 =	vsel vm15, v49, v22  }
0x1b6: {  	vm9 =	vgt.s32 v50, v20;
	v13 =	vshll.u32 v13, $0x3  }
0x1b7: {  	v17 =	vsel vm12, v42, v17;
	v51 =	vsel vm9, v20, v50;
	v13 =	vand.u32 $0x18, v13  }
0x1b8: {  	vm11 =	vgt.s32 v51, v17;
	v13 =	vshra.s32 v19, v13  }
0x1b9: {  	v52 =	vsel vm11, v17, v51;
	v53 =	vshrl.u32 v13, $0x2  }
0x1ba: {  	v19 =	vshll.u32 v52, $0x6;
	v23 =	vand.u32 $0x3F, v53  }
0x1bb: {  	v19 =	vor.u32 v19, v23;
	_ =	sdelay $0x4  }
0x1bc: {  	v19 =	vld.idx.msk [tilespmem:v19+s15+$0x0], $0xffff;
	_ =	sdelay $0x2  }
0x1bd: {  	v13 =	vshll.u32 v13, $0x3  }
0x1be: {  	v13 =	vand.u32 $0x18, v13  }
0x1bf: {  	v13 =	vshra.s32 v19, v13  }
0x1c0: {  	v17 =	vsel vm11, v51, v17;
	v54 =	vshrl.u32 v13, $0x2  }
0x1c1: {  	v55 =	vld [tilespmem:$0x1FF60];
	v17 =	vshll.u32 v17, $0x6;
	v18 =	vand.u32 $0x3F, v54  }
0x1c2: {  	v17 =	vor.u32 v17, v18;
	_ =	sdelay $0x3  }
0x1c3: {  	vm12 =	vnez.u8 v55  }
0x1c4: {  	v7 =	vsel vm12, v7, v8;
	v56 =	vsel vm6, v16, v15;
	v57 =	vld.idx.msk [tilespmem:v17+s15+$0x0], $0xffff  }
0x1c5: {  	vm4 =	vgt.s32 v56, v7  }
0x1c6: {  	v59 =	vsel vm4, v7, v56;
	v58 =	vsel vm0, v27, v26  }
0x1c7: {  	vm0 =	vgt.s32 v58, v59;
	v13 =	vshll.u32 v13, $0x3  }
0x1c8: {  	v60 =	vsel vm9, v50, v20;
	v61 =	vsel vm0, v59, v58;
	v13 =	vand.u32 $0x18, v13  }
0x1c9: {  	vm13 =	vgt.s32 v60, v61;
	v13 =	vshra.s32 v57, v13  }
0x1ca: {  	v62 =	vsel vm13, v61, v60;
	v63 =	vshrl.u32 v13, $0x2  }
0x1cb: {  	v15 =	vshll.u32 v62, $0x6;
	v20 =	vand.u32 $0x3F, v63  }
0x1cc: {  	v15 =	vor.u32 v15, v20;
	_ =	sdelay $0x4  }
0x1cd: {  	v15 =	vld.idx.msk [tilespmem:v15+s15+$0x0], $0xffff;
	_ =	sdelay $0x2  }
0x1ce: {  	v13 =	vshll.u32 v13, $0x3  }
0x1cf: {  	v13 =	vand.u32 $0x18, v13  }
0x1d0: {  	v13 =	vshra.s32 v15, v13  }
0x1d1: {  	v23 =	vsel vm13, v60, v61;
	v24 =	vshrl.u32 v13, $0x2  }
0x1d2: {  	v15 =	vshll.u32 v23, $0x6;
	v18 =	vand.u32 $0x3F, v24  }
0x1d3: {  	v15 =	vor.u32 v15, v18;
	_ =	sdelay $0x4  }
0x1d4: {  	v15 =	vld.idx.msk [tilespmem:v15+s15+$0x0], $0xffff;
	_ =	sdelay $0x1  }
0x1d5: {  	v12 =	vsel vm3, v12, v14;
	v11 =	vsel vm15, v22, v49  }
0x1d6: {  	vm2 =	vgt.s32 v11, v12;
	v13 =	vshll.u32 v13, $0x3  }
0x1d7: {  	v26 =	vsel vm2, v12, v11;
	v25 =	vsel vm0, v58, v59;
	v13 =	vand.u32 $0x18, v13  }
0x1d8: {  	vm0 =	vgt.s32 v26, v25;
	v13 =	vshra.s32 v15, v13  }
0x1d9: {  	v27 =	vsel vm0, v25, v26;
	v28 =	vshrl.u32 v13, $0x2  }
0x1da: {  	v15 =	vshll.u32 v27, $0x6;
	v17 =	vand.u32 $0x3F, v28  }
0x1db: {  	v15 =	vor.u32 v15, v17;
	_ =	sdelay $0x4  }
0x1dc: {  	v15 =	vld.idx.msk [tilespmem:v15+s15+$0x0], $0xffff;
	_ =	sdelay $0x2  }
0x1dd: {  	v13 =	vshll.u32 v13, $0x3  }
0x1de: {  	v13 =	vand.u32 $0x18, v13  }
0x1df: {  	v13 =	vshra.s32 v15, v13  }
0x1e0: {  	v14 =	vsel vm0, v26, v25;
	v15 =	vshrl.u32 v13, $0x2  }
0x1e1: {  	v14 =	vshll.u32 v14, $0x6;
	v15 =	vand.u32 $0x3F, v15  }
0x1e2: {  	v14 =	vor.u32 v14, v15;
	_ =	sdelay $0x4  }
0x1e3: {  	v14 =	vld.idx.msk [tilespmem:v14+s15+$0x0], $0xffff;
	_ =	sdelay $0x1  }
0x1e4: {  	v9 =	vsel vm5, v9, v41;
	v7 =	vsel vm4, v56, v7  }
0x1e5: {  	vm14 =	vgt.s32 v9, v7;
	v29 =	vshll.u32 v13, $0x3  }
0x1e6: {  	v30 =	vsel vm2, v11, v12;
	v31 =	vsel vm14, v7, v9;
	v8 =	vand.u32 $0x18, v29  }
0x1e7: {  	vm2 =	vgt.s32 v30, v31;
	v8 =	vshra.s32 v14, v8  }
0x1e8: {  	v12 =	vsel vm2, v31, v30;
	v32 =	vshrl.u32 v8, $0x2  }
0x1e9: {  	v12 =	vshll.u32 v12, $0x6;
	v13 =	vand.u32 $0x3F, v32  }
0x1ea: {  	v12 =	vor.u32 v12, v13;
	_ =	sdelay $0x4  }
0x1eb: {  	v12 =	vld.idx.msk [tilespmem:v12+s15+$0x0], $0xffff;
	_ =	sdelay $0x2  }
0x1ec: {  	v8 =	vshll.u32 v8, $0x3  }
0x1ed: {  	v8 =	vand.u32 $0x18, v8  }
0x1ee: {  	v8 =	vshra.s32 v12, v8  }
0x1ef: {  	v10 =	vsel vm2, v30, v31;
	v33 =	vshrl.u32 v8, $0x2  }
0x1f0: {  	v10 =	vshll.u32 v10, $0x6;
	v11 =	vand.u32 $0x3F, v33  }
0x1f1: {  	v10 =	vor.u32 v10, v11;
	_ =	sdelay $0x4  }
0x1f2: {  	v10 =	vld.idx.msk [tilespmem:v10+s15+$0x0], $0xffff;
	_ =	sdelay $0x2  }
0x1f3: {  	v8 =	vshll.u32 v8, $0x3  }
0x1f4: {  	v5 =	vsel vm1, v5, v6;
	v6 =	vsel vm14, v9, v7;
	v7 =	vand.u32 $0x18, v8  }
0x1f5: {  	vm0 =	vgt.s32 v5, v6;
	v7 =	vshra.s32 v10, v7  }
0x1f6: {  	v34 =	vsel vm0, v6, v5;
	v35 =	vshrl.u32 v7, $0x2  }
0x1f7: {  	v8 =	vshll.u32 v34, $0x6;
	v9 =	vand.u32 $0x3F, v35  }
0x1f8: {  	v8 =	vor.u32 v8, v9;
	_ =	sdelay $0x4  }
0x1f9: {  	v8 =	vld.idx.msk [tilespmem:v8+s15+$0x0], $0xffff;
	_ =	sdelay $0x2  }
0x1fa: {  	v7 =	vshll.u32 v7, $0x3  }
0x1fb: {  	v7 =	vand.u32 $0x18, v7  }
0x1fc: {  	v7 =	vshra.s32 v8, v7  }
0x1fd: {  	v5 =	vsel vm0, v5, v6;
	v6 =	vshrl.u32 v7, $0x2  }
0x1fe: {  	v5 =	vshll.u32 v5, $0x6;
	v6 =	vand.u32 $0x3F, v6  }
0x1ff: {  	v5 =	vor.u32 v5, v6;
	_ =	sdelay $0x4  }
0x200: {  	v5 =	vld.idx.msk [tilespmem:v5+s15+$0x0], $0xffff;
	_ =	sdelay $0x2  }
0x201: {  	v6 =	vshll.u32 v7, $0x3  }
0x202: {  	v6 =	vand.u32 $0x18, v6  }
0x203: {  	v5 =	vshra.s32 v5, v6  }
0x204: {  	v5 =	vshll.u32 v5, $0x4  }
0x205: {  	v7 =	vld [tilespmem:$0x1FFF0];
	v5 =	vand.u32 $0xFF0, v5  }
0x206: {  	v5 =	vor.u32 s26, v5;
	_ =	sdelay $0x3  }
0x207: {  	vm15 =	vnez.u8 v7  }
0x208: {  	v6 =	vadd.s32 s26, v4;
	v5 =	vld.idx.msk [tilespmem:v5+s18+$0x0], $0xffff;
	_ =	sdelay $0x4  }
0x209: {  	[tilespmem:v6+s21+$0x0] =	vst.idx.msk vm15, v5  }
0x20a: {  	v5 =	vld [tilespmem:s28+$0x0]  }
0x20b: {  	v6 =	vld [tilespmem:$0x1C100]  }
0x20c: {  	v7 =	vld [tilespmem:$0x1C110]  }
0x20d: {  	v36 =	vld [tilespmem:$0x1C120]  }
0x20e: {  	v38 =	vld [tilespmem:$0x1C130]  }
0x20f: {  	v10 =	vld [tilespmem:s28+$0x10]  }
0x210: {  	v43 =	vld [tilespmem:$0x1C150]  }
0x211: {  	v44 =	vld [tilespmem:$0x1C160]  }
0x212: {  	v46 =	vld [tilespmem:$0x1C170]  }
0x213: {  	v48 =	vld [tilespmem:$0x1C180]  }
0x214: {  	v50 =	vld [tilespmem:$0x1C190]  }
0x215: {  	v52 =	vld [tilespmem:$0x1C1A0]  }
0x216: {  	v54 =	vld [tilespmem:$0x1C1B0]  }
0x217: {  	v56 =	vld [tilespmem:$0x1C1C0]  }
0x218: {  	v58 =	vld [tilespmem:$0x1C1D0]  }
0x219: {  	v34 =	vld [tilespmem:$0x1C1F0];
	v37 =	vbroadcast v5, $0x0;
	v40 =	vbroadcast v5, $0x2  }
0x21a: {  	v35 =	vld [tilespmem:$0x1C200];
	v39 =	vbroadcast v5, $0x1;
	v41 =	vbroadcast v5, $0x3  }
0x21b: {  	v6 =	vadd.s32 v37, v6;
	v8 =	vadd.s32 v40, v36;
	v36 =	vld [tilespmem:$0x1C210]  }
0x21c: {  	v7 =	vadd.s32 v39, v7;
	v42 =	vadd.s32 v41, v38;
	v38 =	vld [tilespmem:$0x1C220]  }
0x21d: {  	v47 =	vbroadcast v5, $0x5;
	v39 =	vld [tilespmem:$0x1C230]  }
0x21e: {  	v49 =	vbroadcast v5, $0x6;
	v41 =	vld [tilespmem:$0x1C240]  }
0x21f: {  	v51 =	vbroadcast v5, $0x7;
	v12 =	vadd.s32 v47, v43;
	v47 =	vld [tilespmem:$0x1C270]  }
0x220: {  	v57 =	vbroadcast v5, $0xA;
	v13 =	vadd.s32 v49, v44;
	v6 =	vld.idx.msk [tilespmem:v6+s14+$0x0], $0xffff  }
0x221: {  	v60 =	vbroadcast v5, $0xB;
	v15 =	vadd.s32 v51, v46;
	v11 =	vld.idx.msk [tilespmem:v7+s14+$0x0], $0xffff  }
0x222: {  	v61 =	vbroadcast v5, $0xC;
	v17 =	vadd.s32 v57, v52;
	v8 =	vld.idx.msk [tilespmem:v8+s14+$0x0], $0xffff  }
0x223: {  	v62 =	vbroadcast v5, $0xD;
	v16 =	vadd.s32 v60, v54;
	v9 =	vld.idx.msk [tilespmem:v42+s14+$0x0], $0xffff  }
0x224: {  	v18 =	vadd.s32 v61, v56;
	v7 =	vld [tilespmem:$0x1C140]  }
0x225: {  	v19 =	vadd.s32 v62, v58;
	v13 =	vld.idx.msk [tilespmem:v13+s14+$0x0], $0xffff  }
0x226: {  	v40 =	vbroadcast v10, $0x0;
	v15 =	vld.idx.msk [tilespmem:v15+s14+$0x0], $0xffff  }
0x227: {  	v45 =	vbroadcast v5, $0x4;
	v53 =	vbroadcast v5, $0x8;
	v17 =	vld.idx.msk [tilespmem:v17+s14+$0x0], $0xffff  }
0x228: {  	v55 =	vbroadcast v5, $0x9;
	v44 =	vbroadcast v10, $0x2;
	v22 =	vadd.s32 v40, v35;
	v16 =	vld.idx.msk [tilespmem:v16+s14+$0x0], $0xffff  }
0x229: {  	v14 =	vadd.s32 v53, v48;
	v46 =	vbroadcast v10, $0x3;
	v18 =	vld.idx.msk [tilespmem:v18+s14+$0x0], $0xffff;
	v7 =	vadd.s32 v45, v7  }
0x22a: {  	v37 =	vbroadcast v5, $0xE;
	v19 =	vld.idx.msk [tilespmem:v19+s14+$0x0], $0xffff;
	v42 =	vbroadcast v10, $0x1;
	v25 =	vadd.s32 v44, v38  }
0x22b: {  	v5 =	vbroadcast v5, $0xF;
	v48 =	vbroadcast v10, $0x4;
	v12 =	vld.idx.msk [tilespmem:v12+s14+$0x0], $0xffff;
	v24 =	vadd.s32 v46, v39  }
0x22c: {  	v51 =	vbroadcast v10, $0x6;
	v21 =	vadd.s32 v42, v36;
	v45 =	vld [tilespmem:$0x1C260]  }
0x22d: {  	v52 =	vbroadcast v10, $0x7;
	v5 =	vadd.s32 v5, v34;
	v26 =	vadd.s32 v48, v41;
	v22 =	vld.idx.msk [tilespmem:v22+s14+$0x0], $0xffff  }
0x22e: {  	vm4 =	vgt.s32 v6, v11;
	vm5 =	vgt.s32 v8, v9;
	v59 =	vld.idx.msk [tilespmem:v7+s14+$0x0], $0xffff;
	v7 =	vadd.s32 v55, v50  }
0x22f: {  	v25 =	vld.idx.msk [tilespmem:v25+s14+$0x0], $0xffff;
	vm7 =	vgt.s32 v13, v15;
	vm9 =	vgt.s32 v17, v16;
	vm10 =	vgt.s32 v18, v19  }
0x230: {  	v24 =	vld.idx.msk [tilespmem:v24+s14+$0x0], $0xffff;
	v56 =	vsel vm4, v11, v6;
	v6 =	vsel vm4, v6, v11;
	v57 =	vsel vm5, v9, v8  }
0x231: {  	v8 =	vsel vm5, v8, v9;
	v61 =	vsel vm9, v16, v17;
	v53 =	vld.idx.msk [tilespmem:v21+s14+$0x0], $0xffff;
	v54 =	vadd.s32 v51, v45  }
0x232: {  	v16 =	vsel vm9, v17, v16;
	v62 =	vsel vm10, v19, v18;
	v55 =	vadd.s32 v52, v47  }
0x233: {  	v18 =	vsel vm10, v18, v19;
	vm4 =	vgt.s32 v56, v57;
	vm5 =	vgt.s32 v6, v8;
	v63 =	vld.idx.msk [tilespmem:v7+s14+$0x0], $0xffff  }
0x234: {  	v38 =	vsel vm4, v57, v56;
	v11 =	vsel vm4, v56, v57;
	v39 =	vsel vm5, v8, v6;
	v7 =	vld [tilespmem:$0x1C1E0]  }
0x235: {  	v14 =	vld.idx.msk [tilespmem:v14+s14+$0x0], $0xffff;
	v6 =	vsel vm5, v6, v8;
	vm4 =	vgt.s32 v39, v11;
	vm13 =	vgt.s32 v25, v24  }
0x236: {  	v35 =	vsel vm13, v24, v25;
	vm12 =	vgt.s32 v22, v53;
	vm6 =	vgt.s32 v59, v12;
	v21 =	vld.idx.msk [tilespmem:v54+s14+$0x0], $0xffff  }
0x237: {  	v24 =	vsel vm13, v25, v24;
	v34 =	vsel vm12, v53, v22;
	v27 =	vld.idx.msk [tilespmem:v55+s14+$0x0], $0xffff;
	v58 =	vsel vm6, v12, v59  }
0x238: {  	v12 =	vsel vm6, v59, v12;
	v59 =	vsel vm7, v15, v13;
	v13 =	vsel vm7, v13, v15  }
0x239: {  	vm6 =	vgt.s32 v58, v59;
	vm7 =	vgt.s32 v12, v13;
	v7 =	vadd.s32 v37, v7  }
0x23a: {  	v40 =	vsel vm6, v59, v58;
	v9 =	vsel vm6, v58, v59;
	v41 =	vsel vm7, v13, v12  }
0x23b: {  	v43 =	vld [tilespmem:$0x1C250];
	v12 =	vsel vm7, v12, v13;
	vm5 =	vgt.s32 v41, v9;
	vm8 =	vgt.s32 v14, v63  }
0x23c: {  	vm15 =	vgt.s32 v21, v27;
	v54 =	vsel vm5, v9, v41;
	v9 =	vsel vm5, v41, v9  }
0x23d: {  	v49 =	vld [tilespmem:$0x1C280];
	v60 =	vsel vm8, v63, v14;
	v14 =	vsel vm8, v14, v63;
	v37 =	vsel vm15, v27, v21  }
0x23e: {  	v21 =	vsel vm15, v21, v27;
	vm8 =	vgt.s32 v60, v61;
	v50 =	vld.idx.msk [tilespmem:v7+s14+$0x0], $0xffff;
	v7 =	vbroadcast v10, $0x5  }
0x23f: {  	v5 =	vld.idx.msk [tilespmem:v5+s14+$0x0], $0xffff;
	vm9 =	vgt.s32 v14, v16;
	v42 =	vsel vm8, v61, v60;
	v15 =	vsel vm8, v60, v61  }
0x240: {  	v29 =	vadd.s32 v7, v43;
	v7 =	vbroadcast v10, $0x8;
	v10 =	vsel vm12, v22, v53  }
0x241: {  	v43 =	vsel vm9, v16, v14;
	v14 =	vsel vm9, v14, v16;
	vm12 =	vgt.s32 v34, v35  }
0x242: {  	v53 =	vsel vm4, v11, v39;
	v11 =	vsel vm4, v39, v11;
	v46 =	vsel vm12, v35, v34  }
0x243: {  	vm13 =	vgt.s32 v10, v24;
	vm6 =	vgt.s32 v43, v15;
	v7 =	vadd.s32 v7, v49  }
0x244: {  	v47 =	vsel vm13, v24, v10;
	v10 =	vsel vm13, v10, v24;
	vm11 =	vgt.s32 v50, v5  }
0x245: {  	v55 =	vsel vm6, v15, v43;
	v15 =	vsel vm6, v43, v15;
	v63 =	vsel vm11, v5, v50  }
0x246: {  	vm13 =	vgt.s32 v6, v12;
	v5 =	vsel vm11, v50, v5;
	vm10 =	vgt.s32 v62, v63  }
0x247: {  	vm11 =	vgt.s32 v18, v5;
	v44 =	vsel vm10, v63, v62;
	v17 =	vsel vm10, v62, v63  }
0x248: {  	v45 =	vsel vm11, v5, v18;
	v18 =	vsel vm11, v18, v5;
	v5 =	vsel vm12, v34, v35  }
0x249: {  	v26 =	vld.idx.msk [tilespmem:v26+s14+$0x0], $0xffff;
	vm10 =	vgt.s32 v38, v40;
	vm11 =	vgt.s32 v53, v54;
	vm12 =	vgt.s32 v11, v9  }
0x24a: {  	v29 =	vld.idx.msk [tilespmem:v29+s14+$0x0], $0xffff;
	v62 =	vsel vm13, v12, v6;
	vm7 =	vgt.s32 v45, v17;
	vm8 =	vgt.s32 v47, v5  }
0x24b: {  	v59 =	vsel vm10, v40, v38;
	v8 =	vsel vm10, v38, v40;
	v60 =	vsel vm11, v54, v53  }
0x24c: {  	v61 =	vsel vm12, v9, v11;
	v9 =	vsel vm12, v11, v9;
	vm5 =	vgt.s32 v14, v18  }
0x24d: {  	v56 =	vsel vm7, v17, v45;
	v17 =	vsel vm7, v45, v17;
	v57 =	vsel vm8, v5, v47  }
0x24e: {  	v22 =	vsel vm8, v47, v5;
	v5 =	vsel vm13, v6, v12;
	v6 =	vsel vm5, v14, v18  }
0x24f: {  	vm10 =	vgt.s32 v61, v8;
	vm4 =	vgt.s32 v15, v17;
	vm14 =	vgt.s32 v26, v29  }
0x250: {  	v40 =	vsel vm10, v8, v61;
	v8 =	vsel vm10, v61, v8;
	v36 =	vsel vm14, v29, v26  }
0x251: {  	v61 =	vimm.s32 $0x0;
	v26 =	vsel vm14, v26, v29;
	vm14 =	vgt.s32 v36, v37  }
0x252: {  	vm15 =	vgt.s32 v26, v21;
	v48 =	vsel vm14, v37, v36;
	v25 =	vsel vm14, v36, v37  }
0x253: {  	v52 =	vsel vm15, v21, v26;
	v21 =	vsel vm15, v26, v21;
	v26 =	vsel vm11, v53, v54  }
0x254: {  	vm14 =	vgt.s32 v42, v44;
	vm15 =	vgt.s32 v55, v56;
	v53 =	vsel vm5, v18, v14  }
0x255: {  	vm9 =	vgt.s32 v52, v25;
	v63 =	vsel vm14, v44, v42;
	v49 =	vsel vm14, v42, v44  }
0x256: {  	v50 =	vsel vm15, v56, v55;
	v51 =	vsel vm15, v55, v56;
	vm6 =	vgt.s32 v46, v48  }
0x257: {  	vm11 =	vgt.s32 v62, v26;
	v58 =	vsel vm9, v25, v52;
	v25 =	vsel vm9, v52, v25  }
0x258: {  	v52 =	vsel vm4, v17, v15;
	v15 =	vsel vm4, v15, v17;
	v54 =	vsel vm6, v48, v46  }
0x259: {  	v36 =	vsel vm6, v46, v48;
	vm9 =	vgt.s32 v10, v21;
	v41 =	vsel vm11, v26, v62  }
0x25a: {  	v26 =	vsel vm11, v62, v26;
	vm13 =	vgt.s32 v53, v51;
	vm4 =	vgt.s32 v60, v40  }
0x25b: {  	v62 =	vimm.s32 $0x0;
	vm7 =	vgt.s32 v57, v58;
	vm8 =	vgt.s32 v22, v25  }
0x25c: {  	v39 =	vsel vm9, v21, v10;
	v11 =	vsel vm9, v10, v21;
	vm12 =	vgt.s32 v52, v49  }
0x25d: {  	v43 =	vsel vm13, v51, v53;
	v16 =	vsel vm13, v53, v51;
	v46 =	vsel vm4, v40, v60  }
0x25e: {  	vm5 =	vgt.s32 v41, v8;
	v27 =	vsel vm4, v60, v40;
	vm6 =	vgt.s32 v26, v9  }
0x25f: {  	vm13 =	vgt.s32 v59, v63;
	v53 =	vimm.s32 $0x0;
	v37 =	vsel vm7, v58, v57  }
0x260: {  	v19 =	vsel vm7, v57, v58;
	v38 =	vsel vm8, v25, v22;
	v22 =	vsel vm8, v22, v25  }
0x261: {  	v42 =	vsel vm12, v49, v52;
	v20 =	vsel vm12, v52, v49;
	v47 =	vsel vm5, v8, v41  }
0x262: {  	v21 =	vsel vm5, v41, v8;
	v12 =	vsel vm6, v9, v26;
	v9 =	vsel vm6, v26, v9  }
0x263: {  	vm9 =	vgt.s32 v16, v15;
	v34 =	vsel vm13, v63, v59;
	v56 =	vsel vm13, v59, v63  }
0x264: {  	v59 =	vimm.s32 $0x0;
	vm14 =	vgt.s32 v38, v36;
	vm15 =	vgt.s32 v39, v19  }
0x265: {  	v7 =	vld.idx.msk [tilespmem:v7+s14+$0x0], $0xffff;
	vm7 =	vgt.s32 v50, v42;
	vm8 =	vgt.s32 v43, v20;
	v13 =	vsel vm9, v15, v16  }
0x266: {  	v10 =	vsel vm9, v16, v15;
	v44 =	vsel vm14, v36, v38;
	v14 =	vsel vm14, v38, v36  }
0x267: {  	v45 =	vsel vm15, v19, v39;
	v19 =	vsel vm15, v39, v19;
	v48 =	vsel vm7, v42, v50  }
0x268: {  	v49 =	vsel vm7, v50, v42;
	v50 =	vsel vm8, v20, v43;
	v20 =	vsel vm8, v43, v20  }
0x269: {  	vm5 =	vgt.s32 v12, v13;
	vm6 =	vgt.s32 v9, v10;
	vm7 =	vgt.s32 v5, v6  }
0x26a: {  	vm8 =	vgt.s32 v54, v7;
	vm10 =	vgt.s32 v37, v44;
	vm11 =	vgt.s32 v45, v14  }
0x26b: {  	vm12 =	vgt.s32 v19, v22;
	vm14 =	vgt.s32 v46, v48;
	vm15 =	vgt.s32 v27, v49  }
0x26c: {  	vm4 =	vgt.s32 v47, v50;
	v16 =	vsel vm5, $0xFFFFFFFF, v59;
	v60 =	vsel vm5, v13, v12  }
0x26d: {  	v31 =	vsel vm6, v10, v9;
	v63 =	vsel vm8, v7, v54;
	v7 =	vsel vm8, v54, v7  }
0x26e: {  	v59 =	vimm.s32 $0x0;
	v30 =	vsel vm10, v44, v37;
	v51 =	vsel vm10, v37, v44  }
0x26f: {  	v23 =	vsel vm11, v14, v45;
	v55 =	vsel vm11, v45, v14;
	v24 =	vsel vm12, v22, v19  }
0x270: {  	v32 =	vsel vm12, v19, v22;
	v33 =	vsel vm14, v48, v46;
	v8 =	vsel vm14, v46, v48  }
0x271: {  	v57 =	vsel vm15, v49, v27;
	v26 =	vsel vm15, v27, v49;
	v27 =	vsel vm4, v50, v47  }
0x272: {  	vm15 =	vgt.s32 v21, v20;
	v14 =	vsel vm4, v47, v50;
	[tilespmem:$0x1FF70] =	vst v16;
	v16 =	vsel vm6, $0xFFFFFFFF, v61  }
0x273: {  	vm1 =	vgt.s32 v34, v63;
	v58 =	vsel vm15, v20, v21;
	[tilespmem:$0x1FFC0] =	vst v16;
	v16 =	vsel vm7, $0xFFFFFFFF, v62  }
0x274: {  	vm10 =	vgt.s32 v60, v8;
	vm12 =	vgt.s32 v31, v26;
	vm13 =	vgt.s32 v55, v7  }
0x275: {  	[tilespmem:$0x1FFD0] =	vst v16;
	v16 =	vsel vm7, v6, v5;
	vm9 =	vgt.s32 v58, v56;
	v37 =	vsel vm10, v8, v60  }
0x276: {  	v28 =	vsel vm10, v60, v8;
	v38 =	vsel vm12, v26, v31;
	v54 =	vsel vm13, v7, v55  }
0x277: {  	v40 =	vsel vm13, v55, v7;
	v7 =	vimm.s32 $0x0;
	v52 =	vsel vm9, v56, v58  }
0x278: {  	v36 =	vsel vm9, v58, v56;
	vm11 =	vgt.s32 v16, v14;
	vm9 =	vgt.s32 v27, v37  }
0x279: {  	vm4 =	vgt.s32 v51, v54;
	vm8 =	vgt.s32 v32, v40;
	v58 =	vimm.s32 $0x0  }
0x27a: {  	v8 =	vsel vm11, $0xFFFFFFFF, v53;
	v39 =	vsel vm11, v14, v16;
	vm14 =	vgt.s32 v57, v52  }
0x27b: {  	v43 =	vsel vm9, v37, v27;
	vm5 =	vgt.s32 v38, v36;
	v56 =	vsel vm4, v54, v51  }
0x27c: {  	v45 =	vsel vm4, v51, v54;
	vm4 =	vgt.s32 v23, v24;
	v29 =	vsel vm8, v32, v40  }
0x27d: {  	v55 =	vsel vm14, v52, v57;
	v42 =	vsel vm14, v57, v52;
	vm11 =	vgt.s32 v39, v28  }
0x27e: {  	v22 =	vsel vm5, v38, v36;
	vm6 =	vgt.s32 v11, v29;
	v25 =	vsel vm11, v28, v39  }
0x27f: {  	[tilespmem:$0x1FF80] =	vst v8;
	v46 =	vsel vm4, v24, v23;
	v7 =	vsel vm6, $0xFFFFFFFF, v7;
	vm13 =	vgt.s32 v25, v22  }
0x280: {  	v57 =	vimm.s32 $0x0;
	v8 =	vsel vm6, v11, v29;
	[tilespmem:$0x1FF90] =	vst v7;
	v7 =	vsel vm13, v25, v22  }
0x281: {  	vm7 =	vgt.s32 v43, v42;
	vm6 =	vgt.s32 v46, v45;
	vm0 =	vgt.s32 v7, v8  }
0x282: {  	v15 =	vsel vm7, v43, v42;
	v18 =	vsel vm6, v46, v45;
	v17 =	vsel vm0, $0xFFFFFFFF, v57  }
0x283: {  	vm3 =	vgt.s32 v15, v18;
	v19 =	vsel vm0, v8, v7;
	[tilespmem:$0x1FFE0] =	vst v17;
	v17 =	vsel vm1, v34, v63  }
0x284: {  	vm10 =	vgt.s32 v33, v55;
	v48 =	vsel vm3, $0xFFFFFFFF, v58;
	vm14 =	vgt.s32 v19, v17  }
0x285: {  	v47 =	vsel vm10, v33, v55;
	vm0 =	vgt.s32 v30, v56;
	[tilespmem:$0x1FFA0] =	vst v48;
	v48 =	vsel vm14, $0xFFFFFFFF, v59  }
0x286: {  	v49 =	vsel vm3, v18, v15;
	v50 =	vsel vm14, v17, v19;
	[tilespmem:$0x1FFB0] =	vst v48;
	v48 =	vsel vm0, v30, v56  }
0x287: {  	v33 =	vsel vm10, v55, v33;
	vm14 =	vgt.s32 v49, v50;
	vm10 =	vgt.s32 v47, v48  }
0x288: {  	v30 =	vsel vm0, v56, v30;
	v44 =	vsel vm14, v50, v49;
	v41 =	vsel vm10, v48, v47  }
0x289: {  	vm2 =	vgt.s32 v33, v30;
	vm3 =	vgt.s32 v41, v44  }
0x28a: {  	v60 =	vsel vm2, v30, v33;
	v61 =	vsel vm3, v44, v41  }
0x28b: {  	vm0 =	vgt.s32 v60, v61  }
0x28c: {  	v34 =	vsel vm1, v63, v34;
	v62 =	vsel vm0, v61, v60  }
0x28d: {  	v63 =	vshra.s32 v34, $0x2;
	v35 =	vshll.u32 v62, $0x6  }
0x28e: {  	v35 =	vadd.s32 v63, v35;
	_ =	sdelay $0x4  }
0x28f: {  	v35 =	vld.idx.msk [tilespmem:v35+s15+$0x0], $0xffff;
	_ =	sdelay $0x2  }
0x290: {  	v34 =	vshll.u32 v34, $0x3  }
0x291: {  	v31 =	vsel vm12, v31, v26;
	v54 =	vand.u32 $0x18, v34  }
0x292: {  	v53 =	vsel vm15, v21, v20;
	v26 =	vsel vm9, v27, v37;
	v55 =	vshra.s32 v35, v54  }
0x293: {  	v32 =	vsel vm8, v40, v32;
	v56 =	vsel vm0, v60, v61;
	v57 =	vshrl.u32 v55, $0x2  }
0x294: {  	vm15 =	vgt.s32 v31, v53;
	v20 =	vshll.u32 v56, $0x6;
	v21 =	vand.u32 $0x3F, v57  }
0x295: {  	v28 =	vsel vm11, v39, v28;
	v58 =	vsel vm4, v23, v24;
	v59 =	vor.u32 v21, v20  }
0x296: {  	vm11 =	vgt.s32 v58, v32;
	v34 =	vsel vm5, v36, v38;
	v60 =	vsel vm15, v53, v31  }
0x297: {  	v24 =	vsel vm11, v32, v58;
	vm1 =	vgt.s32 v26, v34;
	vm5 =	vgt.s32 v28, v60  }
0x298: {  	v23 =	vsel vm1, v34, v26;
	v20 =	vsel vm2, v33, v30;
	v21 =	vsel vm5, v60, v28  }
0x299: {  	v38 =	vsel vm6, v45, v46;
	vm9 =	vgt.s32 v23, v24;
	vm8 =	vgt.s32 v21, v20  }
0x29a: {  	v39 =	vsel vm9, v24, v23;
	v33 =	vsel vm7, v42, v43;
	v40 =	vsel vm8, v20, v21;
	v61 =	vld.idx.msk [tilespmem:v59+s15+$0x0], $0xffff  }
0x29b: {  	vm0 =	vgt.s32 v33, v38;
	vm6 =	vgt.s32 v39, v40  }
0x29c: {  	v62 =	vsel vm0, v38, v33;
	v63 =	vsel vm6, v40, v39  }
0x29d: {  	v27 =	vshll.u32 v55, $0x3;
	vm12 =	vgt.s32 v62, v63  }
0x29e: {  	v41 =	vsel vm3, v41, v44;
	v27 =	vand.u32 $0x18, v27;
	v51 =	vsel vm12, v63, v62  }
0x29f: {  	vm7 =	vgt.s32 v51, v41;
	v27 =	vshra.s32 v61, v27  }
0x2a0: {  	v52 =	vsel vm7, v41, v51;
	v54 =	vshrl.u32 v27, $0x2  }
0x2a1: {  	v30 =	vshll.u32 v52, $0x6;
	v44 =	vand.u32 $0x3F, v54  }
0x2a2: {  	v30 =	vor.u32 v44, v30;
	_ =	sdelay $0x4  }
0x2a3: {  	v30 =	vld.idx.msk [tilespmem:v30+s15+$0x0], $0xffff;
	_ =	sdelay $0x2  }
0x2a4: {  	v27 =	vshll.u32 v27, $0x3  }
0x2a5: {  	v27 =	vand.u32 $0x18, v27  }
0x2a6: {  	v55 =	vshra.s32 v30, v27  }
0x2a7: {  	v56 =	vsel vm7, v51, v41;
	v30 =	vshrl.u32 v55, $0x2  }
0x2a8: {  	v27 =	vshll.u32 v56, $0x6;
	v30 =	vand.u32 $0x3F, v30  }
0x2a9: {  	v57 =	vor.u32 v27, v30;
	_ =	sdelay $0x1  }
0x2aa: {  	v27 =	vsel vm1, v26, v34  }
0x2ab: {  	v26 =	vsel vm5, v28, v60;
	v30 =	vsel vm11, v58, v32;
	v28 =	vsel vm10, v47, v48  }
0x2ac: {  	vm11 =	vgt.s32 v27, v30;
	vm10 =	vgt.s32 v26, v28  }
0x2ad: {  	v32 =	vsel vm11, v30, v27;
	v34 =	vsel vm10, v28, v26;
	v58 =	vld.idx.msk [tilespmem:v57+s15+$0x0], $0xffff  }
0x2ae: {  	vm1 =	vgt.s32 v32, v34  }
0x2af: {  	v37 =	vsel vm14, v49, v50;
	v59 =	vsel vm1, v34, v32  }
0x2b0: {  	v60 =	vshll.u32 v55, $0x3;
	vm5 =	vgt.s32 v59, v37  }
0x2b1: {  	v36 =	vsel vm12, v62, v63;
	v43 =	vand.u32 $0x18, v60;
	v61 =	vsel vm5, v37, v59  }
0x2b2: {  	vm12 =	vgt.s32 v36, v61;
	v35 =	vshra.s32 v58, v43  }
0x2b3: {  	v62 =	vsel vm12, v61, v36;
	v63 =	vshrl.u32 v35, $0x2  }
0x2b4: {  	v43 =	vshll.u32 v62, $0x6;
	v44 =	vand.u32 $0x3F, v63  }
0x2b5: {  	v43 =	vor.u32 v43, v44;
	_ =	sdelay $0x3  }
0x2b6: {  	v50 =	vld [tilespmem:$0x1FF80]  }
0x2b7: {  	v43 =	vld.idx.msk [tilespmem:v43+s15+$0x0], $0xffff  }
0x2b8: {  	v47 =	vld [tilespmem:$0x1FF70];
	_ =	sdelay $0x1  }
0x2b9: {  	v35 =	vshll.u32 v35, $0x3  }
0x2ba: {  	vm4 =	vnez.u8 v50;
	v35 =	vand.u32 $0x18, v35  }
0x2bb: {  	v14 =	vsel vm4, v16, v14;
	v54 =	vld [tilespmem:$0x1FF90];
	v35 =	vshra.s32 v43, v35  }
0x2bc: {  	vm14 =	vnez.u8 v47;
	v48 =	vsel vm12, v36, v61;
	v49 =	vshrl.u32 v35, $0x2  }
0x2bd: {  	v12 =	vsel vm14, v12, v13;
	v13 =	vshll.u32 v48, $0x6;
	v51 =	vand.u32 $0x3F, v49  }
0x2be: {  	vm14 =	vgt.s32 v14, v12;
	v13 =	vor.u32 v13, v51  }
0x2bf: {  	v52 =	vsel vm15, v31, v53;
	v53 =	vsel vm14, v12, v14  }
0x2c0: {  	v22 =	vsel vm13, v22, v25;
	vm7 =	vnez.u8 v54;
	vm13 =	vgt.s32 v53, v52  }
0x2c1: {  	v11 =	vsel vm7, v29, v11;
	v29 =	vsel vm0, v33, v38;
	v25 =	vsel vm13, v52, v53  }
0x2c2: {  	vm7 =	vgt.s32 v22, v11;
	vm4 =	vgt.s32 v25, v29  }
0x2c3: {  	v55 =	vsel vm7, v11, v22;
	v56 =	vsel vm4, v29, v25;
	v13 =	vld.idx.msk [tilespmem:v13+s15+$0x0], $0xffff  }
0x2c4: {  	vm0 =	vgt.s32 v55, v56  }
0x2c5: {  	v57 =	vsel vm6, v39, v40;
	v58 =	vsel vm0, v56, v55  }
0x2c6: {  	vm3 =	vgt.s32 v58, v57;
	v35 =	vshll.u32 v35, $0x3  }
0x2c7: {  	v37 =	vsel vm5, v59, v37;
	v40 =	vsel vm3, v57, v58;
	v35 =	vand.u32 $0x18, v35  }
0x2c8: {  	vm12 =	vgt.s32 v40, v37;
	v13 =	vshra.s32 v13, v35  }
0x2c9: {  	v59 =	vsel vm12, v37, v40;
	v60 =	vshrl.u32 v13, $0x2  }
0x2ca: {  	v35 =	vshll.u32 v59, $0x6;
	v41 =	vand.u32 $0x3F, v60  }
0x2cb: {  	v35 =	vor.u32 v35, v41;
	_ =	sdelay $0x4  }
0x2cc: {  	v35 =	vld.idx.msk [tilespmem:v35+s15+$0x0], $0xffff;
	_ =	sdelay $0x2  }
0x2cd: {  	v13 =	vshll.u32 v13, $0x3  }
0x2ce: {  	v13 =	vand.u32 $0x18, v13  }
0x2cf: {  	v13 =	vshra.s32 v35, v13  }
0x2d0: {  	v63 =	vld [tilespmem:$0x1FFA0];
	v61 =	vsel vm12, v40, v37;
	v62 =	vshrl.u32 v13, $0x2  }
0x2d1: {  	v35 =	vshll.u32 v61, $0x6;
	v37 =	vand.u32 $0x3F, v62  }
0x2d2: {  	v35 =	vor.u32 v35, v37;
	v37 =	vld [tilespmem:$0x1FFB0];
	_ =	sdelay $0x2  }
0x2d3: {  	vm15 =	vnez.u8 v63  }
0x2d4: {  	v16 =	vsel vm13, v53, v52;
	v15 =	vsel vm15, v15, v18  }
0x2d5: {  	vm6 =	vgt.s32 v16, v15;
	vm5 =	vnez.u8 v37  }
0x2d6: {  	v40 =	vsel vm6, v15, v16;
	v41 =	vld.idx.msk [tilespmem:v35+s15+$0x0], $0xffff;
	v17 =	vsel vm5, v19, v17  }
0x2d7: {  	vm2 =	vgt.s32 v40, v17  }
0x2d8: {  	v42 =	vsel vm1, v32, v34;
	v43 =	vsel vm2, v17, v40  }
0x2d9: {  	v13 =	vshll.u32 v13, $0x3;
	vm1 =	vgt.s32 v42, v43  }
0x2da: {  	v44 =	vsel vm3, v58, v57;
	v13 =	vand.u32 $0x18, v13;
	v45 =	vsel vm1, v43, v42  }
0x2db: {  	v13 =	vshra.s32 v41, v13;
	vm3 =	vgt.s32 v44, v45  }
0x2dc: {  	v47 =	vshrl.u32 v13, $0x2;
	v46 =	vsel vm3, v45, v44  }
0x2dd: {  	v37 =	vand.u32 $0x3F, v47;
	v19 =	vshll.u32 v46, $0x6  }
0x2de: {  	v19 =	vor.u32 v19, v37;
	_ =	sdelay $0x4  }
0x2df: {  	v19 =	vld.idx.msk [tilespmem:v19+s15+$0x0], $0xffff;
	_ =	sdelay $0x2  }
0x2e0: {  	v50 =	vld [tilespmem:$0x1FFC0];
	v13 =	vshll.u32 v13, $0x3  }
0x2e1: {  	v13 =	vand.u32 $0x18, v13  }
0x2e2: {  	v13 =	vshra.s32 v19, v13  }
0x2e3: {  	v48 =	vsel vm3, v44, v45;
	v49 =	vshrl.u32 v13, $0x2  }
0x2e4: {  	v19 =	vshll.u32 v48, $0x6;
	v34 =	vand.u32 $0x3F, v49  }
0x2e5: {  	vm12 =	vnez.u8 v50;
	v19 =	vor.u32 v19, v34  }
0x2e6: {  	v9 =	vsel vm12, v9, v10;
	v51 =	vsel vm14, v14, v12  }
0x2e7: {  	vm13 =	vgt.s32 v51, v9  }
0x2e8: {  	v14 =	vsel vm9, v23, v24;
	v12 =	vsel vm13, v9, v51  }
0x2e9: {  	vm3 =	vgt.s32 v12, v14  }
0x2ea: {  	v20 =	vsel vm8, v21, v20;
	v52 =	vsel vm3, v14, v12;
	v19 =	vld.idx.msk [tilespmem:v19+s15+$0x0], $0xffff  }
0x2eb: {  	vm8 =	vgt.s32 v52, v20  }
0x2ec: {  	v53 =	vsel vm0, v55, v56;
	v54 =	vsel vm8, v20, v52  }
0x2ed: {  	vm14 =	vgt.s32 v53, v54;
	v13 =	vshll.u32 v13, $0x3  }
0x2ee: {  	v31 =	vsel vm1, v42, v43;
	v55 =	vsel vm14, v54, v53;
	v13 =	vand.u32 $0x18, v13  }
0x2ef: {  	vm15 =	vgt.s32 v55, v31;
	v13 =	vshra.s32 v19, v13  }
0x2f0: {  	v56 =	vsel vm15, v31, v55;
	v57 =	vshrl.u32 v13, $0x2  }
0x2f1: {  	v19 =	vshll.u32 v56, $0x6;
	v33 =	vand.u32 $0x3F, v57  }
0x2f2: {  	v19 =	vor.u32 v19, v33;
	_ =	sdelay $0x4  }
0x2f3: {  	v19 =	vld.idx.msk [tilespmem:v19+s15+$0x0], $0xffff;
	_ =	sdelay $0x2  }
0x2f4: {  	v13 =	vshll.u32 v13, $0x3  }
0x2f5: {  	v13 =	vand.u32 $0x18, v13  }
0x2f6: {  	v13 =	vshra.s32 v19, v13  }
0x2f7: {  	v58 =	vsel vm15, v55, v31;
	v59 =	vshrl.u32 v13, $0x2  }
0x2f8: {  	v19 =	vshll.u32 v58, $0x6;
	v31 =	vand.u32 $0x3F, v59  }
0x2f9: {  	v19 =	vor.u32 v19, v31;
	_ =	sdelay $0x2  }
0x2fa: {  	v9 =	vsel vm13, v51, v9;
	v60 =	vsel vm11, v27, v30  }
0x2fb: {  	vm5 =	vgt.s32 v9, v60  }
0x2fc: {  	v26 =	vsel vm10, v26, v28;
	v27 =	vsel vm5, v60, v9;
	v19 =	vld.idx.msk [tilespmem:v19+s15+$0x0], $0xffff  }
0x2fd: {  	vm0 =	vgt.s32 v27, v26  }
0x2fe: {  	v17 =	vsel vm2, v40, v17;
	v61 =	vsel vm0, v26, v27  }
0x2ff: {  	vm12 =	vgt.s32 v61, v17;
	v13 =	vshll.u32 v13, $0x3  }
0x300: {  	v62 =	vsel vm12, v17, v61;
	v23 =	vsel vm14, v53, v54;
	v13 =	vand.u32 $0x18, v13  }
0x301: {  	vm13 =	vgt.s32 v23, v62;
	v13 =	vshra.s32 v19, v13  }
0x302: {  	v63 =	vsel vm13, v62, v23;
	v32 =	vshrl.u32 v13, $0x2  }
0x303: {  	v19 =	vshll.u32 v63, $0x6;
	v28 =	vand.u32 $0x3F, v32  }
0x304: {  	v19 =	vor.u32 v19, v28;
	_ =	sdelay $0x4  }
0x305: {  	v19 =	vld.idx.msk [tilespmem:v19+s15+$0x0], $0xffff;
	_ =	sdelay $0x2  }
0x306: {  	v13 =	vshll.u32 v13, $0x3  }
0x307: {  	v13 =	vand.u32 $0x18, v13  }
0x308: {  	v35 =	vld [tilespmem:$0x1FFD0];
	v13 =	vshra.s32 v19, v13  }
0x309: {  	v33 =	vsel vm13, v23, v62;
	v34 =	vshrl.u32 v13, $0x2  }
0x30a: {  	v19 =	vshll.u32 v33, $0x6;
	v23 =	vand.u32 $0x3F, v34  }
0x30b: {  	v19 =	vor.u32 v19, v23;
	_ =	sdelay $0x1  }
0x30c: {  	vm14 =	vnez.u8 v35  }
0x30d: {  	v5 =	vsel vm14, v5, v6;
	v6 =	vsel vm7, v22, v11  }
0x30e: {  	vm1 =	vgt.s32 v5, v6  }
0x30f: {  	v36 =	vsel vm4, v25, v29;
	v22 =	vsel vm1, v6, v5;
	v19 =	vld.idx.msk [tilespmem:v19+s15+$0x0], $0xffff  }
0x310: {  	vm15 =	vgt.s32 v22, v36  }
0x311: {  	v20 =	vsel vm8, v52, v20;
	v37 =	vsel vm15, v36, v22  }
0x312: {  	vm9 =	vgt.s32 v37, v20;
	v13 =	vshll.u32 v13, $0x3  }
0x313: {  	v17 =	vsel vm12, v61, v17;
	v38 =	vsel vm9, v20, v37;
	v13 =	vand.u32 $0x18, v13  }
0x314: {  	vm11 =	vgt.s32 v38, v17;
	v13 =	vshra.s32 v19, v13  }
0x315: {  	v39 =	vsel vm11, v17, v38;
	v40 =	vshrl.u32 v13, $0x2  }
0x316: {  	v19 =	vshll.u32 v39, $0x6;
	v23 =	vand.u32 $0x3F, v40  }
0x317: {  	v19 =	vor.u32 v19, v23;
	_ =	sdelay $0x4  }
0x318: {  	v19 =	vld.idx.msk [tilespmem:v19+s15+$0x0], $0xffff;
	_ =	sdelay $0x2  }
0x319: {  	v13 =	vshll.u32 v13, $0x3  }
0x31a: {  	v13 =	vand.u32 $0x18, v13  }
0x31b: {  	v13 =	vshra.s32 v19, v13  }
0x31c: {  	v17 =	vsel vm11, v38, v17;
	v41 =	vshrl.u32 v13, $0x2  }
0x31d: {  	v42 =	vld [tilespmem:$0x1FFE0];
	v17 =	vshll.u32 v17, $0x6;
	v18 =	vand.u32 $0x3F, v41  }
0x31e: {  	v17 =	vor.u32 v17, v18;
	_ =	sdelay $0x3  }
0x31f: {  	vm12 =	vnez.u8 v42  }
0x320: {  	v43 =	vsel vm6, v16, v15;
	v7 =	vsel vm12, v7, v8;
	v44 =	vld.idx.msk [tilespmem:v17+s15+$0x0], $0xffff  }
0x321: {  	vm4 =	vgt.s32 v43, v7  }
0x322: {  	v45 =	vsel vm0, v27, v26;
	v46 =	vsel vm4, v7, v43  }
0x323: {  	vm0 =	vgt.s32 v45, v46;
	v13 =	vshll.u32 v13, $0x3  }
0x324: {  	v47 =	vsel vm9, v37, v20;
	v48 =	vsel vm0, v46, v45;
	v13 =	vand.u32 $0x18, v13  }
0x325: {  	vm13 =	vgt.s32 v47, v48;
	v13 =	vshra.s32 v44, v13  }
0x326: {  	v49 =	vsel vm13, v48, v47;
	v50 =	vshrl.u32 v13, $0x2  }
0x327: {  	v15 =	vshll.u32 v49, $0x6;
	v20 =	vand.u32 $0x3F, v50  }
0x328: {  	v15 =	vor.u32 v15, v20;
	_ =	sdelay $0x4  }
0x329: {  	v15 =	vld.idx.msk [tilespmem:v15+s15+$0x0], $0xffff;
	_ =	sdelay $0x2  }
0x32a: {  	v13 =	vshll.u32 v13, $0x3  }
0x32b: {  	v13 =	vand.u32 $0x18, v13  }
0x32c: {  	v13 =	vshra.s32 v15, v13  }
0x32d: {  	v51 =	vsel vm13, v47, v48;
	v52 =	vshrl.u32 v13, $0x2  }
0x32e: {  	v15 =	vshll.u32 v51, $0x6;
	v18 =	vand.u32 $0x3F, v52  }
0x32f: {  	v15 =	vor.u32 v15, v18;
	_ =	sdelay $0x4  }
0x330: {  	v15 =	vld.idx.msk [tilespmem:v15+s15+$0x0], $0xffff;
	_ =	sdelay $0x1  }
0x331: {  	v12 =	vsel vm3, v12, v14;
	v11 =	vsel vm15, v22, v36  }
0x332: {  	vm2 =	vgt.s32 v11, v12;
	v13 =	vshll.u32 v13, $0x3  }
0x333: {  	v53 =	vsel vm0, v45, v46;
	v54 =	vsel vm2, v12, v11;
	v13 =	vand.u32 $0x18, v13  }
0x334: {  	vm0 =	vgt.s32 v54, v53;
	v13 =	vshra.s32 v15, v13  }
0x335: {  	v55 =	vsel vm0, v53, v54;
	v56 =	vshrl.u32 v13, $0x2  }
0x336: {  	v15 =	vshll.u32 v55, $0x6;
	v17 =	vand.u32 $0x3F, v56  }
0x337: {  	v15 =	vor.u32 v15, v17;
	_ =	sdelay $0x4  }
0x338: {  	v15 =	vld.idx.msk [tilespmem:v15+s15+$0x0], $0xffff;
	_ =	sdelay $0x2  }
0x339: {  	v13 =	vshll.u32 v13, $0x3  }
0x33a: {  	v13 =	vand.u32 $0x18, v13  }
0x33b: {  	v13 =	vshra.s32 v15, v13  }
0x33c: {  	v14 =	vsel vm0, v54, v53;
	v15 =	vshrl.u32 v13, $0x2  }
0x33d: {  	v14 =	vshll.u32 v14, $0x6;
	v15 =	vand.u32 $0x3F, v15  }
0x33e: {  	v14 =	vor.u32 v14, v15;
	_ =	sdelay $0x4  }
0x33f: {  	v14 =	vld.idx.msk [tilespmem:v14+s15+$0x0], $0xffff;
	_ =	sdelay $0x1  }
0x340: {  	v9 =	vsel vm5, v9, v60;
	v7 =	vsel vm4, v43, v7  }
0x341: {  	vm14 =	vgt.s32 v9, v7;
	v57 =	vshll.u32 v13, $0x3  }
0x342: {  	v58 =	vsel vm2, v11, v12;
	v59 =	vsel vm14, v7, v9;
	v8 =	vand.u32 $0x18, v57  }
0x343: {  	vm2 =	vgt.s32 v58, v59;
	v8 =	vshra.s32 v14, v8  }
0x344: {  	v12 =	vsel vm2, v59, v58;
	v60 =	vshrl.u32 v8, $0x2  }
0x345: {  	v12 =	vshll.u32 v12, $0x6;
	v13 =	vand.u32 $0x3F, v60  }
0x346: {  	v12 =	vor.u32 v12, v13;
	_ =	sdelay $0x4  }
0x347: {  	v12 =	vld.idx.msk [tilespmem:v12+s15+$0x0], $0xffff;
	_ =	sdelay $0x2  }
0x348: {  	v8 =	vshll.u32 v8, $0x3  }
0x349: {  	v8 =	vand.u32 $0x18, v8  }
0x34a: {  	v8 =	vshra.s32 v12, v8  }
0x34b: {  	v10 =	vsel vm2, v58, v59;
	v61 =	vshrl.u32 v8, $0x2  }
0x34c: {  	v10 =	vshll.u32 v10, $0x6;
	v11 =	vand.u32 $0x3F, v61  }
0x34d: {  	v10 =	vor.u32 v10, v11;
	_ =	sdelay $0x4  }
0x34e: {  	v10 =	vld.idx.msk [tilespmem:v10+s15+$0x0], $0xffff;
	_ =	sdelay $0x2  }
0x34f: {  	v8 =	vshll.u32 v8, $0x3  }
0x350: {  	v5 =	vsel vm1, v5, v6;
	v6 =	vsel vm14, v9, v7;
	v7 =	vand.u32 $0x18, v8  }
0x351: {  	vm0 =	vgt.s32 v5, v6;
	v7 =	vshra.s32 v10, v7  }
0x352: {  	v62 =	vsel vm0, v6, v5;
	v63 =	vshrl.u32 v7, $0x2  }
0x353: {  	v8 =	vshll.u32 v62, $0x6;
	v9 =	vand.u32 $0x3F, v63  }
0x354: {  	v8 =	vor.u32 v8, v9;
	_ =	sdelay $0x4  }
0x355: {  	v8 =	vld.idx.msk [tilespmem:v8+s15+$0x0], $0xffff;
	_ =	sdelay $0x2  }
0x356: {  	v7 =	vshll.u32 v7, $0x3  }
0x357: {  	v7 =	vand.u32 $0x18, v7  }
0x358: {  	v7 =	vshra.s32 v8, v7  }
0x359: {  	v5 =	vsel vm0, v5, v6;
	v6 =	vshrl.u32 v7, $0x2  }
0x35a: {  	v5 =	vshll.u32 v5, $0x6;
	v6 =	vand.u32 $0x3F, v6  }
0x35b: {  	v5 =	vor.u32 v5, v6;
	_ =	sdelay $0x4  }
0x35c: {  	v5 =	vld.idx.msk [tilespmem:v5+s15+$0x0], $0xffff;
	_ =	sdelay $0x2  }
0x35d: {  	v6 =	vshll.u32 v7, $0x3  }
0x35e: {  	v6 =	vand.u32 $0x18, v6  }
0x35f: {  	v5 =	vshra.s32 v5, v6  }
0x360: {  	v5 =	vshll.u32 v5, $0x4  }
0x361: {  	s0 =	sadd.s32 $0x1, s26;
	v7 =	vld [tilespmem:$0x1FFF0];
	v5 =	vand.u32 $0xFF0, v5  }
0x362: {  	v5 =	vor.u32 s0, v5;
	_ =	sdelay $0x3  }
0x363: {  	vm15 =	vnez.u8 v7  }
0x364: {  	p0 =	slt.u32 s26, $0x4;
	v6 =	vadd.s32 s0, v4;
	v5 =	vld.idx.msk [tilespmem:v5+s18+$0x0], $0xffff  }
.Ltmp1:
0x365: {  	_ = 	snop;
	(pc) =	sbr.rel @p0 .LBB2_6-.Ltmp1, $2  }
0x366: {  	_ =	sdelay $0x2  }
0x367: {  	s26 =	sadd.s32 $0x2, s26;
	s28 =	sadd.s32 $0x40, s28;
	[tilespmem:v6+s21+$0x0] =	vst.idx.msk vm15, v5  }
0x368: {  	s25 =	sadd.s32 $0x1, s25  }
0x369: {  	p0 =	seq.s32 s25, $0xD  }
.Ltmp2:
0x36a: {  	_ = 	snop;
	(pc) =	sbr.rel @!p0 .LBB2_5-.Ltmp2, $1  }
0x36b: {  	_ =	sdelay $0x3  }
0x36c: {  	s0 =	smul.u32 $0x190, s24;
	v3 =	vmul.u32 $0x19, v1;
	s25 =	simm.s32 $0x0  }
0x36d: {  	s26 =	simm.s32 $0xE;
	s28 =	simm.s32 $0xA8;
	s29 =	simm.s32 $0x7  }
0x36e: {  	s30 =	simm.s32 $0x54;
	s31 =	simm.s32 $0x7;
	s1 =	simm.s32 $0xE;
	v3 =	vadd.s32 s0, v3  }
.LBB2_9:
0x36f: {  	s5 =	smulhi.u32 $0xCCCCCCCD, s1  }
0x370: {  	s4 =	sand.u32 $0xFF, s26;
	s7 =	smulhi.u32 $0xCCCCCCCD, s31  }
0x371: {  	s0 =	smin.u32 s25, $0x3;
	s6 =	sand.u32 $0xFF, s29;
	s4 =	smul.u32 $0xCD, s4  }
0x372: {  	s16 =	sadd.s32 $0xFFFFFFFB, s25;
	s0 =	sadd.s32 $0x15, s0;
	s6 =	smul.u32 $0xCD, s6  }
0x373: {  	s20 =	smin.u32 s25, s16;
	s2 =	smul.u32 $0x34, s0  }
0x374: {  	s5 =	sshrl.u32 s5, $0x2;
	s9 =	smul.u32 $0xC, s20  }
0x375: {  	s12 =	sshrl.u32 s7, $0x2;
	s5 =	smul.u32 $0xA8, s5  }
0x376: {  	s4 =	sshrl.u32 s4, $0xA;
	s8 =	smul.u32 $0xA8, s12  }
0x377: {  	s6 =	sshrl.u32 s6, $0xA;
	s4 =	smul.u32 $0x3C, s4  }
0x378: {  	p0 =	sgt.u32 s25, $0x4;
	s2 =	sshrl.u32 s2, $0x8;
	s6 =	smul.u32 $0x3C, s6  }
0x379: {  	s16 =	sadd.s32 $0x7, s25;
	s7 =	simm.s32 $0xA8;
	s2 =	smul.u32 $0x5, s2  }
0x37a: {  	s7 =	simm.s32 @!p0 $0x0;
	s4 =	ssub.s32 s28, s4;
	s6 =	ssub.s32 s30, s6  }
0x37b: {  	s2 =	ssub.s32 s0, s2;
	s4 =	sand.u32 $0xFF, s4;
	s6 =	sand.u32 $0xFF, s6  }
0x37c: {  	s2 =	smul.u32 $0xC, s2;
	s20 =	sadd.s32 s4, s5;
	s4 =	sadd.s32 s6, s8  }
0x37d: {  	s5 =	sadd.s32 s9, s7;
	s6 =	simm.s32 $0xFFFFFFFE;
	s7 =	simm.s32 $0x19190  }
0x37e: {  	s8 =	simm.s32 $0x0;
	s17 =	sand.u32 $0xFC, s2;
	s2 =	sadd.s32 $0xE, s25  }
.LBB2_10:
0x37f: {  	s9 =	smulhi.u32 $0x88888889, s8;
	_ =	sdelay $0x1  }
0x380: {  	s9 =	sshrl.u32 s9, $0x4  }
0x381: {  	s9 =	smul.u32 $0x36, s9;
	_ =	sdelay $0x1  }
0x382: {  	s10 =	sadd.s32 s9, s5  }
0x383: {  	s10 =	sadd.s32 s10, s6  }
0x384: {  	s11 =	sadd.s32 $0x2, s10  }
0x385: {  	v4 =	vmov s11  }
0x386: {  	v4 =	vand.u32 $0xFFFFFFFE, v4  }
0x387: {  	v4 =	vbroadcast v4, $0x0;
	_ =	sdelay $0x5  }
0x388: {  	v4 =	vld.idx.msk [tilespmem:v4+s21+$0x0], $0xffff  }
0x389: {  	v8 =	vld [tilespmem:s7+$0xFFFFFFF0];
	_ =	sdelay $0x3  }
0x38a: {  	v4 =	vshll.u32 v4, $0x8  }
0x38b: {  	v4 =	vadd.s32 v8, v4;
	_ =	sdelay $0x4  }
0x38c: {  	v4 =	vld.idx.msk [tilespmem:v4+s14+$0x0], $0xffff  }
0x38d: {  	s12 =	sadd.s32 s9, s4  }
0x38e: {  	s11 =	sadd.s32 s12, s6  }
0x38f: {  	s12 =	sadd.s32 $0x2, s11  }
0x390: {  	v5 =	vmov s12  }
0x391: {  	v7 =	vor.u32 $0x4000, v1;
	v5 =	vand.u32 $0xFFFFFFFE, v5;
	v4 =	vshll.u32 v4, $0x4  }
0x392: {  	v5 =	vbroadcast v5, $0x0;
	v4 =	vadd.s32 v7, v4;
	_ =	sdelay $0x4  }
0x393: {  	[tilespmem:v4+s15+$0x0] =	vst.idx.add.s32.msk $0xffff, v2  }
0x394: {  	v4 =	vld.idx.msk [tilespmem:v5+s21+$0x0], $0xffff;
	_ =	sdelay $0x4  }
0x395: {  	v4 =	vshll.u32 v4, $0x8  }
0x396: {  	v4 =	vadd.s32 v8, v4;
	_ =	sdelay $0x4  }
0x397: {  	v4 =	vld.idx.msk [tilespmem:v4+s14+$0x0], $0xffff  }
0x398: {  	s3 =	sadd.s32 s9, s20  }
0x399: {  	s12 =	sadd.s32 s3, s6  }
0x39a: {  	s3 =	sadd.s32 $0x2, s12  }
0x39b: {  	v5 =	vmov s3  }
0x39c: {  	v6 =	vor.u32 $0x5000, v1;
	v5 =	vand.u32 $0xFFFFFFFE, v5;
	v4 =	vshll.u32 v4, $0x4  }
0x39d: {  	v5 =	vbroadcast v5, $0x0;
	v4 =	vadd.s32 v6, v4;
	_ =	sdelay $0x4  }
0x39e: {  	[tilespmem:v4+s15+$0x0] =	vst.idx.add.s32.msk $0xffff, v2  }
0x39f: {  	v4 =	vld.idx.msk [tilespmem:v5+s21+$0x0], $0xffff;
	_ =	sdelay $0x4  }
0x3a0: {  	v4 =	vshll.u32 v4, $0x8  }
0x3a1: {  	v4 =	vadd.s32 v8, v4;
	_ =	sdelay $0x4  }
0x3a2: {  	v4 =	vld.idx.msk [tilespmem:v4+s14+$0x0], $0xffff  }
0x3a3: {  	s9 =	sadd.s32 s9, s17  }
0x3a4: {  	s3 =	sadd.s32 s9, s6  }
0x3a5: {  	s9 =	sadd.s32 $0x2A2, s3  }
0x3a6: {  	v9 =	vmov s9  }
0x3a7: {  	v9 =	vand.u32 $0xFFFFFFFE, v9;
	v5 =	vor.u32 $0x6000, v1;
	v4 =	vshll.u32 v4, $0x4  }
0x3a8: {  	v9 =	vbroadcast v9, $0x0;
	v4 =	vadd.s32 v5, v4;
	_ =	sdelay $0x4  }
0x3a9: {  	[tilespmem:v4+s15+$0x0] =	vst.idx.add.s32.msk $0xffff, v2  }
0x3aa: {  	v4 =	vld.idx.msk [tilespmem:v9+s21+$0x0], $0xffff;
	_ =	sdelay $0x4  }
0x3ab: {  	v4 =	vshll.u32 v4, $0x8  }
0x3ac: {  	v4 =	vadd.s32 v8, v4;
	_ =	sdelay $0x4  }
0x3ad: {  	v4 =	vld.idx.msk [tilespmem:v4+s14+$0x0], $0xffff;
	_ =	sdelay $0x4  }
0x3ae: {  	v8 =	vshll.u32 v4, $0x4;
	v4 =	vor.u32 $0x7000, v1  }
0x3af: {  	s10 =	sadd.s32 $0x3, s10;
	v8 =	vadd.s32 v4, v8  }
0x3b0: {  	v9 =	vmov s10;
	_ =	sdelay $0x3  }
0x3b1: {  	[tilespmem:v8+s15+$0x0] =	vst.idx.add.s32.msk $0xffff, v2  }
0x3b2: {  	v8 =	vld.idx.msk [tilespmem:v9+s21+$0x0], $0xffff  }
0x3b3: {  	v9 =	vld [tilespmem:s7+$0x0];
	_ =	sdelay $0x3  }
0x3b4: {  	v8 =	vshll.u32 v8, $0x8  }
0x3b5: {  	v8 =	vadd.s32 v9, v8;
	_ =	sdelay $0x4  }
0x3b6: {  	v8 =	vld.idx.msk [tilespmem:v8+s14+$0x0], $0xffff;
	_ =	sdelay $0x4  }
0x3b7: {  	v8 =	vshll.u32 v8, $0x4  }
0x3b8: {  	s11 =	sadd.s32 $0x3, s11;
	v8 =	vadd.s32 v7, v8  }
0x3b9: {  	v10 =	vmov s11;
	_ =	sdelay $0x3  }
0x3ba: {  	[tilespmem:v8+s15+$0x0] =	vst.idx.add.s32.msk $0xffff, v2  }
0x3bb: {  	v8 =	vld.idx.msk [tilespmem:v10+s21+$0x0], $0xffff;
	_ =	sdelay $0x4  }
0x3bc: {  	v8 =	vshll.u32 v8, $0x8  }
0x3bd: {  	v8 =	vadd.s32 v9, v8;
	_ =	sdelay $0x4  }
0x3be: {  	v8 =	vld.idx.msk [tilespmem:v8+s14+$0x0], $0xffff;
	_ =	sdelay $0x4  }
0x3bf: {  	v8 =	vshll.u32 v8, $0x4  }
0x3c0: {  	s12 =	sadd.s32 $0x3, s12;
	v8 =	vadd.s32 v6, v8  }
0x3c1: {  	v10 =	vmov s12;
	_ =	sdelay $0x3  }
0x3c2: {  	[tilespmem:v8+s15+$0x0] =	vst.idx.add.s32.msk $0xffff, v2  }
0x3c3: {  	v8 =	vld.idx.msk [tilespmem:v10+s21+$0x0], $0xffff;
	_ =	sdelay $0x4  }
0x3c4: {  	v8 =	vshll.u32 v8, $0x8  }
0x3c5: {  	v8 =	vadd.s32 v9, v8;
	_ =	sdelay $0x4  }
0x3c6: {  	v8 =	vld.idx.msk [tilespmem:v8+s14+$0x0], $0xffff;
	_ =	sdelay $0x4  }
0x3c7: {  	v8 =	vshll.u32 v8, $0x4  }
0x3c8: {  	s3 =	sadd.s32 $0x2A3, s3;
	v8 =	vadd.s32 v5, v8  }
0x3c9: {  	v10 =	vmov s3;
	_ =	sdelay $0x3  }
0x3ca: {  	[tilespmem:v8+s15+$0x0] =	vst.idx.add.s32.msk $0xffff, v2  }
0x3cb: {  	v8 =	vld.idx.msk [tilespmem:v10+s21+$0x0], $0xffff;
	_ =	sdelay $0x4  }
0x3cc: {  	v8 =	vshll.u32 v8, $0x8  }
0x3cd: {  	v8 =	vadd.s32 v9, v8;
	_ =	sdelay $0x4  }
0x3ce: {  	v8 =	vld.idx.msk [tilespmem:v8+s14+$0x0], $0xffff;
	_ =	sdelay $0x4  }
0x3cf: {  	s6 =	sadd.s32 $0x2, s6;
	v8 =	vshll.u32 v8, $0x4  }
0x3d0: {  	p0 =	slt.u32 s6, $0x94;
	v8 =	vadd.s32 v4, v8  }
.Ltmp3:
0x3d1: {  	_ = 	snop;
	(pc) =	sbr.rel @p0 .LBB2_10-.Ltmp3, $2  }
0x3d2: {  	_ =	sdelay $0x2  }
0x3d3: {  	s8 =	sadd.s32 $0x2, s8;
	v19 =	vimm.s32 $0xFFFFFFFF;
	s7 =	sadd.s32 $0x20, s7;
	v9 =	vimm.s32 $0x0;
	[tilespmem:v8+s15+$0x0] =	vst.idx.add.s32.msk $0xffff, v2  }
0x3d4: {  	v10 =	vadd.s32 $0x1, v19;
	vm0 =	vgt.s32 v19, $0x0;
	v8 =	vor.u32 $0x8000, v1  }
0x3d5: {  	vm4 =	vlt.s32 v19, $0x0;
	v11 =	vnsel vm0, $0x0, v19;
	vm1 =	vgt.s32 v10, $0xFF  }
0x3d6: {  	v12 =	vshll.u32 v10, $0x4;
	v17 =	vmin.u32 v11, $0xFF;
	v11 =	vsel vm4, $0x0, v19  }
0x3d7: {  	v15 =	vadd.s32 v7, v12;
	v13 =	vshll.u32 v17, $0x6;
	v14 =	vshrl.u32 v11, $0x2  }
0x3d8: {  	vm0 =	vgt.s32 v9, $0x0;
	v13 =	vadd.s32 v13, v14;
	v14 =	vsel vm1, v8, v15  }
0x3d9: {  	v14 =	vsel vm0, v13, v14;
	_ =	sdelay $0x1  }
0x3da: {  	v22 =	vadd.s32 $0xFFFFFFFF, v9;
	v37 =	vadd.s32 $0xFFFFFFFF, v9  }
0x3db: {  	v29 =	vimm.s32 $0xFFFFFFFF;
	vm6 =	vmmov vm4;
	v15 =	vadd.s32 v4, v12  }
0x3dc: {  	v28 =	vsel vm0, v19, v10;
	v10 =	vadd.s32 v6, v12;
	v15 =	vsel vm1, v8, v15  }
0x3dd: {  	v35 =	vshll.u32 v11, $0x3;
	v11 =	vadd.s32 v5, v12;
	v15 =	vsel vm0, v13, v15;
	v14 =	vld.idx.msk [tilespmem:v14+s15+$0x0], $0xffff  }
0x3de: {  	vm3 =	vmmov vm0;
	vm2 =	vgt.s32 v28, $0x0;
	v11 =	vsel vm1, v8, v11  }
0x3df: {  	v10 =	vsel vm1, v8, v10;
	v33 =	vadd.s32 $0x1, v28;
	v11 =	vsel vm0, v13, v11  }
0x3e0: {  	v26 =	vnsel vm2, $0x0, v28;
	v12 =	vshll.u32 v33, $0x4;
	v10 =	vsel vm0, v13, v10  }
0x3e1: {  	vm8 =	vgt.s32 v33, $0xFF;
	v36 =	vand.u32 $0x18, v35;
	vm2 =	vmmov vm4  }
0x3e2: {  	v38 =	vmovc v37;
	v16 =	vadd.s32 v5, v12;
	v27 =	vmin.u32 v26, $0xFF;
	v31 =	vld.idx.msk [tilespmem:v15+s15+$0x0], $0xffff;
	v13 =	vshra.s32 v14, v36  }
0x3e3: {  	v20 =	vmovc v17;
	v30 =	vmovc v28;
	v41 =	vadd.s32 v6, v12;
	v40 =	vadd.s32 v7, v12;
	v9 =	vand.u32 $0xFF, v13  }
0x3e4: {  	v18 =	vmovc v28;
	v21 =	vmovc v33;
	vm7 =	vmmov vm8;
	vm1 =	vmmov vm0;
	v32 =	vld.idx.msk [tilespmem:v11+s15+$0x0], $0xffff;
	v9 =	vsel vm4, v17, v9  }
0x3e5: {  	v25 =	vshll.u32 v27, $0x6;
	v24 =	vsel vm8, v8, v16;
	v43 =	vshll.u32 v27, $0x6;
	v12 =	vmovc v28;
	v16 =	vmovc v33;
	v39 =	vld.idx.msk [tilespmem:v10+s15+$0x0], $0xffff  }
0x3e6: {  	v10 =	vmovc v27;
	v11 =	vmovc v27;
	v15 =	vshll.u32 v27, $0x6;
	v34 =	vsel vm0, v37, v14;
	v23 =	vsel vm0, v9, v19  }
0x3e7: {  	s17 =	simm.s32 $0x0;
	v14 =	vimm.s32 $0xFFFFFFFF;
	v42 =	vshra.s32 v31, v36;
	v13 =	vmovc v17;
	vm5 =	vlt.s32 v23, $0x0;
	v9 =	vmovc v8  }
.LBB2_12:
0x3e8: {  	s17 =	sadd.s32 $0x2, s17;
	v35 =	vand.u32 $0x18, v35;
	v44 =	vsel vm5, $0x0, v23;
	v41 =	vsel vm8, v9, v41  }
0x3e9: {  	v42 =	vand.u32 $0xFF, v42;
	p0 =	slt.u32 s17, $0x194;
	v45 =	vshrl.u32 v44, $0x2;
	v44 =	vshll.u32 v44, $0x3  }
0x3ea: {  	vm9 =	vgt.s32 v34, $0x0;
	v40 =	vsel vm7, v9, v40;
	v43 =	vadd.s32 v43, v45  }
0x3eb: {  	v17 =	vsel vm4, v17, v42;
	v28 =	vsel vm9, v28, v33;
	v40 =	vsel vm9, v43, v40  }
0x3ec: {  	v33 =	vshra.s32 v39, v35;
	v35 =	vsel vm0, v37, v39;
	v37 =	vsel vm3, v38, v31  }
0x3ed: {  	v31 =	vand.u32 $0xFF, v33;
	v33 =	vadd.s32 $0xFFFFFFFF, v34;
	vm4 =	vgt.s32 v35, $0x0  }
0x3ee: {  	v19 =	vsel vm3, v17, v19;
	v34 =	vshra.s32 v32, v36;
	v20 =	vsel vm6, v20, v31  }
0x3ef: {  	v17 =	vadd.s32 $0x1, v30;
	vm6 =	vlt.s32 v19, $0x0;
	v29 =	vsel vm0, v20, v29  }
0x3f0: {  	v31 =	vmin.u32 v26, $0xFF;
	v26 =	vsel vm6, $0x0, v19;
	vm0 =	vgt.s32 v17, $0xFF;
	v20 =	vld.idx.msk [tilespmem:v40+s15+$0x0], $0xffff  }
0x3f1: {  	v39 =	vshll.u32 v17, $0x4;
	v36 =	vshll.u32 v31, $0x6;
	v38 =	vshrl.u32 v26, $0x2  }
0x3f2: {  	vm7 =	vgt.s32 v37, $0x0;
	vm8 =	vlt.s32 v29, $0x0;
	v36 =	vadd.s32 v36, v38  }
0x3f3: {  	v38 =	vsel vm8, $0x0, v29;
	v40 =	vshll.u32 v26, $0x3;
	v26 =	vsel vm7, v30, v17  }
0x3f4: {  	v17 =	vsel vm1, v22, v32;
	v22 =	vand.u32 $0x18, v44;
	v30 =	vshrl.u32 v38, $0x2  }
0x3f5: {  	v32 =	vshll.u32 v38, $0x3;
	vm3 =	vgt.s32 v17, $0x0;
	v30 =	vadd.s32 v25, v30  }
0x3f6: {  	v34 =	vand.u32 $0xFF, v34;
	v22 =	vshra.s32 v20, v22;
	v25 =	vsel vm9, v33, v20  }
0x3f7: {  	v18 =	vsel vm3, v18, v21;
	v21 =	vand.u32 $0x18, v40;
	v20 =	vand.u32 $0xFF, v22  }
0x3f8: {  	v13 =	vsel vm2, v13, v34;
	v22 =	vadd.s32 $0xFFFFFFFF, v37;
	v20 =	vsel vm5, v27, v20  }
0x3f9: {  	v14 =	vsel vm1, v13, v14;
	v13 =	vsel vm4, v30, v41;
	v23 =	vsel vm9, v20, v23  }
0x3fa: {  	v12 =	vsel vm4, v12, v16;
	vm1 =	vlt.s32 v14, $0x0;
	v30 =	vand.u32 $0x18, v32  }
0x3fb: {  	v16 =	vsel vm1, $0x0, v14  }
0x3fc: {  	v32 =	vadd.s32 $0x1, v28;
	vm2 =	vgt.s32 v18, $0x0;
	v20 =	vshrl.u32 v16, $0x2  }
0x3fd: {  	v16 =	vshll.u32 v16, $0x3;
	v15 =	vadd.s32 v15, v20  }
0x3fe: {  	v33 =	vadd.s32 $0x1, v18;
	v20 =	vadd.s32 v4, v39;
	v15 =	vsel vm3, v15, v24;
	v13 =	vld.idx.msk [tilespmem:v13+s15+$0x0], $0xffff  }
0x3ff: {  	v34 =	vadd.s32 $0x1, v12;
	v37 =	vnsel vm2, $0x0, v18;
	v20 =	vsel vm0, v9, v20;
	v9 =	vmovc v8  }
0x400: {  	v38 =	vadd.s32 $0x1, v26;
	v36 =	vsel vm7, v36, v20  }
0x401: {  	vm12 =	vgt.s32 v38, $0xFF;
	vm2 =	vgt.s32 v34, $0xFF  }
0x402: {  	vm11 =	vgt.s32 v33, $0xFF;
	v27 =	vadd.s32 $0xFFFFFFFF, v35;
	v39 =	vshll.u32 v38, $0x4  }
0x403: {  	v17 =	vadd.s32 $0xFFFFFFFF, v17;
	vm5 =	vgt.s32 v26, $0x0;
	v16 =	vand.u32 $0x18, v16;
	v15 =	vld.idx.msk [tilespmem:v15+s15+$0x0], $0xffff  }
0x404: {  	vm10 =	vgt.s32 v32, $0xFF;
	vm9 =	vgt.s32 v12, $0x0;
	vm0 =	vgt.s32 v28, $0x0  }
0x405: {  	v35 =	vshll.u32 v32, $0x4;
	v40 =	vnsel vm9, $0x0, v12;
	v20 =	vnsel vm0, $0x0, v28  }
0x406: {  	v24 =	vmin.u32 v20, $0xFF;
	v20 =	vmin.u32 v40, $0xFF;
	v27 =	vsel vm4, v27, v13  }
0x407: {  	v40 =	vshll.u32 v24, $0x6;
	v41 =	vshll.u32 v20, $0x6;
	v30 =	vshra.s32 v13, v30;
	v36 =	vld.idx.msk [tilespmem:v36+s15+$0x0], $0xffff  }
0x408: {  	v42 =	vshll.u32 v33, $0x4;
	v43 =	vnsel vm5, $0x0, v26;
	vm0 =	vgt.s32 v27, $0x0  }
0x409: {  	v44 =	vshll.u32 v34, $0x4;
	v12 =	vsel vm0, v12, v34;
	v34 =	vsel vm3, v17, v15  }
0x40a: {  	v13 =	vmin.u32 v37, $0xFF;
	v17 =	vmin.u32 v43, $0xFF;
	v15 =	vshra.s32 v15, v16  }
0x40b: {  	vm9 =	vgt.s32 v12, $0x0;
	v37 =	vshll.u32 v17, $0x6;
	v15 =	vand.u32 $0xFF, v15  }
0x40c: {  	v30 =	vand.u32 $0xFF, v30;
	v16 =	vadd.s32 v6, v44;
	v10 =	vsel vm1, v10, v15  }
0x40d: {  	vm5 =	vlt.s32 v23, $0x0;
	v43 =	vshll.u32 v13, $0x6;
	v44 =	vsel vm7, v22, v36  }
0x40e: {  	vm1 =	vgt.s32 v34, $0x0;
	v15 =	vadd.s32 v4, v39;
	v14 =	vsel vm3, v10, v14  }
0x40f: {  	v10 =	vsel vm5, $0x0, v23;
	v21 =	vshra.s32 v36, v21;
	vm3 =	vgt.s32 v44, $0x0  }
0x410: {  	v39 =	vnsel vm9, $0x0, v12;
	v36 =	vsel vm2, v9, v16;
	v16 =	vand.u32 $0xFF, v21  }
0x411: {  	vm9 =	vgt.s32 v25, $0x0;
	v45 =	vshll.u32 v10, $0x3;
	v21 =	vshrl.u32 v10, $0x2  }
0x412: {  	vm2 =	vlt.s32 v14, $0x0;
	v10 =	vsel vm8, v11, v30;
	v11 =	vsel vm6, v31, v16  }
0x413: {  	v15 =	vsel vm12, v9, v15;
	v16 =	vadd.s32 v5, v42;
	v29 =	vsel vm4, v10, v29  }
0x414: {  	v42 =	vsel vm2, $0x0, v14;
	v46 =	vsel vm11, v9, v16  }
0x415: {  	v28 =	vsel vm9, v28, v32;
	v10 =	vadd.s32 v7, v35;
	vm6 =	vlt.s32 v29, $0x0  }
0x416: {  	v18 =	vsel vm1, v18, v33;
	vm8 =	vgt.s32 v28, $0x0;
	v19 =	vsel vm7, v11, v19  }
0x417: {  	v11 =	vadd.s32 v40, v21;
	v16 =	vadd.s32 $0x1, v12;
	v21 =	vadd.s32 $0x1, v18  }
0x418: {  	v10 =	vsel vm10, v9, v10;
	vm4 =	vlt.s32 v19, $0x0;
	vm10 =	vgt.s32 v21, $0xFF  }
0x419: {  	v11 =	vsel vm9, v11, v10;
	v22 =	vshll.u32 v21, $0x4;
	v10 =	vsel vm4, $0x0, v19  }
0x41a: {  	v32 =	vshll.u32 v16, $0x4;
	v47 =	vadd.s32 v5, v22;
	v30 =	vshrl.u32 v10, $0x2  }
0x41b: {  	vm7 =	vgt.s32 v18, $0x0;
	v22 =	vadd.s32 $0xFFFFFFFF, v34;
	v30 =	vadd.s32 v37, v30  }
0x41c: {  	v31 =	vsel vm6, $0x0, v29;
	v33 =	vsel vm3, v30, v15;
	v15 =	vnsel vm7, $0x0, v18  }
0x41d: {  	v34 =	vshrl.u32 v42, $0x2;
	v37 =	vshll.u32 v10, $0x3;
	v10 =	vmin.u32 v15, $0xFF  }
0x41e: {  	v48 =	vnsel vm8, $0x0, v28;
	v30 =	vshrl.u32 v31, $0x2;
	v15 =	vshll.u32 v10, $0x6;
	v11 =	vld.idx.msk [tilespmem:v11+s15+$0x0], $0xffff  }
0x41f: {  	v35 =	vshll.u32 v31, $0x3;
	v40 =	vadd.s32 v41, v30;
	v30 =	vsel vm3, v26, v38  }
0x420: {  	v34 =	vadd.s32 v43, v34;
	v36 =	vsel vm0, v40, v36;
	vm7 =	vgt.s32 v30, $0x0  }
0x421: {  	v40 =	vand.u32 $0x18, v37;
	v26 =	vnsel vm7, $0x0, v30;
	v31 =	vld.idx.msk [tilespmem:v33+s15+$0x0], $0xffff;
	v33 =	vadd.s32 $0x1, v28  }
0x422: {  	v43 =	vsel vm1, v34, v46;
	v46 =	vshll.u32 v42, $0x3;
	vm7 =	vgt.s32 v33, $0xFF  }
0x423: {  	v25 =	vadd.s32 $0xFFFFFFFF, v25;
	v34 =	vand.u32 $0x18, v45;
	v38 =	vadd.s32 $0xFFFFFFFF, v44  }
0x424: {  	v37 =	vshra.s32 v11, v34;
	v34 =	vsel vm9, v25, v11;
	v25 =	vshll.u32 v33, $0x4  }
.Ltmp4:
0x425: {  	vm8 =	vgt.s32 v16, $0xFF;
	v11 =	vmin.u32 v39, $0xFF;
	v37 =	vand.u32 $0xFF, v37;
	(pc) =	sbr.rel @p0 .LBB2_12-.Ltmp4, $4  }
0x426: {  	v41 =	vadd.s32 v6, v32;
	v24 =	vsel vm5, v24, v37;
	v37 =	vadd.s32 $0xFFFFFFFF, v27  }
0x427: {  	v23 =	vsel vm9, v24, v23;
	v42 =	vshra.s32 v31, v40;
	v40 =	vadd.s32 v7, v25;
	v32 =	vld.idx.msk [tilespmem:v43+s15+$0x0], $0xffff  }
0x428: {  	v27 =	vmin.u32 v48, $0xFF;
	v25 =	vshll.u32 v11, $0x6;
	v24 =	vsel vm10, v9, v47;
	v39 =	vld.idx.msk [tilespmem:v36+s15+$0x0], $0xffff  }
0x429: {  	vm5 =	vlt.s32 v23, $0x0;
	v43 =	vshll.u32 v27, $0x6;
	v36 =	vand.u32 $0x18, v46  }
0x42a: {  	v35 =	vand.u32 $0x18, v35  }
0x42b: {  	v44 =	vsel vm5, $0x0, v23;
	v41 =	vsel vm8, v9, v41;
	v42 =	vand.u32 $0xFF, v42  }
0x42c: {  	vm13 =	vgt.s32 v34, $0x0;
	v40 =	vsel vm7, v9, v40;
	v31 =	vsel vm3, v38, v31  }
0x42d: {  	v57 =	vadd.s32 $0xFFFFFFFF, v34;
	v59 =	vadd.s32 $0x1, v30;
	v26 =	vmin.u32 v26, $0xFF  }
0x42e: {  	v45 =	vshrl.u32 v44, $0x2;
	v44 =	vshll.u32 v44, $0x3;
	v17 =	vsel vm4, v17, v42  }
0x42f: {  	v28 =	vsel vm13, v28, v33;
	vm14 =	vgt.s32 v59, $0xFF;
	v61 =	vshll.u32 v26, $0x6  }
0x430: {  	v63 =	vshll.u32 v59, $0x4;
	v53 =	vadd.s32 $0xFFFFFFFF, v31;
	v43 =	vadd.s32 v43, v45  }
0x431: {  	v58 =	vshra.s32 v32, v36;
	v17 =	vsel vm3, v17, v19;
	vm3 =	vgt.s32 v31, $0x0  }
0x432: {  	v22 =	vsel vm1, v22, v32;
	v47 =	vand.u32 $0x18, v44;
	v54 =	vadd.s32 v4, v63  }
0x433: {  	vm11 =	vgt.s32 v28, $0x0;
	v40 =	vsel vm13, v43, v40;
	v56 =	vshra.s32 v39, v35  }
0x434: {  	v35 =	vsel vm0, v37, v39;
	v45 =	vand.u32 $0xFF, v58;
	v55 =	vsel vm14, v9, v54  }
0x435: {  	v33 =	vand.u32 $0xFF, v56;
	vm4 =	vgt.s32 v35, $0x0;
	v13 =	vsel vm2, v13, v45  }
0x436: {  	v35 =	vadd.s32 $0xFFFFFFFF, v35;
	v20 =	vsel vm6, v20, v33;
	v13 =	vsel vm1, v13, v14  }
0x437: {  	vm1 =	vgt.s32 v22, $0x0;
	v12 =	vsel vm4, v12, v16;
	v22 =	vadd.s32 $0xFFFFFFFF, v22  }
0x438: {  	v19 =	vsel vm0, v20, v29;
	vm0 =	vlt.s32 v17, $0x0;
	v20 =	vsel vm3, v30, v59  }
0x439: {  	vm2 =	vlt.s32 v13, $0x0;
	v18 =	vsel vm1, v18, v21;
	v59 =	vadd.s32 $0x1, v28  }
0x43a: {  	vm14 =	vgt.s32 v12, $0x0;
	v60 =	vsel vm0, $0x0, v17;
	vm15 =	vlt.s32 v19, $0x0  }
0x43b: {  	v50 =	vsel vm2, $0x0, v13;
	vm12 =	vgt.s32 v59, $0xFF;
	v38 =	vnsel vm14, $0x0, v12  }
0x43c: {  	v12 =	vadd.s32 $0x1, v12;
	vm8 =	vgt.s32 v18, $0x0;
	v43 =	vsel vm15, $0x0, v19  }
0x43d: {  	v62 =	vshrl.u32 v60, $0x2;
	v29 =	vshll.u32 v60, $0x3;
	v46 =	vshrl.u32 v43, $0x2  }
0x43e: {  	v42 =	vld.idx.msk [tilespmem:v40+s15+$0x0], $0xffff;
	v51 =	vshrl.u32 v50, $0x2;
	v56 =	vshll.u32 v50, $0x3;
	v25 =	vadd.s32 v25, v46  }
0x43f: {  	v40 =	vshll.u32 v12, $0x4;
	v36 =	vadd.s32 v61, v62;
	v25 =	vsel vm4, v25, v41  }
0x440: {  	v48 =	vshll.u32 v43, $0x3;
	v29 =	vand.u32 $0x18, v29;
	v15 =	vadd.s32 v15, v51  }
0x441: {  	v62 =	vshll.u32 v59, $0x4;
	v16 =	vand.u32 $0x18, v56;
	v6 =	vadd.s32 v6, v40  }
0x442: {  	v15 =	vsel vm1, v15, v24;
	v14 =	vand.u32 $0x18, v48;
	v9 =	vsel vm3, v36, v55  }
0x443: {  	v7 =	vadd.s32 v7, v62;
	v46 =	vnsel vm8, $0x0, v18;
	v30 =	vshra.s32 v42, v47  }
0x444: {  	v55 =	vadd.s32 $0x1, v20;
	v7 =	vsel vm12, v8, v7;
	v30 =	vand.u32 $0xFF, v30;
	v58 =	vld.idx.msk [tilespmem:v25+s15+$0x0], $0xffff  }
0x445: {  	vm12 =	vgt.s32 v20, $0x0;
	vm14 =	vgt.s32 v55, $0xFF;
	v52 =	vsel vm5, v27, v30  }
0x446: {  	v49 =	vsel vm13, v57, v42;
	v47 =	vadd.s32 $0x1, v18;
	v21 =	vsel vm13, v52, v23  }
0x447: {  	v57 =	vnsel vm11, $0x0, v28;
	v50 =	vshll.u32 v47, $0x4;
	vm7 =	vlt.s32 v21, $0x0  }
0x448: {  	vm11 =	vgt.s32 v47, $0xFF;
	v15 =	vld.idx.msk [tilespmem:v15+s15+$0x0], $0xffff;
	v23 =	vmin.u32 v57, $0xFF;
	v60 =	vsel vm7, $0x0, v21  }
0x449: {  	v61 =	vshll.u32 v23, $0x6;
	v63 =	vshrl.u32 v60, $0x2;
	v14 =	vshra.s32 v58, v14  }
0x44a: {  	vm13 =	vgt.s32 v49, $0x0;
	v34 =	vadd.s32 v61, v63;
	v14 =	vand.u32 $0xFF, v14  }
0x44b: {  	v5 =	vadd.s32 v5, v50;
	v7 =	vsel vm13, v34, v7;
	v11 =	vsel vm15, v11, v14  }
0x44c: {  	v9 =	vld.idx.msk [tilespmem:v9+s15+$0x0], $0xffff;
	v5 =	vsel vm11, v8, v5;
	v37 =	vshll.u32 v60, $0x3;
	v11 =	vsel vm4, v11, v19  }
0x44d: {  	v22 =	vsel vm1, v22, v15;
	v36 =	vsel vm4, v35, v58;
	vm4 =	vlt.s32 v11, $0x0  }
0x44e: {  	v15 =	vshra.s32 v15, v16;
	v16 =	vmin.u32 v38, $0xFF;
	v19 =	vsel vm4, $0x0, v11  }
0x44f: {  	v39 =	vshll.u32 v16, $0x6;
	vm15 =	vgt.s32 v12, $0xFF;
	v41 =	vshrl.u32 v19, $0x2  }
0x450: {  	vm5 =	vgt.s32 v36, $0x0;
	v6 =	vsel vm15, v8, v6;
	v7 =	vld.idx.msk [tilespmem:v7+s15+$0x0], $0xffff;
	v42 =	vadd.s32 v39, v41  }
0x451: {  	v43 =	vshra.s32 v9, v29;
	v15 =	vand.u32 $0xFF, v15;
	v6 =	vsel vm5, v42, v6  }
0x452: {  	v9 =	vsel vm3, v53, v9;
	v53 =	vnsel vm12, $0x0, v20;
	v10 =	vsel vm2, v10, v15  }
0x453: {  	v20 =	vshll.u32 v55, $0x4;
	v44 =	vand.u32 $0xFF, v43;
	v10 =	vsel vm1, v10, v13  }
0x454: {  	vm9 =	vgt.s32 v22, $0x0;
	v14 =	vand.u32 $0x18, v37;
	vm10 =	vlt.s32 v10, $0x0  }
0x455: {  	v48 =	vsel vm10, $0x0, v10;
	v7 =	vshra.s32 v7, v14;
	v14 =	vmin.u32 v46, $0xFF  }
0x456: {  	v4 =	vadd.s32 v4, v20;
	v51 =	vshrl.u32 v48, $0x2;
	v49 =	vshll.u32 v14, $0x6;
	v6 =	vld.idx.msk [tilespmem:v6+s15+$0x0], $0xffff  }
0x457: {  	v12 =	vsel vm0, v26, v44;
	v7 =	vand.u32 $0xFF, v7;
	v52 =	vadd.s32 v49, v51  }
0x458: {  	v12 =	vsel vm3, v12, v17;
	v7 =	vsel vm7, v23, v7;
	v5 =	vsel vm9, v52, v5  }
0x459: {  	v45 =	vshll.u32 v19, $0x3;
	v7 =	vsel vm13, v7, v21;
	vm13 =	vlt.s32 v12, $0x0  }
0x45a: {  	v13 =	vand.u32 $0x18, v45;
	v54 =	vsel vm13, $0x0, v12;
	v7 =	vshll.u32 v7, $0x4  }
0x45b: {  	v7 =	vor.u32 v1, v7;
	v6 =	vshra.s32 v6, v13;
	v13 =	vmin.u32 v53, $0xFF  }
0x45c: {  	v4 =	vsel vm14, v8, v4;
	v57 =	vshrl.u32 v54, $0x2;
	v56 =	vshll.u32 v13, $0x6  }
0x45d: {  	vm15 =	vgt.s32 v9, $0x0;
	v5 =	vld.idx.msk [tilespmem:v5+s15+$0x0], $0xffff;
	v6 =	vand.u32 $0xFF, v6;
	v58 =	vadd.s32 v56, v57  }
0x45e: {  	v6 =	vsel vm4, v16, v6;
	v4 =	vsel vm15, v58, v4  }
0x45f: {  	v6 =	vsel vm5, v6, v11  }
0x460: {  	v60 =	vadd.s32 s25, v3;
	v59 =	vshll.u32 v48, $0x3;
	v7 =	vld.idx.msk [tilespmem:v7+s19+$0x0], $0xffff;
	v6 =	vshll.u32 v6, $0x4  }
0x461: {  	v8 =	vand.u32 $0x18, v59;
	v6 =	vor.u32 v1, v6  }
0x462: {  	v5 =	vshra.s32 v5, v8  }
0x463: {  	v5 =	vand.u32 $0xFF, v5;
	v4 =	vld.idx.msk [tilespmem:v4+s15+$0x0], $0xffff  }
0x464: {  	v5 =	vsel vm10, v14, v5  }
0x465: {  	v5 =	vsel vm9, v5, v10;
	[tilespmem:v60+s22+$0x0] =	vst.idx.msk $0xffff, v7  }
0x466: {  	v62 =	vadd.s32 s16, v3;
	v61 =	vshll.u32 v54, $0x3;
	v5 =	vshll.u32 v5, $0x4;
	v6 =	vld.idx.msk [tilespmem:v6+s19+$0x0], $0xffff  }
0x467: {  	v7 =	vand.u32 $0x18, v61;
	v5 =	vor.u32 v1, v5  }
0x468: {  	v4 =	vshra.s32 v4, v7  }
0x469: {  	v4 =	vand.u32 $0xFF, v4  }
0x46a: {  	v4 =	vsel vm13, v13, v4  }
0x46b: {  	[tilespmem:v62+s22+$0x0] =	vst.idx.msk $0xffff, v6;
	v4 =	vsel vm15, v4, v12  }
0x46c: {  	v63 =	vadd.s32 s2, v3;
	v5 =	vld.idx.msk [tilespmem:v5+s19+$0x0], $0xffff;
	v4 =	vshll.u32 v4, $0x4  }
0x46d: {  	v4 =	vor.u32 v1, v4;
	_ =	sdelay $0x3  }
0x46e: {  	[tilespmem:v63+s22+$0x0] =	vst.idx.msk $0xffff, v5  }
0x46f: {  	v5 =	vadd.s32 s0, v3;
	v4 =	vld.idx.msk [tilespmem:v4+s19+$0x0], $0xffff;
	_ =	sdelay $0x4  }
0x470: {  	s0 =	simm.s32 $0x15070;
	[tilespmem:v5+s22+$0x0] =	vst.idx.msk $0xffff, v4  }
0x471: {  	[tilespmem:s0+$0xFFFFFF90] =	vst v0  }
0x472: {  	[tilespmem:s0+$0x0] =	vst v0  }
0x473: {  	[tilespmem:s0+$0xFFFFFFF0] =	vst v0  }
0x474: {  	[tilespmem:s0+$0xFFFFFFE0] =	vst v0  }
0x475: {  	[tilespmem:s0+$0xFFFFFFD0] =	vst v0  }
0x476: {  	[tilespmem:s0+$0xFFFFFFC0] =	vst v0  }
0x477: {  	s2 =	simm.s32 $0x0;
	[tilespmem:s0+$0xFFFFFFB0] =	vst v0  }
.LBB2_14:
0x478: {  	s2 =	sadd.s32 $0x8, s2;
	[tilespmem:s0+$0xFFFFFFA0] =	vst v0;
	s0 =	sadd.s32 $0x80, s0  }
0x479: {  	[tilespmem:s0+$0xFFFFFF90] =	vst v0;
	p0 =	slt.u32 s2, $0x3F8  }
0x47a: {  	[tilespmem:s0+$0x0] =	vst v0  }
.Ltmp5:
0x47b: {  	[tilespmem:s0+$0xFFFFFFF0] =	vst v0;
	(pc) =	sbr.rel @p0 .LBB2_14-.Ltmp5, $4  }
0x47c: {  	[tilespmem:s0+$0xFFFFFFE0] =	vst v0  }
0x47d: {  	[tilespmem:s0+$0xFFFFFFD0] =	vst v0  }
0x47e: {  	[tilespmem:s0+$0xFFFFFFC0] =	vst v0  }
0x47f: {  	[tilespmem:s0+$0xFFFFFFB0] =	vst v0  }
0x480: {  	s25 =	sadd.s32 $0x1, s25  }
0x481: {  	p0 =	sne.s32 s25, $0x7  }
.Ltmp6:
0x482: {  	_ = 	snop;
	(pc) =	sbr.rel @p0 .LBB2_9-.Ltmp6, $3  }
0x483: {  	_ =	sdelay $0x1  }
0x484: {  	s1 =	sadd.s32 $0x1, s1;
	s28 =	sadd.s32 $0xC, s28;
	s26 =	sadd.s32 $0x1, s26  }
0x485: {  	[tilespmem:s0+$0xFFFFFFA0] =	vst v0;
	s31 =	sadd.s32 $0x1, s31;
	s30 =	sadd.s32 $0xC, s30;
	s29 =	sadd.s32 $0x1, s29  }
0x486: {  	s24 =	sadd.s32 $0x1, s24  }
0x487: {  	p0 =	sne.s32 s24, $0x4  }
.Ltmp7:
0x488: {  	_ = 	snop;
	(pc) =	sbr.rel @p0 .LBB2_4-.Ltmp7, $1  }
0x489: {  	_ =	sdelay $0x3  }
0x48a: {  	s3 =	simm.s32 $0x0;
	s0 =	rddreg [dreg:$0xa]  }
0x48b: {  	[hbm4b:s0+s3] =	stream.linear.scatter [tilespmem:s22], [sflag:$0x1], $0x640, $0x38;
	[tilespmem:$0x1C980] =	vst v63  }
0x48c: {  	_ =	swait.ge [sflag:s13], $0x640  }
0x48d: {  	s23 =	sadd.s32 $0x1, s23;
	s31 =	rddreg [dreg:$0xb]  }
0x48e: {  	p0 =	sne.s32 s23, s31  }
.Ltmp8:
0x48f: {  	_ = 	snop;
	(pc) =	sbr.rel @p0 .LBB2_1-.Ltmp8, $3  }
0x490: {  	_ =	sdelay $0x1  }
0x491: {  	[sflag:s13] =	ssyncset.done $0x0  }
0x492: {  	[sflag:s13] =	ssyncadd.s32 $0xFFFFF9C0  }
0x493: {  	_ =	sfence.sel $0x180000  }
0x494: {  	[bflag:$0x0] =	sbarrier.arrive $0xFFFF  }
0x495: {  	_ =	strace $0x90000047  }
0x496: {  	s0 =	stileid.u32;
	[bflag:$0x2] =	sbarrier.arrive $0xFFFF  }
0x497: {  	p0 =	sne.s32 s0, $0x0;
	s0 =	rddreg [dreg:$0x2]  }
0x498: {  	s0 =	sadd.s32 @!p0 $0x100000, s0  }
0x499: {  	[sflag:s0] =	ssyncadd.tile.s32 @!p0 $0x1;
	_ =	shalt  }
.Lfunc_end2:
_tile_overlayer_lowered:
.L_overlay_start_2:
0x49a: {  	(tag) =	ssettag $0x2  }
0x49b: {  	s0 =	rddreg [dreg:$0x0];
	s2 =	stileid.u32  }
0x49c: {  	s1 =	rddreg [dreg:$0x1];
	p0 =	sne.s32 s2, $0x0  }
0x49d: {  	s3 =	rddreg [dreg:$0x2];
	[bflag:$0x3] =	sbarrier.arrive $0xFFFF;
	s2 =	simm.s32 @!p0 $0x1C01  }
0x49e: {  	[timem:s3], [sflag:s2] =	dma.local @!p0 [hbm:s0], s1  }
0x49f: {  	s0 =	simm.s32 @!p0 $0x1  }
0x4a0: {  	_ =	swait.ge @!p0 [sflag:s0], s1  }
0x4a1: {  	s1 =	ssub.s32 @!p0 $0x0, s1;
	[sflag:s0] =	ssyncset.done @!p0 $0x0  }
0x4a2: {  	[sflag:s0] =	ssyncadd.s32 @!p0 s1  }
0x4a3: {  	[bflag:$0x3] =	sbarrier.arrive $0xFFFF  }
0x4a4: {  	_ =	shalt  }

</sc_bundles>
